<compile_context>
chip_gen: v7x
topology: tpu7x:2x2x1
jax: 0.10.2.dev20260603
libtpu: 0.0.44.dev20260713+nightly
codegen_flags: <defaults>
</compile_context>

<pallas_src>
import functools

import jax
import jax.numpy as jnp
from jax import lax
from jax.experimental import pallas as pl
from jax.experimental.pallas import tpu as pltpu
from jax.experimental.pallas import tpu_sc as plsc

N = 10000
E = 320000
D = 128
NC = 2
NS = 16
NPAD = 10240
B = 80
EPT = E // NS
G = EPT // B
EPC = E // NS
SL = NPAD // NS
H = NPAD // NC
HG = H + 8
RS2 = H // NS
NB = 5

_mesh = plsc.VectorSubcoreMesh(
    core_axis_name="c", subcore_axis_name="s", num_cores=NC, num_subcores=NS
)
_sc_params = pltpu.CompilerParams(needs_layout_passes=False)


def _rsqrt16(x):
    i = plsc.bitcast(x, jnp.int32)
    y = plsc.bitcast(jnp.int32(0x5F3759DF) - (i >> 1), jnp.float32)
    for _ in range(3):
        y = y * (1.5 - 0.5 * x * y * y)
    return y


@functools.partial(
    pl.kernel,
    out_type=(
        jax.ShapeDtypeStruct((NPAD,), jnp.float32),
        jax.ShapeDtypeStruct((NS, NPAD), jnp.float32),
    ),
    mesh=_mesh,
    compiler_params=_sc_params,
    scratch_types=[
        pltpu.VMEM((EPC,), jnp.int32),
        pltpu.VMEM((NPAD,), jnp.float32),
        pltpu.VMEM((SL,), jnp.float32),
        pltpu.VMEM((SL,), jnp.float32),
    ],
)
def _dinv_kernel(dst_hbm, dinv_hbm, hists_sh, dst_v, hist_v, tmp_v, acc_v):
    c = lax.axis_index("c")
    s = lax.axis_index("s")
    zero16 = jnp.zeros((16,), jnp.float32)
    ones16 = jnp.ones((16,), jnp.float32)

    def zbody(i, _):
        hist_v[pl.ds(i * 16, 16)] = zero16
        return 0

    lax.fori_loop(0, NPAD // 16, zbody, 0)
    pltpu.sync_copy(dst_hbm.at[pl.ds(s * EPC, EPC)], dst_v)

    def cbody(i, _):
        idx = dst_v[pl.ds(i * 16, 16)]
        plsc.addupdate_scatter(hist_v, [idx], ones16)
        return 0

    lax.fori_loop(0, EPC // 16, cbody, 0)
    pltpu.sync_copy(hist_v, hists_sh.at[s])
    plsc.subcore_barrier()

    def zacc(j, _):
        acc_v[pl.ds(j * 16, 16)] = zero16
        return 0

    lax.fori_loop(0, SL // 16, zacc, 0)

    def merge(t, _):
        pltpu.sync_copy(hists_sh.at[t, pl.ds(s * SL, SL)], tmp_v)

        def madd(j, _):
            acc_v[pl.ds(j * 16, 16)] = (acc_v[pl.ds(j * 16, 16)]
                                        + tmp_v[pl.ds(j * 16, 16)])
            return 0

        lax.fori_loop(0, SL // 16, madd, 0)
        return 0

    lax.fori_loop(0, NS, merge, 0)

    def rbody(j, _):
        d = acc_v[pl.ds(j * 16, 16)] + 1.0
        acc_v[pl.ds(j * 16, 16)] = _rsqrt16(d)
        return 0

    lax.fori_loop(0, SL // 16, rbody, 0)

    @pl.when(c == 0)
    def _():
        pltpu.sync_copy(acc_v, dinv_hbm.at[pl.ds(s * SL, SL)])


@functools.partial(
    pl.kernel,
    out_type=jax.ShapeDtypeStruct((NPAD, D), jnp.float32),
    mesh=_mesh,
    compiler_params=_sc_params,
    scratch_types=[
        pltpu.VMEM((G, B), jnp.int32),
        pltpu.VMEM((NB, B), jnp.int32),
        pltpu.VMEM((NB, B), jnp.int32),
        pltpu.VMEM((NB, B, D), jnp.float32),
        pltpu.VMEM_SHARED((HG, D), jnp.float32),
    ] + [pltpu.SemaphoreType.DMA] * (2 * NB),
)
def _agg_kernel(hs_hbm, pk_hbm, acc_hbm,
                pk_v, sidx_v, didx_v, rows_v, acc_sh, *sems):
    gsems = sems[:NB]
    ssems = sems[NB:]
    c = lax.axis_index("c")
    s = lax.axis_index("s")

    pltpu.sync_copy(pk_hbm.at[s], pk_v)
    lo = c * H

    def unpack_src(g, buf):
        def lane(l, _):
            p = pk_v[g, pl.ds(l * 16, 16)]
            sidx_v[buf, pl.ds(l * 16, 16)] = p & 16383
            return 0
        lax.fori_loop(0, B // 16, lane, 0)

    def unpack_dst(g, buf):
        def lane(l, _):
            d = (pk_v[g, pl.ds(l * 16, 16)] >> 14) - lo
            ok = (d >= 0) & (d < H)
            didx_v[buf, pl.ds(l * 16, 16)] = jnp.where(ok, d, H)
            return 0
        lax.fori_loop(0, B // 16, lane, 0)

    def unpack(g, buf):
        unpack_src(g, buf)
        unpack_dst(g, buf)

    def fire_gather(buf, sem):
        pltpu.async_copy(hs_hbm.at[sidx_v.at[buf]], rows_v.at[buf], sem)

    def wait_gather(buf, sem):
        pltpu.make_async_copy(hs_hbm.at[sidx_v.at[buf]], rows_v.at[buf],
                              sem).wait()

    def fire_scatter(buf, sem):
        pltpu.async_copy(rows_v.at[buf], acc_sh.at[didx_v.at[buf]], sem,
                         add=True)

    def wait_scatter(buf, sem):
        pltpu.make_async_copy(rows_v.at[buf], acc_sh.at[didx_v.at[buf]],
                              sem).wait()

    for b in range(1, NB):
        unpack(b, b)
        fire_gather(b, gsems[b])

    zero16 = jnp.zeros((16,), jnp.float32)

    def zbody(r, _):
        def zlane(l, _):
            rows_v[0, r, pl.ds(l * 16, 16)] = zero16
            return 0
        lax.fori_loop(0, D // 16, zlane, 0)
        return 0

    lax.fori_loop(0, B, zbody, 0)
    for k in range(RS2 // B):
        pltpu.sync_copy(rows_v.at[0], acc_sh.at[pl.ds(s * RS2 + k * B, B)])

    unpack(0, 0)
    fire_gather(0, gsems[0])
    plsc.subcore_barrier()

    NR = G // NB

    def body(j, _):
        base = NB * j
        for b in range(NB):
            wait_gather(b, gsems[b])
            fire_scatter(b, ssems[b])

        @pl.when(j < NR - 1)
        def _():
            for b in range(NB):
                unpack_src(base + NB + b, b)
            for b in range(NB):
                wait_scatter(b, ssems[b])
                unpack_dst(base + NB + b, b)
                fire_gather(b, gsems[b])

        return 0

    lax.fori_loop(0, NR, body, 0)
    for b in range(NB):
        wait_scatter(b, ssems[b])
    plsc.subcore_barrier()
    pltpu.sync_copy(acc_sh.at[pl.ds(s * RS2, RS2)],
                    acc_hbm.at[pl.ds(c * H + s * RS2, RS2)])


_BM = 1024


def _tc1_body(x_ref, w_ref, dinv_ref, out_ref):
    h = jnp.dot(x_ref[...], w_ref[...], preferred_element_type=jnp.float32)
    out_ref[...] = dinv_ref[...] * h


def _tc1(x_pad, w1, dinv2d):
    return pl.pallas_call(
        _tc1_body,
        grid=(NPAD // _BM,),
        in_specs=[
            pl.BlockSpec((_BM, D), lambda m: (m, 0)),
            pl.BlockSpec((D, D), lambda m: (0, 0)),
            pl.BlockSpec((_BM, 1), lambda m: (m, 0)),
        ],
        out_specs=pl.BlockSpec((_BM, D), lambda m: (m, 0)),
        out_shape=jax.ShapeDtypeStruct((NPAD, D), jnp.float32),
    )(x_pad, w1, dinv2d)


def _tc2_body(acc_ref, hs_ref, dinv_ref, b_ref, w_ref, out_ref):
    t = acc_ref[...] + hs_ref[...]
    h = jnp.maximum(dinv_ref[...] * t + b_ref[...], 0.0)
    h2 = jnp.dot(h, w_ref[...], preferred_element_type=jnp.float32)
    out_ref[...] = dinv_ref[...] * h2


def _tc2(acc1, hs1, dinv2d, b1r, w2):
    return pl.pallas_call(
        _tc2_body,
        grid=(NPAD // _BM,),
        in_specs=[
            pl.BlockSpec((_BM, D), lambda m: (m, 0)),
            pl.BlockSpec((_BM, D), lambda m: (m, 0)),
            pl.BlockSpec((_BM, 1), lambda m: (m, 0)),
            pl.BlockSpec((1, D), lambda m: (0, 0)),
            pl.BlockSpec((D, D), lambda m: (0, 0)),
        ],
        out_specs=pl.BlockSpec((_BM, D), lambda m: (m, 0)),
        out_shape=jax.ShapeDtypeStruct((NPAD, D), jnp.float32),
    )(acc1, hs1, dinv2d, b1r, w2)


def _tc3_body(acc_ref, hs_ref, dinv_ref, b_ref, out_ref):
    t = acc_ref[...] + hs_ref[...]
    logits = dinv_ref[...] * t + b_ref[...]
    m = jnp.max(logits, axis=1, keepdims=True)
    lse = jnp.log(jnp.sum(jnp.exp(logits - m), axis=1, keepdims=True)) + m
    out_ref[...] = logits - lse


def _tc3(acc2, hs2, dinv2d, b2r):
    return pl.pallas_call(
        _tc3_body,
        grid=(NPAD // _BM,),
        in_specs=[
            pl.BlockSpec((_BM, D), lambda m: (m, 0)),
            pl.BlockSpec((_BM, D), lambda m: (m, 0)),
            pl.BlockSpec((_BM, 1), lambda m: (m, 0)),
            pl.BlockSpec((1, D), lambda m: (0, 0)),
        ],
        out_specs=pl.BlockSpec((_BM, D), lambda m: (m, 0)),
        out_shape=jax.ShapeDtypeStruct((NPAD, D), jnp.float32),
    )(acc2, hs2, dinv2d, b2r)


def kernel(x, edge_index, W1, b1, W2, b2):
    src = edge_index[0].astype(jnp.int32)
    dst = edge_index[1].astype(jnp.int32)
    x_pad = jnp.pad(x, ((0, NPAD - N), (0, 0)))
    packed3d = (src | (dst << 14)).reshape(NS, G, B)

    dinv, _hists = _dinv_kernel(dst)
    dinv2d = dinv[:, None]
    hs1 = _tc1(x_pad, W1, dinv2d)
    acc1 = _agg_kernel(hs1, packed3d)
    hs2 = _tc2(acc1, hs1, dinv2d, b1[None, :], W2)
    acc2 = _agg_kernel(hs2, packed3d)
    out = _tc3(acc2, hs2, dinv2d, b2[None, :])
    return out[:N]

# --- scband reference (transcript-rebuilt; emitter-appended) ---
"""Pipeline reference for scband-gcn-755914244220 (READ-ONLY COPY).

The authoritative reference and input builder live on the scoring server;
editing this copy changes nothing except your own understanding.
"""

import jax, jax.numpy as jnp
import numpy as np

N_NODES = 10000
N_EDGES = 320000
D_IN = 128
D_HID = 128
D_OUT = 128


def setup_inputs(seed: int = 0) -> dict:
    key = jax.random.key(seed)
    k1, k2, k3, k4, k5, k6 = jax.random.split(key, 6)
    x = jax.random.normal(k1, (N_NODES, D_IN), dtype=jnp.float32)
    edge_index = jax.random.randint(k2, (2, N_EDGES), 0, N_NODES, dtype=jnp.int64)
    # GCNConv weights (glorot-ish init) and biases
    W1 = jax.random.normal(k3, (D_IN, D_HID), dtype=jnp.float32) * (1.0 / np.sqrt(D_IN))
    b1 = jnp.zeros((D_HID,), dtype=jnp.float32)
    W2 = jax.random.normal(k4, (D_HID, D_OUT), dtype=jnp.float32) * (1.0 / np.sqrt(D_HID))
    b2 = jnp.zeros((D_OUT,), dtype=jnp.float32)
    return {"x": x, "edge_index": edge_index, "W1": W1, "b1": b1, "W2": W2, "b2": b2}


def gcn_conv(x, src, dst, W, b, num_nodes):
    # PyG GCNConv: add self-loops, symmetric normalization D^-1/2 (A+I) D^-1/2 X W + b
    loop = jnp.arange(num_nodes, dtype=src.dtype)
    s = jnp.concatenate([src, loop])
    d = jnp.concatenate([dst, loop])
    deg = jax.ops.segment_sum(jnp.ones_like(d, dtype=x.dtype), d, num_segments=num_nodes)
    deg_inv_sqrt = jnp.where(deg > 0, deg ** -0.5, 0.0)
    norm = deg_inv_sqrt[s] * deg_inv_sqrt[d]
    h = x @ W
    msg = h[s] * norm[:, None]
    out = jax.ops.segment_sum(msg, d, num_segments=num_nodes)
    return out + b


def reference(x, edge_index, W1, b1, W2, b2):
    src = edge_index[0]
    dst = edge_index[1]
    h = gcn_conv(x, src, dst, W1, b1, N_NODES)
    h = jax.nn.relu(h)
    # F.dropout(training=self.training): reference evaluated in eval mode -> identity
    h = gcn_conv(h, src, dst, W2, b2, N_NODES)
    return jax.nn.log_softmax(h, axis=1)

if __name__ == "__main__":
    import jax
    _d = setup_inputs()
    print(jax.jit(kernel)(*tuple(_d.values())))

</pallas_src>

<mosaic_0001>
#map = affine_map<(d0, d1) -> (0)>
#map1 = affine_map<(d0, d1) -> (0, 0)>
module attributes {stable_mosaic.version = 14 : i64} {
  func.func @_dinv_kernel(%arg0: i32, %arg1: i32, %arg2: memref<320000xi32, #tpu.memory_space<hbm>>, %arg3: memref<10240xf32, #tpu.memory_space<hbm>>, %arg4: memref<16x10240xf32, #tpu.memory_space<hbm>>, %arg5: memref<20000xi32, #tpu.memory_space<vmem>>, %arg6: memref<10240xf32, #tpu.memory_space<vmem>>, %arg7: memref<640xf32, #tpu.memory_space<vmem>>, %arg8: memref<640xf32, #tpu.memory_space<vmem>>) attributes {dimension_semantics = [#tpu.dimension_semantics<core_parallel>, #tpu.dimension_semantics<subcore_parallel>], iteration_bounds = array<i64: 2, 16>, scalar_prefetch = 0 : i64, scratch_operands = 4 : i64, tpu.core_type = #tpu.core_type<sc_vector_subcore>, window_params = [{transform_indices = #map}, {transform_indices = #map}, {transform_indices = #map1}]} {
    %broadcast_in_dim3A = arith.constant 0.000000e+00 : f32
    %broadcast_in_dim3A_0 = vector.broadcast %broadcast_in_dim3A : f32 to vector<16xf32>
    %broadcast_in_dim3A_1 = arith.constant 1.000000e+00 : f32
    %broadcast_in_dim3A_2 = vector.broadcast %broadcast_in_dim3A_1 : f32 to vector<16xf32>
    %scan3A = arith.constant 0 : i32
    %scan3A_3 = arith.constant 0 : i32
    %scan3A_4 = arith.constant 640 : i32
    %scan3A_5 = arith.addi %scan3A_3, %scan3A_4 : i32
    %scan3A_6 = arith.constant 1 : i32
    %scan3A_7 = scf.for %scan3A_40 = %scan3A_3 to %scan3A_5 step %scan3A_6 iter_args(%scan3A_41 = %scan3A) -> (i32)  : i32 {
      %mul3A_42 = arith.constant 16 : i32
      %mul3A_43 = arith.muli %scan3A_40, %mul3A_42 : i32
      %swap3A = arith.index_cast %mul3A_43 : i32 to index
      %swap3A_44 = tpu.vector_load %arg6[%swap3A] {strides = array<i32>} : memref<10240xf32, #tpu.memory_space<vmem>>, vector<16xf32>,
      tpu.vector_store %arg6[%swap3A], %broadcast_in_dim3A_0 {strides = array<i32>} : memref<10240xf32, #tpu.memory_space<vmem>>, vector<16xf32>,
      %scan3A_45 = arith.constant 0 : i32
      scf.yield %scan3A_45 : i32
    }
    %scan3A_8 = arith.constant 640 : i32
    %mul3A = arith.constant 20000 : i32
    %mul3A_9 = arith.muli %arg1, %mul3A : i32
    "tpu.region"() ({
      %run_scoped3A = tpu.sem_alloc : memref<!tpu.dma_semaphore, #tpu.memory_space<semaphore_mem>>
      %dma_start3A = tpu.memref_slice %arg2[%mul3A_9] : memref<320000xi32, #tpu.memory_space<hbm>> -> memref<20000xi32, #tpu.memory_space<hbm>>
      %dma_start3A_40 = tpu.memref_slice %arg2[%mul3A_9] : memref<320000xi32, #tpu.memory_space<hbm>> -> memref<20000xi32, #tpu.memory_space<hbm>>
      tpu.enqueue_dma source(%dma_start3A_40 : memref<20000xi32, #tpu.memory_space<hbm>>) target(%arg5 : memref<20000xi32, #tpu.memory_space<vmem>>) target_semaphore(%run_scoped3A : memref<!tpu.dma_semaphore, #tpu.memory_space<semaphore_mem>>)
      %dma_wait3A = tpu.memref_slice %arg2[%mul3A_9] : memref<320000xi32, #tpu.memory_space<hbm>> -> memref<20000xi32, #tpu.memory_space<hbm>>
      %dma_wait3A_41 = tpu.memref_slice %arg2[%mul3A_9] : memref<320000xi32, #tpu.memory_space<hbm>> -> memref<20000xi32, #tpu.memory_space<hbm>>
      tpu.wait_dma2 semaphore(%run_scoped3A : memref<!tpu.dma_semaphore, #tpu.memory_space<semaphore_mem>>) src(%dma_wait3A_41 : memref<20000xi32, #tpu.memory_space<hbm>>) dst(%arg5 : memref<20000xi32, #tpu.memory_space<vmem>>)
      tpu.yield
    }) : () -> ()
    %scan3A_10 = arith.constant 0 : i32
    %scan3A_11 = arith.constant 0 : i32
    %scan3A_12 = arith.constant 1250 : i32
    %scan3A_13 = arith.addi %scan3A_11, %scan3A_12 : i32
    %scan3A_14 = arith.constant 1 : i32
    %scan3A_15 = scf.for %scan3A_40 = %scan3A_11 to %scan3A_13 step %scan3A_14 iter_args(%scan3A_41 = %scan3A_10) -> (i32)  : i32 {
      %mul3A_42 = arith.constant 16 : i32
      %mul3A_43 = arith.muli %scan3A_40, %mul3A_42 : i32
      %get3A = arith.index_cast %mul3A_43 : i32 to index
      %get3A_44 = tpu.vector_load %arg5[%get3A] {strides = array<i32>} : memref<20000xi32, #tpu.memory_space<vmem>>, vector<16xi32>,
      tpu.vector_store_idx %arg6[%get3A_44], %broadcast_in_dim3A_2 {add = true} : memref<10240xf32, #tpu.memory_space<vmem>>[vector<16xi32>], vector<16xf32>,
      %scan3A_45 = arith.constant 0 : i32
      scf.yield %scan3A_45 : i32
    }
    %scan3A_16 = arith.constant 1250 : i32
    "tpu.region"() ({
      %run_scoped3A = tpu.sem_alloc : memref<!tpu.dma_semaphore, #tpu.memory_space<semaphore_mem>>
      %dma_start3A = arith.constant 0 : i32
      %dma_start3A_40 = tpu.memref_slice %arg4[%arg1, %dma_start3A] : memref<16x10240xf32, #tpu.memory_space<hbm>> -> memref<1x10240xf32, #tpu.memory_space<hbm>>
      %dma_start3A_41 = tpu.memref_squeeze %dma_start3A_40 : memref<1x10240xf32, #tpu.memory_space<hbm>> -> memref<10240xf32, #tpu.memory_space<hbm>>
      %dma_start3A_42 = arith.constant 0 : i32
      %dma_start3A_43 = tpu.memref_slice %arg4[%arg1, %dma_start3A_42] : memref<16x10240xf32, #tpu.memory_space<hbm>> -> memref<1x10240xf32, #tpu.memory_space<hbm>>
      %dma_start3A_44 = tpu.memref_squeeze %dma_start3A_43 : memref<1x10240xf32, #tpu.memory_space<hbm>> -> memref<10240xf32, #tpu.memory_space<hbm>>
      tpu.enqueue_dma source(%arg6 : memref<10240xf32, #tpu.memory_space<vmem>>) target(%dma_start3A_44 : memref<10240xf32, #tpu.memory_space<hbm>>) target_semaphore(%run_scoped3A : memref<!tpu.dma_semaphore, #tpu.memory_space<semaphore_mem>>)
      %dma_wait3A = arith.constant 0 : i32
      %dma_wait3A_45 = tpu.memref_slice %arg4[%arg1, %dma_wait3A] : memref<16x10240xf32, #tpu.memory_space<hbm>> -> memref<1x10240xf32, #tpu.memory_space<hbm>>
      %dma_wait3A_46 = tpu.memref_squeeze %dma_wait3A_45 : memref<1x10240xf32, #tpu.memory_space<hbm>> -> memref<10240xf32, #tpu.memory_space<hbm>>
      %dma_wait3A_47 = arith.constant 0 : i32
      %dma_wait3A_48 = tpu.memref_slice %arg4[%arg1, %dma_wait3A_47] : memref<16x10240xf32, #tpu.memory_space<hbm>> -> memref<1x10240xf32, #tpu.memory_space<hbm>>
      %dma_wait3A_49 = tpu.memref_squeeze %dma_wait3A_48 : memref<1x10240xf32, #tpu.memory_space<hbm>> -> memref<10240xf32, #tpu.memory_space<hbm>>
      tpu.wait_dma2 semaphore(%run_scoped3A : memref<!tpu.dma_semaphore, #tpu.memory_space<semaphore_mem>>) src(%arg6 : memref<10240xf32, #tpu.memory_space<vmem>>) dst(%dma_wait3A_49 : memref<10240xf32, #tpu.memory_space<hbm>>)
      tpu.yield
    }) : () -> ()
    %barrier3A = arith.constant 0 : index
    tpu.barrier barrier_id(%barrier3A)
    %scan3A_17 = arith.constant 0 : i32
    %scan3A_18 = arith.constant 0 : i32
    %scan3A_19 = arith.constant 40 : i32
    %scan3A_20 = arith.addi %scan3A_18, %scan3A_19 : i32
    %scan3A_21 = arith.constant 1 : i32
    %scan3A_22 = scf.for %scan3A_40 = %scan3A_18 to %scan3A_20 step %scan3A_21 iter_args(%scan3A_41 = %scan3A_17) -> (i32)  : i32 {
      %mul3A_42 = arith.constant 16 : i32
      %mul3A_43 = arith.muli %scan3A_40, %mul3A_42 : i32
      %swap3A = arith.index_cast %mul3A_43 : i32 to index
      %swap3A_44 = tpu.vector_load %arg8[%swap3A] {strides = array<i32>} : memref<640xf32, #tpu.memory_space<vmem>>, vector<16xf32>,
      tpu.vector_store %arg8[%swap3A], %broadcast_in_dim3A_0 {strides = array<i32>} : memref<640xf32, #tpu.memory_space<vmem>>, vector<16xf32>,
      %scan3A_45 = arith.constant 0 : i32
      scf.yield %scan3A_45 : i32
    }
    %scan3A_23 = arith.constant 40 : i32
    %scan3A_24 = arith.constant 0 : i32
    %scan3A_25 = arith.constant 0 : i32
    %scan3A_26 = arith.constant 16 : i32
    %scan3A_27 = arith.addi %scan3A_25, %scan3A_26 : i32
    %scan3A_28 = arith.constant 1 : i32
    %scan3A_29 = scf.for %scan3A_40 = %scan3A_25 to %scan3A_27 step %scan3A_28 iter_args(%scan3A_41 = %scan3A_24) -> (i32)  : i32 {
      %mul3A_42 = arith.constant 640 : i32
      %mul3A_43 = arith.muli %arg1, %mul3A_42 : i32
      "tpu.region"() ({
        %run_scoped3A = tpu.sem_alloc : memref<!tpu.dma_semaphore, #tpu.memory_space<semaphore_mem>>
        %dma_start3A = tpu.memref_slice %arg4[%scan3A_40, %mul3A_43] : memref<16x10240xf32, #tpu.memory_space<hbm>> -> memref<1x640xf32, #tpu.memory_space<hbm>>
        %dma_start3A_52 = tpu.memref_squeeze %dma_start3A : memref<1x640xf32, #tpu.memory_space<hbm>> -> memref<640xf32, #tpu.memory_space<hbm>>
        %dma_start3A_53 = tpu.memref_slice %arg4[%scan3A_40, %mul3A_43] : memref<16x10240xf32, #tpu.memory_space<hbm>> -> memref<1x640xf32, #tpu.memory_space<hbm>>
        %dma_start3A_54 = tpu.memref_squeeze %dma_start3A_53 : memref<1x640xf32, #tpu.memory_space<hbm>> -> memref<640xf32, #tpu.memory_space<hbm>>
        tpu.enqueue_dma source(%dma_start3A_54 : memref<640xf32, #tpu.memory_space<hbm>>) target(%arg7 : memref<640xf32, #tpu.memory_space<vmem>>) target_semaphore(%run_scoped3A : memref<!tpu.dma_semaphore, #tpu.memory_space<semaphore_mem>>)
        %dma_wait3A = tpu.memref_slice %arg4[%scan3A_40, %mul3A_43] : memref<16x10240xf32, #tpu.memory_space<hbm>> -> memref<1x640xf32, #tpu.memory_space<hbm>>
        %dma_wait3A_55 = tpu.memref_squeeze %dma_wait3A : memref<1x640xf32, #tpu.memory_space<hbm>> -> memref<640xf32, #tpu.memory_space<hbm>>
        %dma_wait3A_56 = tpu.memref_slice %arg4[%scan3A_40, %mul3A_43] : memref<16x10240xf32, #tpu.memory_space<hbm>> -> memref<1x640xf32, #tpu.memory_space<hbm>>
        %dma_wait3A_57 = tpu.memref_squeeze %dma_wait3A_56 : memref<1x640xf32, #tpu.memory_space<hbm>> -> memref<640xf32, #tpu.memory_space<hbm>>
        tpu.wait_dma2 semaphore(%run_scoped3A : memref<!tpu.dma_semaphore, #tpu.memory_space<semaphore_mem>>) src(%dma_wait3A_57 : memref<640xf32, #tpu.memory_space<hbm>>) dst(%arg7 : memref<640xf32, #tpu.memory_space<vmem>>)
        tpu.yield
      }) : () -> ()
      %scan3A_44 = arith.constant 0 : i32
      %scan3A_45 = arith.constant 0 : i32
      %scan3A_46 = arith.constant 40 : i32
      %scan3A_47 = arith.addi %scan3A_45, %scan3A_46 : i32
      %scan3A_48 = arith.constant 1 : i32
      %scan3A_49 = scf.for %scan3A_52 = %scan3A_45 to %scan3A_47 step %scan3A_48 iter_args(%scan3A_53 = %scan3A_44) -> (i32)  : i32 {
        %mul3A_54 = arith.constant 16 : i32
        %mul3A_55 = arith.muli %scan3A_52, %mul3A_54 : i32
        %get3A = arith.index_cast %mul3A_55 : i32 to index
        %get3A_56 = tpu.vector_load %arg8[%get3A] {strides = array<i32>} : memref<640xf32, #tpu.memory_space<vmem>>, vector<16xf32>,
        %mul3A_57 = arith.constant 16 : i32
        %mul3A_58 = arith.muli %scan3A_52, %mul3A_57 : i32
        %get3A_59 = arith.index_cast %mul3A_58 : i32 to index
        %get3A_60 = tpu.vector_load %arg7[%get3A_59] {strides = array<i32>} : memref<640xf32, #tpu.memory_space<vmem>>, vector<16xf32>,
        %add3A = arith.addf %get3A_56, %get3A_60 : vector<16xf32>
        %mul3A_61 = arith.constant 16 : i32
        %mul3A_62 = arith.muli %scan3A_52, %mul3A_61 : i32
        %swap3A = arith.index_cast %mul3A_62 : i32 to index
        %swap3A_63 = tpu.vector_load %arg8[%swap3A] {strides = array<i32>} : memref<640xf32, #tpu.memory_space<vmem>>, vector<16xf32>,
        tpu.vector_store %arg8[%swap3A], %add3A {strides = array<i32>} : memref<640xf32, #tpu.memory_space<vmem>>, vector<16xf32>,
        %scan3A_64 = arith.constant 0 : i32
        scf.yield %scan3A_64 : i32
      }
      %scan3A_50 = arith.constant 40 : i32
      %scan3A_51 = arith.constant 0 : i32
      scf.yield %scan3A_51 : i32
    }
    %scan3A_30 = arith.constant 16 : i32
    %scan3A_31 = arith.constant 0 : i32
    %scan3A_32 = arith.constant 0 : i32
    %scan3A_33 = arith.constant 40 : i32
    %scan3A_34 = arith.addi %scan3A_32, %scan3A_33 : i32
    %scan3A_35 = arith.constant 1 : i32
    %scan3A_36 = scf.for %scan3A_40 = %scan3A_32 to %scan3A_34 step %scan3A_35 iter_args(%scan3A_41 = %scan3A_31) -> (i32)  : i32 {
      %mul3A_42 = arith.constant 16 : i32
      %mul3A_43 = arith.muli %scan3A_40, %mul3A_42 : i32
      %get3A = arith.index_cast %mul3A_43 : i32 to index
      %get3A_44 = tpu.vector_load %arg8[%get3A] {strides = array<i32>} : memref<640xf32, #tpu.memory_space<vmem>>, vector<16xf32>,
      %add3A = arith.constant 1.000000e+00 : f32
      %add3A_45 = vector.broadcast %add3A : f32 to vector<16xf32>
      %add3A_46 = arith.addf %get3A_44, %add3A_45 : vector<16xf32>
      %bitcast3A = vector.bitcast %add3A_46 : vector<16xf32> to vector<16xi32>
      %shift_right_arithmetic3A = arith.constant 1 : i32
      %shift_right_arithmetic3A_47 = vector.broadcast %shift_right_arithmetic3A : i32 to vector<16xi32>
      %shift_right_arithmetic3A_48 = arith.shrsi %bitcast3A, %shift_right_arithmetic3A_47 : vector<16xi32>
      %sub3A = arith.constant 1597463007 : i32
      %sub3A_49 = vector.broadcast %sub3A : i32 to vector<16xi32>
      %sub3A_50 = arith.subi %sub3A_49, %shift_right_arithmetic3A_48 : vector<16xi32>
      %bitcast3A_51 = vector.bitcast %sub3A_50 : vector<16xi32> to vector<16xf32>
      %mul3A_52 = arith.constant 5.000000e-01 : f32
      %mul3A_53 = vector.broadcast %mul3A_52 : f32 to vector<16xf32>
      %mul3A_54 = arith.mulf %mul3A_53, %add3A_46 : vector<16xf32>
      %mul3A_55 = arith.mulf %mul3A_54, %bitcast3A_51 : vector<16xf32>
      %mul3A_56 = arith.mulf %mul3A_55, %bitcast3A_51 : vector<16xf32>
      %sub3A_57 = arith.constant 1.500000e+00 : f32
      %sub3A_58 = vector.broadcast %sub3A_57 : f32 to vector<16xf32>
      %sub3A_59 = arith.subf %sub3A_58, %mul3A_56 : vector<16xf32>
      %mul3A_60 = arith.mulf %bitcast3A_51, %sub3A_59 : vector<16xf32>
      %mul3A_61 = arith.constant 5.000000e-01 : f32
      %mul3A_62 = vector.broadcast %mul3A_61 : f32 to vector<16xf32>
      %mul3A_63 = arith.mulf %mul3A_62, %add3A_46 : vector<16xf32>
      %mul3A_64 = arith.mulf %mul3A_63, %mul3A_60 : vector<16xf32>
      %mul3A_65 = arith.mulf %mul3A_64, %mul3A_60 : vector<16xf32>
      %sub3A_66 = arith.constant 1.500000e+00 : f32
      %sub3A_67 = vector.broadcast %sub3A_66 : f32 to vector<16xf32>
      %sub3A_68 = arith.subf %sub3A_67, %mul3A_65 : vector<16xf32>
      %mul3A_69 = arith.mulf %mul3A_60, %sub3A_68 : vector<16xf32>
      %mul3A_70 = arith.constant 5.000000e-01 : f32
      %mul3A_71 = vector.broadcast %mul3A_70 : f32 to vector<16xf32>
      %mul3A_72 = arith.mulf %mul3A_71, %add3A_46 : vector<16xf32>
      %mul3A_73 = arith.mulf %mul3A_72, %mul3A_69 : vector<16xf32>
      %mul3A_74 = arith.mulf %mul3A_73, %mul3A_69 : vector<16xf32>
      %sub3A_75 = arith.constant 1.500000e+00 : f32
      %sub3A_76 = vector.broadcast %sub3A_75 : f32 to vector<16xf32>
      %sub3A_77 = arith.subf %sub3A_76, %mul3A_74 : vector<16xf32>
      %mul3A_78 = arith.mulf %mul3A_69, %sub3A_77 : vector<16xf32>
      %mul3A_79 = arith.constant 16 : i32
      %mul3A_80 = arith.muli %scan3A_40, %mul3A_79 : i32
      %swap3A = arith.index_cast %mul3A_80 : i32 to index
      %swap3A_81 = tpu.vector_load %arg8[%swap3A] {strides = array<i32>} : memref<640xf32, #tpu.memory_space<vmem>>, vector<16xf32>,
      tpu.vector_store %arg8[%swap3A], %mul3A_78 {strides = array<i32>} : memref<640xf32, #tpu.memory_space<vmem>>, vector<16xf32>,
      %scan3A_82 = arith.constant 0 : i32
      scf.yield %scan3A_82 : i32
    }
    %scan3A_37 = arith.constant 40 : i32
    %eq3A = arith.constant 0 : i32
    %eq3A_38 = arith.cmpi eq, %arg0, %eq3A : i32
    %convert_element_type3A = arith.extui %eq3A_38 : i1 to i32
    %cond3A = arith.constant 0 : i32
    %cond3A_39 = arith.cmpi ne, %convert_element_type3A, %cond3A : i32
    scf.if %cond3A_39 {
      %mul3A_40 = arith.constant 640 : i32
      %mul3A_41 = arith.muli %arg1, %mul3A_40 : i32
      "tpu.region"() ({
        %run_scoped3A = tpu.sem_alloc : memref<!tpu.dma_semaphore, #tpu.memory_space<semaphore_mem>>
        %dma_start3A = tpu.memref_slice %arg3[%mul3A_41] : memref<10240xf32, #tpu.memory_space<hbm>> -> memref<640xf32, #tpu.memory_space<hbm>>
        %dma_start3A_42 = tpu.memref_slice %arg3[%mul3A_41] : memref<10240xf32, #tpu.memory_space<hbm>> -> memref<640xf32, #tpu.memory_space<hbm>>
        tpu.enqueue_dma source(%arg8 : memref<640xf32, #tpu.memory_space<vmem>>) target(%dma_start3A_42 : memref<640xf32, #tpu.memory_space<hbm>>) target_semaphore(%run_scoped3A : memref<!tpu.dma_semaphore, #tpu.memory_space<semaphore_mem>>)
        %dma_wait3A = tpu.memref_slice %arg3[%mul3A_41] : memref<10240xf32, #tpu.memory_space<hbm>> -> memref<640xf32, #tpu.memory_space<hbm>>
        %dma_wait3A_43 = tpu.memref_slice %arg3[%mul3A_41] : memref<10240xf32, #tpu.memory_space<hbm>> -> memref<640xf32, #tpu.memory_space<hbm>>
        tpu.wait_dma2 semaphore(%run_scoped3A : memref<!tpu.dma_semaphore, #tpu.memory_space<semaphore_mem>>) src(%arg8 : memref<640xf32, #tpu.memory_space<vmem>>) dst(%dma_wait3A_43 : memref<640xf32, #tpu.memory_space<hbm>>)
        tpu.yield
      }) : () -> ()
    } else {
    }
    return
  }
}

#map = affine_map<(d0, d1) -> (0, 0)>
#map1 = affine_map<(d0, d1) -> (0, 0, 0)>
module attributes {stable_mosaic.version = 14 : i64} {
  func.func @_agg_kernel(%arg0: i32, %arg1: i32, %arg2: memref<10240x128xf32, #tpu.memory_space<hbm>>, %arg3: memref<16x250x80xi32, #tpu.memory_space<hbm>>, %arg4: memref<10240x128xf32, #tpu.memory_space<hbm>>, %arg5: memref<250x80xi32, #tpu.memory_space<vmem>>, %arg6: memref<5x80xi32, #tpu.memory_space<vmem>>, %arg7: memref<5x80xi32, #tpu.memory_space<vmem>>, %arg8: memref<5x80x128xf32, #tpu.memory_space<vmem>>, %arg9: memref<5128x128xf32, #tpu.memory_space<vmem_shared>>, %arg10: memref<!tpu.dma_semaphore, #tpu.memory_space<semaphore_mem>>, %arg11: memref<!tpu.dma_semaphore, #tpu.memory_space<semaphore_mem>>, %arg12: memref<!tpu.dma_semaphore, #tpu.memory_space<semaphore_mem>>, %arg13: memref<!tpu.dma_semaphore, #tpu.memory_space<semaphore_mem>>, %arg14: memref<!tpu.dma_semaphore, #tpu.memory_space<semaphore_mem>>, %arg15: memref<!tpu.dma_semaphore, #tpu.memory_space<semaphore_mem>>, %arg16: memref<!tpu.dma_semaphore, #tpu.memory_space<semaphore_mem>>, %arg17: memref<!tpu.dma_semaphore, #tpu.memory_space<semaphore_mem>>, %arg18: memref<!tpu.dma_semaphore, #tpu.memory_space<semaphore_mem>>, %arg19: memref<!tpu.dma_semaphore, #tpu.memory_space<semaphore_mem>>) attributes {dimension_semantics = [#tpu.dimension_semantics<core_parallel>, #tpu.dimension_semantics<subcore_parallel>], iteration_bounds = array<i64: 2, 16>, scalar_prefetch = 0 : i64, scratch_operands = 15 : i64, tpu.core_type = #tpu.core_type<sc_vector_subcore>, window_params = [{transform_indices = #map}, {transform_indices = #map1}, {transform_indices = #map}]} {
    "tpu.region"() ({
      %run_scoped3A_229 = tpu.sem_alloc : memref<!tpu.dma_semaphore, #tpu.memory_space<semaphore_mem>>
      %dma_start3A_230 = arith.constant 0 : i32
      %dma_start3A_231 = arith.constant 0 : i32
      %dma_start3A_232 = tpu.memref_slice %arg3[%arg1, %dma_start3A_230, %dma_start3A_231] : memref<16x250x80xi32, #tpu.memory_space<hbm>> -> memref<1x250x80xi32, #tpu.memory_space<hbm>>
      %dma_start3A_233 = tpu.memref_squeeze %dma_start3A_232 : memref<1x250x80xi32, #tpu.memory_space<hbm>> -> memref<250x80xi32, #tpu.memory_space<hbm>>
      %dma_start3A_234 = arith.constant 0 : i32
      %dma_start3A_235 = arith.constant 0 : i32
      %dma_start3A_236 = tpu.memref_slice %arg3[%arg1, %dma_start3A_234, %dma_start3A_235] : memref<16x250x80xi32, #tpu.memory_space<hbm>> -> memref<1x250x80xi32, #tpu.memory_space<hbm>>
      %dma_start3A_237 = tpu.memref_squeeze %dma_start3A_236 : memref<1x250x80xi32, #tpu.memory_space<hbm>> -> memref<250x80xi32, #tpu.memory_space<hbm>>
      tpu.enqueue_dma source(%dma_start3A_237 : memref<250x80xi32, #tpu.memory_space<hbm>>) target(%arg5 : memref<250x80xi32, #tpu.memory_space<vmem>>) target_semaphore(%run_scoped3A_229 : memref<!tpu.dma_semaphore, #tpu.memory_space<semaphore_mem>>)
      %dma_wait3A_238 = arith.constant 0 : i32
      %dma_wait3A_239 = arith.constant 0 : i32
      %dma_wait3A_240 = tpu.memref_slice %arg3[%arg1, %dma_wait3A_238, %dma_wait3A_239] : memref<16x250x80xi32, #tpu.memory_space<hbm>> -> memref<1x250x80xi32, #tpu.memory_space<hbm>>
      %dma_wait3A_241 = tpu.memref_squeeze %dma_wait3A_240 : memref<1x250x80xi32, #tpu.memory_space<hbm>> -> memref<250x80xi32, #tpu.memory_space<hbm>>
      %dma_wait3A_242 = arith.constant 0 : i32
      %dma_wait3A_243 = arith.constant 0 : i32
      %dma_wait3A_244 = tpu.memref_slice %arg3[%arg1, %dma_wait3A_242, %dma_wait3A_243] : memref<16x250x80xi32, #tpu.memory_space<hbm>> -> memref<1x250x80xi32, #tpu.memory_space<hbm>>
      %dma_wait3A_245 = tpu.memref_squeeze %dma_wait3A_244 : memref<1x250x80xi32, #tpu.memory_space<hbm>> -> memref<250x80xi32, #tpu.memory_space<hbm>>
      tpu.wait_dma2 semaphore(%run_scoped3A_229 : memref<!tpu.dma_semaphore, #tpu.memory_space<semaphore_mem>>) src(%dma_wait3A_245 : memref<250x80xi32, #tpu.memory_space<hbm>>) dst(%arg5 : memref<250x80xi32, #tpu.memory_space<vmem>>)
      tpu.yield
    }) : () -> ()
    %mul3A = arith.constant 5120 : i32
    %mul3A_0 = arith.muli %arg0, %mul3A : i32
    %scan3A = arith.constant 0 : i32
    %scan3A_1 = arith.constant 0 : i32
    %scan3A_2 = arith.constant 5 : i32
    %scan3A_3 = arith.addi %scan3A_1, %scan3A_2 : i32
    %scan3A_4 = arith.constant 1 : i32
    %scan3A_5 = scf.for %scan3A_229 = %scan3A_1 to %scan3A_3 step %scan3A_4 iter_args(%scan3A_230 = %scan3A) -> (i32)  : i32 {
      %mul3A_231 = arith.constant 16 : i32
      %mul3A_232 = arith.muli %scan3A_229, %mul3A_231 : i32
      %get3A = arith.constant 1 : i32
      %get3A_233 = arith.index_cast %get3A : i32 to index
      %get3A_234 = arith.index_cast %mul3A_232 : i32 to index
      %get3A_235 = tpu.vector_load %arg5[%get3A_233, %get3A_234] {strides = array<i32>} : memref<250x80xi32, #tpu.memory_space<vmem>>, vector<16xi32>,
      %and3A = arith.constant 16383 : i32
      %and3A_236 = vector.broadcast %and3A : i32 to vector<16xi32>
      %and3A_237 = arith.andi %get3A_235, %and3A_236 : vector<16xi32>
      %mul3A_238 = arith.constant 16 : i32
      %mul3A_239 = arith.muli %scan3A_229, %mul3A_238 : i32
      %swap3A = arith.constant 1 : i32
      %swap3A_240 = arith.index_cast %swap3A : i32 to index
      %swap3A_241 = arith.index_cast %mul3A_239 : i32 to index
      %swap3A_242 = tpu.vector_load %arg6[%swap3A_240, %swap3A_241] {strides = array<i32>} : memref<5x80xi32, #tpu.memory_space<vmem>>, vector<16xi32>,
      tpu.vector_store %arg6[%swap3A_240, %swap3A_241], %and3A_237 {strides = array<i32>} : memref<5x80xi32, #tpu.memory_space<vmem>>, vector<16xi32>,
      %scan3A_243 = arith.constant 0 : i32
      scf.yield %scan3A_243 : i32
    }
    %scan3A_6 = arith.constant 5 : i32
    %scan3A_7 = arith.constant 0 : i32
    %scan3A_8 = arith.constant 0 : i32
    %scan3A_9 = arith.constant 5 : i32
    %scan3A_10 = arith.addi %scan3A_8, %scan3A_9 : i32
    %scan3A_11 = arith.constant 1 : i32
    %scan3A_12 = scf.for %scan3A_229 = %scan3A_8 to %scan3A_10 step %scan3A_11 iter_args(%scan3A_230 = %scan3A_7) -> (i32)  : i32 {
      %mul3A_231 = arith.constant 16 : i32
      %mul3A_232 = arith.muli %scan3A_229, %mul3A_231 : i32
      %get3A = arith.constant 1 : i32
      %get3A_233 = arith.index_cast %get3A : i32 to index
      %get3A_234 = arith.index_cast %mul3A_232 : i32 to index
      %get3A_235 = tpu.vector_load %arg5[%get3A_233, %get3A_234] {strides = array<i32>} : memref<250x80xi32, #tpu.memory_space<vmem>>, vector<16xi32>,
      %shift_right_arithmetic3A = arith.constant 14 : i32
      %shift_right_arithmetic3A_236 = vector.broadcast %shift_right_arithmetic3A : i32 to vector<16xi32>
      %shift_right_arithmetic3A_237 = arith.shrsi %get3A_235, %shift_right_arithmetic3A_236 : vector<16xi32>
      %sub3A = vector.broadcast %mul3A_0 : i32 to vector<16xi32>
      %sub3A_238 = arith.subi %shift_right_arithmetic3A_237, %sub3A : vector<16xi32>
      %ge3A = arith.constant 0 : i32
      %ge3A_239 = vector.broadcast %ge3A : i32 to vector<16xi32>
      %ge3A_240 = arith.cmpi sge, %sub3A_238, %ge3A_239 : vector<16xi32>
      %lt3A = arith.constant 5120 : i32
      %lt3A_241 = vector.broadcast %lt3A : i32 to vector<16xi32>
      %lt3A_242 = arith.cmpi slt, %sub3A_238, %lt3A_241 : vector<16xi32>
      %and3A = arith.andi %ge3A_240, %lt3A_242 : vector<16xi1>
      %jit3A = arith.constant 5120 : i32
      %broadcast_in_dim3A_243 = vector.broadcast %jit3A : i32 to vector<16xi32>
      %select_n3A = arith.select %and3A, %sub3A_238, %broadcast_in_dim3A_243 : vector<16xi1>, vector<16xi32>
      %mul3A_244 = arith.constant 16 : i32
      %mul3A_245 = arith.muli %scan3A_229, %mul3A_244 : i32
      %swap3A = arith.constant 1 : i32
      %swap3A_246 = arith.index_cast %swap3A : i32 to index
      %swap3A_247 = arith.index_cast %mul3A_245 : i32 to index
      %swap3A_248 = tpu.vector_load %arg7[%swap3A_246, %swap3A_247] {strides = array<i32>} : memref<5x80xi32, #tpu.memory_space<vmem>>, vector<16xi32>,
      tpu.vector_store %arg7[%swap3A_246, %swap3A_247], %select_n3A {strides = array<i32>} : memref<5x80xi32, #tpu.memory_space<vmem>>, vector<16xi32>,
      %scan3A_249 = arith.constant 0 : i32
      scf.yield %scan3A_249 : i32
    }
    %scan3A_13 = arith.constant 5 : i32
    %dma_start3A = arith.constant 1 : i32
    %dma_start3A_14 = arith.constant 1 : i32
    %dma_start3A_15 = arith.constant 0 : i32
    %dma_start3A_16 = arith.constant 0 : i32
    %dma_start3A_17 = tpu.memref_slice %arg8[%dma_start3A_14, %dma_start3A_15, %dma_start3A_16] : memref<5x80x128xf32, #tpu.memory_space<vmem>> -> memref<1x80x128xf32, #tpu.memory_space<vmem>>
    %dma_start3A_18 = tpu.memref_squeeze %dma_start3A_17 : memref<1x80x128xf32, #tpu.memory_space<vmem>> -> memref<80x128xf32, #tpu.memory_space<vmem>>
    %dma_start3A_19 = arith.constant 0 : i32
    %dma_start3A_20 = tpu.memref_slice %arg6[%dma_start3A, %dma_start3A_19] : memref<5x80xi32, #tpu.memory_space<vmem>> -> memref<1x80xi32, #tpu.memory_space<vmem>>
    %dma_start3A_21 = tpu.memref_squeeze %dma_start3A_20 : memref<1x80xi32, #tpu.memory_space<vmem>> -> memref<80xi32, #tpu.memory_space<vmem>>
    %dma_start3A_22 = arith.constant 0 : i32
    %dma_start3A_23 = arith.constant 0 : i32
    %dma_start3A_24 = tpu.memref_slice %arg2[%dma_start3A_22, %dma_start3A_23] : memref<10240x128xf32, #tpu.memory_space<hbm>> -> memref<10240x128xf32, #tpu.memory_space<hbm>>
    tpu.enqueue_indirect_dma source(%dma_start3A_24 : memref<10240x128xf32, #tpu.memory_space<hbm>>) target(%dma_start3A_18 : memref<80x128xf32, #tpu.memory_space<vmem>>) offsets(%dma_start3A_21 : memref<80xi32, #tpu.memory_space<vmem>>) semaphore(%arg11 : memref<!tpu.dma_semaphore, #tpu.memory_space<semaphore_mem>>)
    %scan3A_25 = arith.constant 0 : i32
    %scan3A_26 = arith.constant 0 : i32
    %scan3A_27 = arith.constant 5 : i32
    %scan3A_28 = arith.addi %scan3A_26, %scan3A_27 : i32
    %scan3A_29 = arith.constant 1 : i32
    %scan3A_30 = scf.for %scan3A_229 = %scan3A_26 to %scan3A_28 step %scan3A_29 iter_args(%scan3A_230 = %scan3A_25) -> (i32)  : i32 {
      %mul3A_231 = arith.constant 16 : i32
      %mul3A_232 = arith.muli %scan3A_229, %mul3A_231 : i32
      %get3A = arith.constant 2 : i32
      %get3A_233 = arith.index_cast %get3A : i32 to index
      %get3A_234 = arith.index_cast %mul3A_232 : i32 to index
      %get3A_235 = tpu.vector_load %arg5[%get3A_233, %get3A_234] {strides = array<i32>} : memref<250x80xi32, #tpu.memory_space<vmem>>, vector<16xi32>,
      %and3A = arith.constant 16383 : i32
      %and3A_236 = vector.broadcast %and3A : i32 to vector<16xi32>
      %and3A_237 = arith.andi %get3A_235, %and3A_236 : vector<16xi32>
      %mul3A_238 = arith.constant 16 : i32
      %mul3A_239 = arith.muli %scan3A_229, %mul3A_238 : i32
      %swap3A = arith.constant 2 : i32
      %swap3A_240 = arith.index_cast %swap3A : i32 to index
      %swap3A_241 = arith.index_cast %mul3A_239 : i32 to index
      %swap3A_242 = tpu.vector_load %arg6[%swap3A_240, %swap3A_241] {strides = array<i32>} : memref<5x80xi32, #tpu.memory_space<vmem>>, vector<16xi32>,
      tpu.vector_store %arg6[%swap3A_240, %swap3A_241], %and3A_237 {strides = array<i32>} : memref<5x80xi32, #tpu.memory_space<vmem>>, vector<16xi32>,
      %scan3A_243 = arith.constant 0 : i32
      scf.yield %scan3A_243 : i32
    }
    %scan3A_31 = arith.constant 5 : i32
    %scan3A_32 = arith.constant 0 : i32
    %scan3A_33 = arith.constant 0 : i32
    %scan3A_34 = arith.constant 5 : i32
    %scan3A_35 = arith.addi %scan3A_33, %scan3A_34 : i32
    %scan3A_36 = arith.constant 1 : i32
    %scan3A_37 = scf.for %scan3A_229 = %scan3A_33 to %scan3A_35 step %scan3A_36 iter_args(%scan3A_230 = %scan3A_32) -> (i32)  : i32 {
      %mul3A_231 = arith.constant 16 : i32
      %mul3A_232 = arith.muli %scan3A_229, %mul3A_231 : i32
      %get3A = arith.constant 2 : i32
      %get3A_233 = arith.index_cast %get3A : i32 to index
      %get3A_234 = arith.index_cast %mul3A_232 : i32 to index
      %get3A_235 = tpu.vector_load %arg5[%get3A_233, %get3A_234] {strides = array<i32>} : memref<250x80xi32, #tpu.memory_space<vmem>>, vector<16xi32>,
      %shift_right_arithmetic3A = arith.constant 14 : i32
      %shift_right_arithmetic3A_236 = vector.broadcast %shift_right_arithmetic3A : i32 to vector<16xi32>
      %shift_right_arithmetic3A_237 = arith.shrsi %get3A_235, %shift_right_arithmetic3A_236 : vector<16xi32>
      %sub3A = vector.broadcast %mul3A_0 : i32 to vector<16xi32>
      %sub3A_238 = arith.subi %shift_right_arithmetic3A_237, %sub3A : vector<16xi32>
      %ge3A = arith.constant 0 : i32
      %ge3A_239 = vector.broadcast %ge3A : i32 to vector<16xi32>
      %ge3A_240 = arith.cmpi sge, %sub3A_238, %ge3A_239 : vector<16xi32>
      %lt3A = arith.constant 5120 : i32
      %lt3A_241 = vector.broadcast %lt3A : i32 to vector<16xi32>
      %lt3A_242 = arith.cmpi slt, %sub3A_238, %lt3A_241 : vector<16xi32>
      %and3A = arith.andi %ge3A_240, %lt3A_242 : vector<16xi1>
      %jit3A = arith.constant 5120 : i32
      %broadcast_in_dim3A_243 = vector.broadcast %jit3A : i32 to vector<16xi32>
      %select_n3A = arith.select %and3A, %sub3A_238, %broadcast_in_dim3A_243 : vector<16xi1>, vector<16xi32>
      %mul3A_244 = arith.constant 16 : i32
      %mul3A_245 = arith.muli %scan3A_229, %mul3A_244 : i32
      %swap3A = arith.constant 2 : i32
      %swap3A_246 = arith.index_cast %swap3A : i32 to index
      %swap3A_247 = arith.index_cast %mul3A_245 : i32 to index
      %swap3A_248 = tpu.vector_load %arg7[%swap3A_246, %swap3A_247] {strides = array<i32>} : memref<5x80xi32, #tpu.memory_space<vmem>>, vector<16xi32>,
      tpu.vector_store %arg7[%swap3A_246, %swap3A_247], %select_n3A {strides = array<i32>} : memref<5x80xi32, #tpu.memory_space<vmem>>, vector<16xi32>,
      %scan3A_249 = arith.constant 0 : i32
      scf.yield %scan3A_249 : i32
    }
    %scan3A_38 = arith.constant 5 : i32
    %dma_start3A_39 = arith.constant 2 : i32
    %dma_start3A_40 = arith.constant 2 : i32
    %dma_start3A_41 = arith.constant 0 : i32
    %dma_start3A_42 = arith.constant 0 : i32
    %dma_start3A_43 = tpu.memref_slice %arg8[%dma_start3A_40, %dma_start3A_41, %dma_start3A_42] : memref<5x80x128xf32, #tpu.memory_space<vmem>> -> memref<1x80x128xf32, #tpu.memory_space<vmem>>
    %dma_start3A_44 = tpu.memref_squeeze %dma_start3A_43 : memref<1x80x128xf32, #tpu.memory_space<vmem>> -> memref<80x128xf32, #tpu.memory_space<vmem>>
    %dma_start3A_45 = arith.constant 0 : i32
    %dma_start3A_46 = tpu.memref_slice %arg6[%dma_start3A_39, %dma_start3A_45] : memref<5x80xi32, #tpu.memory_space<vmem>> -> memref<1x80xi32, #tpu.memory_space<vmem>>
    %dma_start3A_47 = tpu.memref_squeeze %dma_start3A_46 : memref<1x80xi32, #tpu.memory_space<vmem>> -> memref<80xi32, #tpu.memory_space<vmem>>
    %dma_start3A_48 = arith.constant 0 : i32
    %dma_start3A_49 = arith.constant 0 : i32
    %dma_start3A_50 = tpu.memref_slice %arg2[%dma_start3A_48, %dma_start3A_49] : memref<10240x128xf32, #tpu.memory_space<hbm>> -> memref<10240x128xf32, #tpu.memory_space<hbm>>
    tpu.enqueue_indirect_dma source(%dma_start3A_50 : memref<10240x128xf32, #tpu.memory_space<hbm>>) target(%dma_start3A_44 : memref<80x128xf32, #tpu.memory_space<vmem>>) offsets(%dma_start3A_47 : memref<80xi32, #tpu.memory_space<vmem>>) semaphore(%arg12 : memref<!tpu.dma_semaphore, #tpu.memory_space<semaphore_mem>>)
    %scan3A_51 = arith.constant 0 : i32
    %scan3A_52 = arith.constant 0 : i32
    %scan3A_53 = arith.constant 5 : i32
    %scan3A_54 = arith.addi %scan3A_52, %scan3A_53 : i32
    %scan3A_55 = arith.constant 1 : i32
    %scan3A_56 = scf.for %scan3A_229 = %scan3A_52 to %scan3A_54 step %scan3A_55 iter_args(%scan3A_230 = %scan3A_51) -> (i32)  : i32 {
      %mul3A_231 = arith.constant 16 : i32
      %mul3A_232 = arith.muli %scan3A_229, %mul3A_231 : i32
      %get3A = arith.constant 3 : i32
      %get3A_233 = arith.index_cast %get3A : i32 to index
      %get3A_234 = arith.index_cast %mul3A_232 : i32 to index
      %get3A_235 = tpu.vector_load %arg5[%get3A_233, %get3A_234] {strides = array<i32>} : memref<250x80xi32, #tpu.memory_space<vmem>>, vector<16xi32>,
      %and3A = arith.constant 16383 : i32
      %and3A_236 = vector.broadcast %and3A : i32 to vector<16xi32>
      %and3A_237 = arith.andi %get3A_235, %and3A_236 : vector<16xi32>
      %mul3A_238 = arith.constant 16 : i32
      %mul3A_239 = arith.muli %scan3A_229, %mul3A_238 : i32
      %swap3A = arith.constant 3 : i32
      %swap3A_240 = arith.index_cast %swap3A : i32 to index
      %swap3A_241 = arith.index_cast %mul3A_239 : i32 to index
      %swap3A_242 = tpu.vector_load %arg6[%swap3A_240, %swap3A_241] {strides = array<i32>} : memref<5x80xi32, #tpu.memory_space<vmem>>, vector<16xi32>,
      tpu.vector_store %arg6[%swap3A_240, %swap3A_241], %and3A_237 {strides = array<i32>} : memref<5x80xi32, #tpu.memory_space<vmem>>, vector<16xi32>,
      %scan3A_243 = arith.constant 0 : i32
      scf.yield %scan3A_243 : i32
    }
    %scan3A_57 = arith.constant 5 : i32
    %scan3A_58 = arith.constant 0 : i32
    %scan3A_59 = arith.constant 0 : i32
    %scan3A_60 = arith.constant 5 : i32
    %scan3A_61 = arith.addi %scan3A_59, %scan3A_60 : i32
    %scan3A_62 = arith.constant 1 : i32
    %scan3A_63 = scf.for %scan3A_229 = %scan3A_59 to %scan3A_61 step %scan3A_62 iter_args(%scan3A_230 = %scan3A_58) -> (i32)  : i32 {
      %mul3A_231 = arith.constant 16 : i32
      %mul3A_232 = arith.muli %scan3A_229, %mul3A_231 : i32
      %get3A = arith.constant 3 : i32
      %get3A_233 = arith.index_cast %get3A : i32 to index
      %get3A_234 = arith.index_cast %mul3A_232 : i32 to index
      %get3A_235 = tpu.vector_load %arg5[%get3A_233, %get3A_234] {strides = array<i32>} : memref<250x80xi32, #tpu.memory_space<vmem>>, vector<16xi32>,
      %shift_right_arithmetic3A = arith.constant 14 : i32
      %shift_right_arithmetic3A_236 = vector.broadcast %shift_right_arithmetic3A : i32 to vector<16xi32>
      %shift_right_arithmetic3A_237 = arith.shrsi %get3A_235, %shift_right_arithmetic3A_236 : vector<16xi32>
      %sub3A = vector.broadcast %mul3A_0 : i32 to vector<16xi32>
      %sub3A_238 = arith.subi %shift_right_arithmetic3A_237, %sub3A : vector<16xi32>
      %ge3A = arith.constant 0 : i32
      %ge3A_239 = vector.broadcast %ge3A : i32 to vector<16xi32>
      %ge3A_240 = arith.cmpi sge, %sub3A_238, %ge3A_239 : vector<16xi32>
      %lt3A = arith.constant 5120 : i32
      %lt3A_241 = vector.broadcast %lt3A : i32 to vector<16xi32>
      %lt3A_242 = arith.cmpi slt, %sub3A_238, %lt3A_241 : vector<16xi32>
      %and3A = arith.andi %ge3A_240, %lt3A_242 : vector<16xi1>
      %jit3A = arith.constant 5120 : i32
      %broadcast_in_dim3A_243 = vector.broadcast %jit3A : i32 to vector<16xi32>
      %select_n3A = arith.select %and3A, %sub3A_238, %broadcast_in_dim3A_243 : vector<16xi1>, vector<16xi32>
      %mul3A_244 = arith.constant 16 : i32
      %mul3A_245 = arith.muli %scan3A_229, %mul3A_244 : i32
      %swap3A = arith.constant 3 : i32
      %swap3A_246 = arith.index_cast %swap3A : i32 to index
      %swap3A_247 = arith.index_cast %mul3A_245 : i32 to index
      %swap3A_248 = tpu.vector_load %arg7[%swap3A_246, %swap3A_247] {strides = array<i32>} : memref<5x80xi32, #tpu.memory_space<vmem>>, vector<16xi32>,
      tpu.vector_store %arg7[%swap3A_246, %swap3A_247], %select_n3A {strides = array<i32>} : memref<5x80xi32, #tpu.memory_space<vmem>>, vector<16xi32>,
      %scan3A_249 = arith.constant 0 : i32
      scf.yield %scan3A_249 : i32
    }
    %scan3A_64 = arith.constant 5 : i32
    %dma_start3A_65 = arith.constant 3 : i32
    %dma_start3A_66 = arith.constant 3 : i32
    %dma_start3A_67 = arith.constant 0 : i32
    %dma_start3A_68 = arith.constant 0 : i32
    %dma_start3A_69 = tpu.memref_slice %arg8[%dma_start3A_66, %dma_start3A_67, %dma_start3A_68] : memref<5x80x128xf32, #tpu.memory_space<vmem>> -> memref<1x80x128xf32, #tpu.memory_space<vmem>>
    %dma_start3A_70 = tpu.memref_squeeze %dma_start3A_69 : memref<1x80x128xf32, #tpu.memory_space<vmem>> -> memref<80x128xf32, #tpu.memory_space<vmem>>
    %dma_start3A_71 = arith.constant 0 : i32
    %dma_start3A_72 = tpu.memref_slice %arg6[%dma_start3A_65, %dma_start3A_71] : memref<5x80xi32, #tpu.memory_space<vmem>> -> memref<1x80xi32, #tpu.memory_space<vmem>>
    %dma_start3A_73 = tpu.memref_squeeze %dma_start3A_72 : memref<1x80xi32, #tpu.memory_space<vmem>> -> memref<80xi32, #tpu.memory_space<vmem>>
    %dma_start3A_74 = arith.constant 0 : i32
    %dma_start3A_75 = arith.constant 0 : i32
    %dma_start3A_76 = tpu.memref_slice %arg2[%dma_start3A_74, %dma_start3A_75] : memref<10240x128xf32, #tpu.memory_space<hbm>> -> memref<10240x128xf32, #tpu.memory_space<hbm>>
    tpu.enqueue_indirect_dma source(%dma_start3A_76 : memref<10240x128xf32, #tpu.memory_space<hbm>>) target(%dma_start3A_70 : memref<80x128xf32, #tpu.memory_space<vmem>>) offsets(%dma_start3A_73 : memref<80xi32, #tpu.memory_space<vmem>>) semaphore(%arg13 : memref<!tpu.dma_semaphore, #tpu.memory_space<semaphore_mem>>)
    %scan3A_77 = arith.constant 0 : i32
    %scan3A_78 = arith.constant 0 : i32
    %scan3A_79 = arith.constant 5 : i32
    %scan3A_80 = arith.addi %scan3A_78, %scan3A_79 : i32
    %scan3A_81 = arith.constant 1 : i32
    %scan3A_82 = scf.for %scan3A_229 = %scan3A_78 to %scan3A_80 step %scan3A_81 iter_args(%scan3A_230 = %scan3A_77) -> (i32)  : i32 {
      %mul3A_231 = arith.constant 16 : i32
      %mul3A_232 = arith.muli %scan3A_229, %mul3A_231 : i32
      %get3A = arith.constant 4 : i32
      %get3A_233 = arith.index_cast %get3A : i32 to index
      %get3A_234 = arith.index_cast %mul3A_232 : i32 to index
      %get3A_235 = tpu.vector_load %arg5[%get3A_233, %get3A_234] {strides = array<i32>} : memref<250x80xi32, #tpu.memory_space<vmem>>, vector<16xi32>,
      %and3A = arith.constant 16383 : i32
      %and3A_236 = vector.broadcast %and3A : i32 to vector<16xi32>
      %and3A_237 = arith.andi %get3A_235, %and3A_236 : vector<16xi32>
      %mul3A_238 = arith.constant 16 : i32
      %mul3A_239 = arith.muli %scan3A_229, %mul3A_238 : i32
      %swap3A = arith.constant 4 : i32
      %swap3A_240 = arith.index_cast %swap3A : i32 to index
      %swap3A_241 = arith.index_cast %mul3A_239 : i32 to index
      %swap3A_242 = tpu.vector_load %arg6[%swap3A_240, %swap3A_241] {strides = array<i32>} : memref<5x80xi32, #tpu.memory_space<vmem>>, vector<16xi32>,
      tpu.vector_store %arg6[%swap3A_240, %swap3A_241], %and3A_237 {strides = array<i32>} : memref<5x80xi32, #tpu.memory_space<vmem>>, vector<16xi32>,
      %scan3A_243 = arith.constant 0 : i32
      scf.yield %scan3A_243 : i32
    }
    %scan3A_83 = arith.constant 5 : i32
    %scan3A_84 = arith.constant 0 : i32
    %scan3A_85 = arith.constant 0 : i32
    %scan3A_86 = arith.constant 5 : i32
    %scan3A_87 = arith.addi %scan3A_85, %scan3A_86 : i32
    %scan3A_88 = arith.constant 1 : i32
    %scan3A_89 = scf.for %scan3A_229 = %scan3A_85 to %scan3A_87 step %scan3A_88 iter_args(%scan3A_230 = %scan3A_84) -> (i32)  : i32 {
      %mul3A_231 = arith.constant 16 : i32
      %mul3A_232 = arith.muli %scan3A_229, %mul3A_231 : i32
      %get3A = arith.constant 4 : i32
      %get3A_233 = arith.index_cast %get3A : i32 to index
      %get3A_234 = arith.index_cast %mul3A_232 : i32 to index
      %get3A_235 = tpu.vector_load %arg5[%get3A_233, %get3A_234] {strides = array<i32>} : memref<250x80xi32, #tpu.memory_space<vmem>>, vector<16xi32>,
      %shift_right_arithmetic3A = arith.constant 14 : i32
      %shift_right_arithmetic3A_236 = vector.broadcast %shift_right_arithmetic3A : i32 to vector<16xi32>
      %shift_right_arithmetic3A_237 = arith.shrsi %get3A_235, %shift_right_arithmetic3A_236 : vector<16xi32>
      %sub3A = vector.broadcast %mul3A_0 : i32 to vector<16xi32>
      %sub3A_238 = arith.subi %shift_right_arithmetic3A_237, %sub3A : vector<16xi32>
      %ge3A = arith.constant 0 : i32
      %ge3A_239 = vector.broadcast %ge3A : i32 to vector<16xi32>
      %ge3A_240 = arith.cmpi sge, %sub3A_238, %ge3A_239 : vector<16xi32>
      %lt3A = arith.constant 5120 : i32
      %lt3A_241 = vector.broadcast %lt3A : i32 to vector<16xi32>
      %lt3A_242 = arith.cmpi slt, %sub3A_238, %lt3A_241 : vector<16xi32>
      %and3A = arith.andi %ge3A_240, %lt3A_242 : vector<16xi1>
      %jit3A = arith.constant 5120 : i32
      %broadcast_in_dim3A_243 = vector.broadcast %jit3A : i32 to vector<16xi32>
      %select_n3A = arith.select %and3A, %sub3A_238, %broadcast_in_dim3A_243 : vector<16xi1>, vector<16xi32>
      %mul3A_244 = arith.constant 16 : i32
      %mul3A_245 = arith.muli %scan3A_229, %mul3A_244 : i32
      %swap3A = arith.constant 4 : i32
      %swap3A_246 = arith.index_cast %swap3A : i32 to index
      %swap3A_247 = arith.index_cast %mul3A_245 : i32 to index
      %swap3A_248 = tpu.vector_load %arg7[%swap3A_246, %swap3A_247] {strides = array<i32>} : memref<5x80xi32, #tpu.memory_space<vmem>>, vector<16xi32>,
      tpu.vector_store %arg7[%swap3A_246, %swap3A_247], %select_n3A {strides = array<i32>} : memref<5x80xi32, #tpu.memory_space<vmem>>, vector<16xi32>,
      %scan3A_249 = arith.constant 0 : i32
      scf.yield %scan3A_249 : i32
    }
    %scan3A_90 = arith.constant 5 : i32
    %dma_start3A_91 = arith.constant 4 : i32
    %dma_start3A_92 = arith.constant 4 : i32
    %dma_start3A_93 = arith.constant 0 : i32
    %dma_start3A_94 = arith.constant 0 : i32
    %dma_start3A_95 = tpu.memref_slice %arg8[%dma_start3A_92, %dma_start3A_93, %dma_start3A_94] : memref<5x80x128xf32, #tpu.memory_space<vmem>> -> memref<1x80x128xf32, #tpu.memory_space<vmem>>
    %dma_start3A_96 = tpu.memref_squeeze %dma_start3A_95 : memref<1x80x128xf32, #tpu.memory_space<vmem>> -> memref<80x128xf32, #tpu.memory_space<vmem>>
    %dma_start3A_97 = arith.constant 0 : i32
    %dma_start3A_98 = tpu.memref_slice %arg6[%dma_start3A_91, %dma_start3A_97] : memref<5x80xi32, #tpu.memory_space<vmem>> -> memref<1x80xi32, #tpu.memory_space<vmem>>
    %dma_start3A_99 = tpu.memref_squeeze %dma_start3A_98 : memref<1x80xi32, #tpu.memory_space<vmem>> -> memref<80xi32, #tpu.memory_space<vmem>>
    %dma_start3A_100 = arith.constant 0 : i32
    %dma_start3A_101 = arith.constant 0 : i32
    %dma_start3A_102 = tpu.memref_slice %arg2[%dma_start3A_100, %dma_start3A_101] : memref<10240x128xf32, #tpu.memory_space<hbm>> -> memref<10240x128xf32, #tpu.memory_space<hbm>>
    tpu.enqueue_indirect_dma source(%dma_start3A_102 : memref<10240x128xf32, #tpu.memory_space<hbm>>) target(%dma_start3A_96 : memref<80x128xf32, #tpu.memory_space<vmem>>) offsets(%dma_start3A_99 : memref<80xi32, #tpu.memory_space<vmem>>) semaphore(%arg14 : memref<!tpu.dma_semaphore, #tpu.memory_space<semaphore_mem>>)
    %broadcast_in_dim3A = arith.constant 0.000000e+00 : f32
    %broadcast_in_dim3A_103 = vector.broadcast %broadcast_in_dim3A : f32 to vector<16xf32>
    %scan3A_104 = arith.constant 0 : i32
    %scan3A_105 = arith.constant 0 : i32
    %scan3A_106 = arith.constant 80 : i32
    %scan3A_107 = arith.addi %scan3A_105, %scan3A_106 : i32
    %scan3A_108 = arith.constant 1 : i32
    %scan3A_109 = scf.for %scan3A_229 = %scan3A_105 to %scan3A_107 step %scan3A_108 iter_args(%scan3A_230 = %scan3A_104) -> (i32)  : i32 {
      %scan3A_231 = arith.constant 0 : i32
      %scan3A_232 = arith.constant 0 : i32
      %scan3A_233 = arith.constant 8 : i32
      %scan3A_234 = arith.addi %scan3A_232, %scan3A_233 : i32
      %scan3A_235 = arith.constant 1 : i32
      %scan3A_236 = scf.for %scan3A_239 = %scan3A_232 to %scan3A_234 step %scan3A_235 iter_args(%scan3A_240 = %scan3A_231) -> (i32)  : i32 {
        %mul3A_241 = arith.constant 16 : i32
        %mul3A_242 = arith.muli %scan3A_239, %mul3A_241 : i32
        %swap3A = arith.constant 0 : i32
        %swap3A_243 = arith.index_cast %swap3A : i32 to index
        %swap3A_244 = arith.index_cast %scan3A_229 : i32 to index
        %swap3A_245 = arith.index_cast %mul3A_242 : i32 to index
        %swap3A_246 = tpu.vector_load %arg8[%swap3A_243, %swap3A_244, %swap3A_245] {strides = array<i32>} : memref<5x80x128xf32, #tpu.memory_space<vmem>>, vector<16xf32>,
        tpu.vector_store %arg8[%swap3A_243, %swap3A_244, %swap3A_245], %broadcast_in_dim3A_103 {strides = array<i32>} : memref<5x80x128xf32, #tpu.memory_space<vmem>>, vector<16xf32>,
        %scan3A_247 = arith.constant 0 : i32
        scf.yield %scan3A_247 : i32
      }
      %scan3A_237 = arith.constant 8 : i32
      %scan3A_238 = arith.constant 0 : i32
      scf.yield %scan3A_238 : i32
    }
    %scan3A_110 = arith.constant 80 : i32
    %mul3A_111 = arith.constant 320 : i32
    %mul3A_112 = arith.muli %arg1, %mul3A_111 : i32
    %add3A = arith.constant 0 : i32
    %add3A_113 = arith.addi %mul3A_112, %add3A : i32
    %run_scoped3A = arith.constant 0 : i32
    "tpu.region"() ({
      %run_scoped3A_229 = tpu.sem_alloc : memref<!tpu.dma_semaphore, #tpu.memory_space<semaphore_mem>>
      %dma_start3A_230 = arith.constant 0 : i32
      %dma_start3A_231 = arith.constant 0 : i32
      %dma_start3A_232 = tpu.memref_slice %arg8[%run_scoped3A, %dma_start3A_230, %dma_start3A_231] : memref<5x80x128xf32, #tpu.memory_space<vmem>> -> memref<1x80x128xf32, #tpu.memory_space<vmem>>
      %dma_start3A_233 = tpu.memref_squeeze %dma_start3A_232 : memref<1x80x128xf32, #tpu.memory_space<vmem>> -> memref<80x128xf32, #tpu.memory_space<vmem>>
      %dma_start3A_234 = arith.constant 0 : i32
      %dma_start3A_235 = tpu.memref_slice %arg9[%add3A_113, %dma_start3A_234] : memref<5128x128xf32, #tpu.memory_space<vmem_shared>> -> memref<80x128xf32, #tpu.memory_space<vmem_shared>>
      %dma_start3A_236 = arith.constant 0 : i32
      %dma_start3A_237 = tpu.memref_slice %arg9[%add3A_113, %dma_start3A_236] : memref<5128x128xf32, #tpu.memory_space<vmem_shared>> -> memref<80x128xf32, #tpu.memory_space<vmem_shared>>
      %dma_start3A_238 = arith.constant 0 : i32
      %dma_start3A_239 = arith.constant 0 : i32
      %dma_start3A_240 = tpu.memref_slice %arg8[%run_scoped3A, %dma_start3A_238, %dma_start3A_239] : memref<5x80x128xf32, #tpu.memory_space<vmem>> -> memref<1x80x128xf32, #tpu.memory_space<vmem>>
      %dma_start3A_241 = tpu.memref_squeeze %dma_start3A_240 : memref<1x80x128xf32, #tpu.memory_space<vmem>> -> memref<80x128xf32, #tpu.memory_space<vmem>>
      tpu.enqueue_dma source(%dma_start3A_241 : memref<80x128xf32, #tpu.memory_space<vmem>>) target(%dma_start3A_237 : memref<80x128xf32, #tpu.memory_space<vmem_shared>>) target_semaphore(%run_scoped3A_229 : memref<!tpu.dma_semaphore, #tpu.memory_space<semaphore_mem>>)
      %dma_wait3A_242 = arith.constant 0 : i32
      %dma_wait3A_243 = arith.constant 0 : i32
      %dma_wait3A_244 = tpu.memref_slice %arg8[%run_scoped3A, %dma_wait3A_242, %dma_wait3A_243] : memref<5x80x128xf32, #tpu.memory_space<vmem>> -> memref<1x80x128xf32, #tpu.memory_space<vmem>>
      %dma_wait3A_245 = tpu.memref_squeeze %dma_wait3A_244 : memref<1x80x128xf32, #tpu.memory_space<vmem>> -> memref<80x128xf32, #tpu.memory_space<vmem>>
      %dma_wait3A_246 = arith.constant 0 : i32
      %dma_wait3A_247 = tpu.memref_slice %arg9[%add3A_113, %dma_wait3A_246] : memref<5128x128xf32, #tpu.memory_space<vmem_shared>> -> memref<80x128xf32, #tpu.memory_space<vmem_shared>>
      %dma_wait3A_248 = arith.constant 0 : i32
      %dma_wait3A_249 = tpu.memref_slice %arg9[%add3A_113, %dma_wait3A_248] : memref<5128x128xf32, #tpu.memory_space<vmem_shared>> -> memref<80x128xf32, #tpu.memory_space<vmem_shared>>
      %dma_wait3A_250 = arith.constant 0 : i32
      %dma_wait3A_251 = arith.constant 0 : i32
      %dma_wait3A_252 = tpu.memref_slice %arg8[%run_scoped3A, %dma_wait3A_250, %dma_wait3A_251] : memref<5x80x128xf32, #tpu.memory_space<vmem>> -> memref<1x80x128xf32, #tpu.memory_space<vmem>>
      %dma_wait3A_253 = tpu.memref_squeeze %dma_wait3A_252 : memref<1x80x128xf32, #tpu.memory_space<vmem>> -> memref<80x128xf32, #tpu.memory_space<vmem>>
      tpu.wait_dma2 semaphore(%run_scoped3A_229 : memref<!tpu.dma_semaphore, #tpu.memory_space<semaphore_mem>>) src(%dma_wait3A_253 : memref<80x128xf32, #tpu.memory_space<vmem>>) dst(%dma_wait3A_249 : memref<80x128xf32, #tpu.memory_space<vmem_shared>>)
      tpu.yield
    }) : () -> ()
    %mul3A_114 = arith.constant 320 : i32
    %mul3A_115 = arith.muli %arg1, %mul3A_114 : i32
    %add3A_116 = arith.constant 80 : i32
    %add3A_117 = arith.addi %mul3A_115, %add3A_116 : i32
    %run_scoped3A_118 = arith.constant 0 : i32
    "tpu.region"() ({
      %run_scoped3A_229 = tpu.sem_alloc : memref<!tpu.dma_semaphore, #tpu.memory_space<semaphore_mem>>
      %dma_start3A_230 = arith.constant 0 : i32
      %dma_start3A_231 = arith.constant 0 : i32
      %dma_start3A_232 = tpu.memref_slice %arg8[%run_scoped3A_118, %dma_start3A_230, %dma_start3A_231] : memref<5x80x128xf32, #tpu.memory_space<vmem>> -> memref<1x80x128xf32, #tpu.memory_space<vmem>>
      %dma_start3A_233 = tpu.memref_squeeze %dma_start3A_232 : memref<1x80x128xf32, #tpu.memory_space<vmem>> -> memref<80x128xf32, #tpu.memory_space<vmem>>
      %dma_start3A_234 = arith.constant 0 : i32
      %dma_start3A_235 = tpu.memref_slice %arg9[%add3A_117, %dma_start3A_234] : memref<5128x128xf32, #tpu.memory_space<vmem_shared>> -> memref<80x128xf32, #tpu.memory_space<vmem_shared>>
      %dma_start3A_236 = arith.constant 0 : i32
      %dma_start3A_237 = tpu.memref_slice %arg9[%add3A_117, %dma_start3A_236] : memref<5128x128xf32, #tpu.memory_space<vmem_shared>> -> memref<80x128xf32, #tpu.memory_space<vmem_shared>>
      %dma_start3A_238 = arith.constant 0 : i32
      %dma_start3A_239 = arith.constant 0 : i32
      %dma_start3A_240 = tpu.memref_slice %arg8[%run_scoped3A_118, %dma_start3A_238, %dma_start3A_239] : memref<5x80x128xf32, #tpu.memory_space<vmem>> -> memref<1x80x128xf32, #tpu.memory_space<vmem>>
      %dma_start3A_241 = tpu.memref_squeeze %dma_start3A_240 : memref<1x80x128xf32, #tpu.memory_space<vmem>> -> memref<80x128xf32, #tpu.memory_space<vmem>>
      tpu.enqueue_dma source(%dma_start3A_241 : memref<80x128xf32, #tpu.memory_space<vmem>>) target(%dma_start3A_237 : memref<80x128xf32, #tpu.memory_space<vmem_shared>>) target_semaphore(%run_scoped3A_229 : memref<!tpu.dma_semaphore, #tpu.memory_space<semaphore_mem>>)
      %dma_wait3A_242 = arith.constant 0 : i32
      %dma_wait3A_243 = arith.constant 0 : i32
      %dma_wait3A_244 = tpu.memref_slice %arg8[%run_scoped3A_118, %dma_wait3A_242, %dma_wait3A_243] : memref<5x80x128xf32, #tpu.memory_space<vmem>> -> memref<1x80x128xf32, #tpu.memory_space<vmem>>
      %dma_wait3A_245 = tpu.memref_squeeze %dma_wait3A_244 : memref<1x80x128xf32, #tpu.memory_space<vmem>> -> memref<80x128xf32, #tpu.memory_space<vmem>>
      %dma_wait3A_246 = arith.constant 0 : i32
      %dma_wait3A_247 = tpu.memref_slice %arg9[%add3A_117, %dma_wait3A_246] : memref<5128x128xf32, #tpu.memory_space<vmem_shared>> -> memref<80x128xf32, #tpu.memory_space<vmem_shared>>
      %dma_wait3A_248 = arith.constant 0 : i32
      %dma_wait3A_249 = tpu.memref_slice %arg9[%add3A_117, %dma_wait3A_248] : memref<5128x128xf32, #tpu.memory_space<vmem_shared>> -> memref<80x128xf32, #tpu.memory_space<vmem_shared>>
      %dma_wait3A_250 = arith.constant 0 : i32
      %dma_wait3A_251 = arith.constant 0 : i32
      %dma_wait3A_252 = tpu.memref_slice %arg8[%run_scoped3A_118, %dma_wait3A_250, %dma_wait3A_251] : memref<5x80x128xf32, #tpu.memory_space<vmem>> -> memref<1x80x128xf32, #tpu.memory_space<vmem>>
      %dma_wait3A_253 = tpu.memref_squeeze %dma_wait3A_252 : memref<1x80x128xf32, #tpu.memory_space<vmem>> -> memref<80x128xf32, #tpu.memory_space<vmem>>
      tpu.wait_dma2 semaphore(%run_scoped3A_229 : memref<!tpu.dma_semaphore, #tpu.memory_space<semaphore_mem>>) src(%dma_wait3A_253 : memref<80x128xf32, #tpu.memory_space<vmem>>) dst(%dma_wait3A_249 : memref<80x128xf32, #tpu.memory_space<vmem_shared>>)
      tpu.yield
    }) : () -> ()
    %mul3A_119 = arith.constant 320 : i32
    %mul3A_120 = arith.muli %arg1, %mul3A_119 : i32
    %add3A_121 = arith.constant 160 : i32
    %add3A_122 = arith.addi %mul3A_120, %add3A_121 : i32
    %run_scoped3A_123 = arith.constant 0 : i32
    "tpu.region"() ({
      %run_scoped3A_229 = tpu.sem_alloc : memref<!tpu.dma_semaphore, #tpu.memory_space<semaphore_mem>>
      %dma_start3A_230 = arith.constant 0 : i32
      %dma_start3A_231 = arith.constant 0 : i32
      %dma_start3A_232 = tpu.memref_slice %arg8[%run_scoped3A_123, %dma_start3A_230, %dma_start3A_231] : memref<5x80x128xf32, #tpu.memory_space<vmem>> -> memref<1x80x128xf32, #tpu.memory_space<vmem>>
      %dma_start3A_233 = tpu.memref_squeeze %dma_start3A_232 : memref<1x80x128xf32, #tpu.memory_space<vmem>> -> memref<80x128xf32, #tpu.memory_space<vmem>>
      %dma_start3A_234 = arith.constant 0 : i32
      %dma_start3A_235 = tpu.memref_slice %arg9[%add3A_122, %dma_start3A_234] : memref<5128x128xf32, #tpu.memory_space<vmem_shared>> -> memref<80x128xf32, #tpu.memory_space<vmem_shared>>
      %dma_start3A_236 = arith.constant 0 : i32
      %dma_start3A_237 = tpu.memref_slice %arg9[%add3A_122, %dma_start3A_236] : memref<5128x128xf32, #tpu.memory_space<vmem_shared>> -> memref<80x128xf32, #tpu.memory_space<vmem_shared>>
      %dma_start3A_238 = arith.constant 0 : i32
      %dma_start3A_239 = arith.constant 0 : i32
      %dma_start3A_240 = tpu.memref_slice %arg8[%run_scoped3A_123, %dma_start3A_238, %dma_start3A_239] : memref<5x80x128xf32, #tpu.memory_space<vmem>> -> memref<1x80x128xf32, #tpu.memory_space<vmem>>
      %dma_start3A_241 = tpu.memref_squeeze %dma_start3A_240 : memref<1x80x128xf32, #tpu.memory_space<vmem>> -> memref<80x128xf32, #tpu.memory_space<vmem>>
      tpu.enqueue_dma source(%dma_start3A_241 : memref<80x128xf32, #tpu.memory_space<vmem>>) target(%dma_start3A_237 : memref<80x128xf32, #tpu.memory_space<vmem_shared>>) target_semaphore(%run_scoped3A_229 : memref<!tpu.dma_semaphore, #tpu.memory_space<semaphore_mem>>)
      %dma_wait3A_242 = arith.constant 0 : i32
      %dma_wait3A_243 = arith.constant 0 : i32
      %dma_wait3A_244 = tpu.memref_slice %arg8[%run_scoped3A_123, %dma_wait3A_242, %dma_wait3A_243] : memref<5x80x128xf32, #tpu.memory_space<vmem>> -> memref<1x80x128xf32, #tpu.memory_space<vmem>>
      %dma_wait3A_245 = tpu.memref_squeeze %dma_wait3A_244 : memref<1x80x128xf32, #tpu.memory_space<vmem>> -> memref<80x128xf32, #tpu.memory_space<vmem>>
      %dma_wait3A_246 = arith.constant 0 : i32
      %dma_wait3A_247 = tpu.memref_slice %arg9[%add3A_122, %dma_wait3A_246] : memref<5128x128xf32, #tpu.memory_space<vmem_shared>> -> memref<80x128xf32, #tpu.memory_space<vmem_shared>>
      %dma_wait3A_248 = arith.constant 0 : i32
      %dma_wait3A_249 = tpu.memref_slice %arg9[%add3A_122, %dma_wait3A_248] : memref<5128x128xf32, #tpu.memory_space<vmem_shared>> -> memref<80x128xf32, #tpu.memory_space<vmem_shared>>
      %dma_wait3A_250 = arith.constant 0 : i32
      %dma_wait3A_251 = arith.constant 0 : i32
      %dma_wait3A_252 = tpu.memref_slice %arg8[%run_scoped3A_123, %dma_wait3A_250, %dma_wait3A_251] : memref<5x80x128xf32, #tpu.memory_space<vmem>> -> memref<1x80x128xf32, #tpu.memory_space<vmem>>
      %dma_wait3A_253 = tpu.memref_squeeze %dma_wait3A_252 : memref<1x80x128xf32, #tpu.memory_space<vmem>> -> memref<80x128xf32, #tpu.memory_space<vmem>>
      tpu.wait_dma2 semaphore(%run_scoped3A_229 : memref<!tpu.dma_semaphore, #tpu.memory_space<semaphore_mem>>) src(%dma_wait3A_253 : memref<80x128xf32, #tpu.memory_space<vmem>>) dst(%dma_wait3A_249 : memref<80x128xf32, #tpu.memory_space<vmem_shared>>)
      tpu.yield
    }) : () -> ()
    %mul3A_124 = arith.constant 320 : i32
    %mul3A_125 = arith.muli %arg1, %mul3A_124 : i32
    %add3A_126 = arith.constant 240 : i32
    %add3A_127 = arith.addi %mul3A_125, %add3A_126 : i32
    %run_scoped3A_128 = arith.constant 0 : i32
    "tpu.region"() ({
      %run_scoped3A_229 = tpu.sem_alloc : memref<!tpu.dma_semaphore, #tpu.memory_space<semaphore_mem>>
      %dma_start3A_230 = arith.constant 0 : i32
      %dma_start3A_231 = arith.constant 0 : i32
      %dma_start3A_232 = tpu.memref_slice %arg8[%run_scoped3A_128, %dma_start3A_230, %dma_start3A_231] : memref<5x80x128xf32, #tpu.memory_space<vmem>> -> memref<1x80x128xf32, #tpu.memory_space<vmem>>
      %dma_start3A_233 = tpu.memref_squeeze %dma_start3A_232 : memref<1x80x128xf32, #tpu.memory_space<vmem>> -> memref<80x128xf32, #tpu.memory_space<vmem>>
      %dma_start3A_234 = arith.constant 0 : i32
      %dma_start3A_235 = tpu.memref_slice %arg9[%add3A_127, %dma_start3A_234] : memref<5128x128xf32, #tpu.memory_space<vmem_shared>> -> memref<80x128xf32, #tpu.memory_space<vmem_shared>>
      %dma_start3A_236 = arith.constant 0 : i32
      %dma_start3A_237 = tpu.memref_slice %arg9[%add3A_127, %dma_start3A_236] : memref<5128x128xf32, #tpu.memory_space<vmem_shared>> -> memref<80x128xf32, #tpu.memory_space<vmem_shared>>
      %dma_start3A_238 = arith.constant 0 : i32
      %dma_start3A_239 = arith.constant 0 : i32
      %dma_start3A_240 = tpu.memref_slice %arg8[%run_scoped3A_128, %dma_start3A_238, %dma_start3A_239] : memref<5x80x128xf32, #tpu.memory_space<vmem>> -> memref<1x80x128xf32, #tpu.memory_space<vmem>>
      %dma_start3A_241 = tpu.memref_squeeze %dma_start3A_240 : memref<1x80x128xf32, #tpu.memory_space<vmem>> -> memref<80x128xf32, #tpu.memory_space<vmem>>
      tpu.enqueue_dma source(%dma_start3A_241 : memref<80x128xf32, #tpu.memory_space<vmem>>) target(%dma_start3A_237 : memref<80x128xf32, #tpu.memory_space<vmem_shared>>) target_semaphore(%run_scoped3A_229 : memref<!tpu.dma_semaphore, #tpu.memory_space<semaphore_mem>>)
      %dma_wait3A_242 = arith.constant 0 : i32
      %dma_wait3A_243 = arith.constant 0 : i32
      %dma_wait3A_244 = tpu.memref_slice %arg8[%run_scoped3A_128, %dma_wait3A_242, %dma_wait3A_243] : memref<5x80x128xf32, #tpu.memory_space<vmem>> -> memref<1x80x128xf32, #tpu.memory_space<vmem>>
      %dma_wait3A_245 = tpu.memref_squeeze %dma_wait3A_244 : memref<1x80x128xf32, #tpu.memory_space<vmem>> -> memref<80x128xf32, #tpu.memory_space<vmem>>
      %dma_wait3A_246 = arith.constant 0 : i32
      %dma_wait3A_247 = tpu.memref_slice %arg9[%add3A_127, %dma_wait3A_246] : memref<5128x128xf32, #tpu.memory_space<vmem_shared>> -> memref<80x128xf32, #tpu.memory_space<vmem_shared>>
      %dma_wait3A_248 = arith.constant 0 : i32
      %dma_wait3A_249 = tpu.memref_slice %arg9[%add3A_127, %dma_wait3A_248] : memref<5128x128xf32, #tpu.memory_space<vmem_shared>> -> memref<80x128xf32, #tpu.memory_space<vmem_shared>>
      %dma_wait3A_250 = arith.constant 0 : i32
      %dma_wait3A_251 = arith.constant 0 : i32
      %dma_wait3A_252 = tpu.memref_slice %arg8[%run_scoped3A_128, %dma_wait3A_250, %dma_wait3A_251] : memref<5x80x128xf32, #tpu.memory_space<vmem>> -> memref<1x80x128xf32, #tpu.memory_space<vmem>>
      %dma_wait3A_253 = tpu.memref_squeeze %dma_wait3A_252 : memref<1x80x128xf32, #tpu.memory_space<vmem>> -> memref<80x128xf32, #tpu.memory_space<vmem>>
      tpu.wait_dma2 semaphore(%run_scoped3A_229 : memref<!tpu.dma_semaphore, #tpu.memory_space<semaphore_mem>>) src(%dma_wait3A_253 : memref<80x128xf32, #tpu.memory_space<vmem>>) dst(%dma_wait3A_249 : memref<80x128xf32, #tpu.memory_space<vmem_shared>>)
      tpu.yield
    }) : () -> ()
    %scan3A_129 = arith.constant 0 : i32
    %scan3A_130 = arith.constant 0 : i32
    %scan3A_131 = arith.constant 5 : i32
    %scan3A_132 = arith.addi %scan3A_130, %scan3A_131 : i32
    %scan3A_133 = arith.constant 1 : i32
    %scan3A_134 = scf.for %scan3A_229 = %scan3A_130 to %scan3A_132 step %scan3A_133 iter_args(%scan3A_230 = %scan3A_129) -> (i32)  : i32 {
      %mul3A_231 = arith.constant 16 : i32
      %mul3A_232 = arith.muli %scan3A_229, %mul3A_231 : i32
      %get3A = arith.constant 0 : i32
      %get3A_233 = arith.index_cast %get3A : i32 to index
      %get3A_234 = arith.index_cast %mul3A_232 : i32 to index
      %get3A_235 = tpu.vector_load %arg5[%get3A_233, %get3A_234] {strides = array<i32>} : memref<250x80xi32, #tpu.memory_space<vmem>>, vector<16xi32>,
      %and3A = arith.constant 16383 : i32
      %and3A_236 = vector.broadcast %and3A : i32 to vector<16xi32>
      %and3A_237 = arith.andi %get3A_235, %and3A_236 : vector<16xi32>
      %mul3A_238 = arith.constant 16 : i32
      %mul3A_239 = arith.muli %scan3A_229, %mul3A_238 : i32
      %swap3A = arith.constant 0 : i32
      %swap3A_240 = arith.index_cast %swap3A : i32 to index
      %swap3A_241 = arith.index_cast %mul3A_239 : i32 to index
      %swap3A_242 = tpu.vector_load %arg6[%swap3A_240, %swap3A_241] {strides = array<i32>} : memref<5x80xi32, #tpu.memory_space<vmem>>, vector<16xi32>,
      tpu.vector_store %arg6[%swap3A_240, %swap3A_241], %and3A_237 {strides = array<i32>} : memref<5x80xi32, #tpu.memory_space<vmem>>, vector<16xi32>,
      %scan3A_243 = arith.constant 0 : i32
      scf.yield %scan3A_243 : i32
    }
    %scan3A_135 = arith.constant 5 : i32
    %scan3A_136 = arith.constant 0 : i32
    %scan3A_137 = arith.constant 0 : i32
    %scan3A_138 = arith.constant 5 : i32
    %scan3A_139 = arith.addi %scan3A_137, %scan3A_138 : i32
    %scan3A_140 = arith.constant 1 : i32
    %scan3A_141 = scf.for %scan3A_229 = %scan3A_137 to %scan3A_139 step %scan3A_140 iter_args(%scan3A_230 = %scan3A_136) -> (i32)  : i32 {
      %mul3A_231 = arith.constant 16 : i32
      %mul3A_232 = arith.muli %scan3A_229, %mul3A_231 : i32
      %get3A = arith.constant 0 : i32
      %get3A_233 = arith.index_cast %get3A : i32 to index
      %get3A_234 = arith.index_cast %mul3A_232 : i32 to index
      %get3A_235 = tpu.vector_load %arg5[%get3A_233, %get3A_234] {strides = array<i32>} : memref<250x80xi32, #tpu.memory_space<vmem>>, vector<16xi32>,
      %shift_right_arithmetic3A = arith.constant 14 : i32
      %shift_right_arithmetic3A_236 = vector.broadcast %shift_right_arithmetic3A : i32 to vector<16xi32>
      %shift_right_arithmetic3A_237 = arith.shrsi %get3A_235, %shift_right_arithmetic3A_236 : vector<16xi32>
      %sub3A = vector.broadcast %mul3A_0 : i32 to vector<16xi32>
      %sub3A_238 = arith.subi %shift_right_arithmetic3A_237, %sub3A : vector<16xi32>
      %ge3A = arith.constant 0 : i32
      %ge3A_239 = vector.broadcast %ge3A : i32 to vector<16xi32>
      %ge3A_240 = arith.cmpi sge, %sub3A_238, %ge3A_239 : vector<16xi32>
      %lt3A = arith.constant 5120 : i32
      %lt3A_241 = vector.broadcast %lt3A : i32 to vector<16xi32>
      %lt3A_242 = arith.cmpi slt, %sub3A_238, %lt3A_241 : vector<16xi32>
      %and3A = arith.andi %ge3A_240, %lt3A_242 : vector<16xi1>
      %jit3A = arith.constant 5120 : i32
      %broadcast_in_dim3A_243 = vector.broadcast %jit3A : i32 to vector<16xi32>
      %select_n3A = arith.select %and3A, %sub3A_238, %broadcast_in_dim3A_243 : vector<16xi1>, vector<16xi32>
      %mul3A_244 = arith.constant 16 : i32
      %mul3A_245 = arith.muli %scan3A_229, %mul3A_244 : i32
      %swap3A = arith.constant 0 : i32
      %swap3A_246 = arith.index_cast %swap3A : i32 to index
      %swap3A_247 = arith.index_cast %mul3A_245 : i32 to index
      %swap3A_248 = tpu.vector_load %arg7[%swap3A_246, %swap3A_247] {strides = array<i32>} : memref<5x80xi32, #tpu.memory_space<vmem>>, vector<16xi32>,
      tpu.vector_store %arg7[%swap3A_246, %swap3A_247], %select_n3A {strides = array<i32>} : memref<5x80xi32, #tpu.memory_space<vmem>>, vector<16xi32>,
      %scan3A_249 = arith.constant 0 : i32
      scf.yield %scan3A_249 : i32
    }
    %scan3A_142 = arith.constant 5 : i32
    %dma_start3A_143 = arith.constant 0 : i32
    %dma_start3A_144 = arith.constant 0 : i32
    %dma_start3A_145 = arith.constant 0 : i32
    %dma_start3A_146 = arith.constant 0 : i32
    %dma_start3A_147 = tpu.memref_slice %arg8[%dma_start3A_144, %dma_start3A_145, %dma_start3A_146] : memref<5x80x128xf32, #tpu.memory_space<vmem>> -> memref<1x80x128xf32, #tpu.memory_space<vmem>>
    %dma_start3A_148 = tpu.memref_squeeze %dma_start3A_147 : memref<1x80x128xf32, #tpu.memory_space<vmem>> -> memref<80x128xf32, #tpu.memory_space<vmem>>
    %dma_start3A_149 = arith.constant 0 : i32
    %dma_start3A_150 = tpu.memref_slice %arg6[%dma_start3A_143, %dma_start3A_149] : memref<5x80xi32, #tpu.memory_space<vmem>> -> memref<1x80xi32, #tpu.memory_space<vmem>>
    %dma_start3A_151 = tpu.memref_squeeze %dma_start3A_150 : memref<1x80xi32, #tpu.memory_space<vmem>> -> memref<80xi32, #tpu.memory_space<vmem>>
    %dma_start3A_152 = arith.constant 0 : i32
    %dma_start3A_153 = arith.constant 0 : i32
    %dma_start3A_154 = tpu.memref_slice %arg2[%dma_start3A_152, %dma_start3A_153] : memref<10240x128xf32, #tpu.memory_space<hbm>> -> memref<10240x128xf32, #tpu.memory_space<hbm>>
    tpu.enqueue_indirect_dma source(%dma_start3A_154 : memref<10240x128xf32, #tpu.memory_space<hbm>>) target(%dma_start3A_148 : memref<80x128xf32, #tpu.memory_space<vmem>>) offsets(%dma_start3A_151 : memref<80xi32, #tpu.memory_space<vmem>>) semaphore(%arg10 : memref<!tpu.dma_semaphore, #tpu.memory_space<semaphore_mem>>)
    %barrier3A = arith.constant 0 : index
    tpu.barrier barrier_id(%barrier3A)
    %scan3A_155 = arith.constant 0 : i32
    %scan3A_156 = arith.constant 0 : i32
    %scan3A_157 = arith.constant 50 : i32
    %scan3A_158 = arith.addi %scan3A_156, %scan3A_157 : i32
    %scan3A_159 = arith.constant 1 : i32
    %scan3A_160 = scf.for %scan3A_229 = %scan3A_156 to %scan3A_158 step %scan3A_159 iter_args(%scan3A_230 = %scan3A_155) -> (i32)  : i32 {
      %mul3A_231 = arith.constant 5 : i32
      %mul3A_232 = arith.muli %mul3A_231, %scan3A_229 : i32
      %dma_wait3A_233 = arith.constant 0 : i32
      %dma_wait3A_234 = arith.constant 0 : i32
      %dma_wait3A_235 = arith.constant 0 : i32
      %dma_wait3A_236 = arith.constant 0 : i32
      %dma_wait3A_237 = tpu.memref_slice %arg8[%dma_wait3A_234, %dma_wait3A_235, %dma_wait3A_236] : memref<5x80x128xf32, #tpu.memory_space<vmem>> -> memref<1x80x128xf32, #tpu.memory_space<vmem>>
      %dma_wait3A_238 = tpu.memref_squeeze %dma_wait3A_237 : memref<1x80x128xf32, #tpu.memory_space<vmem>> -> memref<80x128xf32, #tpu.memory_space<vmem>>
      %dma_wait3A_239 = arith.constant 0 : i32
      %dma_wait3A_240 = tpu.memref_slice %arg6[%dma_wait3A_233, %dma_wait3A_239] : memref<5x80xi32, #tpu.memory_space<vmem>> -> memref<1x80xi32, #tpu.memory_space<vmem>>
      %dma_wait3A_241 = tpu.memref_squeeze %dma_wait3A_240 : memref<1x80xi32, #tpu.memory_space<vmem>> -> memref<80xi32, #tpu.memory_space<vmem>>
      %dma_wait3A_242 = arith.constant 0 : i32
      %dma_wait3A_243 = arith.constant 0 : i32
      %dma_wait3A_244 = tpu.memref_slice %arg2[%dma_wait3A_242, %dma_wait3A_243] : memref<10240x128xf32, #tpu.memory_space<hbm>> -> memref<10240x128xf32, #tpu.memory_space<hbm>>
      tpu.wait_indirect_dma semaphore(%arg10 : memref<!tpu.dma_semaphore, #tpu.memory_space<semaphore_mem>>) src(%dma_wait3A_244 : memref<10240x128xf32, #tpu.memory_space<hbm>>) dst(%dma_wait3A_238 : memref<80x128xf32, #tpu.memory_space<vmem>>)
      %dma_start3A_245 = arith.constant 0 : i32
      %dma_start3A_246 = arith.constant 0 : i32
      %dma_start3A_247 = arith.constant 0 : i32
      %dma_start3A_248 = arith.constant 0 : i32
      %dma_start3A_249 = tpu.memref_slice %arg8[%dma_start3A_245, %dma_start3A_247, %dma_start3A_248] : memref<5x80x128xf32, #tpu.memory_space<vmem>> -> memref<1x80x128xf32, #tpu.memory_space<vmem>>
      %dma_start3A_250 = tpu.memref_squeeze %dma_start3A_249 : memref<1x80x128xf32, #tpu.memory_space<vmem>> -> memref<80x128xf32, #tpu.memory_space<vmem>>
      %dma_start3A_251 = arith.constant 0 : i32
      %dma_start3A_252 = tpu.memref_slice %arg7[%dma_start3A_246, %dma_start3A_251] : memref<5x80xi32, #tpu.memory_space<vmem>> -> memref<1x80xi32, #tpu.memory_space<vmem>>
      %dma_start3A_253 = tpu.memref_squeeze %dma_start3A_252 : memref<1x80xi32, #tpu.memory_space<vmem>> -> memref<80xi32, #tpu.memory_space<vmem>>
      %dma_start3A_254 = arith.constant 0 : i32
      %dma_start3A_255 = arith.constant 0 : i32
      %dma_start3A_256 = tpu.memref_slice %arg9[%dma_start3A_254, %dma_start3A_255] : memref<5128x128xf32, #tpu.memory_space<vmem_shared>> -> memref<5128x128xf32, #tpu.memory_space<vmem_shared>>
      tpu.enqueue_indirect_dma source(%dma_start3A_250 : memref<80x128xf32, #tpu.memory_space<vmem>>) target(%dma_start3A_256 : memref<5128x128xf32, #tpu.memory_space<vmem_shared>>) offsets(%dma_start3A_253 : memref<80xi32, #tpu.memory_space<vmem>>) semaphore(%arg15 : memref<!tpu.dma_semaphore, #tpu.memory_space<semaphore_mem>>) {add = true}
      %dma_wait3A_257 = arith.constant 1 : i32
      %dma_wait3A_258 = arith.constant 1 : i32
      %dma_wait3A_259 = arith.constant 0 : i32
      %dma_wait3A_260 = arith.constant 0 : i32
      %dma_wait3A_261 = tpu.memref_slice %arg8[%dma_wait3A_258, %dma_wait3A_259, %dma_wait3A_260] : memref<5x80x128xf32, #tpu.memory_space<vmem>> -> memref<1x80x128xf32, #tpu.memory_space<vmem>>
      %dma_wait3A_262 = tpu.memref_squeeze %dma_wait3A_261 : memref<1x80x128xf32, #tpu.memory_space<vmem>> -> memref<80x128xf32, #tpu.memory_space<vmem>>
      %dma_wait3A_263 = arith.constant 0 : i32
      %dma_wait3A_264 = tpu.memref_slice %arg6[%dma_wait3A_257, %dma_wait3A_263] : memref<5x80xi32, #tpu.memory_space<vmem>> -> memref<1x80xi32, #tpu.memory_space<vmem>>
      %dma_wait3A_265 = tpu.memref_squeeze %dma_wait3A_264 : memref<1x80xi32, #tpu.memory_space<vmem>> -> memref<80xi32, #tpu.memory_space<vmem>>
      %dma_wait3A_266 = arith.constant 0 : i32
      %dma_wait3A_267 = arith.constant 0 : i32
      %dma_wait3A_268 = tpu.memref_slice %arg2[%dma_wait3A_266, %dma_wait3A_267] : memref<10240x128xf32, #tpu.memory_space<hbm>> -> memref<10240x128xf32, #tpu.memory_space<hbm>>
      tpu.wait_indirect_dma semaphore(%arg11 : memref<!tpu.dma_semaphore, #tpu.memory_space<semaphore_mem>>) src(%dma_wait3A_268 : memref<10240x128xf32, #tpu.memory_space<hbm>>) dst(%dma_wait3A_262 : memref<80x128xf32, #tpu.memory_space<vmem>>)
      %dma_start3A_269 = arith.constant 1 : i32
      %dma_start3A_270 = arith.constant 1 : i32
      %dma_start3A_271 = arith.constant 0 : i32
      %dma_start3A_272 = arith.constant 0 : i32
      %dma_start3A_273 = tpu.memref_slice %arg8[%dma_start3A_269, %dma_start3A_271, %dma_start3A_272] : memref<5x80x128xf32, #tpu.memory_space<vmem>> -> memref<1x80x128xf32, #tpu.memory_space<vmem>>
      %dma_start3A_274 = tpu.memref_squeeze %dma_start3A_273 : memref<1x80x128xf32, #tpu.memory_space<vmem>> -> memref<80x128xf32, #tpu.memory_space<vmem>>
      %dma_start3A_275 = arith.constant 0 : i32
      %dma_start3A_276 = tpu.memref_slice %arg7[%dma_start3A_270, %dma_start3A_275] : memref<5x80xi32, #tpu.memory_space<vmem>> -> memref<1x80xi32, #tpu.memory_space<vmem>>
      %dma_start3A_277 = tpu.memref_squeeze %dma_start3A_276 : memref<1x80xi32, #tpu.memory_space<vmem>> -> memref<80xi32, #tpu.memory_space<vmem>>
      %dma_start3A_278 = arith.constant 0 : i32
      %dma_start3A_279 = arith.constant 0 : i32
      %dma_start3A_280 = tpu.memref_slice %arg9[%dma_start3A_278, %dma_start3A_279] : memref<5128x128xf32, #tpu.memory_space<vmem_shared>> -> memref<5128x128xf32, #tpu.memory_space<vmem_shared>>
      tpu.enqueue_indirect_dma source(%dma_start3A_274 : memref<80x128xf32, #tpu.memory_space<vmem>>) target(%dma_start3A_280 : memref<5128x128xf32, #tpu.memory_space<vmem_shared>>) offsets(%dma_start3A_277 : memref<80xi32, #tpu.memory_space<vmem>>) semaphore(%arg16 : memref<!tpu.dma_semaphore, #tpu.memory_space<semaphore_mem>>) {add = true}
      %dma_wait3A_281 = arith.constant 2 : i32
      %dma_wait3A_282 = arith.constant 2 : i32
      %dma_wait3A_283 = arith.constant 0 : i32
      %dma_wait3A_284 = arith.constant 0 : i32
      %dma_wait3A_285 = tpu.memref_slice %arg8[%dma_wait3A_282, %dma_wait3A_283, %dma_wait3A_284] : memref<5x80x128xf32, #tpu.memory_space<vmem>> -> memref<1x80x128xf32, #tpu.memory_space<vmem>>
      %dma_wait3A_286 = tpu.memref_squeeze %dma_wait3A_285 : memref<1x80x128xf32, #tpu.memory_space<vmem>> -> memref<80x128xf32, #tpu.memory_space<vmem>>
      %dma_wait3A_287 = arith.constant 0 : i32
      %dma_wait3A_288 = tpu.memref_slice %arg6[%dma_wait3A_281, %dma_wait3A_287] : memref<5x80xi32, #tpu.memory_space<vmem>> -> memref<1x80xi32, #tpu.memory_space<vmem>>
      %dma_wait3A_289 = tpu.memref_squeeze %dma_wait3A_288 : memref<1x80xi32, #tpu.memory_space<vmem>> -> memref<80xi32, #tpu.memory_space<vmem>>
      %dma_wait3A_290 = arith.constant 0 : i32
      %dma_wait3A_291 = arith.constant 0 : i32
      %dma_wait3A_292 = tpu.memref_slice %arg2[%dma_wait3A_290, %dma_wait3A_291] : memref<10240x128xf32, #tpu.memory_space<hbm>> -> memref<10240x128xf32, #tpu.memory_space<hbm>>
      tpu.wait_indirect_dma semaphore(%arg12 : memref<!tpu.dma_semaphore, #tpu.memory_space<semaphore_mem>>) src(%dma_wait3A_292 : memref<10240x128xf32, #tpu.memory_space<hbm>>) dst(%dma_wait3A_286 : memref<80x128xf32, #tpu.memory_space<vmem>>)
      %dma_start3A_293 = arith.constant 2 : i32
      %dma_start3A_294 = arith.constant 2 : i32
      %dma_start3A_295 = arith.constant 0 : i32
      %dma_start3A_296 = arith.constant 0 : i32
      %dma_start3A_297 = tpu.memref_slice %arg8[%dma_start3A_293, %dma_start3A_295, %dma_start3A_296] : memref<5x80x128xf32, #tpu.memory_space<vmem>> -> memref<1x80x128xf32, #tpu.memory_space<vmem>>
      %dma_start3A_298 = tpu.memref_squeeze %dma_start3A_297 : memref<1x80x128xf32, #tpu.memory_space<vmem>> -> memref<80x128xf32, #tpu.memory_space<vmem>>
      %dma_start3A_299 = arith.constant 0 : i32
      %dma_start3A_300 = tpu.memref_slice %arg7[%dma_start3A_294, %dma_start3A_299] : memref<5x80xi32, #tpu.memory_space<vmem>> -> memref<1x80xi32, #tpu.memory_space<vmem>>
      %dma_start3A_301 = tpu.memref_squeeze %dma_start3A_300 : memref<1x80xi32, #tpu.memory_space<vmem>> -> memref<80xi32, #tpu.memory_space<vmem>>
      %dma_start3A_302 = arith.constant 0 : i32
      %dma_start3A_303 = arith.constant 0 : i32
      %dma_start3A_304 = tpu.memref_slice %arg9[%dma_start3A_302, %dma_start3A_303] : memref<5128x128xf32, #tpu.memory_space<vmem_shared>> -> memref<5128x128xf32, #tpu.memory_space<vmem_shared>>
      tpu.enqueue_indirect_dma source(%dma_start3A_298 : memref<80x128xf32, #tpu.memory_space<vmem>>) target(%dma_start3A_304 : memref<5128x128xf32, #tpu.memory_space<vmem_shared>>) offsets(%dma_start3A_301 : memref<80xi32, #tpu.memory_space<vmem>>) semaphore(%arg17 : memref<!tpu.dma_semaphore, #tpu.memory_space<semaphore_mem>>) {add = true}
      %dma_wait3A_305 = arith.constant 3 : i32
      %dma_wait3A_306 = arith.constant 3 : i32
      %dma_wait3A_307 = arith.constant 0 : i32
      %dma_wait3A_308 = arith.constant 0 : i32
      %dma_wait3A_309 = tpu.memref_slice %arg8[%dma_wait3A_306, %dma_wait3A_307, %dma_wait3A_308] : memref<5x80x128xf32, #tpu.memory_space<vmem>> -> memref<1x80x128xf32, #tpu.memory_space<vmem>>
      %dma_wait3A_310 = tpu.memref_squeeze %dma_wait3A_309 : memref<1x80x128xf32, #tpu.memory_space<vmem>> -> memref<80x128xf32, #tpu.memory_space<vmem>>
      %dma_wait3A_311 = arith.constant 0 : i32
      %dma_wait3A_312 = tpu.memref_slice %arg6[%dma_wait3A_305, %dma_wait3A_311] : memref<5x80xi32, #tpu.memory_space<vmem>> -> memref<1x80xi32, #tpu.memory_space<vmem>>
      %dma_wait3A_313 = tpu.memref_squeeze %dma_wait3A_312 : memref<1x80xi32, #tpu.memory_space<vmem>> -> memref<80xi32, #tpu.memory_space<vmem>>
      %dma_wait3A_314 = arith.constant 0 : i32
      %dma_wait3A_315 = arith.constant 0 : i32
      %dma_wait3A_316 = tpu.memref_slice %arg2[%dma_wait3A_314, %dma_wait3A_315] : memref<10240x128xf32, #tpu.memory_space<hbm>> -> memref<10240x128xf32, #tpu.memory_space<hbm>>
      tpu.wait_indirect_dma semaphore(%arg13 : memref<!tpu.dma_semaphore, #tpu.memory_space<semaphore_mem>>) src(%dma_wait3A_316 : memref<10240x128xf32, #tpu.memory_space<hbm>>) dst(%dma_wait3A_310 : memref<80x128xf32, #tpu.memory_space<vmem>>)
      %dma_start3A_317 = arith.constant 3 : i32
      %dma_start3A_318 = arith.constant 3 : i32
      %dma_start3A_319 = arith.constant 0 : i32
      %dma_start3A_320 = arith.constant 0 : i32
      %dma_start3A_321 = tpu.memref_slice %arg8[%dma_start3A_317, %dma_start3A_319, %dma_start3A_320] : memref<5x80x128xf32, #tpu.memory_space<vmem>> -> memref<1x80x128xf32, #tpu.memory_space<vmem>>
      %dma_start3A_322 = tpu.memref_squeeze %dma_start3A_321 : memref<1x80x128xf32, #tpu.memory_space<vmem>> -> memref<80x128xf32, #tpu.memory_space<vmem>>
      %dma_start3A_323 = arith.constant 0 : i32
      %dma_start3A_324 = tpu.memref_slice %arg7[%dma_start3A_318, %dma_start3A_323] : memref<5x80xi32, #tpu.memory_space<vmem>> -> memref<1x80xi32, #tpu.memory_space<vmem>>
      %dma_start3A_325 = tpu.memref_squeeze %dma_start3A_324 : memref<1x80xi32, #tpu.memory_space<vmem>> -> memref<80xi32, #tpu.memory_space<vmem>>
      %dma_start3A_326 = arith.constant 0 : i32
      %dma_start3A_327 = arith.constant 0 : i32
      %dma_start3A_328 = tpu.memref_slice %arg9[%dma_start3A_326, %dma_start3A_327] : memref<5128x128xf32, #tpu.memory_space<vmem_shared>> -> memref<5128x128xf32, #tpu.memory_space<vmem_shared>>
      tpu.enqueue_indirect_dma source(%dma_start3A_322 : memref<80x128xf32, #tpu.memory_space<vmem>>) target(%dma_start3A_328 : memref<5128x128xf32, #tpu.memory_space<vmem_shared>>) offsets(%dma_start3A_325 : memref<80xi32, #tpu.memory_space<vmem>>) semaphore(%arg18 : memref<!tpu.dma_semaphore, #tpu.memory_space<semaphore_mem>>) {add = true}
      %dma_wait3A_329 = arith.constant 4 : i32
      %dma_wait3A_330 = arith.constant 4 : i32
      %dma_wait3A_331 = arith.constant 0 : i32
      %dma_wait3A_332 = arith.constant 0 : i32
      %dma_wait3A_333 = tpu.memref_slice %arg8[%dma_wait3A_330, %dma_wait3A_331, %dma_wait3A_332] : memref<5x80x128xf32, #tpu.memory_space<vmem>> -> memref<1x80x128xf32, #tpu.memory_space<vmem>>
      %dma_wait3A_334 = tpu.memref_squeeze %dma_wait3A_333 : memref<1x80x128xf32, #tpu.memory_space<vmem>> -> memref<80x128xf32, #tpu.memory_space<vmem>>
      %dma_wait3A_335 = arith.constant 0 : i32
      %dma_wait3A_336 = tpu.memref_slice %arg6[%dma_wait3A_329, %dma_wait3A_335] : memref<5x80xi32, #tpu.memory_space<vmem>> -> memref<1x80xi32, #tpu.memory_space<vmem>>
      %dma_wait3A_337 = tpu.memref_squeeze %dma_wait3A_336 : memref<1x80xi32, #tpu.memory_space<vmem>> -> memref<80xi32, #tpu.memory_space<vmem>>
      %dma_wait3A_338 = arith.constant 0 : i32
      %dma_wait3A_339 = arith.constant 0 : i32
      %dma_wait3A_340 = tpu.memref_slice %arg2[%dma_wait3A_338, %dma_wait3A_339] : memref<10240x128xf32, #tpu.memory_space<hbm>> -> memref<10240x128xf32, #tpu.memory_space<hbm>>
      tpu.wait_indirect_dma semaphore(%arg14 : memref<!tpu.dma_semaphore, #tpu.memory_space<semaphore_mem>>) src(%dma_wait3A_340 : memref<10240x128xf32, #tpu.memory_space<hbm>>) dst(%dma_wait3A_334 : memref<80x128xf32, #tpu.memory_space<vmem>>)
      %dma_start3A_341 = arith.constant 4 : i32
      %dma_start3A_342 = arith.constant 4 : i32
      %dma_start3A_343 = arith.constant 0 : i32
      %dma_start3A_344 = arith.constant 0 : i32
      %dma_start3A_345 = tpu.memref_slice %arg8[%dma_start3A_341, %dma_start3A_343, %dma_start3A_344] : memref<5x80x128xf32, #tpu.memory_space<vmem>> -> memref<1x80x128xf32, #tpu.memory_space<vmem>>
      %dma_start3A_346 = tpu.memref_squeeze %dma_start3A_345 : memref<1x80x128xf32, #tpu.memory_space<vmem>> -> memref<80x128xf32, #tpu.memory_space<vmem>>
      %dma_start3A_347 = arith.constant 0 : i32
      %dma_start3A_348 = tpu.memref_slice %arg7[%dma_start3A_342, %dma_start3A_347] : memref<5x80xi32, #tpu.memory_space<vmem>> -> memref<1x80xi32, #tpu.memory_space<vmem>>
      %dma_start3A_349 = tpu.memref_squeeze %dma_start3A_348 : memref<1x80xi32, #tpu.memory_space<vmem>> -> memref<80xi32, #tpu.memory_space<vmem>>
      %dma_start3A_350 = arith.constant 0 : i32
      %dma_start3A_351 = arith.constant 0 : i32
      %dma_start3A_352 = tpu.memref_slice %arg9[%dma_start3A_350, %dma_start3A_351] : memref<5128x128xf32, #tpu.memory_space<vmem_shared>> -> memref<5128x128xf32, #tpu.memory_space<vmem_shared>>
      tpu.enqueue_indirect_dma source(%dma_start3A_346 : memref<80x128xf32, #tpu.memory_space<vmem>>) target(%dma_start3A_352 : memref<5128x128xf32, #tpu.memory_space<vmem_shared>>) offsets(%dma_start3A_349 : memref<80xi32, #tpu.memory_space<vmem>>) semaphore(%arg19 : memref<!tpu.dma_semaphore, #tpu.memory_space<semaphore_mem>>) {add = true}
      %lt3A = arith.constant 49 : i32
      %lt3A_353 = arith.cmpi slt, %scan3A_229, %lt3A : i32
      %convert_element_type3A = arith.extui %lt3A_353 : i1 to i32
      %cond3A = arith.constant 0 : i32
      %cond3A_354 = arith.cmpi ne, %convert_element_type3A, %cond3A : i32
      scf.if %cond3A_354 {
        %add3A_356 = arith.constant 5 : i32
        %add3A_357 = arith.addi %mul3A_232, %add3A_356 : i32
        %add3A_358 = arith.constant 0 : i32
        %add3A_359 = arith.addi %add3A_357, %add3A_358 : i32
        %scan3A_360 = arith.constant 0 : i32
        %scan3A_361 = arith.constant 0 : i32
        %scan3A_362 = arith.constant 5 : i32
        %scan3A_363 = arith.addi %scan3A_361, %scan3A_362 : i32
        %scan3A_364 = arith.constant 1 : i32
        %scan3A_365 = scf.for %scan3A_586 = %scan3A_361 to %scan3A_363 step %scan3A_364 iter_args(%scan3A_587 = %scan3A_360) -> (i32)  : i32 {
          %mul3A_588 = arith.constant 16 : i32
          %mul3A_589 = arith.muli %scan3A_586, %mul3A_588 : i32
          %get3A = arith.index_cast %add3A_359 : i32 to index
          %get3A_590 = arith.index_cast %mul3A_589 : i32 to index
          %get3A_591 = tpu.vector_load %arg5[%get3A, %get3A_590] {strides = array<i32>} : memref<250x80xi32, #tpu.memory_space<vmem>>, vector<16xi32>,
          %and3A = arith.constant 16383 : i32
          %and3A_592 = vector.broadcast %and3A : i32 to vector<16xi32>
          %and3A_593 = arith.andi %get3A_591, %and3A_592 : vector<16xi32>
          %mul3A_594 = arith.constant 16 : i32
          %mul3A_595 = arith.muli %scan3A_586, %mul3A_594 : i32
          %swap3A = arith.constant 0 : i32
          %swap3A_596 = arith.index_cast %swap3A : i32 to index
          %swap3A_597 = arith.index_cast %mul3A_595 : i32 to index
          %swap3A_598 = tpu.vector_load %arg6[%swap3A_596, %swap3A_597] {strides = array<i32>} : memref<5x80xi32, #tpu.memory_space<vmem>>, vector<16xi32>,
          tpu.vector_store %arg6[%swap3A_596, %swap3A_597], %and3A_593 {strides = array<i32>} : memref<5x80xi32, #tpu.memory_space<vmem>>, vector<16xi32>,
          %scan3A_599 = arith.constant 0 : i32
          scf.yield %scan3A_599 : i32
        }
        %scan3A_366 = arith.constant 5 : i32
        %add3A_367 = arith.constant 5 : i32
        %add3A_368 = arith.addi %mul3A_232, %add3A_367 : i32
        %add3A_369 = arith.constant 1 : i32
        %add3A_370 = arith.addi %add3A_368, %add3A_369 : i32
        %scan3A_371 = arith.constant 0 : i32
        %scan3A_372 = arith.constant 0 : i32
        %scan3A_373 = arith.constant 5 : i32
        %scan3A_374 = arith.addi %scan3A_372, %scan3A_373 : i32
        %scan3A_375 = arith.constant 1 : i32
        %scan3A_376 = scf.for %scan3A_586 = %scan3A_372 to %scan3A_374 step %scan3A_375 iter_args(%scan3A_587 = %scan3A_371) -> (i32)  : i32 {
          %mul3A_588 = arith.constant 16 : i32
          %mul3A_589 = arith.muli %scan3A_586, %mul3A_588 : i32
          %get3A = arith.index_cast %add3A_370 : i32 to index
          %get3A_590 = arith.index_cast %mul3A_589 : i32 to index
          %get3A_591 = tpu.vector_load %arg5[%get3A, %get3A_590] {strides = array<i32>} : memref<250x80xi32, #tpu.memory_space<vmem>>, vector<16xi32>,
          %and3A = arith.constant 16383 : i32
          %and3A_592 = vector.broadcast %and3A : i32 to vector<16xi32>
          %and3A_593 = arith.andi %get3A_591, %and3A_592 : vector<16xi32>
          %mul3A_594 = arith.constant 16 : i32
          %mul3A_595 = arith.muli %scan3A_586, %mul3A_594 : i32
          %swap3A = arith.constant 1 : i32
          %swap3A_596 = arith.index_cast %swap3A : i32 to index
          %swap3A_597 = arith.index_cast %mul3A_595 : i32 to index
          %swap3A_598 = tpu.vector_load %arg6[%swap3A_596, %swap3A_597] {strides = array<i32>} : memref<5x80xi32, #tpu.memory_space<vmem>>, vector<16xi32>,
          tpu.vector_store %arg6[%swap3A_596, %swap3A_597], %and3A_593 {strides = array<i32>} : memref<5x80xi32, #tpu.memory_space<vmem>>, vector<16xi32>,
          %scan3A_599 = arith.constant 0 : i32
          scf.yield %scan3A_599 : i32
        }
        %scan3A_377 = arith.constant 5 : i32
        %add3A_378 = arith.constant 5 : i32
        %add3A_379 = arith.addi %mul3A_232, %add3A_378 : i32
        %add3A_380 = arith.constant 2 : i32
        %add3A_381 = arith.addi %add3A_379, %add3A_380 : i32
        %scan3A_382 = arith.constant 0 : i32
        %scan3A_383 = arith.constant 0 : i32
        %scan3A_384 = arith.constant 5 : i32
        %scan3A_385 = arith.addi %scan3A_383, %scan3A_384 : i32
        %scan3A_386 = arith.constant 1 : i32
        %scan3A_387 = scf.for %scan3A_586 = %scan3A_383 to %scan3A_385 step %scan3A_386 iter_args(%scan3A_587 = %scan3A_382) -> (i32)  : i32 {
          %mul3A_588 = arith.constant 16 : i32
          %mul3A_589 = arith.muli %scan3A_586, %mul3A_588 : i32
          %get3A = arith.index_cast %add3A_381 : i32 to index
          %get3A_590 = arith.index_cast %mul3A_589 : i32 to index
          %get3A_591 = tpu.vector_load %arg5[%get3A, %get3A_590] {strides = array<i32>} : memref<250x80xi32, #tpu.memory_space<vmem>>, vector<16xi32>,
          %and3A = arith.constant 16383 : i32
          %and3A_592 = vector.broadcast %and3A : i32 to vector<16xi32>
          %and3A_593 = arith.andi %get3A_591, %and3A_592 : vector<16xi32>
          %mul3A_594 = arith.constant 16 : i32
          %mul3A_595 = arith.muli %scan3A_586, %mul3A_594 : i32
          %swap3A = arith.constant 2 : i32
          %swap3A_596 = arith.index_cast %swap3A : i32 to index
          %swap3A_597 = arith.index_cast %mul3A_595 : i32 to index
          %swap3A_598 = tpu.vector_load %arg6[%swap3A_596, %swap3A_597] {strides = array<i32>} : memref<5x80xi32, #tpu.memory_space<vmem>>, vector<16xi32>,
          tpu.vector_store %arg6[%swap3A_596, %swap3A_597], %and3A_593 {strides = array<i32>} : memref<5x80xi32, #tpu.memory_space<vmem>>, vector<16xi32>,
          %scan3A_599 = arith.constant 0 : i32
          scf.yield %scan3A_599 : i32
        }
        %scan3A_388 = arith.constant 5 : i32
        %add3A_389 = arith.constant 5 : i32
        %add3A_390 = arith.addi %mul3A_232, %add3A_389 : i32
        %add3A_391 = arith.constant 3 : i32
        %add3A_392 = arith.addi %add3A_390, %add3A_391 : i32
        %scan3A_393 = arith.constant 0 : i32
        %scan3A_394 = arith.constant 0 : i32
        %scan3A_395 = arith.constant 5 : i32
        %scan3A_396 = arith.addi %scan3A_394, %scan3A_395 : i32
        %scan3A_397 = arith.constant 1 : i32
        %scan3A_398 = scf.for %scan3A_586 = %scan3A_394 to %scan3A_396 step %scan3A_397 iter_args(%scan3A_587 = %scan3A_393) -> (i32)  : i32 {
          %mul3A_588 = arith.constant 16 : i32
          %mul3A_589 = arith.muli %scan3A_586, %mul3A_588 : i32
          %get3A = arith.index_cast %add3A_392 : i32 to index
          %get3A_590 = arith.index_cast %mul3A_589 : i32 to index
          %get3A_591 = tpu.vector_load %arg5[%get3A, %get3A_590] {strides = array<i32>} : memref<250x80xi32, #tpu.memory_space<vmem>>, vector<16xi32>,
          %and3A = arith.constant 16383 : i32
          %and3A_592 = vector.broadcast %and3A : i32 to vector<16xi32>
          %and3A_593 = arith.andi %get3A_591, %and3A_592 : vector<16xi32>
          %mul3A_594 = arith.constant 16 : i32
          %mul3A_595 = arith.muli %scan3A_586, %mul3A_594 : i32
          %swap3A = arith.constant 3 : i32
          %swap3A_596 = arith.index_cast %swap3A : i32 to index
          %swap3A_597 = arith.index_cast %mul3A_595 : i32 to index
          %swap3A_598 = tpu.vector_load %arg6[%swap3A_596, %swap3A_597] {strides = array<i32>} : memref<5x80xi32, #tpu.memory_space<vmem>>, vector<16xi32>,
          tpu.vector_store %arg6[%swap3A_596, %swap3A_597], %and3A_593 {strides = array<i32>} : memref<5x80xi32, #tpu.memory_space<vmem>>, vector<16xi32>,
          %scan3A_599 = arith.constant 0 : i32
          scf.yield %scan3A_599 : i32
        }
        %scan3A_399 = arith.constant 5 : i32
        %add3A_400 = arith.constant 5 : i32
        %add3A_401 = arith.addi %mul3A_232, %add3A_400 : i32
        %add3A_402 = arith.constant 4 : i32
        %add3A_403 = arith.addi %add3A_401, %add3A_402 : i32
        %scan3A_404 = arith.constant 0 : i32
        %scan3A_405 = arith.constant 0 : i32
        %scan3A_406 = arith.constant 5 : i32
        %scan3A_407 = arith.addi %scan3A_405, %scan3A_406 : i32
        %scan3A_408 = arith.constant 1 : i32
        %scan3A_409 = scf.for %scan3A_586 = %scan3A_405 to %scan3A_407 step %scan3A_408 iter_args(%scan3A_587 = %scan3A_404) -> (i32)  : i32 {
          %mul3A_588 = arith.constant 16 : i32
          %mul3A_589 = arith.muli %scan3A_586, %mul3A_588 : i32
          %get3A = arith.index_cast %add3A_403 : i32 to index
          %get3A_590 = arith.index_cast %mul3A_589 : i32 to index
          %get3A_591 = tpu.vector_load %arg5[%get3A, %get3A_590] {strides = array<i32>} : memref<250x80xi32, #tpu.memory_space<vmem>>, vector<16xi32>,
          %and3A = arith.constant 16383 : i32
          %and3A_592 = vector.broadcast %and3A : i32 to vector<16xi32>
          %and3A_593 = arith.andi %get3A_591, %and3A_592 : vector<16xi32>
          %mul3A_594 = arith.constant 16 : i32
          %mul3A_595 = arith.muli %scan3A_586, %mul3A_594 : i32
          %swap3A = arith.constant 4 : i32
          %swap3A_596 = arith.index_cast %swap3A : i32 to index
          %swap3A_597 = arith.index_cast %mul3A_595 : i32 to index
          %swap3A_598 = tpu.vector_load %arg6[%swap3A_596, %swap3A_597] {strides = array<i32>} : memref<5x80xi32, #tpu.memory_space<vmem>>, vector<16xi32>,
          tpu.vector_store %arg6[%swap3A_596, %swap3A_597], %and3A_593 {strides = array<i32>} : memref<5x80xi32, #tpu.memory_space<vmem>>, vector<16xi32>,
          %scan3A_599 = arith.constant 0 : i32
          scf.yield %scan3A_599 : i32
        }
        %scan3A_410 = arith.constant 5 : i32
        %dma_wait3A_411 = arith.constant 0 : i32
        %dma_wait3A_412 = arith.constant 0 : i32
        %dma_wait3A_413 = arith.constant 0 : i32
        %dma_wait3A_414 = arith.constant 0 : i32
        %dma_wait3A_415 = tpu.memref_slice %arg8[%dma_wait3A_411, %dma_wait3A_413, %dma_wait3A_414] : memref<5x80x128xf32, #tpu.memory_space<vmem>> -> memref<1x80x128xf32, #tpu.memory_space<vmem>>
        %dma_wait3A_416 = tpu.memref_squeeze %dma_wait3A_415 : memref<1x80x128xf32, #tpu.memory_space<vmem>> -> memref<80x128xf32, #tpu.memory_space<vmem>>
        %dma_wait3A_417 = arith.constant 0 : i32
        %dma_wait3A_418 = tpu.memref_slice %arg7[%dma_wait3A_412, %dma_wait3A_417] : memref<5x80xi32, #tpu.memory_space<vmem>> -> memref<1x80xi32, #tpu.memory_space<vmem>>
        %dma_wait3A_419 = tpu.memref_squeeze %dma_wait3A_418 : memref<1x80xi32, #tpu.memory_space<vmem>> -> memref<80xi32, #tpu.memory_space<vmem>>
        %dma_wait3A_420 = arith.constant 0 : i32
        %dma_wait3A_421 = arith.constant 0 : i32
        %dma_wait3A_422 = tpu.memref_slice %arg9[%dma_wait3A_420, %dma_wait3A_421] : memref<5128x128xf32, #tpu.memory_space<vmem_shared>> -> memref<5128x128xf32, #tpu.memory_space<vmem_shared>>
        tpu.wait_indirect_dma semaphore(%arg15 : memref<!tpu.dma_semaphore, #tpu.memory_space<semaphore_mem>>) src(%dma_wait3A_416 : memref<80x128xf32, #tpu.memory_space<vmem>>) dst(%dma_wait3A_422 : memref<5128x128xf32, #tpu.memory_space<vmem_shared>>)
        %add3A_423 = arith.constant 5 : i32
        %add3A_424 = arith.addi %mul3A_232, %add3A_423 : i32
        %add3A_425 = arith.constant 0 : i32
        %add3A_426 = arith.addi %add3A_424, %add3A_425 : i32
        %scan3A_427 = arith.constant 0 : i32
        %scan3A_428 = arith.constant 0 : i32
        %scan3A_429 = arith.constant 5 : i32
        %scan3A_430 = arith.addi %scan3A_428, %scan3A_429 : i32
        %scan3A_431 = arith.constant 1 : i32
        %scan3A_432 = scf.for %scan3A_586 = %scan3A_428 to %scan3A_430 step %scan3A_431 iter_args(%scan3A_587 = %scan3A_427) -> (i32)  : i32 {
          %mul3A_588 = arith.constant 16 : i32
          %mul3A_589 = arith.muli %scan3A_586, %mul3A_588 : i32
          %get3A = arith.index_cast %add3A_426 : i32 to index
          %get3A_590 = arith.index_cast %mul3A_589 : i32 to index
          %get3A_591 = tpu.vector_load %arg5[%get3A, %get3A_590] {strides = array<i32>} : memref<250x80xi32, #tpu.memory_space<vmem>>, vector<16xi32>,
          %shift_right_arithmetic3A = arith.constant 14 : i32
          %shift_right_arithmetic3A_592 = vector.broadcast %shift_right_arithmetic3A : i32 to vector<16xi32>
          %shift_right_arithmetic3A_593 = arith.shrsi %get3A_591, %shift_right_arithmetic3A_592 : vector<16xi32>
          %sub3A = vector.broadcast %mul3A_0 : i32 to vector<16xi32>
          %sub3A_594 = arith.subi %shift_right_arithmetic3A_593, %sub3A : vector<16xi32>
          %ge3A = arith.constant 0 : i32
          %ge3A_595 = vector.broadcast %ge3A : i32 to vector<16xi32>
          %ge3A_596 = arith.cmpi sge, %sub3A_594, %ge3A_595 : vector<16xi32>
          %lt3A_597 = arith.constant 5120 : i32
          %lt3A_598 = vector.broadcast %lt3A_597 : i32 to vector<16xi32>
          %lt3A_599 = arith.cmpi slt, %sub3A_594, %lt3A_598 : vector<16xi32>
          %and3A = arith.andi %ge3A_596, %lt3A_599 : vector<16xi1>
          %jit3A = arith.constant 5120 : i32
          %broadcast_in_dim3A_600 = vector.broadcast %jit3A : i32 to vector<16xi32>
          %select_n3A = arith.select %and3A, %sub3A_594, %broadcast_in_dim3A_600 : vector<16xi1>, vector<16xi32>
          %mul3A_601 = arith.constant 16 : i32
          %mul3A_602 = arith.muli %scan3A_586, %mul3A_601 : i32
          %swap3A = arith.constant 0 : i32
          %swap3A_603 = arith.index_cast %swap3A : i32 to index
          %swap3A_604 = arith.index_cast %mul3A_602 : i32 to index
          %swap3A_605 = tpu.vector_load %arg7[%swap3A_603, %swap3A_604] {strides = array<i32>} : memref<5x80xi32, #tpu.memory_space<vmem>>, vector<16xi32>,
          tpu.vector_store %arg7[%swap3A_603, %swap3A_604], %select_n3A {strides = array<i32>} : memref<5x80xi32, #tpu.memory_space<vmem>>, vector<16xi32>,
          %scan3A_606 = arith.constant 0 : i32
          scf.yield %scan3A_606 : i32
        }
        %scan3A_433 = arith.constant 5 : i32
        %dma_start3A_434 = arith.constant 0 : i32
        %dma_start3A_435 = arith.constant 0 : i32
        %dma_start3A_436 = arith.constant 0 : i32
        %dma_start3A_437 = arith.constant 0 : i32
        %dma_start3A_438 = tpu.memref_slice %arg8[%dma_start3A_435, %dma_start3A_436, %dma_start3A_437] : memref<5x80x128xf32, #tpu.memory_space<vmem>> -> memref<1x80x128xf32, #tpu.memory_space<vmem>>
        %dma_start3A_439 = tpu.memref_squeeze %dma_start3A_438 : memref<1x80x128xf32, #tpu.memory_space<vmem>> -> memref<80x128xf32, #tpu.memory_space<vmem>>
        %dma_start3A_440 = arith.constant 0 : i32
        %dma_start3A_441 = tpu.memref_slice %arg6[%dma_start3A_434, %dma_start3A_440] : memref<5x80xi32, #tpu.memory_space<vmem>> -> memref<1x80xi32, #tpu.memory_space<vmem>>
        %dma_start3A_442 = tpu.memref_squeeze %dma_start3A_441 : memref<1x80xi32, #tpu.memory_space<vmem>> -> memref<80xi32, #tpu.memory_space<vmem>>
        %dma_start3A_443 = arith.constant 0 : i32
        %dma_start3A_444 = arith.constant 0 : i32
        %dma_start3A_445 = tpu.memref_slice %arg2[%dma_start3A_443, %dma_start3A_444] : memref<10240x128xf32, #tpu.memory_space<hbm>> -> memref<10240x128xf32, #tpu.memory_space<hbm>>
        tpu.enqueue_indirect_dma source(%dma_start3A_445 : memref<10240x128xf32, #tpu.memory_space<hbm>>) target(%dma_start3A_439 : memref<80x128xf32, #tpu.memory_space<vmem>>) offsets(%dma_start3A_442 : memref<80xi32, #tpu.memory_space<vmem>>) semaphore(%arg10 : memref<!tpu.dma_semaphore, #tpu.memory_space<semaphore_mem>>)
        %dma_wait3A_446 = arith.constant 1 : i32
        %dma_wait3A_447 = arith.constant 1 : i32
        %dma_wait3A_448 = arith.constant 0 : i32
        %dma_wait3A_449 = arith.constant 0 : i32
        %dma_wait3A_450 = tpu.memref_slice %arg8[%dma_wait3A_446, %dma_wait3A_448, %dma_wait3A_449] : memref<5x80x128xf32, #tpu.memory_space<vmem>> -> memref<1x80x128xf32, #tpu.memory_space<vmem>>
        %dma_wait3A_451 = tpu.memref_squeeze %dma_wait3A_450 : memref<1x80x128xf32, #tpu.memory_space<vmem>> -> memref<80x128xf32, #tpu.memory_space<vmem>>
        %dma_wait3A_452 = arith.constant 0 : i32
        %dma_wait3A_453 = tpu.memref_slice %arg7[%dma_wait3A_447, %dma_wait3A_452] : memref<5x80xi32, #tpu.memory_space<vmem>> -> memref<1x80xi32, #tpu.memory_space<vmem>>
        %dma_wait3A_454 = tpu.memref_squeeze %dma_wait3A_453 : memref<1x80xi32, #tpu.memory_space<vmem>> -> memref<80xi32, #tpu.memory_space<vmem>>
        %dma_wait3A_455 = arith.constant 0 : i32
        %dma_wait3A_456 = arith.constant 0 : i32
        %dma_wait3A_457 = tpu.memref_slice %arg9[%dma_wait3A_455, %dma_wait3A_456] : memref<5128x128xf32, #tpu.memory_space<vmem_shared>> -> memref<5128x128xf32, #tpu.memory_space<vmem_shared>>
        tpu.wait_indirect_dma semaphore(%arg16 : memref<!tpu.dma_semaphore, #tpu.memory_space<semaphore_mem>>) src(%dma_wait3A_451 : memref<80x128xf32, #tpu.memory_space<vmem>>) dst(%dma_wait3A_457 : memref<5128x128xf32, #tpu.memory_space<vmem_shared>>)
        %add3A_458 = arith.constant 5 : i32
        %add3A_459 = arith.addi %mul3A_232, %add3A_458 : i32
        %add3A_460 = arith.constant 1 : i32
        %add3A_461 = arith.addi %add3A_459, %add3A_460 : i32
        %scan3A_462 = arith.constant 0 : i32
        %scan3A_463 = arith.constant 0 : i32
        %scan3A_464 = arith.constant 5 : i32
        %scan3A_465 = arith.addi %scan3A_463, %scan3A_464 : i32
        %scan3A_466 = arith.constant 1 : i32
        %scan3A_467 = scf.for %scan3A_586 = %scan3A_463 to %scan3A_465 step %scan3A_466 iter_args(%scan3A_587 = %scan3A_462) -> (i32)  : i32 {
          %mul3A_588 = arith.constant 16 : i32
          %mul3A_589 = arith.muli %scan3A_586, %mul3A_588 : i32
          %get3A = arith.index_cast %add3A_461 : i32 to index
          %get3A_590 = arith.index_cast %mul3A_589 : i32 to index
          %get3A_591 = tpu.vector_load %arg5[%get3A, %get3A_590] {strides = array<i32>} : memref<250x80xi32, #tpu.memory_space<vmem>>, vector<16xi32>,
          %shift_right_arithmetic3A = arith.constant 14 : i32
          %shift_right_arithmetic3A_592 = vector.broadcast %shift_right_arithmetic3A : i32 to vector<16xi32>
          %shift_right_arithmetic3A_593 = arith.shrsi %get3A_591, %shift_right_arithmetic3A_592 : vector<16xi32>
          %sub3A = vector.broadcast %mul3A_0 : i32 to vector<16xi32>
          %sub3A_594 = arith.subi %shift_right_arithmetic3A_593, %sub3A : vector<16xi32>
          %ge3A = arith.constant 0 : i32
          %ge3A_595 = vector.broadcast %ge3A : i32 to vector<16xi32>
          %ge3A_596 = arith.cmpi sge, %sub3A_594, %ge3A_595 : vector<16xi32>
          %lt3A_597 = arith.constant 5120 : i32
          %lt3A_598 = vector.broadcast %lt3A_597 : i32 to vector<16xi32>
          %lt3A_599 = arith.cmpi slt, %sub3A_594, %lt3A_598 : vector<16xi32>
          %and3A = arith.andi %ge3A_596, %lt3A_599 : vector<16xi1>
          %jit3A = arith.constant 5120 : i32
          %broadcast_in_dim3A_600 = vector.broadcast %jit3A : i32 to vector<16xi32>
          %select_n3A = arith.select %and3A, %sub3A_594, %broadcast_in_dim3A_600 : vector<16xi1>, vector<16xi32>
          %mul3A_601 = arith.constant 16 : i32
          %mul3A_602 = arith.muli %scan3A_586, %mul3A_601 : i32
          %swap3A = arith.constant 1 : i32
          %swap3A_603 = arith.index_cast %swap3A : i32 to index
          %swap3A_604 = arith.index_cast %mul3A_602 : i32 to index
          %swap3A_605 = tpu.vector_load %arg7[%swap3A_603, %swap3A_604] {strides = array<i32>} : memref<5x80xi32, #tpu.memory_space<vmem>>, vector<16xi32>,
          tpu.vector_store %arg7[%swap3A_603, %swap3A_604], %select_n3A {strides = array<i32>} : memref<5x80xi32, #tpu.memory_space<vmem>>, vector<16xi32>,
          %scan3A_606 = arith.constant 0 : i32
          scf.yield %scan3A_606 : i32
        }
        %scan3A_468 = arith.constant 5 : i32
        %dma_start3A_469 = arith.constant 1 : i32
        %dma_start3A_470 = arith.constant 1 : i32
        %dma_start3A_471 = arith.constant 0 : i32
        %dma_start3A_472 = arith.constant 0 : i32
        %dma_start3A_473 = tpu.memref_slice %arg8[%dma_start3A_470, %dma_start3A_471, %dma_start3A_472] : memref<5x80x128xf32, #tpu.memory_space<vmem>> -> memref<1x80x128xf32, #tpu.memory_space<vmem>>
        %dma_start3A_474 = tpu.memref_squeeze %dma_start3A_473 : memref<1x80x128xf32, #tpu.memory_space<vmem>> -> memref<80x128xf32, #tpu.memory_space<vmem>>
        %dma_start3A_475 = arith.constant 0 : i32
        %dma_start3A_476 = tpu.memref_slice %arg6[%dma_start3A_469, %dma_start3A_475] : memref<5x80xi32, #tpu.memory_space<vmem>> -> memref<1x80xi32, #tpu.memory_space<vmem>>
        %dma_start3A_477 = tpu.memref_squeeze %dma_start3A_476 : memref<1x80xi32, #tpu.memory_space<vmem>> -> memref<80xi32, #tpu.memory_space<vmem>>
        %dma_start3A_478 = arith.constant 0 : i32
        %dma_start3A_479 = arith.constant 0 : i32
        %dma_start3A_480 = tpu.memref_slice %arg2[%dma_start3A_478, %dma_start3A_479] : memref<10240x128xf32, #tpu.memory_space<hbm>> -> memref<10240x128xf32, #tpu.memory_space<hbm>>
        tpu.enqueue_indirect_dma source(%dma_start3A_480 : memref<10240x128xf32, #tpu.memory_space<hbm>>) target(%dma_start3A_474 : memref<80x128xf32, #tpu.memory_space<vmem>>) offsets(%dma_start3A_477 : memref<80xi32, #tpu.memory_space<vmem>>) semaphore(%arg11 : memref<!tpu.dma_semaphore, #tpu.memory_space<semaphore_mem>>)
        %dma_wait3A_481 = arith.constant 2 : i32
        %dma_wait3A_482 = arith.constant 2 : i32
        %dma_wait3A_483 = arith.constant 0 : i32
        %dma_wait3A_484 = arith.constant 0 : i32
        %dma_wait3A_485 = tpu.memref_slice %arg8[%dma_wait3A_481, %dma_wait3A_483, %dma_wait3A_484] : memref<5x80x128xf32, #tpu.memory_space<vmem>> -> memref<1x80x128xf32, #tpu.memory_space<vmem>>
        %dma_wait3A_486 = tpu.memref_squeeze %dma_wait3A_485 : memref<1x80x128xf32, #tpu.memory_space<vmem>> -> memref<80x128xf32, #tpu.memory_space<vmem>>
        %dma_wait3A_487 = arith.constant 0 : i32
        %dma_wait3A_488 = tpu.memref_slice %arg7[%dma_wait3A_482, %dma_wait3A_487] : memref<5x80xi32, #tpu.memory_space<vmem>> -> memref<1x80xi32, #tpu.memory_space<vmem>>
        %dma_wait3A_489 = tpu.memref_squeeze %dma_wait3A_488 : memref<1x80xi32, #tpu.memory_space<vmem>> -> memref<80xi32, #tpu.memory_space<vmem>>
        %dma_wait3A_490 = arith.constant 0 : i32
        %dma_wait3A_491 = arith.constant 0 : i32
        %dma_wait3A_492 = tpu.memref_slice %arg9[%dma_wait3A_490, %dma_wait3A_491] : memref<5128x128xf32, #tpu.memory_space<vmem_shared>> -> memref<5128x128xf32, #tpu.memory_space<vmem_shared>>
        tpu.wait_indirect_dma semaphore(%arg17 : memref<!tpu.dma_semaphore, #tpu.memory_space<semaphore_mem>>) src(%dma_wait3A_486 : memref<80x128xf32, #tpu.memory_space<vmem>>) dst(%dma_wait3A_492 : memref<5128x128xf32, #tpu.memory_space<vmem_shared>>)
        %add3A_493 = arith.constant 5 : i32
        %add3A_494 = arith.addi %mul3A_232, %add3A_493 : i32
        %add3A_495 = arith.constant 2 : i32
        %add3A_496 = arith.addi %add3A_494, %add3A_495 : i32
        %scan3A_497 = arith.constant 0 : i32
        %scan3A_498 = arith.constant 0 : i32
        %scan3A_499 = arith.constant 5 : i32
        %scan3A_500 = arith.addi %scan3A_498, %scan3A_499 : i32
        %scan3A_501 = arith.constant 1 : i32
        %scan3A_502 = scf.for %scan3A_586 = %scan3A_498 to %scan3A_500 step %scan3A_501 iter_args(%scan3A_587 = %scan3A_497) -> (i32)  : i32 {
          %mul3A_588 = arith.constant 16 : i32
          %mul3A_589 = arith.muli %scan3A_586, %mul3A_588 : i32
          %get3A = arith.index_cast %add3A_496 : i32 to index
          %get3A_590 = arith.index_cast %mul3A_589 : i32 to index
          %get3A_591 = tpu.vector_load %arg5[%get3A, %get3A_590] {strides = array<i32>} : memref<250x80xi32, #tpu.memory_space<vmem>>, vector<16xi32>,
          %shift_right_arithmetic3A = arith.constant 14 : i32
          %shift_right_arithmetic3A_592 = vector.broadcast %shift_right_arithmetic3A : i32 to vector<16xi32>
          %shift_right_arithmetic3A_593 = arith.shrsi %get3A_591, %shift_right_arithmetic3A_592 : vector<16xi32>
          %sub3A = vector.broadcast %mul3A_0 : i32 to vector<16xi32>
          %sub3A_594 = arith.subi %shift_right_arithmetic3A_593, %sub3A : vector<16xi32>
          %ge3A = arith.constant 0 : i32
          %ge3A_595 = vector.broadcast %ge3A : i32 to vector<16xi32>
          %ge3A_596 = arith.cmpi sge, %sub3A_594, %ge3A_595 : vector<16xi32>
          %lt3A_597 = arith.constant 5120 : i32
          %lt3A_598 = vector.broadcast %lt3A_597 : i32 to vector<16xi32>
          %lt3A_599 = arith.cmpi slt, %sub3A_594, %lt3A_598 : vector<16xi32>
          %and3A = arith.andi %ge3A_596, %lt3A_599 : vector<16xi1>
          %jit3A = arith.constant 5120 : i32
          %broadcast_in_dim3A_600 = vector.broadcast %jit3A : i32 to vector<16xi32>
          %select_n3A = arith.select %and3A, %sub3A_594, %broadcast_in_dim3A_600 : vector<16xi1>, vector<16xi32>
          %mul3A_601 = arith.constant 16 : i32
          %mul3A_602 = arith.muli %scan3A_586, %mul3A_601 : i32
          %swap3A = arith.constant 2 : i32
          %swap3A_603 = arith.index_cast %swap3A : i32 to index
          %swap3A_604 = arith.index_cast %mul3A_602 : i32 to index
          %swap3A_605 = tpu.vector_load %arg7[%swap3A_603, %swap3A_604] {strides = array<i32>} : memref<5x80xi32, #tpu.memory_space<vmem>>, vector<16xi32>,
          tpu.vector_store %arg7[%swap3A_603, %swap3A_604], %select_n3A {strides = array<i32>} : memref<5x80xi32, #tpu.memory_space<vmem>>, vector<16xi32>,
          %scan3A_606 = arith.constant 0 : i32
          scf.yield %scan3A_606 : i32
        }
        %scan3A_503 = arith.constant 5 : i32
        %dma_start3A_504 = arith.constant 2 : i32
        %dma_start3A_505 = arith.constant 2 : i32
        %dma_start3A_506 = arith.constant 0 : i32
        %dma_start3A_507 = arith.constant 0 : i32
        %dma_start3A_508 = tpu.memref_slice %arg8[%dma_start3A_505, %dma_start3A_506, %dma_start3A_507] : memref<5x80x128xf32, #tpu.memory_space<vmem>> -> memref<1x80x128xf32, #tpu.memory_space<vmem>>
        %dma_start3A_509 = tpu.memref_squeeze %dma_start3A_508 : memref<1x80x128xf32, #tpu.memory_space<vmem>> -> memref<80x128xf32, #tpu.memory_space<vmem>>
        %dma_start3A_510 = arith.constant 0 : i32
        %dma_start3A_511 = tpu.memref_slice %arg6[%dma_start3A_504, %dma_start3A_510] : memref<5x80xi32, #tpu.memory_space<vmem>> -> memref<1x80xi32, #tpu.memory_space<vmem>>
        %dma_start3A_512 = tpu.memref_squeeze %dma_start3A_511 : memref<1x80xi32, #tpu.memory_space<vmem>> -> memref<80xi32, #tpu.memory_space<vmem>>
        %dma_start3A_513 = arith.constant 0 : i32
        %dma_start3A_514 = arith.constant 0 : i32
        %dma_start3A_515 = tpu.memref_slice %arg2[%dma_start3A_513, %dma_start3A_514] : memref<10240x128xf32, #tpu.memory_space<hbm>> -> memref<10240x128xf32, #tpu.memory_space<hbm>>
        tpu.enqueue_indirect_dma source(%dma_start3A_515 : memref<10240x128xf32, #tpu.memory_space<hbm>>) target(%dma_start3A_509 : memref<80x128xf32, #tpu.memory_space<vmem>>) offsets(%dma_start3A_512 : memref<80xi32, #tpu.memory_space<vmem>>) semaphore(%arg12 : memref<!tpu.dma_semaphore, #tpu.memory_space<semaphore_mem>>)
        %dma_wait3A_516 = arith.constant 3 : i32
        %dma_wait3A_517 = arith.constant 3 : i32
        %dma_wait3A_518 = arith.constant 0 : i32
        %dma_wait3A_519 = arith.constant 0 : i32
        %dma_wait3A_520 = tpu.memref_slice %arg8[%dma_wait3A_516, %dma_wait3A_518, %dma_wait3A_519] : memref<5x80x128xf32, #tpu.memory_space<vmem>> -> memref<1x80x128xf32, #tpu.memory_space<vmem>>
        %dma_wait3A_521 = tpu.memref_squeeze %dma_wait3A_520 : memref<1x80x128xf32, #tpu.memory_space<vmem>> -> memref<80x128xf32, #tpu.memory_space<vmem>>
        %dma_wait3A_522 = arith.constant 0 : i32
        %dma_wait3A_523 = tpu.memref_slice %arg7[%dma_wait3A_517, %dma_wait3A_522] : memref<5x80xi32, #tpu.memory_space<vmem>> -> memref<1x80xi32, #tpu.memory_space<vmem>>
        %dma_wait3A_524 = tpu.memref_squeeze %dma_wait3A_523 : memref<1x80xi32, #tpu.memory_space<vmem>> -> memref<80xi32, #tpu.memory_space<vmem>>
        %dma_wait3A_525 = arith.constant 0 : i32
        %dma_wait3A_526 = arith.constant 0 : i32
        %dma_wait3A_527 = tpu.memref_slice %arg9[%dma_wait3A_525, %dma_wait3A_526] : memref<5128x128xf32, #tpu.memory_space<vmem_shared>> -> memref<5128x128xf32, #tpu.memory_space<vmem_shared>>
        tpu.wait_indirect_dma semaphore(%arg18 : memref<!tpu.dma_semaphore, #tpu.memory_space<semaphore_mem>>) src(%dma_wait3A_521 : memref<80x128xf32, #tpu.memory_space<vmem>>) dst(%dma_wait3A_527 : memref<5128x128xf32, #tpu.memory_space<vmem_shared>>)
        %add3A_528 = arith.constant 5 : i32
        %add3A_529 = arith.addi %mul3A_232, %add3A_528 : i32
        %add3A_530 = arith.constant 3 : i32
        %add3A_531 = arith.addi %add3A_529, %add3A_530 : i32
        %scan3A_532 = arith.constant 0 : i32
        %scan3A_533 = arith.constant 0 : i32
        %scan3A_534 = arith.constant 5 : i32
        %scan3A_535 = arith.addi %scan3A_533, %scan3A_534 : i32
        %scan3A_536 = arith.constant 1 : i32
        %scan3A_537 = scf.for %scan3A_586 = %scan3A_533 to %scan3A_535 step %scan3A_536 iter_args(%scan3A_587 = %scan3A_532) -> (i32)  : i32 {
          %mul3A_588 = arith.constant 16 : i32
          %mul3A_589 = arith.muli %scan3A_586, %mul3A_588 : i32
          %get3A = arith.index_cast %add3A_531 : i32 to index
          %get3A_590 = arith.index_cast %mul3A_589 : i32 to index
          %get3A_591 = tpu.vector_load %arg5[%get3A, %get3A_590] {strides = array<i32>} : memref<250x80xi32, #tpu.memory_space<vmem>>, vector<16xi32>,
          %shift_right_arithmetic3A = arith.constant 14 : i32
          %shift_right_arithmetic3A_592 = vector.broadcast %shift_right_arithmetic3A : i32 to vector<16xi32>
          %shift_right_arithmetic3A_593 = arith.shrsi %get3A_591, %shift_right_arithmetic3A_592 : vector<16xi32>
          %sub3A = vector.broadcast %mul3A_0 : i32 to vector<16xi32>
          %sub3A_594 = arith.subi %shift_right_arithmetic3A_593, %sub3A : vector<16xi32>
          %ge3A = arith.constant 0 : i32
          %ge3A_595 = vector.broadcast %ge3A : i32 to vector<16xi32>
          %ge3A_596 = arith.cmpi sge, %sub3A_594, %ge3A_595 : vector<16xi32>
          %lt3A_597 = arith.constant 5120 : i32
          %lt3A_598 = vector.broadcast %lt3A_597 : i32 to vector<16xi32>
          %lt3A_599 = arith.cmpi slt, %sub3A_594, %lt3A_598 : vector<16xi32>
          %and3A = arith.andi %ge3A_596, %lt3A_599 : vector<16xi1>
          %jit3A = arith.constant 5120 : i32
          %broadcast_in_dim3A_600 = vector.broadcast %jit3A : i32 to vector<16xi32>
          %select_n3A = arith.select %and3A, %sub3A_594, %broadcast_in_dim3A_600 : vector<16xi1>, vector<16xi32>
          %mul3A_601 = arith.constant 16 : i32
          %mul3A_602 = arith.muli %scan3A_586, %mul3A_601 : i32
          %swap3A = arith.constant 3 : i32
          %swap3A_603 = arith.index_cast %swap3A : i32 to index
          %swap3A_604 = arith.index_cast %mul3A_602 : i32 to index
          %swap3A_605 = tpu.vector_load %arg7[%swap3A_603, %swap3A_604] {strides = array<i32>} : memref<5x80xi32, #tpu.memory_space<vmem>>, vector<16xi32>,
          tpu.vector_store %arg7[%swap3A_603, %swap3A_604], %select_n3A {strides = array<i32>} : memref<5x80xi32, #tpu.memory_space<vmem>>, vector<16xi32>,
          %scan3A_606 = arith.constant 0 : i32
          scf.yield %scan3A_606 : i32
        }
        %scan3A_538 = arith.constant 5 : i32
        %dma_start3A_539 = arith.constant 3 : i32
        %dma_start3A_540 = arith.constant 3 : i32
        %dma_start3A_541 = arith.constant 0 : i32
        %dma_start3A_542 = arith.constant 0 : i32
        %dma_start3A_543 = tpu.memref_slice %arg8[%dma_start3A_540, %dma_start3A_541, %dma_start3A_542] : memref<5x80x128xf32, #tpu.memory_space<vmem>> -> memref<1x80x128xf32, #tpu.memory_space<vmem>>
        %dma_start3A_544 = tpu.memref_squeeze %dma_start3A_543 : memref<1x80x128xf32, #tpu.memory_space<vmem>> -> memref<80x128xf32, #tpu.memory_space<vmem>>
        %dma_start3A_545 = arith.constant 0 : i32
        %dma_start3A_546 = tpu.memref_slice %arg6[%dma_start3A_539, %dma_start3A_545] : memref<5x80xi32, #tpu.memory_space<vmem>> -> memref<1x80xi32, #tpu.memory_space<vmem>>
        %dma_start3A_547 = tpu.memref_squeeze %dma_start3A_546 : memref<1x80xi32, #tpu.memory_space<vmem>> -> memref<80xi32, #tpu.memory_space<vmem>>
        %dma_start3A_548 = arith.constant 0 : i32
        %dma_start3A_549 = arith.constant 0 : i32
        %dma_start3A_550 = tpu.memref_slice %arg2[%dma_start3A_548, %dma_start3A_549] : memref<10240x128xf32, #tpu.memory_space<hbm>> -> memref<10240x128xf32, #tpu.memory_space<hbm>>
        tpu.enqueue_indirect_dma source(%dma_start3A_550 : memref<10240x128xf32, #tpu.memory_space<hbm>>) target(%dma_start3A_544 : memref<80x128xf32, #tpu.memory_space<vmem>>) offsets(%dma_start3A_547 : memref<80xi32, #tpu.memory_space<vmem>>) semaphore(%arg13 : memref<!tpu.dma_semaphore, #tpu.memory_space<semaphore_mem>>)
        %dma_wait3A_551 = arith.constant 4 : i32
        %dma_wait3A_552 = arith.constant 4 : i32
        %dma_wait3A_553 = arith.constant 0 : i32
        %dma_wait3A_554 = arith.constant 0 : i32
        %dma_wait3A_555 = tpu.memref_slice %arg8[%dma_wait3A_551, %dma_wait3A_553, %dma_wait3A_554] : memref<5x80x128xf32, #tpu.memory_space<vmem>> -> memref<1x80x128xf32, #tpu.memory_space<vmem>>
        %dma_wait3A_556 = tpu.memref_squeeze %dma_wait3A_555 : memref<1x80x128xf32, #tpu.memory_space<vmem>> -> memref<80x128xf32, #tpu.memory_space<vmem>>
        %dma_wait3A_557 = arith.constant 0 : i32
        %dma_wait3A_558 = tpu.memref_slice %arg7[%dma_wait3A_552, %dma_wait3A_557] : memref<5x80xi32, #tpu.memory_space<vmem>> -> memref<1x80xi32, #tpu.memory_space<vmem>>
        %dma_wait3A_559 = tpu.memref_squeeze %dma_wait3A_558 : memref<1x80xi32, #tpu.memory_space<vmem>> -> memref<80xi32, #tpu.memory_space<vmem>>
        %dma_wait3A_560 = arith.constant 0 : i32
        %dma_wait3A_561 = arith.constant 0 : i32
        %dma_wait3A_562 = tpu.memref_slice %arg9[%dma_wait3A_560, %dma_wait3A_561] : memref<5128x128xf32, #tpu.memory_space<vmem_shared>> -> memref<5128x128xf32, #tpu.memory_space<vmem_shared>>
        tpu.wait_indirect_dma semaphore(%arg19 : memref<!tpu.dma_semaphore, #tpu.memory_space<semaphore_mem>>) src(%dma_wait3A_556 : memref<80x128xf32, #tpu.memory_space<vmem>>) dst(%dma_wait3A_562 : memref<5128x128xf32, #tpu.memory_space<vmem_shared>>)
        %add3A_563 = arith.constant 5 : i32
        %add3A_564 = arith.addi %mul3A_232, %add3A_563 : i32
        %add3A_565 = arith.constant 4 : i32
        %add3A_566 = arith.addi %add3A_564, %add3A_565 : i32
        %scan3A_567 = arith.constant 0 : i32
        %scan3A_568 = arith.constant 0 : i32
        %scan3A_569 = arith.constant 5 : i32
        %scan3A_570 = arith.addi %scan3A_568, %scan3A_569 : i32
        %scan3A_571 = arith.constant 1 : i32
        %scan3A_572 = scf.for %scan3A_586 = %scan3A_568 to %scan3A_570 step %scan3A_571 iter_args(%scan3A_587 = %scan3A_567) -> (i32)  : i32 {
          %mul3A_588 = arith.constant 16 : i32
          %mul3A_589 = arith.muli %scan3A_586, %mul3A_588 : i32
          %get3A = arith.index_cast %add3A_566 : i32 to index
          %get3A_590 = arith.index_cast %mul3A_589 : i32 to index
          %get3A_591 = tpu.vector_load %arg5[%get3A, %get3A_590] {strides = array<i32>} : memref<250x80xi32, #tpu.memory_space<vmem>>, vector<16xi32>,
          %shift_right_arithmetic3A = arith.constant 14 : i32
          %shift_right_arithmetic3A_592 = vector.broadcast %shift_right_arithmetic3A : i32 to vector<16xi32>
          %shift_right_arithmetic3A_593 = arith.shrsi %get3A_591, %shift_right_arithmetic3A_592 : vector<16xi32>
          %sub3A = vector.broadcast %mul3A_0 : i32 to vector<16xi32>
          %sub3A_594 = arith.subi %shift_right_arithmetic3A_593, %sub3A : vector<16xi32>
          %ge3A = arith.constant 0 : i32
          %ge3A_595 = vector.broadcast %ge3A : i32 to vector<16xi32>
          %ge3A_596 = arith.cmpi sge, %sub3A_594, %ge3A_595 : vector<16xi32>
          %lt3A_597 = arith.constant 5120 : i32
          %lt3A_598 = vector.broadcast %lt3A_597 : i32 to vector<16xi32>
          %lt3A_599 = arith.cmpi slt, %sub3A_594, %lt3A_598 : vector<16xi32>
          %and3A = arith.andi %ge3A_596, %lt3A_599 : vector<16xi1>
          %jit3A = arith.constant 5120 : i32
          %broadcast_in_dim3A_600 = vector.broadcast %jit3A : i32 to vector<16xi32>
          %select_n3A = arith.select %and3A, %sub3A_594, %broadcast_in_dim3A_600 : vector<16xi1>, vector<16xi32>
          %mul3A_601 = arith.constant 16 : i32
          %mul3A_602 = arith.muli %scan3A_586, %mul3A_601 : i32
          %swap3A = arith.constant 4 : i32
          %swap3A_603 = arith.index_cast %swap3A : i32 to index
          %swap3A_604 = arith.index_cast %mul3A_602 : i32 to index
          %swap3A_605 = tpu.vector_load %arg7[%swap3A_603, %swap3A_604] {strides = array<i32>} : memref<5x80xi32, #tpu.memory_space<vmem>>, vector<16xi32>,
          tpu.vector_store %arg7[%swap3A_603, %swap3A_604], %select_n3A {strides = array<i32>} : memref<5x80xi32, #tpu.memory_space<vmem>>, vector<16xi32>,
          %scan3A_606 = arith.constant 0 : i32
          scf.yield %scan3A_606 : i32
        }
        %scan3A_573 = arith.constant 5 : i32
        %dma_start3A_574 = arith.constant 4 : i32
        %dma_start3A_575 = arith.constant 4 : i32
        %dma_start3A_576 = arith.constant 0 : i32
        %dma_start3A_577 = arith.constant 0 : i32
        %dma_start3A_578 = tpu.memref_slice %arg8[%dma_start3A_575, %dma_start3A_576, %dma_start3A_577] : memref<5x80x128xf32, #tpu.memory_space<vmem>> -> memref<1x80x128xf32, #tpu.memory_space<vmem>>
        %dma_start3A_579 = tpu.memref_squeeze %dma_start3A_578 : memref<1x80x128xf32, #tpu.memory_space<vmem>> -> memref<80x128xf32, #tpu.memory_space<vmem>>
        %dma_start3A_580 = arith.constant 0 : i32
        %dma_start3A_581 = tpu.memref_slice %arg6[%dma_start3A_574, %dma_start3A_580] : memref<5x80xi32, #tpu.memory_space<vmem>> -> memref<1x80xi32, #tpu.memory_space<vmem>>
        %dma_start3A_582 = tpu.memref_squeeze %dma_start3A_581 : memref<1x80xi32, #tpu.memory_space<vmem>> -> memref<80xi32, #tpu.memory_space<vmem>>
        %dma_start3A_583 = arith.constant 0 : i32
        %dma_start3A_584 = arith.constant 0 : i32
        %dma_start3A_585 = tpu.memref_slice %arg2[%dma_start3A_583, %dma_start3A_584] : memref<10240x128xf32, #tpu.memory_space<hbm>> -> memref<10240x128xf32, #tpu.memory_space<hbm>>
        tpu.enqueue_indirect_dma source(%dma_start3A_585 : memref<10240x128xf32, #tpu.memory_space<hbm>>) target(%dma_start3A_579 : memref<80x128xf32, #tpu.memory_space<vmem>>) offsets(%dma_start3A_582 : memref<80xi32, #tpu.memory_space<vmem>>) semaphore(%arg14 : memref<!tpu.dma_semaphore, #tpu.memory_space<semaphore_mem>>)
      } else {
      }
      %scan3A_355 = arith.constant 0 : i32
      scf.yield %scan3A_355 : i32
    }
    %scan3A_161 = arith.constant 50 : i32
    %dma_wait3A = arith.constant 0 : i32
    %dma_wait3A_162 = arith.constant 0 : i32
    %dma_wait3A_163 = arith.constant 0 : i32
    %dma_wait3A_164 = arith.constant 0 : i32
    %dma_wait3A_165 = tpu.memref_slice %arg8[%dma_wait3A, %dma_wait3A_163, %dma_wait3A_164] : memref<5x80x128xf32, #tpu.memory_space<vmem>> -> memref<1x80x128xf32, #tpu.memory_space<vmem>>
    %dma_wait3A_166 = tpu.memref_squeeze %dma_wait3A_165 : memref<1x80x128xf32, #tpu.memory_space<vmem>> -> memref<80x128xf32, #tpu.memory_space<vmem>>
    %dma_wait3A_167 = arith.constant 0 : i32
    %dma_wait3A_168 = tpu.memref_slice %arg7[%dma_wait3A_162, %dma_wait3A_167] : memref<5x80xi32, #tpu.memory_space<vmem>> -> memref<1x80xi32, #tpu.memory_space<vmem>>
    %dma_wait3A_169 = tpu.memref_squeeze %dma_wait3A_168 : memref<1x80xi32, #tpu.memory_space<vmem>> -> memref<80xi32, #tpu.memory_space<vmem>>
    %dma_wait3A_170 = arith.constant 0 : i32
    %dma_wait3A_171 = arith.constant 0 : i32
    %dma_wait3A_172 = tpu.memref_slice %arg9[%dma_wait3A_170, %dma_wait3A_171] : memref<5128x128xf32, #tpu.memory_space<vmem_shared>> -> memref<5128x128xf32, #tpu.memory_space<vmem_shared>>
    tpu.wait_indirect_dma semaphore(%arg15 : memref<!tpu.dma_semaphore, #tpu.memory_space<semaphore_mem>>) src(%dma_wait3A_166 : memref<80x128xf32, #tpu.memory_space<vmem>>) dst(%dma_wait3A_172 : memref<5128x128xf32, #tpu.memory_space<vmem_shared>>)
    %dma_wait3A_173 = arith.constant 1 : i32
    %dma_wait3A_174 = arith.constant 1 : i32
    %dma_wait3A_175 = arith.constant 0 : i32
    %dma_wait3A_176 = arith.constant 0 : i32
    %dma_wait3A_177 = tpu.memref_slice %arg8[%dma_wait3A_173, %dma_wait3A_175, %dma_wait3A_176] : memref<5x80x128xf32, #tpu.memory_space<vmem>> -> memref<1x80x128xf32, #tpu.memory_space<vmem>>
    %dma_wait3A_178 = tpu.memref_squeeze %dma_wait3A_177 : memref<1x80x128xf32, #tpu.memory_space<vmem>> -> memref<80x128xf32, #tpu.memory_space<vmem>>
    %dma_wait3A_179 = arith.constant 0 : i32
    %dma_wait3A_180 = tpu.memref_slice %arg7[%dma_wait3A_174, %dma_wait3A_179] : memref<5x80xi32, #tpu.memory_space<vmem>> -> memref<1x80xi32, #tpu.memory_space<vmem>>
    %dma_wait3A_181 = tpu.memref_squeeze %dma_wait3A_180 : memref<1x80xi32, #tpu.memory_space<vmem>> -> memref<80xi32, #tpu.memory_space<vmem>>
    %dma_wait3A_182 = arith.constant 0 : i32
    %dma_wait3A_183 = arith.constant 0 : i32
    %dma_wait3A_184 = tpu.memref_slice %arg9[%dma_wait3A_182, %dma_wait3A_183] : memref<5128x128xf32, #tpu.memory_space<vmem_shared>> -> memref<5128x128xf32, #tpu.memory_space<vmem_shared>>
    tpu.wait_indirect_dma semaphore(%arg16 : memref<!tpu.dma_semaphore, #tpu.memory_space<semaphore_mem>>) src(%dma_wait3A_178 : memref<80x128xf32, #tpu.memory_space<vmem>>) dst(%dma_wait3A_184 : memref<5128x128xf32, #tpu.memory_space<vmem_shared>>)
    %dma_wait3A_185 = arith.constant 2 : i32
    %dma_wait3A_186 = arith.constant 2 : i32
    %dma_wait3A_187 = arith.constant 0 : i32
    %dma_wait3A_188 = arith.constant 0 : i32
    %dma_wait3A_189 = tpu.memref_slice %arg8[%dma_wait3A_185, %dma_wait3A_187, %dma_wait3A_188] : memref<5x80x128xf32, #tpu.memory_space<vmem>> -> memref<1x80x128xf32, #tpu.memory_space<vmem>>
    %dma_wait3A_190 = tpu.memref_squeeze %dma_wait3A_189 : memref<1x80x128xf32, #tpu.memory_space<vmem>> -> memref<80x128xf32, #tpu.memory_space<vmem>>
    %dma_wait3A_191 = arith.constant 0 : i32
    %dma_wait3A_192 = tpu.memref_slice %arg7[%dma_wait3A_186, %dma_wait3A_191] : memref<5x80xi32, #tpu.memory_space<vmem>> -> memref<1x80xi32, #tpu.memory_space<vmem>>
    %dma_wait3A_193 = tpu.memref_squeeze %dma_wait3A_192 : memref<1x80xi32, #tpu.memory_space<vmem>> -> memref<80xi32, #tpu.memory_space<vmem>>
    %dma_wait3A_194 = arith.constant 0 : i32
    %dma_wait3A_195 = arith.constant 0 : i32
    %dma_wait3A_196 = tpu.memref_slice %arg9[%dma_wait3A_194, %dma_wait3A_195] : memref<5128x128xf32, #tpu.memory_space<vmem_shared>> -> memref<5128x128xf32, #tpu.memory_space<vmem_shared>>
    tpu.wait_indirect_dma semaphore(%arg17 : memref<!tpu.dma_semaphore, #tpu.memory_space<semaphore_mem>>) src(%dma_wait3A_190 : memref<80x128xf32, #tpu.memory_space<vmem>>) dst(%dma_wait3A_196 : memref<5128x128xf32, #tpu.memory_space<vmem_shared>>)
    %dma_wait3A_197 = arith.constant 3 : i32
    %dma_wait3A_198 = arith.constant 3 : i32
    %dma_wait3A_199 = arith.constant 0 : i32
    %dma_wait3A_200 = arith.constant 0 : i32
    %dma_wait3A_201 = tpu.memref_slice %arg8[%dma_wait3A_197, %dma_wait3A_199, %dma_wait3A_200] : memref<5x80x128xf32, #tpu.memory_space<vmem>> -> memref<1x80x128xf32, #tpu.memory_space<vmem>>
    %dma_wait3A_202 = tpu.memref_squeeze %dma_wait3A_201 : memref<1x80x128xf32, #tpu.memory_space<vmem>> -> memref<80x128xf32, #tpu.memory_space<vmem>>
    %dma_wait3A_203 = arith.constant 0 : i32
    %dma_wait3A_204 = tpu.memref_slice %arg7[%dma_wait3A_198, %dma_wait3A_203] : memref<5x80xi32, #tpu.memory_space<vmem>> -> memref<1x80xi32, #tpu.memory_space<vmem>>
    %dma_wait3A_205 = tpu.memref_squeeze %dma_wait3A_204 : memref<1x80xi32, #tpu.memory_space<vmem>> -> memref<80xi32, #tpu.memory_space<vmem>>
    %dma_wait3A_206 = arith.constant 0 : i32
    %dma_wait3A_207 = arith.constant 0 : i32
    %dma_wait3A_208 = tpu.memref_slice %arg9[%dma_wait3A_206, %dma_wait3A_207] : memref<5128x128xf32, #tpu.memory_space<vmem_shared>> -> memref<5128x128xf32, #tpu.memory_space<vmem_shared>>
    tpu.wait_indirect_dma semaphore(%arg18 : memref<!tpu.dma_semaphore, #tpu.memory_space<semaphore_mem>>) src(%dma_wait3A_202 : memref<80x128xf32, #tpu.memory_space<vmem>>) dst(%dma_wait3A_208 : memref<5128x128xf32, #tpu.memory_space<vmem_shared>>)
    %dma_wait3A_209 = arith.constant 4 : i32
    %dma_wait3A_210 = arith.constant 4 : i32
    %dma_wait3A_211 = arith.constant 0 : i32
    %dma_wait3A_212 = arith.constant 0 : i32
    %dma_wait3A_213 = tpu.memref_slice %arg8[%dma_wait3A_209, %dma_wait3A_211, %dma_wait3A_212] : memref<5x80x128xf32, #tpu.memory_space<vmem>> -> memref<1x80x128xf32, #tpu.memory_space<vmem>>
    %dma_wait3A_214 = tpu.memref_squeeze %dma_wait3A_213 : memref<1x80x128xf32, #tpu.memory_space<vmem>> -> memref<80x128xf32, #tpu.memory_space<vmem>>
    %dma_wait3A_215 = arith.constant 0 : i32
    %dma_wait3A_216 = tpu.memref_slice %arg7[%dma_wait3A_210, %dma_wait3A_215] : memref<5x80xi32, #tpu.memory_space<vmem>> -> memref<1x80xi32, #tpu.memory_space<vmem>>
    %dma_wait3A_217 = tpu.memref_squeeze %dma_wait3A_216 : memref<1x80xi32, #tpu.memory_space<vmem>> -> memref<80xi32, #tpu.memory_space<vmem>>
    %dma_wait3A_218 = arith.constant 0 : i32
    %dma_wait3A_219 = arith.constant 0 : i32
    %dma_wait3A_220 = tpu.memref_slice %arg9[%dma_wait3A_218, %dma_wait3A_219] : memref<5128x128xf32, #tpu.memory_space<vmem_shared>> -> memref<5128x128xf32, #tpu.memory_space<vmem_shared>>
    tpu.wait_indirect_dma semaphore(%arg19 : memref<!tpu.dma_semaphore, #tpu.memory_space<semaphore_mem>>) src(%dma_wait3A_214 : memref<80x128xf32, #tpu.memory_space<vmem>>) dst(%dma_wait3A_220 : memref<5128x128xf32, #tpu.memory_space<vmem_shared>>)
    %barrier3A_221 = arith.constant 0 : index
    tpu.barrier barrier_id(%barrier3A_221)
    %mul3A_222 = arith.constant 320 : i32
    %mul3A_223 = arith.muli %arg1, %mul3A_222 : i32
    %mul3A_224 = arith.constant 5120 : i32
    %mul3A_225 = arith.muli %arg0, %mul3A_224 : i32
    %mul3A_226 = arith.constant 320 : i32
    %mul3A_227 = arith.muli %arg1, %mul3A_226 : i32
    %add3A_228 = arith.addi %mul3A_225, %mul3A_227 : i32
    "tpu.region"() ({
      %run_scoped3A_229 = tpu.sem_alloc : memref<!tpu.dma_semaphore, #tpu.memory_space<semaphore_mem>>
      %dma_start3A_230 = arith.constant 0 : i32
      %dma_start3A_231 = tpu.memref_slice %arg4[%add3A_228, %dma_start3A_230] : memref<10240x128xf32, #tpu.memory_space<hbm>> -> memref<320x128xf32, #tpu.memory_space<hbm>>
      %dma_start3A_232 = arith.constant 0 : i32
      %dma_start3A_233 = tpu.memref_slice %arg9[%mul3A_223, %dma_start3A_232] : memref<5128x128xf32, #tpu.memory_space<vmem_shared>> -> memref<320x128xf32, #tpu.memory_space<vmem_shared>>
      tpu.enqueue_dma source(%dma_start3A_233 : memref<320x128xf32, #tpu.memory_space<vmem_shared>>) target(%dma_start3A_231 : memref<320x128xf32, #tpu.memory_space<hbm>>) target_semaphore(%run_scoped3A_229 : memref<!tpu.dma_semaphore, #tpu.memory_space<semaphore_mem>>)
      %dma_wait3A_234 = arith.constant 0 : i32
      %dma_wait3A_235 = tpu.memref_slice %arg4[%add3A_228, %dma_wait3A_234] : memref<10240x128xf32, #tpu.memory_space<hbm>> -> memref<320x128xf32, #tpu.memory_space<hbm>>
      %dma_wait3A_236 = arith.constant 0 : i32
      %dma_wait3A_237 = tpu.memref_slice %arg9[%mul3A_223, %dma_wait3A_236] : memref<5128x128xf32, #tpu.memory_space<vmem_shared>> -> memref<320x128xf32, #tpu.memory_space<vmem_shared>>
      tpu.wait_dma2 semaphore(%run_scoped3A_229 : memref<!tpu.dma_semaphore, #tpu.memory_space<semaphore_mem>>) src(%dma_wait3A_237 : memref<320x128xf32, #tpu.memory_space<vmem_shared>>) dst(%dma_wait3A_235 : memref<320x128xf32, #tpu.memory_space<hbm>>)
      tpu.yield
    }) : () -> ()
    return
  }
}

#map = affine_map<(d0, d1) -> (0, 0)>
#map1 = affine_map<(d0, d1) -> (0, 0, 0)>
module attributes {stable_mosaic.version = 14 : i64} {
  func.func @_agg_kernel(%arg0: i32, %arg1: i32, %arg2: memref<10240x128xf32, #tpu.memory_space<hbm>>, %arg3: memref<16x250x80xi32, #tpu.memory_space<hbm>>, %arg4: memref<10240x128xf32, #tpu.memory_space<hbm>>, %arg5: memref<250x80xi32, #tpu.memory_space<vmem>>, %arg6: memref<5x80xi32, #tpu.memory_space<vmem>>, %arg7: memref<5x80xi32, #tpu.memory_space<vmem>>, %arg8: memref<5x80x128xf32, #tpu.memory_space<vmem>>, %arg9: memref<5128x128xf32, #tpu.memory_space<vmem_shared>>, %arg10: memref<!tpu.dma_semaphore, #tpu.memory_space<semaphore_mem>>, %arg11: memref<!tpu.dma_semaphore, #tpu.memory_space<semaphore_mem>>, %arg12: memref<!tpu.dma_semaphore, #tpu.memory_space<semaphore_mem>>, %arg13: memref<!tpu.dma_semaphore, #tpu.memory_space<semaphore_mem>>, %arg14: memref<!tpu.dma_semaphore, #tpu.memory_space<semaphore_mem>>, %arg15: memref<!tpu.dma_semaphore, #tpu.memory_space<semaphore_mem>>, %arg16: memref<!tpu.dma_semaphore, #tpu.memory_space<semaphore_mem>>, %arg17: memref<!tpu.dma_semaphore, #tpu.memory_space<semaphore_mem>>, %arg18: memref<!tpu.dma_semaphore, #tpu.memory_space<semaphore_mem>>, %arg19: memref<!tpu.dma_semaphore, #tpu.memory_space<semaphore_mem>>) attributes {dimension_semantics = [#tpu.dimension_semantics<core_parallel>, #tpu.dimension_semantics<subcore_parallel>], iteration_bounds = array<i64: 2, 16>, scalar_prefetch = 0 : i64, scratch_operands = 15 : i64, tpu.core_type = #tpu.core_type<sc_vector_subcore>, window_params = [{transform_indices = #map}, {transform_indices = #map1}, {transform_indices = #map}]} {
    "tpu.region"() ({
      %run_scoped3A_229 = tpu.sem_alloc : memref<!tpu.dma_semaphore, #tpu.memory_space<semaphore_mem>>
      %dma_start3A_230 = arith.constant 0 : i32
      %dma_start3A_231 = arith.constant 0 : i32
      %dma_start3A_232 = tpu.memref_slice %arg3[%arg1, %dma_start3A_230, %dma_start3A_231] : memref<16x250x80xi32, #tpu.memory_space<hbm>> -> memref<1x250x80xi32, #tpu.memory_space<hbm>>
      %dma_start3A_233 = tpu.memref_squeeze %dma_start3A_232 : memref<1x250x80xi32, #tpu.memory_space<hbm>> -> memref<250x80xi32, #tpu.memory_space<hbm>>
      %dma_start3A_234 = arith.constant 0 : i32
      %dma_start3A_235 = arith.constant 0 : i32
      %dma_start3A_236 = tpu.memref_slice %arg3[%arg1, %dma_start3A_234, %dma_start3A_235] : memref<16x250x80xi32, #tpu.memory_space<hbm>> -> memref<1x250x80xi32, #tpu.memory_space<hbm>>
      %dma_start3A_237 = tpu.memref_squeeze %dma_start3A_236 : memref<1x250x80xi32, #tpu.memory_space<hbm>> -> memref<250x80xi32, #tpu.memory_space<hbm>>
      tpu.enqueue_dma source(%dma_start3A_237 : memref<250x80xi32, #tpu.memory_space<hbm>>) target(%arg5 : memref<250x80xi32, #tpu.memory_space<vmem>>) target_semaphore(%run_scoped3A_229 : memref<!tpu.dma_semaphore, #tpu.memory_space<semaphore_mem>>)
      %dma_wait3A_238 = arith.constant 0 : i32
      %dma_wait3A_239 = arith.constant 0 : i32
      %dma_wait3A_240 = tpu.memref_slice %arg3[%arg1, %dma_wait3A_238, %dma_wait3A_239] : memref<16x250x80xi32, #tpu.memory_space<hbm>> -> memref<1x250x80xi32, #tpu.memory_space<hbm>>
      %dma_wait3A_241 = tpu.memref_squeeze %dma_wait3A_240 : memref<1x250x80xi32, #tpu.memory_space<hbm>> -> memref<250x80xi32, #tpu.memory_space<hbm>>
      %dma_wait3A_242 = arith.constant 0 : i32
      %dma_wait3A_243 = arith.constant 0 : i32
      %dma_wait3A_244 = tpu.memref_slice %arg3[%arg1, %dma_wait3A_242, %dma_wait3A_243] : memref<16x250x80xi32, #tpu.memory_space<hbm>> -> memref<1x250x80xi32, #tpu.memory_space<hbm>>
      %dma_wait3A_245 = tpu.memref_squeeze %dma_wait3A_244 : memref<1x250x80xi32, #tpu.memory_space<hbm>> -> memref<250x80xi32, #tpu.memory_space<hbm>>
      tpu.wait_dma2 semaphore(%run_scoped3A_229 : memref<!tpu.dma_semaphore, #tpu.memory_space<semaphore_mem>>) src(%dma_wait3A_245 : memref<250x80xi32, #tpu.memory_space<hbm>>) dst(%arg5 : memref<250x80xi32, #tpu.memory_space<vmem>>)
      tpu.yield
    }) : () -> ()
    %mul3A = arith.constant 5120 : i32
    %mul3A_0 = arith.muli %arg0, %mul3A : i32
    %scan3A = arith.constant 0 : i32
    %scan3A_1 = arith.constant 0 : i32
    %scan3A_2 = arith.constant 5 : i32
    %scan3A_3 = arith.addi %scan3A_1, %scan3A_2 : i32
    %scan3A_4 = arith.constant 1 : i32
    %scan3A_5 = scf.for %scan3A_229 = %scan3A_1 to %scan3A_3 step %scan3A_4 iter_args(%scan3A_230 = %scan3A) -> (i32)  : i32 {
      %mul3A_231 = arith.constant 16 : i32
      %mul3A_232 = arith.muli %scan3A_229, %mul3A_231 : i32
      %get3A = arith.constant 1 : i32
      %get3A_233 = arith.index_cast %get3A : i32 to index
      %get3A_234 = arith.index_cast %mul3A_232 : i32 to index
      %get3A_235 = tpu.vector_load %arg5[%get3A_233, %get3A_234] {strides = array<i32>} : memref<250x80xi32, #tpu.memory_space<vmem>>, vector<16xi32>,
      %and3A = arith.constant 16383 : i32
      %and3A_236 = vector.broadcast %and3A : i32 to vector<16xi32>
      %and3A_237 = arith.andi %get3A_235, %and3A_236 : vector<16xi32>
      %mul3A_238 = arith.constant 16 : i32
      %mul3A_239 = arith.muli %scan3A_229, %mul3A_238 : i32
      %swap3A = arith.constant 1 : i32
      %swap3A_240 = arith.index_cast %swap3A : i32 to index
      %swap3A_241 = arith.index_cast %mul3A_239 : i32 to index
      %swap3A_242 = tpu.vector_load %arg6[%swap3A_240, %swap3A_241] {strides = array<i32>} : memref<5x80xi32, #tpu.memory_space<vmem>>, vector<16xi32>,
      tpu.vector_store %arg6[%swap3A_240, %swap3A_241], %and3A_237 {strides = array<i32>} : memref<5x80xi32, #tpu.memory_space<vmem>>, vector<16xi32>,
      %scan3A_243 = arith.constant 0 : i32
      scf.yield %scan3A_243 : i32
    }
    %scan3A_6 = arith.constant 5 : i32
    %scan3A_7 = arith.constant 0 : i32
    %scan3A_8 = arith.constant 0 : i32
    %scan3A_9 = arith.constant 5 : i32
    %scan3A_10 = arith.addi %scan3A_8, %scan3A_9 : i32
    %scan3A_11 = arith.constant 1 : i32
    %scan3A_12 = scf.for %scan3A_229 = %scan3A_8 to %scan3A_10 step %scan3A_11 iter_args(%scan3A_230 = %scan3A_7) -> (i32)  : i32 {
      %mul3A_231 = arith.constant 16 : i32
      %mul3A_232 = arith.muli %scan3A_229, %mul3A_231 : i32
      %get3A = arith.constant 1 : i32
      %get3A_233 = arith.index_cast %get3A : i32 to index
      %get3A_234 = arith.index_cast %mul3A_232 : i32 to index
      %get3A_235 = tpu.vector_load %arg5[%get3A_233, %get3A_234] {strides = array<i32>} : memref<250x80xi32, #tpu.memory_space<vmem>>, vector<16xi32>,
      %shift_right_arithmetic3A = arith.constant 14 : i32
      %shift_right_arithmetic3A_236 = vector.broadcast %shift_right_arithmetic3A : i32 to vector<16xi32>
      %shift_right_arithmetic3A_237 = arith.shrsi %get3A_235, %shift_right_arithmetic3A_236 : vector<16xi32>
      %sub3A = vector.broadcast %mul3A_0 : i32 to vector<16xi32>
      %sub3A_238 = arith.subi %shift_right_arithmetic3A_237, %sub3A : vector<16xi32>
      %ge3A = arith.constant 0 : i32
      %ge3A_239 = vector.broadcast %ge3A : i32 to vector<16xi32>
      %ge3A_240 = arith.cmpi sge, %sub3A_238, %ge3A_239 : vector<16xi32>
      %lt3A = arith.constant 5120 : i32
      %lt3A_241 = vector.broadcast %lt3A : i32 to vector<16xi32>
      %lt3A_242 = arith.cmpi slt, %sub3A_238, %lt3A_241 : vector<16xi32>
      %and3A = arith.andi %ge3A_240, %lt3A_242 : vector<16xi1>
      %jit3A = arith.constant 5120 : i32
      %broadcast_in_dim3A_243 = vector.broadcast %jit3A : i32 to vector<16xi32>
      %select_n3A = arith.select %and3A, %sub3A_238, %broadcast_in_dim3A_243 : vector<16xi1>, vector<16xi32>
      %mul3A_244 = arith.constant 16 : i32
      %mul3A_245 = arith.muli %scan3A_229, %mul3A_244 : i32
      %swap3A = arith.constant 1 : i32
      %swap3A_246 = arith.index_cast %swap3A : i32 to index
      %swap3A_247 = arith.index_cast %mul3A_245 : i32 to index
      %swap3A_248 = tpu.vector_load %arg7[%swap3A_246, %swap3A_247] {strides = array<i32>} : memref<5x80xi32, #tpu.memory_space<vmem>>, vector<16xi32>,
      tpu.vector_store %arg7[%swap3A_246, %swap3A_247], %select_n3A {strides = array<i32>} : memref<5x80xi32, #tpu.memory_space<vmem>>, vector<16xi32>,
      %scan3A_249 = arith.constant 0 : i32
      scf.yield %scan3A_249 : i32
    }
    %scan3A_13 = arith.constant 5 : i32
    %dma_start3A = arith.constant 1 : i32
    %dma_start3A_14 = arith.constant 1 : i32
    %dma_start3A_15 = arith.constant 0 : i32
    %dma_start3A_16 = arith.constant 0 : i32
    %dma_start3A_17 = tpu.memref_slice %arg8[%dma_start3A_14, %dma_start3A_15, %dma_start3A_16] : memref<5x80x128xf32, #tpu.memory_space<vmem>> -> memref<1x80x128xf32, #tpu.memory_space<vmem>>
    %dma_start3A_18 = tpu.memref_squeeze %dma_start3A_17 : memref<1x80x128xf32, #tpu.memory_space<vmem>> -> memref<80x128xf32, #tpu.memory_space<vmem>>
    %dma_start3A_19 = arith.constant 0 : i32
    %dma_start3A_20 = tpu.memref_slice %arg6[%dma_start3A, %dma_start3A_19] : memref<5x80xi32, #tpu.memory_space<vmem>> -> memref<1x80xi32, #tpu.memory_space<vmem>>
    %dma_start3A_21 = tpu.memref_squeeze %dma_start3A_20 : memref<1x80xi32, #tpu.memory_space<vmem>> -> memref<80xi32, #tpu.memory_space<vmem>>
    %dma_start3A_22 = arith.constant 0 : i32
    %dma_start3A_23 = arith.constant 0 : i32
    %dma_start3A_24 = tpu.memref_slice %arg2[%dma_start3A_22, %dma_start3A_23] : memref<10240x128xf32, #tpu.memory_space<hbm>> -> memref<10240x128xf32, #tpu.memory_space<hbm>>
    tpu.enqueue_indirect_dma source(%dma_start3A_24 : memref<10240x128xf32, #tpu.memory_space<hbm>>) target(%dma_start3A_18 : memref<80x128xf32, #tpu.memory_space<vmem>>) offsets(%dma_start3A_21 : memref<80xi32, #tpu.memory_space<vmem>>) semaphore(%arg11 : memref<!tpu.dma_semaphore, #tpu.memory_space<semaphore_mem>>)
    %scan3A_25 = arith.constant 0 : i32
    %scan3A_26 = arith.constant 0 : i32
    %scan3A_27 = arith.constant 5 : i32
    %scan3A_28 = arith.addi %scan3A_26, %scan3A_27 : i32
    %scan3A_29 = arith.constant 1 : i32
    %scan3A_30 = scf.for %scan3A_229 = %scan3A_26 to %scan3A_28 step %scan3A_29 iter_args(%scan3A_230 = %scan3A_25) -> (i32)  : i32 {
      %mul3A_231 = arith.constant 16 : i32
      %mul3A_232 = arith.muli %scan3A_229, %mul3A_231 : i32
      %get3A = arith.constant 2 : i32
      %get3A_233 = arith.index_cast %get3A : i32 to index
      %get3A_234 = arith.index_cast %mul3A_232 : i32 to index
      %get3A_235 = tpu.vector_load %arg5[%get3A_233, %get3A_234] {strides = array<i32>} : memref<250x80xi32, #tpu.memory_space<vmem>>, vector<16xi32>,
      %and3A = arith.constant 16383 : i32
      %and3A_236 = vector.broadcast %and3A : i32 to vector<16xi32>
      %and3A_237 = arith.andi %get3A_235, %and3A_236 : vector<16xi32>
      %mul3A_238 = arith.constant 16 : i32
      %mul3A_239 = arith.muli %scan3A_229, %mul3A_238 : i32
      %swap3A = arith.constant 2 : i32
      %swap3A_240 = arith.index_cast %swap3A : i32 to index
      %swap3A_241 = arith.index_cast %mul3A_239 : i32 to index
      %swap3A_242 = tpu.vector_load %arg6[%swap3A_240, %swap3A_241] {strides = array<i32>} : memref<5x80xi32, #tpu.memory_space<vmem>>, vector<16xi32>,
      tpu.vector_store %arg6[%swap3A_240, %swap3A_241], %and3A_237 {strides = array<i32>} : memref<5x80xi32, #tpu.memory_space<vmem>>, vector<16xi32>,
      %scan3A_243 = arith.constant 0 : i32
      scf.yield %scan3A_243 : i32
    }
    %scan3A_31 = arith.constant 5 : i32
    %scan3A_32 = arith.constant 0 : i32
    %scan3A_33 = arith.constant 0 : i32
    %scan3A_34 = arith.constant 5 : i32
    %scan3A_35 = arith.addi %scan3A_33, %scan3A_34 : i32
    %scan3A_36 = arith.constant 1 : i32
    %scan3A_37 = scf.for %scan3A_229 = %scan3A_33 to %scan3A_35 step %scan3A_36 iter_args(%scan3A_230 = %scan3A_32) -> (i32)  : i32 {
      %mul3A_231 = arith.constant 16 : i32
      %mul3A_232 = arith.muli %scan3A_229, %mul3A_231 : i32
      %get3A = arith.constant 2 : i32
      %get3A_233 = arith.index_cast %get3A : i32 to index
      %get3A_234 = arith.index_cast %mul3A_232 : i32 to index
      %get3A_235 = tpu.vector_load %arg5[%get3A_233, %get3A_234] {strides = array<i32>} : memref<250x80xi32, #tpu.memory_space<vmem>>, vector<16xi32>,
      %shift_right_arithmetic3A = arith.constant 14 : i32
      %shift_right_arithmetic3A_236 = vector.broadcast %shift_right_arithmetic3A : i32 to vector<16xi32>
      %shift_right_arithmetic3A_237 = arith.shrsi %get3A_235, %shift_right_arithmetic3A_236 : vector<16xi32>
      %sub3A = vector.broadcast %mul3A_0 : i32 to vector<16xi32>
      %sub3A_238 = arith.subi %shift_right_arithmetic3A_237, %sub3A : vector<16xi32>
      %ge3A = arith.constant 0 : i32
      %ge3A_239 = vector.broadcast %ge3A : i32 to vector<16xi32>
      %ge3A_240 = arith.cmpi sge, %sub3A_238, %ge3A_239 : vector<16xi32>
      %lt3A = arith.constant 5120 : i32
      %lt3A_241 = vector.broadcast %lt3A : i32 to vector<16xi32>
      %lt3A_242 = arith.cmpi slt, %sub3A_238, %lt3A_241 : vector<16xi32>
      %and3A = arith.andi %ge3A_240, %lt3A_242 : vector<16xi1>
      %jit3A = arith.constant 5120 : i32
      %broadcast_in_dim3A_243 = vector.broadcast %jit3A : i32 to vector<16xi32>
      %select_n3A = arith.select %and3A, %sub3A_238, %broadcast_in_dim3A_243 : vector<16xi1>, vector<16xi32>
      %mul3A_244 = arith.constant 16 : i32
      %mul3A_245 = arith.muli %scan3A_229, %mul3A_244 : i32
      %swap3A = arith.constant 2 : i32
      %swap3A_246 = arith.index_cast %swap3A : i32 to index
      %swap3A_247 = arith.index_cast %mul3A_245 : i32 to index
      %swap3A_248 = tpu.vector_load %arg7[%swap3A_246, %swap3A_247] {strides = array<i32>} : memref<5x80xi32, #tpu.memory_space<vmem>>, vector<16xi32>,
      tpu.vector_store %arg7[%swap3A_246, %swap3A_247], %select_n3A {strides = array<i32>} : memref<5x80xi32, #tpu.memory_space<vmem>>, vector<16xi32>,
      %scan3A_249 = arith.constant 0 : i32
      scf.yield %scan3A_249 : i32
    }
    %scan3A_38 = arith.constant 5 : i32
    %dma_start3A_39 = arith.constant 2 : i32
    %dma_start3A_40 = arith.constant 2 : i32
    %dma_start3A_41 = arith.constant 0 : i32
    %dma_start3A_42 = arith.constant 0 : i32
    %dma_start3A_43 = tpu.memref_slice %arg8[%dma_start3A_40, %dma_start3A_41, %dma_start3A_42] : memref<5x80x128xf32, #tpu.memory_space<vmem>> -> memref<1x80x128xf32, #tpu.memory_space<vmem>>
    %dma_start3A_44 = tpu.memref_squeeze %dma_start3A_43 : memref<1x80x128xf32, #tpu.memory_space<vmem>> -> memref<80x128xf32, #tpu.memory_space<vmem>>
    %dma_start3A_45 = arith.constant 0 : i32
    %dma_start3A_46 = tpu.memref_slice %arg6[%dma_start3A_39, %dma_start3A_45] : memref<5x80xi32, #tpu.memory_space<vmem>> -> memref<1x80xi32, #tpu.memory_space<vmem>>
    %dma_start3A_47 = tpu.memref_squeeze %dma_start3A_46 : memref<1x80xi32, #tpu.memory_space<vmem>> -> memref<80xi32, #tpu.memory_space<vmem>>
    %dma_start3A_48 = arith.constant 0 : i32
    %dma_start3A_49 = arith.constant 0 : i32
    %dma_start3A_50 = tpu.memref_slice %arg2[%dma_start3A_48, %dma_start3A_49] : memref<10240x128xf32, #tpu.memory_space<hbm>> -> memref<10240x128xf32, #tpu.memory_space<hbm>>
    tpu.enqueue_indirect_dma source(%dma_start3A_50 : memref<10240x128xf32, #tpu.memory_space<hbm>>) target(%dma_start3A_44 : memref<80x128xf32, #tpu.memory_space<vmem>>) offsets(%dma_start3A_47 : memref<80xi32, #tpu.memory_space<vmem>>) semaphore(%arg12 : memref<!tpu.dma_semaphore, #tpu.memory_space<semaphore_mem>>)
    %scan3A_51 = arith.constant 0 : i32
    %scan3A_52 = arith.constant 0 : i32
    %scan3A_53 = arith.constant 5 : i32
    %scan3A_54 = arith.addi %scan3A_52, %scan3A_53 : i32
    %scan3A_55 = arith.constant 1 : i32
    %scan3A_56 = scf.for %scan3A_229 = %scan3A_52 to %scan3A_54 step %scan3A_55 iter_args(%scan3A_230 = %scan3A_51) -> (i32)  : i32 {
      %mul3A_231 = arith.constant 16 : i32
      %mul3A_232 = arith.muli %scan3A_229, %mul3A_231 : i32
      %get3A = arith.constant 3 : i32
      %get3A_233 = arith.index_cast %get3A : i32 to index
      %get3A_234 = arith.index_cast %mul3A_232 : i32 to index
      %get3A_235 = tpu.vector_load %arg5[%get3A_233, %get3A_234] {strides = array<i32>} : memref<250x80xi32, #tpu.memory_space<vmem>>, vector<16xi32>,
      %and3A = arith.constant 16383 : i32
      %and3A_236 = vector.broadcast %and3A : i32 to vector<16xi32>
      %and3A_237 = arith.andi %get3A_235, %and3A_236 : vector<16xi32>
      %mul3A_238 = arith.constant 16 : i32
      %mul3A_239 = arith.muli %scan3A_229, %mul3A_238 : i32
      %swap3A = arith.constant 3 : i32
      %swap3A_240 = arith.index_cast %swap3A : i32 to index
      %swap3A_241 = arith.index_cast %mul3A_239 : i32 to index
      %swap3A_242 = tpu.vector_load %arg6[%swap3A_240, %swap3A_241] {strides = array<i32>} : memref<5x80xi32, #tpu.memory_space<vmem>>, vector<16xi32>,
      tpu.vector_store %arg6[%swap3A_240, %swap3A_241], %and3A_237 {strides = array<i32>} : memref<5x80xi32, #tpu.memory_space<vmem>>, vector<16xi32>,
      %scan3A_243 = arith.constant 0 : i32
      scf.yield %scan3A_243 : i32
    }
    %scan3A_57 = arith.constant 5 : i32
    %scan3A_58 = arith.constant 0 : i32
    %scan3A_59 = arith.constant 0 : i32
    %scan3A_60 = arith.constant 5 : i32
    %scan3A_61 = arith.addi %scan3A_59, %scan3A_60 : i32
    %scan3A_62 = arith.constant 1 : i32
    %scan3A_63 = scf.for %scan3A_229 = %scan3A_59 to %scan3A_61 step %scan3A_62 iter_args(%scan3A_230 = %scan3A_58) -> (i32)  : i32 {
      %mul3A_231 = arith.constant 16 : i32
      %mul3A_232 = arith.muli %scan3A_229, %mul3A_231 : i32
      %get3A = arith.constant 3 : i32
      %get3A_233 = arith.index_cast %get3A : i32 to index
      %get3A_234 = arith.index_cast %mul3A_232 : i32 to index
      %get3A_235 = tpu.vector_load %arg5[%get3A_233, %get3A_234] {strides = array<i32>} : memref<250x80xi32, #tpu.memory_space<vmem>>, vector<16xi32>,
      %shift_right_arithmetic3A = arith.constant 14 : i32
      %shift_right_arithmetic3A_236 = vector.broadcast %shift_right_arithmetic3A : i32 to vector<16xi32>
      %shift_right_arithmetic3A_237 = arith.shrsi %get3A_235, %shift_right_arithmetic3A_236 : vector<16xi32>
      %sub3A = vector.broadcast %mul3A_0 : i32 to vector<16xi32>
      %sub3A_238 = arith.subi %shift_right_arithmetic3A_237, %sub3A : vector<16xi32>
      %ge3A = arith.constant 0 : i32
      %ge3A_239 = vector.broadcast %ge3A : i32 to vector<16xi32>
      %ge3A_240 = arith.cmpi sge, %sub3A_238, %ge3A_239 : vector<16xi32>
      %lt3A = arith.constant 5120 : i32
      %lt3A_241 = vector.broadcast %lt3A : i32 to vector<16xi32>
      %lt3A_242 = arith.cmpi slt, %sub3A_238, %lt3A_241 : vector<16xi32>
      %and3A = arith.andi %ge3A_240, %lt3A_242 : vector<16xi1>
      %jit3A = arith.constant 5120 : i32
      %broadcast_in_dim3A_243 = vector.broadcast %jit3A : i32 to vector<16xi32>
      %select_n3A = arith.select %and3A, %sub3A_238, %broadcast_in_dim3A_243 : vector<16xi1>, vector<16xi32>
      %mul3A_244 = arith.constant 16 : i32
      %mul3A_245 = arith.muli %scan3A_229, %mul3A_244 : i32
      %swap3A = arith.constant 3 : i32
      %swap3A_246 = arith.index_cast %swap3A : i32 to index
      %swap3A_247 = arith.index_cast %mul3A_245 : i32 to index
      %swap3A_248 = tpu.vector_load %arg7[%swap3A_246, %swap3A_247] {strides = array<i32>} : memref<5x80xi32, #tpu.memory_space<vmem>>, vector<16xi32>,
      tpu.vector_store %arg7[%swap3A_246, %swap3A_247], %select_n3A {strides = array<i32>} : memref<5x80xi32, #tpu.memory_space<vmem>>, vector<16xi32>,
      %scan3A_249 = arith.constant 0 : i32
      scf.yield %scan3A_249 : i32
    }
    %scan3A_64 = arith.constant 5 : i32
    %dma_start3A_65 = arith.constant 3 : i32
    %dma_start3A_66 = arith.constant 3 : i32
    %dma_start3A_67 = arith.constant 0 : i32
    %dma_start3A_68 = arith.constant 0 : i32
    %dma_start3A_69 = tpu.memref_slice %arg8[%dma_start3A_66, %dma_start3A_67, %dma_start3A_68] : memref<5x80x128xf32, #tpu.memory_space<vmem>> -> memref<1x80x128xf32, #tpu.memory_space<vmem>>
    %dma_start3A_70 = tpu.memref_squeeze %dma_start3A_69 : memref<1x80x128xf32, #tpu.memory_space<vmem>> -> memref<80x128xf32, #tpu.memory_space<vmem>>
    %dma_start3A_71 = arith.constant 0 : i32
    %dma_start3A_72 = tpu.memref_slice %arg6[%dma_start3A_65, %dma_start3A_71] : memref<5x80xi32, #tpu.memory_space<vmem>> -> memref<1x80xi32, #tpu.memory_space<vmem>>
    %dma_start3A_73 = tpu.memref_squeeze %dma_start3A_72 : memref<1x80xi32, #tpu.memory_space<vmem>> -> memref<80xi32, #tpu.memory_space<vmem>>
    %dma_start3A_74 = arith.constant 0 : i32
    %dma_start3A_75 = arith.constant 0 : i32
    %dma_start3A_76 = tpu.memref_slice %arg2[%dma_start3A_74, %dma_start3A_75] : memref<10240x128xf32, #tpu.memory_space<hbm>> -> memref<10240x128xf32, #tpu.memory_space<hbm>>
    tpu.enqueue_indirect_dma source(%dma_start3A_76 : memref<10240x128xf32, #tpu.memory_space<hbm>>) target(%dma_start3A_70 : memref<80x128xf32, #tpu.memory_space<vmem>>) offsets(%dma_start3A_73 : memref<80xi32, #tpu.memory_space<vmem>>) semaphore(%arg13 : memref<!tpu.dma_semaphore, #tpu.memory_space<semaphore_mem>>)
    %scan3A_77 = arith.constant 0 : i32
    %scan3A_78 = arith.constant 0 : i32
    %scan3A_79 = arith.constant 5 : i32
    %scan3A_80 = arith.addi %scan3A_78, %scan3A_79 : i32
    %scan3A_81 = arith.constant 1 : i32
    %scan3A_82 = scf.for %scan3A_229 = %scan3A_78 to %scan3A_80 step %scan3A_81 iter_args(%scan3A_230 = %scan3A_77) -> (i32)  : i32 {
      %mul3A_231 = arith.constant 16 : i32
      %mul3A_232 = arith.muli %scan3A_229, %mul3A_231 : i32
      %get3A = arith.constant 4 : i32
      %get3A_233 = arith.index_cast %get3A : i32 to index
      %get3A_234 = arith.index_cast %mul3A_232 : i32 to index
      %get3A_235 = tpu.vector_load %arg5[%get3A_233, %get3A_234] {strides = array<i32>} : memref<250x80xi32, #tpu.memory_space<vmem>>, vector<16xi32>,
      %and3A = arith.constant 16383 : i32
      %and3A_236 = vector.broadcast %and3A : i32 to vector<16xi32>
      %and3A_237 = arith.andi %get3A_235, %and3A_236 : vector<16xi32>
      %mul3A_238 = arith.constant 16 : i32
      %mul3A_239 = arith.muli %scan3A_229, %mul3A_238 : i32
      %swap3A = arith.constant 4 : i32
      %swap3A_240 = arith.index_cast %swap3A : i32 to index
      %swap3A_241 = arith.index_cast %mul3A_239 : i32 to index
      %swap3A_242 = tpu.vector_load %arg6[%swap3A_240, %swap3A_241] {strides = array<i32>} : memref<5x80xi32, #tpu.memory_space<vmem>>, vector<16xi32>,
      tpu.vector_store %arg6[%swap3A_240, %swap3A_241], %and3A_237 {strides = array<i32>} : memref<5x80xi32, #tpu.memory_space<vmem>>, vector<16xi32>,
      %scan3A_243 = arith.constant 0 : i32
      scf.yield %scan3A_243 : i32
    }
    %scan3A_83 = arith.constant 5 : i32
    %scan3A_84 = arith.constant 0 : i32
    %scan3A_85 = arith.constant 0 : i32
    %scan3A_86 = arith.constant 5 : i32
    %scan3A_87 = arith.addi %scan3A_85, %scan3A_86 : i32
    %scan3A_88 = arith.constant 1 : i32
    %scan3A_89 = scf.for %scan3A_229 = %scan3A_85 to %scan3A_87 step %scan3A_88 iter_args(%scan3A_230 = %scan3A_84) -> (i32)  : i32 {
      %mul3A_231 = arith.constant 16 : i32
      %mul3A_232 = arith.muli %scan3A_229, %mul3A_231 : i32
      %get3A = arith.constant 4 : i32
      %get3A_233 = arith.index_cast %get3A : i32 to index
      %get3A_234 = arith.index_cast %mul3A_232 : i32 to index
      %get3A_235 = tpu.vector_load %arg5[%get3A_233, %get3A_234] {strides = array<i32>} : memref<250x80xi32, #tpu.memory_space<vmem>>, vector<16xi32>,
      %shift_right_arithmetic3A = arith.constant 14 : i32
      %shift_right_arithmetic3A_236 = vector.broadcast %shift_right_arithmetic3A : i32 to vector<16xi32>
      %shift_right_arithmetic3A_237 = arith.shrsi %get3A_235, %shift_right_arithmetic3A_236 : vector<16xi32>
      %sub3A = vector.broadcast %mul3A_0 : i32 to vector<16xi32>
      %sub3A_238 = arith.subi %shift_right_arithmetic3A_237, %sub3A : vector<16xi32>
      %ge3A = arith.constant 0 : i32
      %ge3A_239 = vector.broadcast %ge3A : i32 to vector<16xi32>
      %ge3A_240 = arith.cmpi sge, %sub3A_238, %ge3A_239 : vector<16xi32>
      %lt3A = arith.constant 5120 : i32
      %lt3A_241 = vector.broadcast %lt3A : i32 to vector<16xi32>
      %lt3A_242 = arith.cmpi slt, %sub3A_238, %lt3A_241 : vector<16xi32>
      %and3A = arith.andi %ge3A_240, %lt3A_242 : vector<16xi1>
      %jit3A = arith.constant 5120 : i32
      %broadcast_in_dim3A_243 = vector.broadcast %jit3A : i32 to vector<16xi32>
      %select_n3A = arith.select %and3A, %sub3A_238, %broadcast_in_dim3A_243 : vector<16xi1>, vector<16xi32>
      %mul3A_244 = arith.constant 16 : i32
      %mul3A_245 = arith.muli %scan3A_229, %mul3A_244 : i32
      %swap3A = arith.constant 4 : i32
      %swap3A_246 = arith.index_cast %swap3A : i32 to index
      %swap3A_247 = arith.index_cast %mul3A_245 : i32 to index
      %swap3A_248 = tpu.vector_load %arg7[%swap3A_246, %swap3A_247] {strides = array<i32>} : memref<5x80xi32, #tpu.memory_space<vmem>>, vector<16xi32>,
      tpu.vector_store %arg7[%swap3A_246, %swap3A_247], %select_n3A {strides = array<i32>} : memref<5x80xi32, #tpu.memory_space<vmem>>, vector<16xi32>,
      %scan3A_249 = arith.constant 0 : i32
      scf.yield %scan3A_249 : i32
    }
    %scan3A_90 = arith.constant 5 : i32
    %dma_start3A_91 = arith.constant 4 : i32
    %dma_start3A_92 = arith.constant 4 : i32
    %dma_start3A_93 = arith.constant 0 : i32
    %dma_start3A_94 = arith.constant 0 : i32
    %dma_start3A_95 = tpu.memref_slice %arg8[%dma_start3A_92, %dma_start3A_93, %dma_start3A_94] : memref<5x80x128xf32, #tpu.memory_space<vmem>> -> memref<1x80x128xf32, #tpu.memory_space<vmem>>
    %dma_start3A_96 = tpu.memref_squeeze %dma_start3A_95 : memref<1x80x128xf32, #tpu.memory_space<vmem>> -> memref<80x128xf32, #tpu.memory_space<vmem>>
    %dma_start3A_97 = arith.constant 0 : i32
    %dma_start3A_98 = tpu.memref_slice %arg6[%dma_start3A_91, %dma_start3A_97] : memref<5x80xi32, #tpu.memory_space<vmem>> -> memref<1x80xi32, #tpu.memory_space<vmem>>
    %dma_start3A_99 = tpu.memref_squeeze %dma_start3A_98 : memref<1x80xi32, #tpu.memory_space<vmem>> -> memref<80xi32, #tpu.memory_space<vmem>>
    %dma_start3A_100 = arith.constant 0 : i32
    %dma_start3A_101 = arith.constant 0 : i32
    %dma_start3A_102 = tpu.memref_slice %arg2[%dma_start3A_100, %dma_start3A_101] : memref<10240x128xf32, #tpu.memory_space<hbm>> -> memref<10240x128xf32, #tpu.memory_space<hbm>>
    tpu.enqueue_indirect_dma source(%dma_start3A_102 : memref<10240x128xf32, #tpu.memory_space<hbm>>) target(%dma_start3A_96 : memref<80x128xf32, #tpu.memory_space<vmem>>) offsets(%dma_start3A_99 : memref<80xi32, #tpu.memory_space<vmem>>) semaphore(%arg14 : memref<!tpu.dma_semaphore, #tpu.memory_space<semaphore_mem>>)
    %broadcast_in_dim3A = arith.constant 0.000000e+00 : f32
    %broadcast_in_dim3A_103 = vector.broadcast %broadcast_in_dim3A : f32 to vector<16xf32>
    %scan3A_104 = arith.constant 0 : i32
    %scan3A_105 = arith.constant 0 : i32
    %scan3A_106 = arith.constant 80 : i32
    %scan3A_107 = arith.addi %scan3A_105, %scan3A_106 : i32
    %scan3A_108 = arith.constant 1 : i32
    %scan3A_109 = scf.for %scan3A_229 = %scan3A_105 to %scan3A_107 step %scan3A_108 iter_args(%scan3A_230 = %scan3A_104) -> (i32)  : i32 {
      %scan3A_231 = arith.constant 0 : i32
      %scan3A_232 = arith.constant 0 : i32
      %scan3A_233 = arith.constant 8 : i32
      %scan3A_234 = arith.addi %scan3A_232, %scan3A_233 : i32
      %scan3A_235 = arith.constant 1 : i32
      %scan3A_236 = scf.for %scan3A_239 = %scan3A_232 to %scan3A_234 step %scan3A_235 iter_args(%scan3A_240 = %scan3A_231) -> (i32)  : i32 {
        %mul3A_241 = arith.constant 16 : i32
        %mul3A_242 = arith.muli %scan3A_239, %mul3A_241 : i32
        %swap3A = arith.constant 0 : i32
        %swap3A_243 = arith.index_cast %swap3A : i32 to index
        %swap3A_244 = arith.index_cast %scan3A_229 : i32 to index
        %swap3A_245 = arith.index_cast %mul3A_242 : i32 to index
        %swap3A_246 = tpu.vector_load %arg8[%swap3A_243, %swap3A_244, %swap3A_245] {strides = array<i32>} : memref<5x80x128xf32, #tpu.memory_space<vmem>>, vector<16xf32>,
        tpu.vector_store %arg8[%swap3A_243, %swap3A_244, %swap3A_245], %broadcast_in_dim3A_103 {strides = array<i32>} : memref<5x80x128xf32, #tpu.memory_space<vmem>>, vector<16xf32>,
        %scan3A_247 = arith.constant 0 : i32
        scf.yield %scan3A_247 : i32
      }
      %scan3A_237 = arith.constant 8 : i32
      %scan3A_238 = arith.constant 0 : i32
      scf.yield %scan3A_238 : i32
    }
    %scan3A_110 = arith.constant 80 : i32
    %mul3A_111 = arith.constant 320 : i32
    %mul3A_112 = arith.muli %arg1, %mul3A_111 : i32
    %add3A = arith.constant 0 : i32
    %add3A_113 = arith.addi %mul3A_112, %add3A : i32
    %run_scoped3A = arith.constant 0 : i32
    "tpu.region"() ({
      %run_scoped3A_229 = tpu.sem_alloc : memref<!tpu.dma_semaphore, #tpu.memory_space<semaphore_mem>>
      %dma_start3A_230 = arith.constant 0 : i32
      %dma_start3A_231 = arith.constant 0 : i32
      %dma_start3A_232 = tpu.memref_slice %arg8[%run_scoped3A, %dma_start3A_230, %dma_start3A_231] : memref<5x80x128xf32, #tpu.memory_space<vmem>> -> memref<1x80x128xf32, #tpu.memory_space<vmem>>
      %dma_start3A_233 = tpu.memref_squeeze %dma_start3A_232 : memref<1x80x128xf32, #tpu.memory_space<vmem>> -> memref<80x128xf32, #tpu.memory_space<vmem>>
      %dma_start3A_234 = arith.constant 0 : i32
      %dma_start3A_235 = tpu.memref_slice %arg9[%add3A_113, %dma_start3A_234] : memref<5128x128xf32, #tpu.memory_space<vmem_shared>> -> memref<80x128xf32, #tpu.memory_space<vmem_shared>>
      %dma_start3A_236 = arith.constant 0 : i32
      %dma_start3A_237 = tpu.memref_slice %arg9[%add3A_113, %dma_start3A_236] : memref<5128x128xf32, #tpu.memory_space<vmem_shared>> -> memref<80x128xf32, #tpu.memory_space<vmem_shared>>
      %dma_start3A_238 = arith.constant 0 : i32
      %dma_start3A_239 = arith.constant 0 : i32
      %dma_start3A_240 = tpu.memref_slice %arg8[%run_scoped3A, %dma_start3A_238, %dma_start3A_239] : memref<5x80x128xf32, #tpu.memory_space<vmem>> -> memref<1x80x128xf32, #tpu.memory_space<vmem>>
      %dma_start3A_241 = tpu.memref_squeeze %dma_start3A_240 : memref<1x80x128xf32, #tpu.memory_space<vmem>> -> memref<80x128xf32, #tpu.memory_space<vmem>>
      tpu.enqueue_dma source(%dma_start3A_241 : memref<80x128xf32, #tpu.memory_space<vmem>>) target(%dma_start3A_237 : memref<80x128xf32, #tpu.memory_space<vmem_shared>>) target_semaphore(%run_scoped3A_229 : memref<!tpu.dma_semaphore, #tpu.memory_space<semaphore_mem>>)
      %dma_wait3A_242 = arith.constant 0 : i32
      %dma_wait3A_243 = arith.constant 0 : i32
      %dma_wait3A_244 = tpu.memref_slice %arg8[%run_scoped3A, %dma_wait3A_242, %dma_wait3A_243] : memref<5x80x128xf32, #tpu.memory_space<vmem>> -> memref<1x80x128xf32, #tpu.memory_space<vmem>>
      %dma_wait3A_245 = tpu.memref_squeeze %dma_wait3A_244 : memref<1x80x128xf32, #tpu.memory_space<vmem>> -> memref<80x128xf32, #tpu.memory_space<vmem>>
      %dma_wait3A_246 = arith.constant 0 : i32
      %dma_wait3A_247 = tpu.memref_slice %arg9[%add3A_113, %dma_wait3A_246] : memref<5128x128xf32, #tpu.memory_space<vmem_shared>> -> memref<80x128xf32, #tpu.memory_space<vmem_shared>>
      %dma_wait3A_248 = arith.constant 0 : i32
      %dma_wait3A_249 = tpu.memref_slice %arg9[%add3A_113, %dma_wait3A_248] : memref<5128x128xf32, #tpu.memory_space<vmem_shared>> -> memref<80x128xf32, #tpu.memory_space<vmem_shared>>
      %dma_wait3A_250 = arith.constant 0 : i32
      %dma_wait3A_251 = arith.constant 0 : i32
      %dma_wait3A_252 = tpu.memref_slice %arg8[%run_scoped3A, %dma_wait3A_250, %dma_wait3A_251] : memref<5x80x128xf32, #tpu.memory_space<vmem>> -> memref<1x80x128xf32, #tpu.memory_space<vmem>>
      %dma_wait3A_253 = tpu.memref_squeeze %dma_wait3A_252 : memref<1x80x128xf32, #tpu.memory_space<vmem>> -> memref<80x128xf32, #tpu.memory_space<vmem>>
      tpu.wait_dma2 semaphore(%run_scoped3A_229 : memref<!tpu.dma_semaphore, #tpu.memory_space<semaphore_mem>>) src(%dma_wait3A_253 : memref<80x128xf32, #tpu.memory_space<vmem>>) dst(%dma_wait3A_249 : memref<80x128xf32, #tpu.memory_space<vmem_shared>>)
      tpu.yield
    }) : () -> ()
    %mul3A_114 = arith.constant 320 : i32
    %mul3A_115 = arith.muli %arg1, %mul3A_114 : i32
    %add3A_116 = arith.constant 80 : i32
    %add3A_117 = arith.addi %mul3A_115, %add3A_116 : i32
    %run_scoped3A_118 = arith.constant 0 : i32
    "tpu.region"() ({
      %run_scoped3A_229 = tpu.sem_alloc : memref<!tpu.dma_semaphore, #tpu.memory_space<semaphore_mem>>
      %dma_start3A_230 = arith.constant 0 : i32
      %dma_start3A_231 = arith.constant 0 : i32
      %dma_start3A_232 = tpu.memref_slice %arg8[%run_scoped3A_118, %dma_start3A_230, %dma_start3A_231] : memref<5x80x128xf32, #tpu.memory_space<vmem>> -> memref<1x80x128xf32, #tpu.memory_space<vmem>>
      %dma_start3A_233 = tpu.memref_squeeze %dma_start3A_232 : memref<1x80x128xf32, #tpu.memory_space<vmem>> -> memref<80x128xf32, #tpu.memory_space<vmem>>
      %dma_start3A_234 = arith.constant 0 : i32
      %dma_start3A_235 = tpu.memref_slice %arg9[%add3A_117, %dma_start3A_234] : memref<5128x128xf32, #tpu.memory_space<vmem_shared>> -> memref<80x128xf32, #tpu.memory_space<vmem_shared>>
      %dma_start3A_236 = arith.constant 0 : i32
      %dma_start3A_237 = tpu.memref_slice %arg9[%add3A_117, %dma_start3A_236] : memref<5128x128xf32, #tpu.memory_space<vmem_shared>> -> memref<80x128xf32, #tpu.memory_space<vmem_shared>>
      %dma_start3A_238 = arith.constant 0 : i32
      %dma_start3A_239 = arith.constant 0 : i32
      %dma_start3A_240 = tpu.memref_slice %arg8[%run_scoped3A_118, %dma_start3A_238, %dma_start3A_239] : memref<5x80x128xf32, #tpu.memory_space<vmem>> -> memref<1x80x128xf32, #tpu.memory_space<vmem>>
      %dma_start3A_241 = tpu.memref_squeeze %dma_start3A_240 : memref<1x80x128xf32, #tpu.memory_space<vmem>> -> memref<80x128xf32, #tpu.memory_space<vmem>>
      tpu.enqueue_dma source(%dma_start3A_241 : memref<80x128xf32, #tpu.memory_space<vmem>>) target(%dma_start3A_237 : memref<80x128xf32, #tpu.memory_space<vmem_shared>>) target_semaphore(%run_scoped3A_229 : memref<!tpu.dma_semaphore, #tpu.memory_space<semaphore_mem>>)
      %dma_wait3A_242 = arith.constant 0 : i32
      %dma_wait3A_243 = arith.constant 0 : i32
      %dma_wait3A_244 = tpu.memref_slice %arg8[%run_scoped3A_118, %dma_wait3A_242, %dma_wait3A_243] : memref<5x80x128xf32, #tpu.memory_space<vmem>> -> memref<1x80x128xf32, #tpu.memory_space<vmem>>
      %dma_wait3A_245 = tpu.memref_squeeze %dma_wait3A_244 : memref<1x80x128xf32, #tpu.memory_space<vmem>> -> memref<80x128xf32, #tpu.memory_space<vmem>>
      %dma_wait3A_246 = arith.constant 0 : i32
      %dma_wait3A_247 = tpu.memref_slice %arg9[%add3A_117, %dma_wait3A_246] : memref<5128x128xf32, #tpu.memory_space<vmem_shared>> -> memref<80x128xf32, #tpu.memory_space<vmem_shared>>
      %dma_wait3A_248 = arith.constant 0 : i32
      %dma_wait3A_249 = tpu.memref_slice %arg9[%add3A_117, %dma_wait3A_248] : memref<5128x128xf32, #tpu.memory_space<vmem_shared>> -> memref<80x128xf32, #tpu.memory_space<vmem_shared>>
      %dma_wait3A_250 = arith.constant 0 : i32
      %dma_wait3A_251 = arith.constant 0 : i32
      %dma_wait3A_252 = tpu.memref_slice %arg8[%run_scoped3A_118, %dma_wait3A_250, %dma_wait3A_251] : memref<5x80x128xf32, #tpu.memory_space<vmem>> -> memref<1x80x128xf32, #tpu.memory_space<vmem>>
      %dma_wait3A_253 = tpu.memref_squeeze %dma_wait3A_252 : memref<1x80x128xf32, #tpu.memory_space<vmem>> -> memref<80x128xf32, #tpu.memory_space<vmem>>
      tpu.wait_dma2 semaphore(%run_scoped3A_229 : memref<!tpu.dma_semaphore, #tpu.memory_space<semaphore_mem>>) src(%dma_wait3A_253 : memref<80x128xf32, #tpu.memory_space<vmem>>) dst(%dma_wait3A_249 : memref<80x128xf32, #tpu.memory_space<vmem_shared>>)
      tpu.yield
    }) : () -> ()
    %mul3A_119 = arith.constant 320 : i32
    %mul3A_120 = arith.muli %arg1, %mul3A_119 : i32
    %add3A_121 = arith.constant 160 : i32
    %add3A_122 = arith.addi %mul3A_120, %add3A_121 : i32
    %run_scoped3A_123 = arith.constant 0 : i32
    "tpu.region"() ({
      %run_scoped3A_229 = tpu.sem_alloc : memref<!tpu.dma_semaphore, #tpu.memory_space<semaphore_mem>>
      %dma_start3A_230 = arith.constant 0 : i32
      %dma_start3A_231 = arith.constant 0 : i32
      %dma_start3A_232 = tpu.memref_slice %arg8[%run_scoped3A_123, %dma_start3A_230, %dma_start3A_231] : memref<5x80x128xf32, #tpu.memory_space<vmem>> -> memref<1x80x128xf32, #tpu.memory_space<vmem>>
      %dma_start3A_233 = tpu.memref_squeeze %dma_start3A_232 : memref<1x80x128xf32, #tpu.memory_space<vmem>> -> memref<80x128xf32, #tpu.memory_space<vmem>>
      %dma_start3A_234 = arith.constant 0 : i32
      %dma_start3A_235 = tpu.memref_slice %arg9[%add3A_122, %dma_start3A_234] : memref<5128x128xf32, #tpu.memory_space<vmem_shared>> -> memref<80x128xf32, #tpu.memory_space<vmem_shared>>
      %dma_start3A_236 = arith.constant 0 : i32
      %dma_start3A_237 = tpu.memref_slice %arg9[%add3A_122, %dma_start3A_236] : memref<5128x128xf32, #tpu.memory_space<vmem_shared>> -> memref<80x128xf32, #tpu.memory_space<vmem_shared>>
      %dma_start3A_238 = arith.constant 0 : i32
      %dma_start3A_239 = arith.constant 0 : i32
      %dma_start3A_240 = tpu.memref_slice %arg8[%run_scoped3A_123, %dma_start3A_238, %dma_start3A_239] : memref<5x80x128xf32, #tpu.memory_space<vmem>> -> memref<1x80x128xf32, #tpu.memory_space<vmem>>
      %dma_start3A_241 = tpu.memref_squeeze %dma_start3A_240 : memref<1x80x128xf32, #tpu.memory_space<vmem>> -> memref<80x128xf32, #tpu.memory_space<vmem>>
      tpu.enqueue_dma source(%dma_start3A_241 : memref<80x128xf32, #tpu.memory_space<vmem>>) target(%dma_start3A_237 : memref<80x128xf32, #tpu.memory_space<vmem_shared>>) target_semaphore(%run_scoped3A_229 : memref<!tpu.dma_semaphore, #tpu.memory_space<semaphore_mem>>)
      %dma_wait3A_242 = arith.constant 0 : i32
      %dma_wait3A_243 = arith.constant 0 : i32
      %dma_wait3A_244 = tpu.memref_slice %arg8[%run_scoped3A_123, %dma_wait3A_242, %dma_wait3A_243] : memref<5x80x128xf32, #tpu.memory_space<vmem>> -> memref<1x80x128xf32, #tpu.memory_space<vmem>>
      %dma_wait3A_245 = tpu.memref_squeeze %dma_wait3A_244 : memref<1x80x128xf32, #tpu.memory_space<vmem>> -> memref<80x128xf32, #tpu.memory_space<vmem>>
      %dma_wait3A_246 = arith.constant 0 : i32
      %dma_wait3A_247 = tpu.memref_slice %arg9[%add3A_122, %dma_wait3A_246] : memref<5128x128xf32, #tpu.memory_space<vmem_shared>> -> memref<80x128xf32, #tpu.memory_space<vmem_shared>>
      %dma_wait3A_248 = arith.constant 0 : i32
      %dma_wait3A_249 = tpu.memref_slice %arg9[%add3A_122, %dma_wait3A_248] : memref<5128x128xf32, #tpu.memory_space<vmem_shared>> -> memref<80x128xf32, #tpu.memory_space<vmem_shared>>
      %dma_wait3A_250 = arith.constant 0 : i32
      %dma_wait3A_251 = arith.constant 0 : i32
      %dma_wait3A_252 = tpu.memref_slice %arg8[%run_scoped3A_123, %dma_wait3A_250, %dma_wait3A_251] : memref<5x80x128xf32, #tpu.memory_space<vmem>> -> memref<1x80x128xf32, #tpu.memory_space<vmem>>
      %dma_wait3A_253 = tpu.memref_squeeze %dma_wait3A_252 : memref<1x80x128xf32, #tpu.memory_space<vmem>> -> memref<80x128xf32, #tpu.memory_space<vmem>>
      tpu.wait_dma2 semaphore(%run_scoped3A_229 : memref<!tpu.dma_semaphore, #tpu.memory_space<semaphore_mem>>) src(%dma_wait3A_253 : memref<80x128xf32, #tpu.memory_space<vmem>>) dst(%dma_wait3A_249 : memref<80x128xf32, #tpu.memory_space<vmem_shared>>)
      tpu.yield
    }) : () -> ()
    %mul3A_124 = arith.constant 320 : i32
    %mul3A_125 = arith.muli %arg1, %mul3A_124 : i32
    %add3A_126 = arith.constant 240 : i32
    %add3A_127 = arith.addi %mul3A_125, %add3A_126 : i32
    %run_scoped3A_128 = arith.constant 0 : i32
    "tpu.region"() ({
      %run_scoped3A_229 = tpu.sem_alloc : memref<!tpu.dma_semaphore, #tpu.memory_space<semaphore_mem>>
      %dma_start3A_230 = arith.constant 0 : i32
      %dma_start3A_231 = arith.constant 0 : i32
      %dma_start3A_232 = tpu.memref_slice %arg8[%run_scoped3A_128, %dma_start3A_230, %dma_start3A_231] : memref<5x80x128xf32, #tpu.memory_space<vmem>> -> memref<1x80x128xf32, #tpu.memory_space<vmem>>
      %dma_start3A_233 = tpu.memref_squeeze %dma_start3A_232 : memref<1x80x128xf32, #tpu.memory_space<vmem>> -> memref<80x128xf32, #tpu.memory_space<vmem>>
      %dma_start3A_234 = arith.constant 0 : i32
      %dma_start3A_235 = tpu.memref_slice %arg9[%add3A_127, %dma_start3A_234] : memref<5128x128xf32, #tpu.memory_space<vmem_shared>> -> memref<80x128xf32, #tpu.memory_space<vmem_shared>>
      %dma_start3A_236 = arith.constant 0 : i32
      %dma_start3A_237 = tpu.memref_slice %arg9[%add3A_127, %dma_start3A_236] : memref<5128x128xf32, #tpu.memory_space<vmem_shared>> -> memref<80x128xf32, #tpu.memory_space<vmem_shared>>
      %dma_start3A_238 = arith.constant 0 : i32
      %dma_start3A_239 = arith.constant 0 : i32
      %dma_start3A_240 = tpu.memref_slice %arg8[%run_scoped3A_128, %dma_start3A_238, %dma_start3A_239] : memref<5x80x128xf32, #tpu.memory_space<vmem>> -> memref<1x80x128xf32, #tpu.memory_space<vmem>>
      %dma_start3A_241 = tpu.memref_squeeze %dma_start3A_240 : memref<1x80x128xf32, #tpu.memory_space<vmem>> -> memref<80x128xf32, #tpu.memory_space<vmem>>
      tpu.enqueue_dma source(%dma_start3A_241 : memref<80x128xf32, #tpu.memory_space<vmem>>) target(%dma_start3A_237 : memref<80x128xf32, #tpu.memory_space<vmem_shared>>) target_semaphore(%run_scoped3A_229 : memref<!tpu.dma_semaphore, #tpu.memory_space<semaphore_mem>>)
      %dma_wait3A_242 = arith.constant 0 : i32
      %dma_wait3A_243 = arith.constant 0 : i32
      %dma_wait3A_244 = tpu.memref_slice %arg8[%run_scoped3A_128, %dma_wait3A_242, %dma_wait3A_243] : memref<5x80x128xf32, #tpu.memory_space<vmem>> -> memref<1x80x128xf32, #tpu.memory_space<vmem>>
      %dma_wait3A_245 = tpu.memref_squeeze %dma_wait3A_244 : memref<1x80x128xf32, #tpu.memory_space<vmem>> -> memref<80x128xf32, #tpu.memory_space<vmem>>
      %dma_wait3A_246 = arith.constant 0 : i32
      %dma_wait3A_247 = tpu.memref_slice %arg9[%add3A_127, %dma_wait3A_246] : memref<5128x128xf32, #tpu.memory_space<vmem_shared>> -> memref<80x128xf32, #tpu.memory_space<vmem_shared>>
      %dma_wait3A_248 = arith.constant 0 : i32
      %dma_wait3A_249 = tpu.memref_slice %arg9[%add3A_127, %dma_wait3A_248] : memref<5128x128xf32, #tpu.memory_space<vmem_shared>> -> memref<80x128xf32, #tpu.memory_space<vmem_shared>>
      %dma_wait3A_250 = arith.constant 0 : i32
      %dma_wait3A_251 = arith.constant 0 : i32
      %dma_wait3A_252 = tpu.memref_slice %arg8[%run_scoped3A_128, %dma_wait3A_250, %dma_wait3A_251] : memref<5x80x128xf32, #tpu.memory_space<vmem>> -> memref<1x80x128xf32, #tpu.memory_space<vmem>>
      %dma_wait3A_253 = tpu.memref_squeeze %dma_wait3A_252 : memref<1x80x128xf32, #tpu.memory_space<vmem>> -> memref<80x128xf32, #tpu.memory_space<vmem>>
      tpu.wait_dma2 semaphore(%run_scoped3A_229 : memref<!tpu.dma_semaphore, #tpu.memory_space<semaphore_mem>>) src(%dma_wait3A_253 : memref<80x128xf32, #tpu.memory_space<vmem>>) dst(%dma_wait3A_249 : memref<80x128xf32, #tpu.memory_space<vmem_shared>>)
      tpu.yield
    }) : () -> ()
    %scan3A_129 = arith.constant 0 : i32
    %scan3A_130 = arith.constant 0 : i32
    %scan3A_131 = arith.constant 5 : i32
    %scan3A_132 = arith.addi %scan3A_130, %scan3A_131 : i32
    %scan3A_133 = arith.constant 1 : i32
    %scan3A_134 = scf.for %scan3A_229 = %scan3A_130 to %scan3A_132 step %scan3A_133 iter_args(%scan3A_230 = %scan3A_129) -> (i32)  : i32 {
      %mul3A_231 = arith.constant 16 : i32
      %mul3A_232 = arith.muli %scan3A_229, %mul3A_231 : i32
      %get3A = arith.constant 0 : i32
      %get3A_233 = arith.index_cast %get3A : i32 to index
      %get3A_234 = arith.index_cast %mul3A_232 : i32 to index
      %get3A_235 = tpu.vector_load %arg5[%get3A_233, %get3A_234] {strides = array<i32>} : memref<250x80xi32, #tpu.memory_space<vmem>>, vector<16xi32>,
      %and3A = arith.constant 16383 : i32
      %and3A_236 = vector.broadcast %and3A : i32 to vector<16xi32>
      %and3A_237 = arith.andi %get3A_235, %and3A_236 : vector<16xi32>
      %mul3A_238 = arith.constant 16 : i32
      %mul3A_239 = arith.muli %scan3A_229, %mul3A_238 : i32
      %swap3A = arith.constant 0 : i32
      %swap3A_240 = arith.index_cast %swap3A : i32 to index
      %swap3A_241 = arith.index_cast %mul3A_239 : i32 to index
      %swap3A_242 = tpu.vector_load %arg6[%swap3A_240, %swap3A_241] {strides = array<i32>} : memref<5x80xi32, #tpu.memory_space<vmem>>, vector<16xi32>,
      tpu.vector_store %arg6[%swap3A_240, %swap3A_241], %and3A_237 {strides = array<i32>} : memref<5x80xi32, #tpu.memory_space<vmem>>, vector<16xi32>,
      %scan3A_243 = arith.constant 0 : i32
      scf.yield %scan3A_243 : i32
    }
    %scan3A_135 = arith.constant 5 : i32
    %scan3A_136 = arith.constant 0 : i32
    %scan3A_137 = arith.constant 0 : i32
    %scan3A_138 = arith.constant 5 : i32
    %scan3A_139 = arith.addi %scan3A_137, %scan3A_138 : i32
    %scan3A_140 = arith.constant 1 : i32
    %scan3A_141 = scf.for %scan3A_229 = %scan3A_137 to %scan3A_139 step %scan3A_140 iter_args(%scan3A_230 = %scan3A_136) -> (i32)  : i32 {
      %mul3A_231 = arith.constant 16 : i32
      %mul3A_232 = arith.muli %scan3A_229, %mul3A_231 : i32
      %get3A = arith.constant 0 : i32
      %get3A_233 = arith.index_cast %get3A : i32 to index
      %get3A_234 = arith.index_cast %mul3A_232 : i32 to index
      %get3A_235 = tpu.vector_load %arg5[%get3A_233, %get3A_234] {strides = array<i32>} : memref<250x80xi32, #tpu.memory_space<vmem>>, vector<16xi32>,
      %shift_right_arithmetic3A = arith.constant 14 : i32
      %shift_right_arithmetic3A_236 = vector.broadcast %shift_right_arithmetic3A : i32 to vector<16xi32>
      %shift_right_arithmetic3A_237 = arith.shrsi %get3A_235, %shift_right_arithmetic3A_236 : vector<16xi32>
      %sub3A = vector.broadcast %mul3A_0 : i32 to vector<16xi32>
      %sub3A_238 = arith.subi %shift_right_arithmetic3A_237, %sub3A : vector<16xi32>
      %ge3A = arith.constant 0 : i32
      %ge3A_239 = vector.broadcast %ge3A : i32 to vector<16xi32>
      %ge3A_240 = arith.cmpi sge, %sub3A_238, %ge3A_239 : vector<16xi32>
      %lt3A = arith.constant 5120 : i32
      %lt3A_241 = vector.broadcast %lt3A : i32 to vector<16xi32>
      %lt3A_242 = arith.cmpi slt, %sub3A_238, %lt3A_241 : vector<16xi32>
      %and3A = arith.andi %ge3A_240, %lt3A_242 : vector<16xi1>
      %jit3A = arith.constant 5120 : i32
      %broadcast_in_dim3A_243 = vector.broadcast %jit3A : i32 to vector<16xi32>
      %select_n3A = arith.select %and3A, %sub3A_238, %broadcast_in_dim3A_243 : vector<16xi1>, vector<16xi32>
      %mul3A_244 = arith.constant 16 : i32
      %mul3A_245 = arith.muli %scan3A_229, %mul3A_244 : i32
      %swap3A = arith.constant 0 : i32
      %swap3A_246 = arith.index_cast %swap3A : i32 to index
      %swap3A_247 = arith.index_cast %mul3A_245 : i32 to index
      %swap3A_248 = tpu.vector_load %arg7[%swap3A_246, %swap3A_247] {strides = array<i32>} : memref<5x80xi32, #tpu.memory_space<vmem>>, vector<16xi32>,
      tpu.vector_store %arg7[%swap3A_246, %swap3A_247], %select_n3A {strides = array<i32>} : memref<5x80xi32, #tpu.memory_space<vmem>>, vector<16xi32>,
      %scan3A_249 = arith.constant 0 : i32
      scf.yield %scan3A_249 : i32
    }
    %scan3A_142 = arith.constant 5 : i32
    %dma_start3A_143 = arith.constant 0 : i32
    %dma_start3A_144 = arith.constant 0 : i32
    %dma_start3A_145 = arith.constant 0 : i32
    %dma_start3A_146 = arith.constant 0 : i32
    %dma_start3A_147 = tpu.memref_slice %arg8[%dma_start3A_144, %dma_start3A_145, %dma_start3A_146] : memref<5x80x128xf32, #tpu.memory_space<vmem>> -> memref<1x80x128xf32, #tpu.memory_space<vmem>>
    %dma_start3A_148 = tpu.memref_squeeze %dma_start3A_147 : memref<1x80x128xf32, #tpu.memory_space<vmem>> -> memref<80x128xf32, #tpu.memory_space<vmem>>
    %dma_start3A_149 = arith.constant 0 : i32
    %dma_start3A_150 = tpu.memref_slice %arg6[%dma_start3A_143, %dma_start3A_149] : memref<5x80xi32, #tpu.memory_space<vmem>> -> memref<1x80xi32, #tpu.memory_space<vmem>>
    %dma_start3A_151 = tpu.memref_squeeze %dma_start3A_150 : memref<1x80xi32, #tpu.memory_space<vmem>> -> memref<80xi32, #tpu.memory_space<vmem>>
    %dma_start3A_152 = arith.constant 0 : i32
    %dma_start3A_153 = arith.constant 0 : i32
    %dma_start3A_154 = tpu.memref_slice %arg2[%dma_start3A_152, %dma_start3A_153] : memref<10240x128xf32, #tpu.memory_space<hbm>> -> memref<10240x128xf32, #tpu.memory_space<hbm>>
    tpu.enqueue_indirect_dma source(%dma_start3A_154 : memref<10240x128xf32, #tpu.memory_space<hbm>>) target(%dma_start3A_148 : memref<80x128xf32, #tpu.memory_space<vmem>>) offsets(%dma_start3A_151 : memref<80xi32, #tpu.memory_space<vmem>>) semaphore(%arg10 : memref<!tpu.dma_semaphore, #tpu.memory_space<semaphore_mem>>)
    %barrier3A = arith.constant 0 : index
    tpu.barrier barrier_id(%barrier3A)
    %scan3A_155 = arith.constant 0 : i32
    %scan3A_156 = arith.constant 0 : i32
    %scan3A_157 = arith.constant 50 : i32
    %scan3A_158 = arith.addi %scan3A_156, %scan3A_157 : i32
    %scan3A_159 = arith.constant 1 : i32
    %scan3A_160 = scf.for %scan3A_229 = %scan3A_156 to %scan3A_158 step %scan3A_159 iter_args(%scan3A_230 = %scan3A_155) -> (i32)  : i32 {
      %mul3A_231 = arith.constant 5 : i32
      %mul3A_232 = arith.muli %mul3A_231, %scan3A_229 : i32
      %dma_wait3A_233 = arith.constant 0 : i32
      %dma_wait3A_234 = arith.constant 0 : i32
      %dma_wait3A_235 = arith.constant 0 : i32
      %dma_wait3A_236 = arith.constant 0 : i32
      %dma_wait3A_237 = tpu.memref_slice %arg8[%dma_wait3A_234, %dma_wait3A_235, %dma_wait3A_236] : memref<5x80x128xf32, #tpu.memory_space<vmem>> -> memref<1x80x128xf32, #tpu.memory_space<vmem>>
      %dma_wait3A_238 = tpu.memref_squeeze %dma_wait3A_237 : memref<1x80x128xf32, #tpu.memory_space<vmem>> -> memref<80x128xf32, #tpu.memory_space<vmem>>
      %dma_wait3A_239 = arith.constant 0 : i32
      %dma_wait3A_240 = tpu.memref_slice %arg6[%dma_wait3A_233, %dma_wait3A_239] : memref<5x80xi32, #tpu.memory_space<vmem>> -> memref<1x80xi32, #tpu.memory_space<vmem>>
      %dma_wait3A_241 = tpu.memref_squeeze %dma_wait3A_240 : memref<1x80xi32, #tpu.memory_space<vmem>> -> memref<80xi32, #tpu.memory_space<vmem>>
      %dma_wait3A_242 = arith.constant 0 : i32
      %dma_wait3A_243 = arith.constant 0 : i32
      %dma_wait3A_244 = tpu.memref_slice %arg2[%dma_wait3A_242, %dma_wait3A_243] : memref<10240x128xf32, #tpu.memory_space<hbm>> -> memref<10240x128xf32, #tpu.memory_space<hbm>>
      tpu.wait_indirect_dma semaphore(%arg10 : memref<!tpu.dma_semaphore, #tpu.memory_space<semaphore_mem>>) src(%dma_wait3A_244 : memref<10240x128xf32, #tpu.memory_space<hbm>>) dst(%dma_wait3A_238 : memref<80x128xf32, #tpu.memory_space<vmem>>)
      %dma_start3A_245 = arith.constant 0 : i32
      %dma_start3A_246 = arith.constant 0 : i32
      %dma_start3A_247 = arith.constant 0 : i32
      %dma_start3A_248 = arith.constant 0 : i32
      %dma_start3A_249 = tpu.memref_slice %arg8[%dma_start3A_245, %dma_start3A_247, %dma_start3A_248] : memref<5x80x128xf32, #tpu.memory_space<vmem>> -> memref<1x80x128xf32, #tpu.memory_space<vmem>>
      %dma_start3A_250 = tpu.memref_squeeze %dma_start3A_249 : memref<1x80x128xf32, #tpu.memory_space<vmem>> -> memref<80x128xf32, #tpu.memory_space<vmem>>
      %dma_start3A_251 = arith.constant 0 : i32
      %dma_start3A_252 = tpu.memref_slice %arg7[%dma_start3A_246, %dma_start3A_251] : memref<5x80xi32, #tpu.memory_space<vmem>> -> memref<1x80xi32, #tpu.memory_space<vmem>>
      %dma_start3A_253 = tpu.memref_squeeze %dma_start3A_252 : memref<1x80xi32, #tpu.memory_space<vmem>> -> memref<80xi32, #tpu.memory_space<vmem>>
      %dma_start3A_254 = arith.constant 0 : i32
      %dma_start3A_255 = arith.constant 0 : i32
      %dma_start3A_256 = tpu.memref_slice %arg9[%dma_start3A_254, %dma_start3A_255] : memref<5128x128xf32, #tpu.memory_space<vmem_shared>> -> memref<5128x128xf32, #tpu.memory_space<vmem_shared>>
      tpu.enqueue_indirect_dma source(%dma_start3A_250 : memref<80x128xf32, #tpu.memory_space<vmem>>) target(%dma_start3A_256 : memref<5128x128xf32, #tpu.memory_space<vmem_shared>>) offsets(%dma_start3A_253 : memref<80xi32, #tpu.memory_space<vmem>>) semaphore(%arg15 : memref<!tpu.dma_semaphore, #tpu.memory_space<semaphore_mem>>) {add = true}
      %dma_wait3A_257 = arith.constant 1 : i32
      %dma_wait3A_258 = arith.constant 1 : i32
      %dma_wait3A_259 = arith.constant 0 : i32
      %dma_wait3A_260 = arith.constant 0 : i32
      %dma_wait3A_261 = tpu.memref_slice %arg8[%dma_wait3A_258, %dma_wait3A_259, %dma_wait3A_260] : memref<5x80x128xf32, #tpu.memory_space<vmem>> -> memref<1x80x128xf32, #tpu.memory_space<vmem>>
      %dma_wait3A_262 = tpu.memref_squeeze %dma_wait3A_261 : memref<1x80x128xf32, #tpu.memory_space<vmem>> -> memref<80x128xf32, #tpu.memory_space<vmem>>
      %dma_wait3A_263 = arith.constant 0 : i32
      %dma_wait3A_264 = tpu.memref_slice %arg6[%dma_wait3A_257, %dma_wait3A_263] : memref<5x80xi32, #tpu.memory_space<vmem>> -> memref<1x80xi32, #tpu.memory_space<vmem>>
      %dma_wait3A_265 = tpu.memref_squeeze %dma_wait3A_264 : memref<1x80xi32, #tpu.memory_space<vmem>> -> memref<80xi32, #tpu.memory_space<vmem>>
      %dma_wait3A_266 = arith.constant 0 : i32
      %dma_wait3A_267 = arith.constant 0 : i32
      %dma_wait3A_268 = tpu.memref_slice %arg2[%dma_wait3A_266, %dma_wait3A_267] : memref<10240x128xf32, #tpu.memory_space<hbm>> -> memref<10240x128xf32, #tpu.memory_space<hbm>>
      tpu.wait_indirect_dma semaphore(%arg11 : memref<!tpu.dma_semaphore, #tpu.memory_space<semaphore_mem>>) src(%dma_wait3A_268 : memref<10240x128xf32, #tpu.memory_space<hbm>>) dst(%dma_wait3A_262 : memref<80x128xf32, #tpu.memory_space<vmem>>)
      %dma_start3A_269 = arith.constant 1 : i32
      %dma_start3A_270 = arith.constant 1 : i32
      %dma_start3A_271 = arith.constant 0 : i32
      %dma_start3A_272 = arith.constant 0 : i32
      %dma_start3A_273 = tpu.memref_slice %arg8[%dma_start3A_269, %dma_start3A_271, %dma_start3A_272] : memref<5x80x128xf32, #tpu.memory_space<vmem>> -> memref<1x80x128xf32, #tpu.memory_space<vmem>>
      %dma_start3A_274 = tpu.memref_squeeze %dma_start3A_273 : memref<1x80x128xf32, #tpu.memory_space<vmem>> -> memref<80x128xf32, #tpu.memory_space<vmem>>
      %dma_start3A_275 = arith.constant 0 : i32
      %dma_start3A_276 = tpu.memref_slice %arg7[%dma_start3A_270, %dma_start3A_275] : memref<5x80xi32, #tpu.memory_space<vmem>> -> memref<1x80xi32, #tpu.memory_space<vmem>>
      %dma_start3A_277 = tpu.memref_squeeze %dma_start3A_276 : memref<1x80xi32, #tpu.memory_space<vmem>> -> memref<80xi32, #tpu.memory_space<vmem>>
      %dma_start3A_278 = arith.constant 0 : i32
      %dma_start3A_279 = arith.constant 0 : i32
      %dma_start3A_280 = tpu.memref_slice %arg9[%dma_start3A_278, %dma_start3A_279] : memref<5128x128xf32, #tpu.memory_space<vmem_shared>> -> memref<5128x128xf32, #tpu.memory_space<vmem_shared>>
      tpu.enqueue_indirect_dma source(%dma_start3A_274 : memref<80x128xf32, #tpu.memory_space<vmem>>) target(%dma_start3A_280 : memref<5128x128xf32, #tpu.memory_space<vmem_shared>>) offsets(%dma_start3A_277 : memref<80xi32, #tpu.memory_space<vmem>>) semaphore(%arg16 : memref<!tpu.dma_semaphore, #tpu.memory_space<semaphore_mem>>) {add = true}
      %dma_wait3A_281 = arith.constant 2 : i32
      %dma_wait3A_282 = arith.constant 2 : i32
      %dma_wait3A_283 = arith.constant 0 : i32
      %dma_wait3A_284 = arith.constant 0 : i32
      %dma_wait3A_285 = tpu.memref_slice %arg8[%dma_wait3A_282, %dma_wait3A_283, %dma_wait3A_284] : memref<5x80x128xf32, #tpu.memory_space<vmem>> -> memref<1x80x128xf32, #tpu.memory_space<vmem>>
      %dma_wait3A_286 = tpu.memref_squeeze %dma_wait3A_285 : memref<1x80x128xf32, #tpu.memory_space<vmem>> -> memref<80x128xf32, #tpu.memory_space<vmem>>
      %dma_wait3A_287 = arith.constant 0 : i32
      %dma_wait3A_288 = tpu.memref_slice %arg6[%dma_wait3A_281, %dma_wait3A_287] : memref<5x80xi32, #tpu.memory_space<vmem>> -> memref<1x80xi32, #tpu.memory_space<vmem>>
      %dma_wait3A_289 = tpu.memref_squeeze %dma_wait3A_288 : memref<1x80xi32, #tpu.memory_space<vmem>> -> memref<80xi32, #tpu.memory_space<vmem>>
      %dma_wait3A_290 = arith.constant 0 : i32
      %dma_wait3A_291 = arith.constant 0 : i32
      %dma_wait3A_292 = tpu.memref_slice %arg2[%dma_wait3A_290, %dma_wait3A_291] : memref<10240x128xf32, #tpu.memory_space<hbm>> -> memref<10240x128xf32, #tpu.memory_space<hbm>>
      tpu.wait_indirect_dma semaphore(%arg12 : memref<!tpu.dma_semaphore, #tpu.memory_space<semaphore_mem>>) src(%dma_wait3A_292 : memref<10240x128xf32, #tpu.memory_space<hbm>>) dst(%dma_wait3A_286 : memref<80x128xf32, #tpu.memory_space<vmem>>)
      %dma_start3A_293 = arith.constant 2 : i32
      %dma_start3A_294 = arith.constant 2 : i32
      %dma_start3A_295 = arith.constant 0 : i32
      %dma_start3A_296 = arith.constant 0 : i32
      %dma_start3A_297 = tpu.memref_slice %arg8[%dma_start3A_293, %dma_start3A_295, %dma_start3A_296] : memref<5x80x128xf32, #tpu.memory_space<vmem>> -> memref<1x80x128xf32, #tpu.memory_space<vmem>>
      %dma_start3A_298 = tpu.memref_squeeze %dma_start3A_297 : memref<1x80x128xf32, #tpu.memory_space<vmem>> -> memref<80x128xf32, #tpu.memory_space<vmem>>
      %dma_start3A_299 = arith.constant 0 : i32
      %dma_start3A_300 = tpu.memref_slice %arg7[%dma_start3A_294, %dma_start3A_299] : memref<5x80xi32, #tpu.memory_space<vmem>> -> memref<1x80xi32, #tpu.memory_space<vmem>>
      %dma_start3A_301 = tpu.memref_squeeze %dma_start3A_300 : memref<1x80xi32, #tpu.memory_space<vmem>> -> memref<80xi32, #tpu.memory_space<vmem>>
      %dma_start3A_302 = arith.constant 0 : i32
      %dma_start3A_303 = arith.constant 0 : i32
      %dma_start3A_304 = tpu.memref_slice %arg9[%dma_start3A_302, %dma_start3A_303] : memref<5128x128xf32, #tpu.memory_space<vmem_shared>> -> memref<5128x128xf32, #tpu.memory_space<vmem_shared>>
      tpu.enqueue_indirect_dma source(%dma_start3A_298 : memref<80x128xf32, #tpu.memory_space<vmem>>) target(%dma_start3A_304 : memref<5128x128xf32, #tpu.memory_space<vmem_shared>>) offsets(%dma_start3A_301 : memref<80xi32, #tpu.memory_space<vmem>>) semaphore(%arg17 : memref<!tpu.dma_semaphore, #tpu.memory_space<semaphore_mem>>) {add = true}
      %dma_wait3A_305 = arith.constant 3 : i32
      %dma_wait3A_306 = arith.constant 3 : i32
      %dma_wait3A_307 = arith.constant 0 : i32
      %dma_wait3A_308 = arith.constant 0 : i32
      %dma_wait3A_309 = tpu.memref_slice %arg8[%dma_wait3A_306, %dma_wait3A_307, %dma_wait3A_308] : memref<5x80x128xf32, #tpu.memory_space<vmem>> -> memref<1x80x128xf32, #tpu.memory_space<vmem>>
      %dma_wait3A_310 = tpu.memref_squeeze %dma_wait3A_309 : memref<1x80x128xf32, #tpu.memory_space<vmem>> -> memref<80x128xf32, #tpu.memory_space<vmem>>
      %dma_wait3A_311 = arith.constant 0 : i32
      %dma_wait3A_312 = tpu.memref_slice %arg6[%dma_wait3A_305, %dma_wait3A_311] : memref<5x80xi32, #tpu.memory_space<vmem>> -> memref<1x80xi32, #tpu.memory_space<vmem>>
      %dma_wait3A_313 = tpu.memref_squeeze %dma_wait3A_312 : memref<1x80xi32, #tpu.memory_space<vmem>> -> memref<80xi32, #tpu.memory_space<vmem>>
      %dma_wait3A_314 = arith.constant 0 : i32
      %dma_wait3A_315 = arith.constant 0 : i32
      %dma_wait3A_316 = tpu.memref_slice %arg2[%dma_wait3A_314, %dma_wait3A_315] : memref<10240x128xf32, #tpu.memory_space<hbm>> -> memref<10240x128xf32, #tpu.memory_space<hbm>>
      tpu.wait_indirect_dma semaphore(%arg13 : memref<!tpu.dma_semaphore, #tpu.memory_space<semaphore_mem>>) src(%dma_wait3A_316 : memref<10240x128xf32, #tpu.memory_space<hbm>>) dst(%dma_wait3A_310 : memref<80x128xf32, #tpu.memory_space<vmem>>)
      %dma_start3A_317 = arith.constant 3 : i32
      %dma_start3A_318 = arith.constant 3 : i32
      %dma_start3A_319 = arith.constant 0 : i32
      %dma_start3A_320 = arith.constant 0 : i32
      %dma_start3A_321 = tpu.memref_slice %arg8[%dma_start3A_317, %dma_start3A_319, %dma_start3A_320] : memref<5x80x128xf32, #tpu.memory_space<vmem>> -> memref<1x80x128xf32, #tpu.memory_space<vmem>>
      %dma_start3A_322 = tpu.memref_squeeze %dma_start3A_321 : memref<1x80x128xf32, #tpu.memory_space<vmem>> -> memref<80x128xf32, #tpu.memory_space<vmem>>
      %dma_start3A_323 = arith.constant 0 : i32
      %dma_start3A_324 = tpu.memref_slice %arg7[%dma_start3A_318, %dma_start3A_323] : memref<5x80xi32, #tpu.memory_space<vmem>> -> memref<1x80xi32, #tpu.memory_space<vmem>>
      %dma_start3A_325 = tpu.memref_squeeze %dma_start3A_324 : memref<1x80xi32, #tpu.memory_space<vmem>> -> memref<80xi32, #tpu.memory_space<vmem>>
      %dma_start3A_326 = arith.constant 0 : i32
      %dma_start3A_327 = arith.constant 0 : i32
      %dma_start3A_328 = tpu.memref_slice %arg9[%dma_start3A_326, %dma_start3A_327] : memref<5128x128xf32, #tpu.memory_space<vmem_shared>> -> memref<5128x128xf32, #tpu.memory_space<vmem_shared>>
      tpu.enqueue_indirect_dma source(%dma_start3A_322 : memref<80x128xf32, #tpu.memory_space<vmem>>) target(%dma_start3A_328 : memref<5128x128xf32, #tpu.memory_space<vmem_shared>>) offsets(%dma_start3A_325 : memref<80xi32, #tpu.memory_space<vmem>>) semaphore(%arg18 : memref<!tpu.dma_semaphore, #tpu.memory_space<semaphore_mem>>) {add = true}
      %dma_wait3A_329 = arith.constant 4 : i32
      %dma_wait3A_330 = arith.constant 4 : i32
      %dma_wait3A_331 = arith.constant 0 : i32
      %dma_wait3A_332 = arith.constant 0 : i32
      %dma_wait3A_333 = tpu.memref_slice %arg8[%dma_wait3A_330, %dma_wait3A_331, %dma_wait3A_332] : memref<5x80x128xf32, #tpu.memory_space<vmem>> -> memref<1x80x128xf32, #tpu.memory_space<vmem>>
      %dma_wait3A_334 = tpu.memref_squeeze %dma_wait3A_333 : memref<1x80x128xf32, #tpu.memory_space<vmem>> -> memref<80x128xf32, #tpu.memory_space<vmem>>
      %dma_wait3A_335 = arith.constant 0 : i32
      %dma_wait3A_336 = tpu.memref_slice %arg6[%dma_wait3A_329, %dma_wait3A_335] : memref<5x80xi32, #tpu.memory_space<vmem>> -> memref<1x80xi32, #tpu.memory_space<vmem>>
      %dma_wait3A_337 = tpu.memref_squeeze %dma_wait3A_336 : memref<1x80xi32, #tpu.memory_space<vmem>> -> memref<80xi32, #tpu.memory_space<vmem>>
      %dma_wait3A_338 = arith.constant 0 : i32
      %dma_wait3A_339 = arith.constant 0 : i32
      %dma_wait3A_340 = tpu.memref_slice %arg2[%dma_wait3A_338, %dma_wait3A_339] : memref<10240x128xf32, #tpu.memory_space<hbm>> -> memref<10240x128xf32, #tpu.memory_space<hbm>>
      tpu.wait_indirect_dma semaphore(%arg14 : memref<!tpu.dma_semaphore, #tpu.memory_space<semaphore_mem>>) src(%dma_wait3A_340 : memref<10240x128xf32, #tpu.memory_space<hbm>>) dst(%dma_wait3A_334 : memref<80x128xf32, #tpu.memory_space<vmem>>)
      %dma_start3A_341 = arith.constant 4 : i32
      %dma_start3A_342 = arith.constant 4 : i32
      %dma_start3A_343 = arith.constant 0 : i32
      %dma_start3A_344 = arith.constant 0 : i32
      %dma_start3A_345 = tpu.memref_slice %arg8[%dma_start3A_341, %dma_start3A_343, %dma_start3A_344] : memref<5x80x128xf32, #tpu.memory_space<vmem>> -> memref<1x80x128xf32, #tpu.memory_space<vmem>>
      %dma_start3A_346 = tpu.memref_squeeze %dma_start3A_345 : memref<1x80x128xf32, #tpu.memory_space<vmem>> -> memref<80x128xf32, #tpu.memory_space<vmem>>
      %dma_start3A_347 = arith.constant 0 : i32
      %dma_start3A_348 = tpu.memref_slice %arg7[%dma_start3A_342, %dma_start3A_347] : memref<5x80xi32, #tpu.memory_space<vmem>> -> memref<1x80xi32, #tpu.memory_space<vmem>>
      %dma_start3A_349 = tpu.memref_squeeze %dma_start3A_348 : memref<1x80xi32, #tpu.memory_space<vmem>> -> memref<80xi32, #tpu.memory_space<vmem>>
      %dma_start3A_350 = arith.constant 0 : i32
      %dma_start3A_351 = arith.constant 0 : i32
      %dma_start3A_352 = tpu.memref_slice %arg9[%dma_start3A_350, %dma_start3A_351] : memref<5128x128xf32, #tpu.memory_space<vmem_shared>> -> memref<5128x128xf32, #tpu.memory_space<vmem_shared>>
      tpu.enqueue_indirect_dma source(%dma_start3A_346 : memref<80x128xf32, #tpu.memory_space<vmem>>) target(%dma_start3A_352 : memref<5128x128xf32, #tpu.memory_space<vmem_shared>>) offsets(%dma_start3A_349 : memref<80xi32, #tpu.memory_space<vmem>>) semaphore(%arg19 : memref<!tpu.dma_semaphore, #tpu.memory_space<semaphore_mem>>) {add = true}
      %lt3A = arith.constant 49 : i32
      %lt3A_353 = arith.cmpi slt, %scan3A_229, %lt3A : i32
      %convert_element_type3A = arith.extui %lt3A_353 : i1 to i32
      %cond3A = arith.constant 0 : i32
      %cond3A_354 = arith.cmpi ne, %convert_element_type3A, %cond3A : i32
      scf.if %cond3A_354 {
        %add3A_356 = arith.constant 5 : i32
        %add3A_357 = arith.addi %mul3A_232, %add3A_356 : i32
        %add3A_358 = arith.constant 0 : i32
        %add3A_359 = arith.addi %add3A_357, %add3A_358 : i32
        %scan3A_360 = arith.constant 0 : i32
        %scan3A_361 = arith.constant 0 : i32
        %scan3A_362 = arith.constant 5 : i32
        %scan3A_363 = arith.addi %scan3A_361, %scan3A_362 : i32
        %scan3A_364 = arith.constant 1 : i32
        %scan3A_365 = scf.for %scan3A_586 = %scan3A_361 to %scan3A_363 step %scan3A_364 iter_args(%scan3A_587 = %scan3A_360) -> (i32)  : i32 {
          %mul3A_588 = arith.constant 16 : i32
          %mul3A_589 = arith.muli %scan3A_586, %mul3A_588 : i32
          %get3A = arith.index_cast %add3A_359 : i32 to index
          %get3A_590 = arith.index_cast %mul3A_589 : i32 to index
          %get3A_591 = tpu.vector_load %arg5[%get3A, %get3A_590] {strides = array<i32>} : memref<250x80xi32, #tpu.memory_space<vmem>>, vector<16xi32>,
          %and3A = arith.constant 16383 : i32
          %and3A_592 = vector.broadcast %and3A : i32 to vector<16xi32>
          %and3A_593 = arith.andi %get3A_591, %and3A_592 : vector<16xi32>
          %mul3A_594 = arith.constant 16 : i32
          %mul3A_595 = arith.muli %scan3A_586, %mul3A_594 : i32
          %swap3A = arith.constant 0 : i32
          %swap3A_596 = arith.index_cast %swap3A : i32 to index
          %swap3A_597 = arith.index_cast %mul3A_595 : i32 to index
          %swap3A_598 = tpu.vector_load %arg6[%swap3A_596, %swap3A_597] {strides = array<i32>} : memref<5x80xi32, #tpu.memory_space<vmem>>, vector<16xi32>,
          tpu.vector_store %arg6[%swap3A_596, %swap3A_597], %and3A_593 {strides = array<i32>} : memref<5x80xi32, #tpu.memory_space<vmem>>, vector<16xi32>,
          %scan3A_599 = arith.constant 0 : i32
          scf.yield %scan3A_599 : i32
        }
        %scan3A_366 = arith.constant 5 : i32
        %add3A_367 = arith.constant 5 : i32
        %add3A_368 = arith.addi %mul3A_232, %add3A_367 : i32
        %add3A_369 = arith.constant 1 : i32
        %add3A_370 = arith.addi %add3A_368, %add3A_369 : i32
        %scan3A_371 = arith.constant 0 : i32
        %scan3A_372 = arith.constant 0 : i32
        %scan3A_373 = arith.constant 5 : i32
        %scan3A_374 = arith.addi %scan3A_372, %scan3A_373 : i32
        %scan3A_375 = arith.constant 1 : i32
        %scan3A_376 = scf.for %scan3A_586 = %scan3A_372 to %scan3A_374 step %scan3A_375 iter_args(%scan3A_587 = %scan3A_371) -> (i32)  : i32 {
          %mul3A_588 = arith.constant 16 : i32
          %mul3A_589 = arith.muli %scan3A_586, %mul3A_588 : i32
          %get3A = arith.index_cast %add3A_370 : i32 to index
          %get3A_590 = arith.index_cast %mul3A_589 : i32 to index
          %get3A_591 = tpu.vector_load %arg5[%get3A, %get3A_590] {strides = array<i32>} : memref<250x80xi32, #tpu.memory_space<vmem>>, vector<16xi32>,
          %and3A = arith.constant 16383 : i32
          %and3A_592 = vector.broadcast %and3A : i32 to vector<16xi32>
          %and3A_593 = arith.andi %get3A_591, %and3A_592 : vector<16xi32>
          %mul3A_594 = arith.constant 16 : i32
          %mul3A_595 = arith.muli %scan3A_586, %mul3A_594 : i32
          %swap3A = arith.constant 1 : i32
          %swap3A_596 = arith.index_cast %swap3A : i32 to index
          %swap3A_597 = arith.index_cast %mul3A_595 : i32 to index
          %swap3A_598 = tpu.vector_load %arg6[%swap3A_596, %swap3A_597] {strides = array<i32>} : memref<5x80xi32, #tpu.memory_space<vmem>>, vector<16xi32>,
          tpu.vector_store %arg6[%swap3A_596, %swap3A_597], %and3A_593 {strides = array<i32>} : memref<5x80xi32, #tpu.memory_space<vmem>>, vector<16xi32>,
          %scan3A_599 = arith.constant 0 : i32
          scf.yield %scan3A_599 : i32
        }
        %scan3A_377 = arith.constant 5 : i32
        %add3A_378 = arith.constant 5 : i32
        %add3A_379 = arith.addi %mul3A_232, %add3A_378 : i32
        %add3A_380 = arith.constant 2 : i32
        %add3A_381 = arith.addi %add3A_379, %add3A_380 : i32
        %scan3A_382 = arith.constant 0 : i32
        %scan3A_383 = arith.constant 0 : i32
        %scan3A_384 = arith.constant 5 : i32
        %scan3A_385 = arith.addi %scan3A_383, %scan3A_384 : i32
        %scan3A_386 = arith.constant 1 : i32
        %scan3A_387 = scf.for %scan3A_586 = %scan3A_383 to %scan3A_385 step %scan3A_386 iter_args(%scan3A_587 = %scan3A_382) -> (i32)  : i32 {
          %mul3A_588 = arith.constant 16 : i32
          %mul3A_589 = arith.muli %scan3A_586, %mul3A_588 : i32
          %get3A = arith.index_cast %add3A_381 : i32 to index
          %get3A_590 = arith.index_cast %mul3A_589 : i32 to index
          %get3A_591 = tpu.vector_load %arg5[%get3A, %get3A_590] {strides = array<i32>} : memref<250x80xi32, #tpu.memory_space<vmem>>, vector<16xi32>,
          %and3A = arith.constant 16383 : i32
          %and3A_592 = vector.broadcast %and3A : i32 to vector<16xi32>
          %and3A_593 = arith.andi %get3A_591, %and3A_592 : vector<16xi32>
          %mul3A_594 = arith.constant 16 : i32
          %mul3A_595 = arith.muli %scan3A_586, %mul3A_594 : i32
          %swap3A = arith.constant 2 : i32
          %swap3A_596 = arith.index_cast %swap3A : i32 to index
          %swap3A_597 = arith.index_cast %mul3A_595 : i32 to index
          %swap3A_598 = tpu.vector_load %arg6[%swap3A_596, %swap3A_597] {strides = array<i32>} : memref<5x80xi32, #tpu.memory_space<vmem>>, vector<16xi32>,
          tpu.vector_store %arg6[%swap3A_596, %swap3A_597], %and3A_593 {strides = array<i32>} : memref<5x80xi32, #tpu.memory_space<vmem>>, vector<16xi32>,
          %scan3A_599 = arith.constant 0 : i32
          scf.yield %scan3A_599 : i32
        }
        %scan3A_388 = arith.constant 5 : i32
        %add3A_389 = arith.constant 5 : i32
        %add3A_390 = arith.addi %mul3A_232, %add3A_389 : i32
        %add3A_391 = arith.constant 3 : i32
        %add3A_392 = arith.addi %add3A_390, %add3A_391 : i32
        %scan3A_393 = arith.constant 0 : i32
        %scan3A_394 = arith.constant 0 : i32
        %scan3A_395 = arith.constant 5 : i32
        %scan3A_396 = arith.addi %scan3A_394, %scan3A_395 : i32
        %scan3A_397 = arith.constant 1 : i32
        %scan3A_398 = scf.for %scan3A_586 = %scan3A_394 to %scan3A_396 step %scan3A_397 iter_args(%scan3A_587 = %scan3A_393) -> (i32)  : i32 {
          %mul3A_588 = arith.constant 16 : i32
          %mul3A_589 = arith.muli %scan3A_586, %mul3A_588 : i32
          %get3A = arith.index_cast %add3A_392 : i32 to index
          %get3A_590 = arith.index_cast %mul3A_589 : i32 to index
          %get3A_591 = tpu.vector_load %arg5[%get3A, %get3A_590] {strides = array<i32>} : memref<250x80xi32, #tpu.memory_space<vmem>>, vector<16xi32>,
          %and3A = arith.constant 16383 : i32
          %and3A_592 = vector.broadcast %and3A : i32 to vector<16xi32>
          %and3A_593 = arith.andi %get3A_591, %and3A_592 : vector<16xi32>
          %mul3A_594 = arith.constant 16 : i32
          %mul3A_595 = arith.muli %scan3A_586, %mul3A_594 : i32
          %swap3A = arith.constant 3 : i32
          %swap3A_596 = arith.index_cast %swap3A : i32 to index
          %swap3A_597 = arith.index_cast %mul3A_595 : i32 to index
          %swap3A_598 = tpu.vector_load %arg6[%swap3A_596, %swap3A_597] {strides = array<i32>} : memref<5x80xi32, #tpu.memory_space<vmem>>, vector<16xi32>,
          tpu.vector_store %arg6[%swap3A_596, %swap3A_597], %and3A_593 {strides = array<i32>} : memref<5x80xi32, #tpu.memory_space<vmem>>, vector<16xi32>,
          %scan3A_599 = arith.constant 0 : i32
          scf.yield %scan3A_599 : i32
        }
        %scan3A_399 = arith.constant 5 : i32
        %add3A_400 = arith.constant 5 : i32
        %add3A_401 = arith.addi %mul3A_232, %add3A_400 : i32
        %add3A_402 = arith.constant 4 : i32
        %add3A_403 = arith.addi %add3A_401, %add3A_402 : i32
        %scan3A_404 = arith.constant 0 : i32
        %scan3A_405 = arith.constant 0 : i32
        %scan3A_406 = arith.constant 5 : i32
        %scan3A_407 = arith.addi %scan3A_405, %scan3A_406 : i32
        %scan3A_408 = arith.constant 1 : i32
        %scan3A_409 = scf.for %scan3A_586 = %scan3A_405 to %scan3A_407 step %scan3A_408 iter_args(%scan3A_587 = %scan3A_404) -> (i32)  : i32 {
          %mul3A_588 = arith.constant 16 : i32
          %mul3A_589 = arith.muli %scan3A_586, %mul3A_588 : i32
          %get3A = arith.index_cast %add3A_403 : i32 to index
          %get3A_590 = arith.index_cast %mul3A_589 : i32 to index
          %get3A_591 = tpu.vector_load %arg5[%get3A, %get3A_590] {strides = array<i32>} : memref<250x80xi32, #tpu.memory_space<vmem>>, vector<16xi32>,
          %and3A = arith.constant 16383 : i32
          %and3A_592 = vector.broadcast %and3A : i32 to vector<16xi32>
          %and3A_593 = arith.andi %get3A_591, %and3A_592 : vector<16xi32>
          %mul3A_594 = arith.constant 16 : i32
          %mul3A_595 = arith.muli %scan3A_586, %mul3A_594 : i32
          %swap3A = arith.constant 4 : i32
          %swap3A_596 = arith.index_cast %swap3A : i32 to index
          %swap3A_597 = arith.index_cast %mul3A_595 : i32 to index
          %swap3A_598 = tpu.vector_load %arg6[%swap3A_596, %swap3A_597] {strides = array<i32>} : memref<5x80xi32, #tpu.memory_space<vmem>>, vector<16xi32>,
          tpu.vector_store %arg6[%swap3A_596, %swap3A_597], %and3A_593 {strides = array<i32>} : memref<5x80xi32, #tpu.memory_space<vmem>>, vector<16xi32>,
          %scan3A_599 = arith.constant 0 : i32
          scf.yield %scan3A_599 : i32
        }
        %scan3A_410 = arith.constant 5 : i32
        %dma_wait3A_411 = arith.constant 0 : i32
        %dma_wait3A_412 = arith.constant 0 : i32
        %dma_wait3A_413 = arith.constant 0 : i32
        %dma_wait3A_414 = arith.constant 0 : i32
        %dma_wait3A_415 = tpu.memref_slice %arg8[%dma_wait3A_411, %dma_wait3A_413, %dma_wait3A_414] : memref<5x80x128xf32, #tpu.memory_space<vmem>> -> memref<1x80x128xf32, #tpu.memory_space<vmem>>
        %dma_wait3A_416 = tpu.memref_squeeze %dma_wait3A_415 : memref<1x80x128xf32, #tpu.memory_space<vmem>> -> memref<80x128xf32, #tpu.memory_space<vmem>>
        %dma_wait3A_417 = arith.constant 0 : i32
        %dma_wait3A_418 = tpu.memref_slice %arg7[%dma_wait3A_412, %dma_wait3A_417] : memref<5x80xi32, #tpu.memory_space<vmem>> -> memref<1x80xi32, #tpu.memory_space<vmem>>
        %dma_wait3A_419 = tpu.memref_squeeze %dma_wait3A_418 : memref<1x80xi32, #tpu.memory_space<vmem>> -> memref<80xi32, #tpu.memory_space<vmem>>
        %dma_wait3A_420 = arith.constant 0 : i32
        %dma_wait3A_421 = arith.constant 0 : i32
        %dma_wait3A_422 = tpu.memref_slice %arg9[%dma_wait3A_420, %dma_wait3A_421] : memref<5128x128xf32, #tpu.memory_space<vmem_shared>> -> memref<5128x128xf32, #tpu.memory_space<vmem_shared>>
        tpu.wait_indirect_dma semaphore(%arg15 : memref<!tpu.dma_semaphore, #tpu.memory_space<semaphore_mem>>) src(%dma_wait3A_416 : memref<80x128xf32, #tpu.memory_space<vmem>>) dst(%dma_wait3A_422 : memref<5128x128xf32, #tpu.memory_space<vmem_shared>>)
        %add3A_423 = arith.constant 5 : i32
        %add3A_424 = arith.addi %mul3A_232, %add3A_423 : i32
        %add3A_425 = arith.constant 0 : i32
        %add3A_426 = arith.addi %add3A_424, %add3A_425 : i32
        %scan3A_427 = arith.constant 0 : i32
        %scan3A_428 = arith.constant 0 : i32
        %scan3A_429 = arith.constant 5 : i32
        %scan3A_430 = arith.addi %scan3A_428, %scan3A_429 : i32
        %scan3A_431 = arith.constant 1 : i32
        %scan3A_432 = scf.for %scan3A_586 = %scan3A_428 to %scan3A_430 step %scan3A_431 iter_args(%scan3A_587 = %scan3A_427) -> (i32)  : i32 {
          %mul3A_588 = arith.constant 16 : i32
          %mul3A_589 = arith.muli %scan3A_586, %mul3A_588 : i32
          %get3A = arith.index_cast %add3A_426 : i32 to index
          %get3A_590 = arith.index_cast %mul3A_589 : i32 to index
          %get3A_591 = tpu.vector_load %arg5[%get3A, %get3A_590] {strides = array<i32>} : memref<250x80xi32, #tpu.memory_space<vmem>>, vector<16xi32>,
          %shift_right_arithmetic3A = arith.constant 14 : i32
          %shift_right_arithmetic3A_592 = vector.broadcast %shift_right_arithmetic3A : i32 to vector<16xi32>
          %shift_right_arithmetic3A_593 = arith.shrsi %get3A_591, %shift_right_arithmetic3A_592 : vector<16xi32>
          %sub3A = vector.broadcast %mul3A_0 : i32 to vector<16xi32>
          %sub3A_594 = arith.subi %shift_right_arithmetic3A_593, %sub3A : vector<16xi32>
          %ge3A = arith.constant 0 : i32
          %ge3A_595 = vector.broadcast %ge3A : i32 to vector<16xi32>
          %ge3A_596 = arith.cmpi sge, %sub3A_594, %ge3A_595 : vector<16xi32>
          %lt3A_597 = arith.constant 5120 : i32
          %lt3A_598 = vector.broadcast %lt3A_597 : i32 to vector<16xi32>
          %lt3A_599 = arith.cmpi slt, %sub3A_594, %lt3A_598 : vector<16xi32>
          %and3A = arith.andi %ge3A_596, %lt3A_599 : vector<16xi1>
          %jit3A = arith.constant 5120 : i32
          %broadcast_in_dim3A_600 = vector.broadcast %jit3A : i32 to vector<16xi32>
          %select_n3A = arith.select %and3A, %sub3A_594, %broadcast_in_dim3A_600 : vector<16xi1>, vector<16xi32>
          %mul3A_601 = arith.constant 16 : i32
          %mul3A_602 = arith.muli %scan3A_586, %mul3A_601 : i32
          %swap3A = arith.constant 0 : i32
          %swap3A_603 = arith.index_cast %swap3A : i32 to index
          %swap3A_604 = arith.index_cast %mul3A_602 : i32 to index
          %swap3A_605 = tpu.vector_load %arg7[%swap3A_603, %swap3A_604] {strides = array<i32>} : memref<5x80xi32, #tpu.memory_space<vmem>>, vector<16xi32>,
          tpu.vector_store %arg7[%swap3A_603, %swap3A_604], %select_n3A {strides = array<i32>} : memref<5x80xi32, #tpu.memory_space<vmem>>, vector<16xi32>,
          %scan3A_606 = arith.constant 0 : i32
          scf.yield %scan3A_606 : i32
        }
        %scan3A_433 = arith.constant 5 : i32
        %dma_start3A_434 = arith.constant 0 : i32
        %dma_start3A_435 = arith.constant 0 : i32
        %dma_start3A_436 = arith.constant 0 : i32
        %dma_start3A_437 = arith.constant 0 : i32
        %dma_start3A_438 = tpu.memref_slice %arg8[%dma_start3A_435, %dma_start3A_436, %dma_start3A_437] : memref<5x80x128xf32, #tpu.memory_space<vmem>> -> memref<1x80x128xf32, #tpu.memory_space<vmem>>
        %dma_start3A_439 = tpu.memref_squeeze %dma_start3A_438 : memref<1x80x128xf32, #tpu.memory_space<vmem>> -> memref<80x128xf32, #tpu.memory_space<vmem>>
        %dma_start3A_440 = arith.constant 0 : i32
        %dma_start3A_441 = tpu.memref_slice %arg6[%dma_start3A_434, %dma_start3A_440] : memref<5x80xi32, #tpu.memory_space<vmem>> -> memref<1x80xi32, #tpu.memory_space<vmem>>
        %dma_start3A_442 = tpu.memref_squeeze %dma_start3A_441 : memref<1x80xi32, #tpu.memory_space<vmem>> -> memref<80xi32, #tpu.memory_space<vmem>>
        %dma_start3A_443 = arith.constant 0 : i32
        %dma_start3A_444 = arith.constant 0 : i32
        %dma_start3A_445 = tpu.memref_slice %arg2[%dma_start3A_443, %dma_start3A_444] : memref<10240x128xf32, #tpu.memory_space<hbm>> -> memref<10240x128xf32, #tpu.memory_space<hbm>>
        tpu.enqueue_indirect_dma source(%dma_start3A_445 : memref<10240x128xf32, #tpu.memory_space<hbm>>) target(%dma_start3A_439 : memref<80x128xf32, #tpu.memory_space<vmem>>) offsets(%dma_start3A_442 : memref<80xi32, #tpu.memory_space<vmem>>) semaphore(%arg10 : memref<!tpu.dma_semaphore, #tpu.memory_space<semaphore_mem>>)
        %dma_wait3A_446 = arith.constant 1 : i32
        %dma_wait3A_447 = arith.constant 1 : i32
        %dma_wait3A_448 = arith.constant 0 : i32
        %dma_wait3A_449 = arith.constant 0 : i32
        %dma_wait3A_450 = tpu.memref_slice %arg8[%dma_wait3A_446, %dma_wait3A_448, %dma_wait3A_449] : memref<5x80x128xf32, #tpu.memory_space<vmem>> -> memref<1x80x128xf32, #tpu.memory_space<vmem>>
        %dma_wait3A_451 = tpu.memref_squeeze %dma_wait3A_450 : memref<1x80x128xf32, #tpu.memory_space<vmem>> -> memref<80x128xf32, #tpu.memory_space<vmem>>
        %dma_wait3A_452 = arith.constant 0 : i32
        %dma_wait3A_453 = tpu.memref_slice %arg7[%dma_wait3A_447, %dma_wait3A_452] : memref<5x80xi32, #tpu.memory_space<vmem>> -> memref<1x80xi32, #tpu.memory_space<vmem>>
        %dma_wait3A_454 = tpu.memref_squeeze %dma_wait3A_453 : memref<1x80xi32, #tpu.memory_space<vmem>> -> memref<80xi32, #tpu.memory_space<vmem>>
        %dma_wait3A_455 = arith.constant 0 : i32
        %dma_wait3A_456 = arith.constant 0 : i32
        %dma_wait3A_457 = tpu.memref_slice %arg9[%dma_wait3A_455, %dma_wait3A_456] : memref<5128x128xf32, #tpu.memory_space<vmem_shared>> -> memref<5128x128xf32, #tpu.memory_space<vmem_shared>>
        tpu.wait_indirect_dma semaphore(%arg16 : memref<!tpu.dma_semaphore, #tpu.memory_space<semaphore_mem>>) src(%dma_wait3A_451 : memref<80x128xf32, #tpu.memory_space<vmem>>) dst(%dma_wait3A_457 : memref<5128x128xf32, #tpu.memory_space<vmem_shared>>)
        %add3A_458 = arith.constant 5 : i32
        %add3A_459 = arith.addi %mul3A_232, %add3A_458 : i32
        %add3A_460 = arith.constant 1 : i32
        %add3A_461 = arith.addi %add3A_459, %add3A_460 : i32
        %scan3A_462 = arith.constant 0 : i32
        %scan3A_463 = arith.constant 0 : i32
        %scan3A_464 = arith.constant 5 : i32
        %scan3A_465 = arith.addi %scan3A_463, %scan3A_464 : i32
        %scan3A_466 = arith.constant 1 : i32
        %scan3A_467 = scf.for %scan3A_586 = %scan3A_463 to %scan3A_465 step %scan3A_466 iter_args(%scan3A_587 = %scan3A_462) -> (i32)  : i32 {
          %mul3A_588 = arith.constant 16 : i32
          %mul3A_589 = arith.muli %scan3A_586, %mul3A_588 : i32
          %get3A = arith.index_cast %add3A_461 : i32 to index
          %get3A_590 = arith.index_cast %mul3A_589 : i32 to index
          %get3A_591 = tpu.vector_load %arg5[%get3A, %get3A_590] {strides = array<i32>} : memref<250x80xi32, #tpu.memory_space<vmem>>, vector<16xi32>,
          %shift_right_arithmetic3A = arith.constant 14 : i32
          %shift_right_arithmetic3A_592 = vector.broadcast %shift_right_arithmetic3A : i32 to vector<16xi32>
          %shift_right_arithmetic3A_593 = arith.shrsi %get3A_591, %shift_right_arithmetic3A_592 : vector<16xi32>
          %sub3A = vector.broadcast %mul3A_0 : i32 to vector<16xi32>
          %sub3A_594 = arith.subi %shift_right_arithmetic3A_593, %sub3A : vector<16xi32>
          %ge3A = arith.constant 0 : i32
          %ge3A_595 = vector.broadcast %ge3A : i32 to vector<16xi32>
          %ge3A_596 = arith.cmpi sge, %sub3A_594, %ge3A_595 : vector<16xi32>
          %lt3A_597 = arith.constant 5120 : i32
          %lt3A_598 = vector.broadcast %lt3A_597 : i32 to vector<16xi32>
          %lt3A_599 = arith.cmpi slt, %sub3A_594, %lt3A_598 : vector<16xi32>
          %and3A = arith.andi %ge3A_596, %lt3A_599 : vector<16xi1>
          %jit3A = arith.constant 5120 : i32
          %broadcast_in_dim3A_600 = vector.broadcast %jit3A : i32 to vector<16xi32>
          %select_n3A = arith.select %and3A, %sub3A_594, %broadcast_in_dim3A_600 : vector<16xi1>, vector<16xi32>
          %mul3A_601 = arith.constant 16 : i32
          %mul3A_602 = arith.muli %scan3A_586, %mul3A_601 : i32
          %swap3A = arith.constant 1 : i32
          %swap3A_603 = arith.index_cast %swap3A : i32 to index
          %swap3A_604 = arith.index_cast %mul3A_602 : i32 to index
          %swap3A_605 = tpu.vector_load %arg7[%swap3A_603, %swap3A_604] {strides = array<i32>} : memref<5x80xi32, #tpu.memory_space<vmem>>, vector<16xi32>,
          tpu.vector_store %arg7[%swap3A_603, %swap3A_604], %select_n3A {strides = array<i32>} : memref<5x80xi32, #tpu.memory_space<vmem>>, vector<16xi32>,
          %scan3A_606 = arith.constant 0 : i32
          scf.yield %scan3A_606 : i32
        }
        %scan3A_468 = arith.constant 5 : i32
        %dma_start3A_469 = arith.constant 1 : i32
        %dma_start3A_470 = arith.constant 1 : i32
        %dma_start3A_471 = arith.constant 0 : i32
        %dma_start3A_472 = arith.constant 0 : i32
        %dma_start3A_473 = tpu.memref_slice %arg8[%dma_start3A_470, %dma_start3A_471, %dma_start3A_472] : memref<5x80x128xf32, #tpu.memory_space<vmem>> -> memref<1x80x128xf32, #tpu.memory_space<vmem>>
        %dma_start3A_474 = tpu.memref_squeeze %dma_start3A_473 : memref<1x80x128xf32, #tpu.memory_space<vmem>> -> memref<80x128xf32, #tpu.memory_space<vmem>>
        %dma_start3A_475 = arith.constant 0 : i32
        %dma_start3A_476 = tpu.memref_slice %arg6[%dma_start3A_469, %dma_start3A_475] : memref<5x80xi32, #tpu.memory_space<vmem>> -> memref<1x80xi32, #tpu.memory_space<vmem>>
        %dma_start3A_477 = tpu.memref_squeeze %dma_start3A_476 : memref<1x80xi32, #tpu.memory_space<vmem>> -> memref<80xi32, #tpu.memory_space<vmem>>
        %dma_start3A_478 = arith.constant 0 : i32
        %dma_start3A_479 = arith.constant 0 : i32
        %dma_start3A_480 = tpu.memref_slice %arg2[%dma_start3A_478, %dma_start3A_479] : memref<10240x128xf32, #tpu.memory_space<hbm>> -> memref<10240x128xf32, #tpu.memory_space<hbm>>
        tpu.enqueue_indirect_dma source(%dma_start3A_480 : memref<10240x128xf32, #tpu.memory_space<hbm>>) target(%dma_start3A_474 : memref<80x128xf32, #tpu.memory_space<vmem>>) offsets(%dma_start3A_477 : memref<80xi32, #tpu.memory_space<vmem>>) semaphore(%arg11 : memref<!tpu.dma_semaphore, #tpu.memory_space<semaphore_mem>>)
        %dma_wait3A_481 = arith.constant 2 : i32
        %dma_wait3A_482 = arith.constant 2 : i32
        %dma_wait3A_483 = arith.constant 0 : i32
        %dma_wait3A_484 = arith.constant 0 : i32
        %dma_wait3A_485 = tpu.memref_slice %arg8[%dma_wait3A_481, %dma_wait3A_483, %dma_wait3A_484] : memref<5x80x128xf32, #tpu.memory_space<vmem>> -> memref<1x80x128xf32, #tpu.memory_space<vmem>>
        %dma_wait3A_486 = tpu.memref_squeeze %dma_wait3A_485 : memref<1x80x128xf32, #tpu.memory_space<vmem>> -> memref<80x128xf32, #tpu.memory_space<vmem>>
        %dma_wait3A_487 = arith.constant 0 : i32
        %dma_wait3A_488 = tpu.memref_slice %arg7[%dma_wait3A_482, %dma_wait3A_487] : memref<5x80xi32, #tpu.memory_space<vmem>> -> memref<1x80xi32, #tpu.memory_space<vmem>>
        %dma_wait3A_489 = tpu.memref_squeeze %dma_wait3A_488 : memref<1x80xi32, #tpu.memory_space<vmem>> -> memref<80xi32, #tpu.memory_space<vmem>>
        %dma_wait3A_490 = arith.constant 0 : i32
        %dma_wait3A_491 = arith.constant 0 : i32
        %dma_wait3A_492 = tpu.memref_slice %arg9[%dma_wait3A_490, %dma_wait3A_491] : memref<5128x128xf32, #tpu.memory_space<vmem_shared>> -> memref<5128x128xf32, #tpu.memory_space<vmem_shared>>
        tpu.wait_indirect_dma semaphore(%arg17 : memref<!tpu.dma_semaphore, #tpu.memory_space<semaphore_mem>>) src(%dma_wait3A_486 : memref<80x128xf32, #tpu.memory_space<vmem>>) dst(%dma_wait3A_492 : memref<5128x128xf32, #tpu.memory_space<vmem_shared>>)
        %add3A_493 = arith.constant 5 : i32
        %add3A_494 = arith.addi %mul3A_232, %add3A_493 : i32
        %add3A_495 = arith.constant 2 : i32
        %add3A_496 = arith.addi %add3A_494, %add3A_495 : i32
        %scan3A_497 = arith.constant 0 : i32
        %scan3A_498 = arith.constant 0 : i32
        %scan3A_499 = arith.constant 5 : i32
        %scan3A_500 = arith.addi %scan3A_498, %scan3A_499 : i32
        %scan3A_501 = arith.constant 1 : i32
        %scan3A_502 = scf.for %scan3A_586 = %scan3A_498 to %scan3A_500 step %scan3A_501 iter_args(%scan3A_587 = %scan3A_497) -> (i32)  : i32 {
          %mul3A_588 = arith.constant 16 : i32
          %mul3A_589 = arith.muli %scan3A_586, %mul3A_588 : i32
          %get3A = arith.index_cast %add3A_496 : i32 to index
          %get3A_590 = arith.index_cast %mul3A_589 : i32 to index
          %get3A_591 = tpu.vector_load %arg5[%get3A, %get3A_590] {strides = array<i32>} : memref<250x80xi32, #tpu.memory_space<vmem>>, vector<16xi32>,
          %shift_right_arithmetic3A = arith.constant 14 : i32
          %shift_right_arithmetic3A_592 = vector.broadcast %shift_right_arithmetic3A : i32 to vector<16xi32>
          %shift_right_arithmetic3A_593 = arith.shrsi %get3A_591, %shift_right_arithmetic3A_592 : vector<16xi32>
          %sub3A = vector.broadcast %mul3A_0 : i32 to vector<16xi32>
          %sub3A_594 = arith.subi %shift_right_arithmetic3A_593, %sub3A : vector<16xi32>
          %ge3A = arith.constant 0 : i32
          %ge3A_595 = vector.broadcast %ge3A : i32 to vector<16xi32>
          %ge3A_596 = arith.cmpi sge, %sub3A_594, %ge3A_595 : vector<16xi32>
          %lt3A_597 = arith.constant 5120 : i32
          %lt3A_598 = vector.broadcast %lt3A_597 : i32 to vector<16xi32>
          %lt3A_599 = arith.cmpi slt, %sub3A_594, %lt3A_598 : vector<16xi32>
          %and3A = arith.andi %ge3A_596, %lt3A_599 : vector<16xi1>
          %jit3A = arith.constant 5120 : i32
          %broadcast_in_dim3A_600 = vector.broadcast %jit3A : i32 to vector<16xi32>
          %select_n3A = arith.select %and3A, %sub3A_594, %broadcast_in_dim3A_600 : vector<16xi1>, vector<16xi32>
          %mul3A_601 = arith.constant 16 : i32
          %mul3A_602 = arith.muli %scan3A_586, %mul3A_601 : i32
          %swap3A = arith.constant 2 : i32
          %swap3A_603 = arith.index_cast %swap3A : i32 to index
          %swap3A_604 = arith.index_cast %mul3A_602 : i32 to index
          %swap3A_605 = tpu.vector_load %arg7[%swap3A_603, %swap3A_604] {strides = array<i32>} : memref<5x80xi32, #tpu.memory_space<vmem>>, vector<16xi32>,
          tpu.vector_store %arg7[%swap3A_603, %swap3A_604], %select_n3A {strides = array<i32>} : memref<5x80xi32, #tpu.memory_space<vmem>>, vector<16xi32>,
          %scan3A_606 = arith.constant 0 : i32
          scf.yield %scan3A_606 : i32
        }
        %scan3A_503 = arith.constant 5 : i32
        %dma_start3A_504 = arith.constant 2 : i32
        %dma_start3A_505 = arith.constant 2 : i32
        %dma_start3A_506 = arith.constant 0 : i32
        %dma_start3A_507 = arith.constant 0 : i32
        %dma_start3A_508 = tpu.memref_slice %arg8[%dma_start3A_505, %dma_start3A_506, %dma_start3A_507] : memref<5x80x128xf32, #tpu.memory_space<vmem>> -> memref<1x80x128xf32, #tpu.memory_space<vmem>>
        %dma_start3A_509 = tpu.memref_squeeze %dma_start3A_508 : memref<1x80x128xf32, #tpu.memory_space<vmem>> -> memref<80x128xf32, #tpu.memory_space<vmem>>
        %dma_start3A_510 = arith.constant 0 : i32
        %dma_start3A_511 = tpu.memref_slice %arg6[%dma_start3A_504, %dma_start3A_510] : memref<5x80xi32, #tpu.memory_space<vmem>> -> memref<1x80xi32, #tpu.memory_space<vmem>>
        %dma_start3A_512 = tpu.memref_squeeze %dma_start3A_511 : memref<1x80xi32, #tpu.memory_space<vmem>> -> memref<80xi32, #tpu.memory_space<vmem>>
        %dma_start3A_513 = arith.constant 0 : i32
        %dma_start3A_514 = arith.constant 0 : i32
        %dma_start3A_515 = tpu.memref_slice %arg2[%dma_start3A_513, %dma_start3A_514] : memref<10240x128xf32, #tpu.memory_space<hbm>> -> memref<10240x128xf32, #tpu.memory_space<hbm>>
        tpu.enqueue_indirect_dma source(%dma_start3A_515 : memref<10240x128xf32, #tpu.memory_space<hbm>>) target(%dma_start3A_509 : memref<80x128xf32, #tpu.memory_space<vmem>>) offsets(%dma_start3A_512 : memref<80xi32, #tpu.memory_space<vmem>>) semaphore(%arg12 : memref<!tpu.dma_semaphore, #tpu.memory_space<semaphore_mem>>)
        %dma_wait3A_516 = arith.constant 3 : i32
        %dma_wait3A_517 = arith.constant 3 : i32
        %dma_wait3A_518 = arith.constant 0 : i32
        %dma_wait3A_519 = arith.constant 0 : i32
        %dma_wait3A_520 = tpu.memref_slice %arg8[%dma_wait3A_516, %dma_wait3A_518, %dma_wait3A_519] : memref<5x80x128xf32, #tpu.memory_space<vmem>> -> memref<1x80x128xf32, #tpu.memory_space<vmem>>
        %dma_wait3A_521 = tpu.memref_squeeze %dma_wait3A_520 : memref<1x80x128xf32, #tpu.memory_space<vmem>> -> memref<80x128xf32, #tpu.memory_space<vmem>>
        %dma_wait3A_522 = arith.constant 0 : i32
        %dma_wait3A_523 = tpu.memref_slice %arg7[%dma_wait3A_517, %dma_wait3A_522] : memref<5x80xi32, #tpu.memory_space<vmem>> -> memref<1x80xi32, #tpu.memory_space<vmem>>
        %dma_wait3A_524 = tpu.memref_squeeze %dma_wait3A_523 : memref<1x80xi32, #tpu.memory_space<vmem>> -> memref<80xi32, #tpu.memory_space<vmem>>
        %dma_wait3A_525 = arith.constant 0 : i32
        %dma_wait3A_526 = arith.constant 0 : i32
        %dma_wait3A_527 = tpu.memref_slice %arg9[%dma_wait3A_525, %dma_wait3A_526] : memref<5128x128xf32, #tpu.memory_space<vmem_shared>> -> memref<5128x128xf32, #tpu.memory_space<vmem_shared>>
        tpu.wait_indirect_dma semaphore(%arg18 : memref<!tpu.dma_semaphore, #tpu.memory_space<semaphore_mem>>) src(%dma_wait3A_521 : memref<80x128xf32, #tpu.memory_space<vmem>>) dst(%dma_wait3A_527 : memref<5128x128xf32, #tpu.memory_space<vmem_shared>>)
        %add3A_528 = arith.constant 5 : i32
        %add3A_529 = arith.addi %mul3A_232, %add3A_528 : i32
        %add3A_530 = arith.constant 3 : i32
        %add3A_531 = arith.addi %add3A_529, %add3A_530 : i32
        %scan3A_532 = arith.constant 0 : i32
        %scan3A_533 = arith.constant 0 : i32
        %scan3A_534 = arith.constant 5 : i32
        %scan3A_535 = arith.addi %scan3A_533, %scan3A_534 : i32
        %scan3A_536 = arith.constant 1 : i32
        %scan3A_537 = scf.for %scan3A_586 = %scan3A_533 to %scan3A_535 step %scan3A_536 iter_args(%scan3A_587 = %scan3A_532) -> (i32)  : i32 {
          %mul3A_588 = arith.constant 16 : i32
          %mul3A_589 = arith.muli %scan3A_586, %mul3A_588 : i32
          %get3A = arith.index_cast %add3A_531 : i32 to index
          %get3A_590 = arith.index_cast %mul3A_589 : i32 to index
          %get3A_591 = tpu.vector_load %arg5[%get3A, %get3A_590] {strides = array<i32>} : memref<250x80xi32, #tpu.memory_space<vmem>>, vector<16xi32>,
          %shift_right_arithmetic3A = arith.constant 14 : i32
          %shift_right_arithmetic3A_592 = vector.broadcast %shift_right_arithmetic3A : i32 to vector<16xi32>
          %shift_right_arithmetic3A_593 = arith.shrsi %get3A_591, %shift_right_arithmetic3A_592 : vector<16xi32>
          %sub3A = vector.broadcast %mul3A_0 : i32 to vector<16xi32>
          %sub3A_594 = arith.subi %shift_right_arithmetic3A_593, %sub3A : vector<16xi32>
          %ge3A = arith.constant 0 : i32
          %ge3A_595 = vector.broadcast %ge3A : i32 to vector<16xi32>
          %ge3A_596 = arith.cmpi sge, %sub3A_594, %ge3A_595 : vector<16xi32>
          %lt3A_597 = arith.constant 5120 : i32
          %lt3A_598 = vector.broadcast %lt3A_597 : i32 to vector<16xi32>
          %lt3A_599 = arith.cmpi slt, %sub3A_594, %lt3A_598 : vector<16xi32>
          %and3A = arith.andi %ge3A_596, %lt3A_599 : vector<16xi1>
          %jit3A = arith.constant 5120 : i32
          %broadcast_in_dim3A_600 = vector.broadcast %jit3A : i32 to vector<16xi32>
          %select_n3A = arith.select %and3A, %sub3A_594, %broadcast_in_dim3A_600 : vector<16xi1>, vector<16xi32>
          %mul3A_601 = arith.constant 16 : i32
          %mul3A_602 = arith.muli %scan3A_586, %mul3A_601 : i32
          %swap3A = arith.constant 3 : i32
          %swap3A_603 = arith.index_cast %swap3A : i32 to index
          %swap3A_604 = arith.index_cast %mul3A_602 : i32 to index
          %swap3A_605 = tpu.vector_load %arg7[%swap3A_603, %swap3A_604] {strides = array<i32>} : memref<5x80xi32, #tpu.memory_space<vmem>>, vector<16xi32>,
          tpu.vector_store %arg7[%swap3A_603, %swap3A_604], %select_n3A {strides = array<i32>} : memref<5x80xi32, #tpu.memory_space<vmem>>, vector<16xi32>,
          %scan3A_606 = arith.constant 0 : i32
          scf.yield %scan3A_606 : i32
        }
        %scan3A_538 = arith.constant 5 : i32
        %dma_start3A_539 = arith.constant 3 : i32
        %dma_start3A_540 = arith.constant 3 : i32
        %dma_start3A_541 = arith.constant 0 : i32
        %dma_start3A_542 = arith.constant 0 : i32
        %dma_start3A_543 = tpu.memref_slice %arg8[%dma_start3A_540, %dma_start3A_541, %dma_start3A_542] : memref<5x80x128xf32, #tpu.memory_space<vmem>> -> memref<1x80x128xf32, #tpu.memory_space<vmem>>
        %dma_start3A_544 = tpu.memref_squeeze %dma_start3A_543 : memref<1x80x128xf32, #tpu.memory_space<vmem>> -> memref<80x128xf32, #tpu.memory_space<vmem>>
        %dma_start3A_545 = arith.constant 0 : i32
        %dma_start3A_546 = tpu.memref_slice %arg6[%dma_start3A_539, %dma_start3A_545] : memref<5x80xi32, #tpu.memory_space<vmem>> -> memref<1x80xi32, #tpu.memory_space<vmem>>
        %dma_start3A_547 = tpu.memref_squeeze %dma_start3A_546 : memref<1x80xi32, #tpu.memory_space<vmem>> -> memref<80xi32, #tpu.memory_space<vmem>>
        %dma_start3A_548 = arith.constant 0 : i32
        %dma_start3A_549 = arith.constant 0 : i32
        %dma_start3A_550 = tpu.memref_slice %arg2[%dma_start3A_548, %dma_start3A_549] : memref<10240x128xf32, #tpu.memory_space<hbm>> -> memref<10240x128xf32, #tpu.memory_space<hbm>>
        tpu.enqueue_indirect_dma source(%dma_start3A_550 : memref<10240x128xf32, #tpu.memory_space<hbm>>) target(%dma_start3A_544 : memref<80x128xf32, #tpu.memory_space<vmem>>) offsets(%dma_start3A_547 : memref<80xi32, #tpu.memory_space<vmem>>) semaphore(%arg13 : memref<!tpu.dma_semaphore, #tpu.memory_space<semaphore_mem>>)
        %dma_wait3A_551 = arith.constant 4 : i32
        %dma_wait3A_552 = arith.constant 4 : i32
        %dma_wait3A_553 = arith.constant 0 : i32
        %dma_wait3A_554 = arith.constant 0 : i32
        %dma_wait3A_555 = tpu.memref_slice %arg8[%dma_wait3A_551, %dma_wait3A_553, %dma_wait3A_554] : memref<5x80x128xf32, #tpu.memory_space<vmem>> -> memref<1x80x128xf32, #tpu.memory_space<vmem>>
        %dma_wait3A_556 = tpu.memref_squeeze %dma_wait3A_555 : memref<1x80x128xf32, #tpu.memory_space<vmem>> -> memref<80x128xf32, #tpu.memory_space<vmem>>
        %dma_wait3A_557 = arith.constant 0 : i32
        %dma_wait3A_558 = tpu.memref_slice %arg7[%dma_wait3A_552, %dma_wait3A_557] : memref<5x80xi32, #tpu.memory_space<vmem>> -> memref<1x80xi32, #tpu.memory_space<vmem>>
        %dma_wait3A_559 = tpu.memref_squeeze %dma_wait3A_558 : memref<1x80xi32, #tpu.memory_space<vmem>> -> memref<80xi32, #tpu.memory_space<vmem>>
        %dma_wait3A_560 = arith.constant 0 : i32
        %dma_wait3A_561 = arith.constant 0 : i32
        %dma_wait3A_562 = tpu.memref_slice %arg9[%dma_wait3A_560, %dma_wait3A_561] : memref<5128x128xf32, #tpu.memory_space<vmem_shared>> -> memref<5128x128xf32, #tpu.memory_space<vmem_shared>>
        tpu.wait_indirect_dma semaphore(%arg19 : memref<!tpu.dma_semaphore, #tpu.memory_space<semaphore_mem>>) src(%dma_wait3A_556 : memref<80x128xf32, #tpu.memory_space<vmem>>) dst(%dma_wait3A_562 : memref<5128x128xf32, #tpu.memory_space<vmem_shared>>)
        %add3A_563 = arith.constant 5 : i32
        %add3A_564 = arith.addi %mul3A_232, %add3A_563 : i32
        %add3A_565 = arith.constant 4 : i32
        %add3A_566 = arith.addi %add3A_564, %add3A_565 : i32
        %scan3A_567 = arith.constant 0 : i32
        %scan3A_568 = arith.constant 0 : i32
        %scan3A_569 = arith.constant 5 : i32
        %scan3A_570 = arith.addi %scan3A_568, %scan3A_569 : i32
        %scan3A_571 = arith.constant 1 : i32
        %scan3A_572 = scf.for %scan3A_586 = %scan3A_568 to %scan3A_570 step %scan3A_571 iter_args(%scan3A_587 = %scan3A_567) -> (i32)  : i32 {
          %mul3A_588 = arith.constant 16 : i32
          %mul3A_589 = arith.muli %scan3A_586, %mul3A_588 : i32
          %get3A = arith.index_cast %add3A_566 : i32 to index
          %get3A_590 = arith.index_cast %mul3A_589 : i32 to index
          %get3A_591 = tpu.vector_load %arg5[%get3A, %get3A_590] {strides = array<i32>} : memref<250x80xi32, #tpu.memory_space<vmem>>, vector<16xi32>,
          %shift_right_arithmetic3A = arith.constant 14 : i32
          %shift_right_arithmetic3A_592 = vector.broadcast %shift_right_arithmetic3A : i32 to vector<16xi32>
          %shift_right_arithmetic3A_593 = arith.shrsi %get3A_591, %shift_right_arithmetic3A_592 : vector<16xi32>
          %sub3A = vector.broadcast %mul3A_0 : i32 to vector<16xi32>
          %sub3A_594 = arith.subi %shift_right_arithmetic3A_593, %sub3A : vector<16xi32>
          %ge3A = arith.constant 0 : i32
          %ge3A_595 = vector.broadcast %ge3A : i32 to vector<16xi32>
          %ge3A_596 = arith.cmpi sge, %sub3A_594, %ge3A_595 : vector<16xi32>
          %lt3A_597 = arith.constant 5120 : i32
          %lt3A_598 = vector.broadcast %lt3A_597 : i32 to vector<16xi32>
          %lt3A_599 = arith.cmpi slt, %sub3A_594, %lt3A_598 : vector<16xi32>
          %and3A = arith.andi %ge3A_596, %lt3A_599 : vector<16xi1>
          %jit3A = arith.constant 5120 : i32
          %broadcast_in_dim3A_600 = vector.broadcast %jit3A : i32 to vector<16xi32>
          %select_n3A = arith.select %and3A, %sub3A_594, %broadcast_in_dim3A_600 : vector<16xi1>, vector<16xi32>
          %mul3A_601 = arith.constant 16 : i32
          %mul3A_602 = arith.muli %scan3A_586, %mul3A_601 : i32
          %swap3A = arith.constant 4 : i32
          %swap3A_603 = arith.index_cast %swap3A : i32 to index
          %swap3A_604 = arith.index_cast %mul3A_602 : i32 to index
          %swap3A_605 = tpu.vector_load %arg7[%swap3A_603, %swap3A_604] {strides = array<i32>} : memref<5x80xi32, #tpu.memory_space<vmem>>, vector<16xi32>,
          tpu.vector_store %arg7[%swap3A_603, %swap3A_604], %select_n3A {strides = array<i32>} : memref<5x80xi32, #tpu.memory_space<vmem>>, vector<16xi32>,
          %scan3A_606 = arith.constant 0 : i32
          scf.yield %scan3A_606 : i32
        }
        %scan3A_573 = arith.constant 5 : i32
        %dma_start3A_574 = arith.constant 4 : i32
        %dma_start3A_575 = arith.constant 4 : i32
        %dma_start3A_576 = arith.constant 0 : i32
        %dma_start3A_577 = arith.constant 0 : i32
        %dma_start3A_578 = tpu.memref_slice %arg8[%dma_start3A_575, %dma_start3A_576, %dma_start3A_577] : memref<5x80x128xf32, #tpu.memory_space<vmem>> -> memref<1x80x128xf32, #tpu.memory_space<vmem>>
        %dma_start3A_579 = tpu.memref_squeeze %dma_start3A_578 : memref<1x80x128xf32, #tpu.memory_space<vmem>> -> memref<80x128xf32, #tpu.memory_space<vmem>>
        %dma_start3A_580 = arith.constant 0 : i32
        %dma_start3A_581 = tpu.memref_slice %arg6[%dma_start3A_574, %dma_start3A_580] : memref<5x80xi32, #tpu.memory_space<vmem>> -> memref<1x80xi32, #tpu.memory_space<vmem>>
        %dma_start3A_582 = tpu.memref_squeeze %dma_start3A_581 : memref<1x80xi32, #tpu.memory_space<vmem>> -> memref<80xi32, #tpu.memory_space<vmem>>
        %dma_start3A_583 = arith.constant 0 : i32
        %dma_start3A_584 = arith.constant 0 : i32
        %dma_start3A_585 = tpu.memref_slice %arg2[%dma_start3A_583, %dma_start3A_584] : memref<10240x128xf32, #tpu.memory_space<hbm>> -> memref<10240x128xf32, #tpu.memory_space<hbm>>
        tpu.enqueue_indirect_dma source(%dma_start3A_585 : memref<10240x128xf32, #tpu.memory_space<hbm>>) target(%dma_start3A_579 : memref<80x128xf32, #tpu.memory_space<vmem>>) offsets(%dma_start3A_582 : memref<80xi32, #tpu.memory_space<vmem>>) semaphore(%arg14 : memref<!tpu.dma_semaphore, #tpu.memory_space<semaphore_mem>>)
      } else {
      }
      %scan3A_355 = arith.constant 0 : i32
      scf.yield %scan3A_355 : i32
    }
    %scan3A_161 = arith.constant 50 : i32
    %dma_wait3A = arith.constant 0 : i32
    %dma_wait3A_162 = arith.constant 0 : i32
    %dma_wait3A_163 = arith.constant 0 : i32
    %dma_wait3A_164 = arith.constant 0 : i32
    %dma_wait3A_165 = tpu.memref_slice %arg8[%dma_wait3A, %dma_wait3A_163, %dma_wait3A_164] : memref<5x80x128xf32, #tpu.memory_space<vmem>> -> memref<1x80x128xf32, #tpu.memory_space<vmem>>
    %dma_wait3A_166 = tpu.memref_squeeze %dma_wait3A_165 : memref<1x80x128xf32, #tpu.memory_space<vmem>> -> memref<80x128xf32, #tpu.memory_space<vmem>>
    %dma_wait3A_167 = arith.constant 0 : i32
    %dma_wait3A_168 = tpu.memref_slice %arg7[%dma_wait3A_162, %dma_wait3A_167] : memref<5x80xi32, #tpu.memory_space<vmem>> -> memref<1x80xi32, #tpu.memory_space<vmem>>
    %dma_wait3A_169 = tpu.memref_squeeze %dma_wait3A_168 : memref<1x80xi32, #tpu.memory_space<vmem>> -> memref<80xi32, #tpu.memory_space<vmem>>
    %dma_wait3A_170 = arith.constant 0 : i32
    %dma_wait3A_171 = arith.constant 0 : i32
    %dma_wait3A_172 = tpu.memref_slice %arg9[%dma_wait3A_170, %dma_wait3A_171] : memref<5128x128xf32, #tpu.memory_space<vmem_shared>> -> memref<5128x128xf32, #tpu.memory_space<vmem_shared>>
    tpu.wait_indirect_dma semaphore(%arg15 : memref<!tpu.dma_semaphore, #tpu.memory_space<semaphore_mem>>) src(%dma_wait3A_166 : memref<80x128xf32, #tpu.memory_space<vmem>>) dst(%dma_wait3A_172 : memref<5128x128xf32, #tpu.memory_space<vmem_shared>>)
    %dma_wait3A_173 = arith.constant 1 : i32
    %dma_wait3A_174 = arith.constant 1 : i32
    %dma_wait3A_175 = arith.constant 0 : i32
    %dma_wait3A_176 = arith.constant 0 : i32
    %dma_wait3A_177 = tpu.memref_slice %arg8[%dma_wait3A_173, %dma_wait3A_175, %dma_wait3A_176] : memref<5x80x128xf32, #tpu.memory_space<vmem>> -> memref<1x80x128xf32, #tpu.memory_space<vmem>>
    %dma_wait3A_178 = tpu.memref_squeeze %dma_wait3A_177 : memref<1x80x128xf32, #tpu.memory_space<vmem>> -> memref<80x128xf32, #tpu.memory_space<vmem>>
    %dma_wait3A_179 = arith.constant 0 : i32
    %dma_wait3A_180 = tpu.memref_slice %arg7[%dma_wait3A_174, %dma_wait3A_179] : memref<5x80xi32, #tpu.memory_space<vmem>> -> memref<1x80xi32, #tpu.memory_space<vmem>>
    %dma_wait3A_181 = tpu.memref_squeeze %dma_wait3A_180 : memref<1x80xi32, #tpu.memory_space<vmem>> -> memref<80xi32, #tpu.memory_space<vmem>>
    %dma_wait3A_182 = arith.constant 0 : i32
    %dma_wait3A_183 = arith.constant 0 : i32
    %dma_wait3A_184 = tpu.memref_slice %arg9[%dma_wait3A_182, %dma_wait3A_183] : memref<5128x128xf32, #tpu.memory_space<vmem_shared>> -> memref<5128x128xf32, #tpu.memory_space<vmem_shared>>
    tpu.wait_indirect_dma semaphore(%arg16 : memref<!tpu.dma_semaphore, #tpu.memory_space<semaphore_mem>>) src(%dma_wait3A_178 : memref<80x128xf32, #tpu.memory_space<vmem>>) dst(%dma_wait3A_184 : memref<5128x128xf32, #tpu.memory_space<vmem_shared>>)
    %dma_wait3A_185 = arith.constant 2 : i32
    %dma_wait3A_186 = arith.constant 2 : i32
    %dma_wait3A_187 = arith.constant 0 : i32
    %dma_wait3A_188 = arith.constant 0 : i32
    %dma_wait3A_189 = tpu.memref_slice %arg8[%dma_wait3A_185, %dma_wait3A_187, %dma_wait3A_188] : memref<5x80x128xf32, #tpu.memory_space<vmem>> -> memref<1x80x128xf32, #tpu.memory_space<vmem>>
    %dma_wait3A_190 = tpu.memref_squeeze %dma_wait3A_189 : memref<1x80x128xf32, #tpu.memory_space<vmem>> -> memref<80x128xf32, #tpu.memory_space<vmem>>
    %dma_wait3A_191 = arith.constant 0 : i32
    %dma_wait3A_192 = tpu.memref_slice %arg7[%dma_wait3A_186, %dma_wait3A_191] : memref<5x80xi32, #tpu.memory_space<vmem>> -> memref<1x80xi32, #tpu.memory_space<vmem>>
    %dma_wait3A_193 = tpu.memref_squeeze %dma_wait3A_192 : memref<1x80xi32, #tpu.memory_space<vmem>> -> memref<80xi32, #tpu.memory_space<vmem>>
    %dma_wait3A_194 = arith.constant 0 : i32
    %dma_wait3A_195 = arith.constant 0 : i32
    %dma_wait3A_196 = tpu.memref_slice %arg9[%dma_wait3A_194, %dma_wait3A_195] : memref<5128x128xf32, #tpu.memory_space<vmem_shared>> -> memref<5128x128xf32, #tpu.memory_space<vmem_shared>>
    tpu.wait_indirect_dma semaphore(%arg17 : memref<!tpu.dma_semaphore, #tpu.memory_space<semaphore_mem>>) src(%dma_wait3A_190 : memref<80x128xf32, #tpu.memory_space<vmem>>) dst(%dma_wait3A_196 : memref<5128x128xf32, #tpu.memory_space<vmem_shared>>)
    %dma_wait3A_197 = arith.constant 3 : i32
    %dma_wait3A_198 = arith.constant 3 : i32
    %dma_wait3A_199 = arith.constant 0 : i32
    %dma_wait3A_200 = arith.constant 0 : i32
    %dma_wait3A_201 = tpu.memref_slice %arg8[%dma_wait3A_197, %dma_wait3A_199, %dma_wait3A_200] : memref<5x80x128xf32, #tpu.memory_space<vmem>> -> memref<1x80x128xf32, #tpu.memory_space<vmem>>
    %dma_wait3A_202 = tpu.memref_squeeze %dma_wait3A_201 : memref<1x80x128xf32, #tpu.memory_space<vmem>> -> memref<80x128xf32, #tpu.memory_space<vmem>>
    %dma_wait3A_203 = arith.constant 0 : i32
    %dma_wait3A_204 = tpu.memref_slice %arg7[%dma_wait3A_198, %dma_wait3A_203] : memref<5x80xi32, #tpu.memory_space<vmem>> -> memref<1x80xi32, #tpu.memory_space<vmem>>
    %dma_wait3A_205 = tpu.memref_squeeze %dma_wait3A_204 : memref<1x80xi32, #tpu.memory_space<vmem>> -> memref<80xi32, #tpu.memory_space<vmem>>
    %dma_wait3A_206 = arith.constant 0 : i32
    %dma_wait3A_207 = arith.constant 0 : i32
    %dma_wait3A_208 = tpu.memref_slice %arg9[%dma_wait3A_206, %dma_wait3A_207] : memref<5128x128xf32, #tpu.memory_space<vmem_shared>> -> memref<5128x128xf32, #tpu.memory_space<vmem_shared>>
    tpu.wait_indirect_dma semaphore(%arg18 : memref<!tpu.dma_semaphore, #tpu.memory_space<semaphore_mem>>) src(%dma_wait3A_202 : memref<80x128xf32, #tpu.memory_space<vmem>>) dst(%dma_wait3A_208 : memref<5128x128xf32, #tpu.memory_space<vmem_shared>>)
    %dma_wait3A_209 = arith.constant 4 : i32
    %dma_wait3A_210 = arith.constant 4 : i32
    %dma_wait3A_211 = arith.constant 0 : i32
    %dma_wait3A_212 = arith.constant 0 : i32
    %dma_wait3A_213 = tpu.memref_slice %arg8[%dma_wait3A_209, %dma_wait3A_211, %dma_wait3A_212] : memref<5x80x128xf32, #tpu.memory_space<vmem>> -> memref<1x80x128xf32, #tpu.memory_space<vmem>>
    %dma_wait3A_214 = tpu.memref_squeeze %dma_wait3A_213 : memref<1x80x128xf32, #tpu.memory_space<vmem>> -> memref<80x128xf32, #tpu.memory_space<vmem>>
    %dma_wait3A_215 = arith.constant 0 : i32
    %dma_wait3A_216 = tpu.memref_slice %arg7[%dma_wait3A_210, %dma_wait3A_215] : memref<5x80xi32, #tpu.memory_space<vmem>> -> memref<1x80xi32, #tpu.memory_space<vmem>>
    %dma_wait3A_217 = tpu.memref_squeeze %dma_wait3A_216 : memref<1x80xi32, #tpu.memory_space<vmem>> -> memref<80xi32, #tpu.memory_space<vmem>>
    %dma_wait3A_218 = arith.constant 0 : i32
    %dma_wait3A_219 = arith.constant 0 : i32
    %dma_wait3A_220 = tpu.memref_slice %arg9[%dma_wait3A_218, %dma_wait3A_219] : memref<5128x128xf32, #tpu.memory_space<vmem_shared>> -> memref<5128x128xf32, #tpu.memory_space<vmem_shared>>
    tpu.wait_indirect_dma semaphore(%arg19 : memref<!tpu.dma_semaphore, #tpu.memory_space<semaphore_mem>>) src(%dma_wait3A_214 : memref<80x128xf32, #tpu.memory_space<vmem>>) dst(%dma_wait3A_220 : memref<5128x128xf32, #tpu.memory_space<vmem_shared>>)
    %barrier3A_221 = arith.constant 0 : index
    tpu.barrier barrier_id(%barrier3A_221)
    %mul3A_222 = arith.constant 320 : i32
    %mul3A_223 = arith.muli %arg1, %mul3A_222 : i32
    %mul3A_224 = arith.constant 5120 : i32
    %mul3A_225 = arith.muli %arg0, %mul3A_224 : i32
    %mul3A_226 = arith.constant 320 : i32
    %mul3A_227 = arith.muli %arg1, %mul3A_226 : i32
    %add3A_228 = arith.addi %mul3A_225, %mul3A_227 : i32
    "tpu.region"() ({
      %run_scoped3A_229 = tpu.sem_alloc : memref<!tpu.dma_semaphore, #tpu.memory_space<semaphore_mem>>
      %dma_start3A_230 = arith.constant 0 : i32
      %dma_start3A_231 = tpu.memref_slice %arg4[%add3A_228, %dma_start3A_230] : memref<10240x128xf32, #tpu.memory_space<hbm>> -> memref<320x128xf32, #tpu.memory_space<hbm>>
      %dma_start3A_232 = arith.constant 0 : i32
      %dma_start3A_233 = tpu.memref_slice %arg9[%mul3A_223, %dma_start3A_232] : memref<5128x128xf32, #tpu.memory_space<vmem_shared>> -> memref<320x128xf32, #tpu.memory_space<vmem_shared>>
      tpu.enqueue_dma source(%dma_start3A_233 : memref<320x128xf32, #tpu.memory_space<vmem_shared>>) target(%dma_start3A_231 : memref<320x128xf32, #tpu.memory_space<hbm>>) target_semaphore(%run_scoped3A_229 : memref<!tpu.dma_semaphore, #tpu.memory_space<semaphore_mem>>)
      %dma_wait3A_234 = arith.constant 0 : i32
      %dma_wait3A_235 = tpu.memref_slice %arg4[%add3A_228, %dma_wait3A_234] : memref<10240x128xf32, #tpu.memory_space<hbm>> -> memref<320x128xf32, #tpu.memory_space<hbm>>
      %dma_wait3A_236 = arith.constant 0 : i32
      %dma_wait3A_237 = tpu.memref_slice %arg9[%mul3A_223, %dma_wait3A_236] : memref<5128x128xf32, #tpu.memory_space<vmem_shared>> -> memref<320x128xf32, #tpu.memory_space<vmem_shared>>
      tpu.wait_dma2 semaphore(%run_scoped3A_229 : memref<!tpu.dma_semaphore, #tpu.memory_space<semaphore_mem>>) src(%dma_wait3A_237 : memref<320x128xf32, #tpu.memory_space<vmem_shared>>) dst(%dma_wait3A_235 : memref<320x128xf32, #tpu.memory_space<hbm>>)
      tpu.yield
    }) : () -> ()
    return
  }
}

module attributes {stable_mosaic.version = 14 : i64} {
  func.func @_tc1_body(%arg0: i32, %arg1: memref<1024x128xf32, #tpu.memory_space<vmem>>, %arg2: memref<128x128xf32, #tpu.memory_space<vmem>>, %arg3: memref<1024x1xf32, #tpu.memory_space<vmem>>, %arg4: memref<1024x128xf32, #tpu.memory_space<vmem>>) attributes {dimension_semantics = [#tpu.dimension_semantics<arbitrary>], iteration_bounds = array<i64: 10>, scalar_prefetch = 0 : i64, scratch_operands = 0 : i64, tpu.core_type = #tpu.core_type<tc>, window_params = [{transform_indices = @transform_0, window_bounds = array<i64: 1024, 128>}, {pipeline_mode = #tpu.pipeline_mode<synchronous>, transform_indices = @transform_1, window_bounds = array<i64: 128, 128>}, {transform_indices = @transform_2, window_bounds = array<i64: 1024, 1>}, {transform_indices = @transform_3, window_bounds = array<i64: 1024, 128>}]} {
    %get3A = arith.constant 0 : index
    %get3A_0 = arith.constant 0 : index
    %get3A_1 = vector.load %arg1[%get3A, %get3A_0] : memref<1024x128xf32, #tpu.memory_space<vmem>>, vector<1024x128xf32>
    %get3A_2 = arith.constant 0 : index
    %get3A_3 = arith.constant 0 : index
    %get3A_4 = vector.load %arg2[%get3A_2, %get3A_3] : memref<128x128xf32, #tpu.memory_space<vmem>>, vector<128x128xf32>
    %dot_general3A = arith.constant dense<0.000000e+00> : vector<1024x128xf32>
    %dot_general3A_5 = tpu.matmul %get3A_1, %get3A_4, %dot_general3A {dimension_numbers = #tpu.dot_dimension_numbers<[1], [0], [0], [1], [0, 0, 1, 1], [], []>, transpose_lhs_hint = false} : vector<1024x128xf32>, vector<128x128xf32>, vector<1024x128xf32> -> vector<1024x128xf32>
    %get3A_6 = arith.constant 0 : index
    %get3A_7 = arith.constant 0 : index
    %get3A_8 = vector.load %arg3[%get3A_6, %get3A_7] : memref<1024x1xf32, #tpu.memory_space<vmem>>, vector<1024x1xf32>
    %mul3A = vector.broadcast %get3A_8 : vector<1024x1xf32> to vector<1024x128xf32>
    %mul3A_9 = arith.mulf %mul3A, %dot_general3A_5 : vector<1024x128xf32>
    %swap3A = arith.constant 0 : index
    %swap3A_10 = arith.constant 0 : index
    %swap3A_11 = vector.load %arg4[%swap3A, %swap3A_10] : memref<1024x128xf32, #tpu.memory_space<vmem>>, vector<1024x128xf32>
    tpu.vector_store %arg4[%swap3A, %swap3A_10], %mul3A_9 {strides = array<i32>} : memref<1024x128xf32, #tpu.memory_space<vmem>>, vector<1024x128xf32>,
    return
  }
  func.func @transform_0(%arg0: i32) -> (i32, i32) {
    %c0_i32 = arith.constant 0 : i32
    %c0_i32_0 = arith.constant 0 : i32
    return %arg0, %c0_i32 : i32, i32
  }
  func.func @transform_1(%arg0: i32) -> (i32, i32) {
    %c0_i32 = arith.constant 0 : i32
    %c0_i32_0 = arith.constant 0 : i32
    %c0_i32_1 = arith.constant 0 : i32
    return %c0_i32, %c0_i32_0 : i32, i32
  }
  func.func @transform_2(%arg0: i32) -> (i32, i32) {
    %c0_i32 = arith.constant 0 : i32
    %c0_i32_0 = arith.constant 0 : i32
    return %arg0, %c0_i32 : i32, i32
  }
  func.func @transform_3(%arg0: i32) -> (i32, i32) {
    %c0_i32 = arith.constant 0 : i32
    %c0_i32_0 = arith.constant 0 : i32
    return %arg0, %c0_i32 : i32, i32
  }
}

module attributes {stable_mosaic.version = 14 : i64} {
  func.func @_tc2_body(%arg0: i32, %arg1: memref<1024x128xf32, #tpu.memory_space<vmem>>, %arg2: memref<1024x128xf32, #tpu.memory_space<vmem>>, %arg3: memref<1024x1xf32, #tpu.memory_space<vmem>>, %arg4: memref<1x128xf32, #tpu.memory_space<vmem>>, %arg5: memref<128x128xf32, #tpu.memory_space<vmem>>, %arg6: memref<1024x128xf32, #tpu.memory_space<vmem>>) attributes {dimension_semantics = [#tpu.dimension_semantics<arbitrary>], iteration_bounds = array<i64: 10>, scalar_prefetch = 0 : i64, scratch_operands = 0 : i64, tpu.core_type = #tpu.core_type<tc>, window_params = [{transform_indices = @transform_0, window_bounds = array<i64: 1024, 128>}, {transform_indices = @transform_1, window_bounds = array<i64: 1024, 128>}, {transform_indices = @transform_2, window_bounds = array<i64: 1024, 1>}, {pipeline_mode = #tpu.pipeline_mode<synchronous>, transform_indices = @transform_3, window_bounds = array<i64: 1, 128>}, {pipeline_mode = #tpu.pipeline_mode<synchronous>, transform_indices = @transform_4, window_bounds = array<i64: 128, 128>}, {transform_indices = @transform_5, window_bounds = array<i64: 1024, 128>}]} {
    %get3A = arith.constant 0 : index
    %get3A_0 = arith.constant 0 : index
    %get3A_1 = vector.load %arg1[%get3A, %get3A_0] : memref<1024x128xf32, #tpu.memory_space<vmem>>, vector<1024x128xf32>
    %get3A_2 = arith.constant 0 : index
    %get3A_3 = arith.constant 0 : index
    %get3A_4 = vector.load %arg2[%get3A_2, %get3A_3] : memref<1024x128xf32, #tpu.memory_space<vmem>>, vector<1024x128xf32>
    %add3A = arith.addf %get3A_1, %get3A_4 : vector<1024x128xf32>
    %get3A_5 = arith.constant 0 : index
    %get3A_6 = arith.constant 0 : index
    %get3A_7 = vector.load %arg3[%get3A_5, %get3A_6] : memref<1024x1xf32, #tpu.memory_space<vmem>>, vector<1024x1xf32>
    %mul3A = vector.broadcast %get3A_7 : vector<1024x1xf32> to vector<1024x128xf32>
    %mul3A_8 = arith.mulf %mul3A, %add3A : vector<1024x128xf32>
    %get3A_9 = arith.constant 0 : index
    %get3A_10 = arith.constant 0 : index
    %get3A_11 = vector.load %arg4[%get3A_9, %get3A_10] : memref<1x128xf32, #tpu.memory_space<vmem>>, vector<1x128xf32>
    %add3A_12 = vector.broadcast %get3A_11 : vector<1x128xf32> to vector<1024x128xf32>
    %add3A_13 = arith.addf %mul3A_8, %add3A_12 : vector<1024x128xf32>
    %max3A = arith.constant 0.000000e+00 : f32
    %max3A_14 = vector.broadcast %max3A : f32 to vector<1024x128xf32>
    %max3A_15 = arith.maximumf %add3A_13, %max3A_14 : vector<1024x128xf32>
    %get3A_16 = arith.constant 0 : index
    %get3A_17 = arith.constant 0 : index
    %get3A_18 = vector.load %arg5[%get3A_16, %get3A_17] : memref<128x128xf32, #tpu.memory_space<vmem>>, vector<128x128xf32>
    %dot_general3A = arith.constant dense<0.000000e+00> : vector<1024x128xf32>
    %dot_general3A_19 = tpu.matmul %max3A_15, %get3A_18, %dot_general3A {dimension_numbers = #tpu.dot_dimension_numbers<[1], [0], [0], [1], [0, 0, 1, 1], [], []>, transpose_lhs_hint = false} : vector<1024x128xf32>, vector<128x128xf32>, vector<1024x128xf32> -> vector<1024x128xf32>
    %get3A_20 = arith.constant 0 : index
    %get3A_21 = arith.constant 0 : index
    %get3A_22 = vector.load %arg3[%get3A_20, %get3A_21] : memref<1024x1xf32, #tpu.memory_space<vmem>>, vector<1024x1xf32>
    %mul3A_23 = vector.broadcast %get3A_22 : vector<1024x1xf32> to vector<1024x128xf32>
    %mul3A_24 = arith.mulf %mul3A_23, %dot_general3A_19 : vector<1024x128xf32>
    %swap3A = arith.constant 0 : index
    %swap3A_25 = arith.constant 0 : index
    %swap3A_26 = vector.load %arg6[%swap3A, %swap3A_25] : memref<1024x128xf32, #tpu.memory_space<vmem>>, vector<1024x128xf32>
    tpu.vector_store %arg6[%swap3A, %swap3A_25], %mul3A_24 {strides = array<i32>} : memref<1024x128xf32, #tpu.memory_space<vmem>>, vector<1024x128xf32>,
    return
  }
  func.func @transform_0(%arg0: i32) -> (i32, i32) {
    %c0_i32 = arith.constant 0 : i32
    %c0_i32_0 = arith.constant 0 : i32
    return %arg0, %c0_i32 : i32, i32
  }
  func.func @transform_1(%arg0: i32) -> (i32, i32) {
    %c0_i32 = arith.constant 0 : i32
    %c0_i32_0 = arith.constant 0 : i32
    return %arg0, %c0_i32 : i32, i32
  }
  func.func @transform_2(%arg0: i32) -> (i32, i32) {
    %c0_i32 = arith.constant 0 : i32
    %c0_i32_0 = arith.constant 0 : i32
    return %arg0, %c0_i32 : i32, i32
  }
  func.func @transform_3(%arg0: i32) -> (i32, i32) {
    %c0_i32 = arith.constant 0 : i32
    %c0_i32_0 = arith.constant 0 : i32
    %c0_i32_1 = arith.constant 0 : i32
    return %c0_i32, %c0_i32_0 : i32, i32
  }
  func.func @transform_4(%arg0: i32) -> (i32, i32) {
    %c0_i32 = arith.constant 0 : i32
    %c0_i32_0 = arith.constant 0 : i32
    %c0_i32_1 = arith.constant 0 : i32
    return %c0_i32, %c0_i32_0 : i32, i32
  }
  func.func @transform_5(%arg0: i32) -> (i32, i32) {
    %c0_i32 = arith.constant 0 : i32
    %c0_i32_0 = arith.constant 0 : i32
    return %arg0, %c0_i32 : i32, i32
  }
}

module attributes {stable_mosaic.version = 14 : i64} {
  func.func @_tc3_body(%arg0: i32, %arg1: memref<1024x128xf32, #tpu.memory_space<vmem>>, %arg2: memref<1024x128xf32, #tpu.memory_space<vmem>>, %arg3: memref<1024x1xf32, #tpu.memory_space<vmem>>, %arg4: memref<1x128xf32, #tpu.memory_space<vmem>>, %arg5: memref<1024x128xf32, #tpu.memory_space<vmem>>) attributes {dimension_semantics = [#tpu.dimension_semantics<arbitrary>], iteration_bounds = array<i64: 10>, scalar_prefetch = 0 : i64, scratch_operands = 0 : i64, tpu.core_type = #tpu.core_type<tc>, window_params = [{transform_indices = @transform_0, window_bounds = array<i64: 1024, 128>}, {transform_indices = @transform_1, window_bounds = array<i64: 1024, 128>}, {transform_indices = @transform_2, window_bounds = array<i64: 1024, 1>}, {pipeline_mode = #tpu.pipeline_mode<synchronous>, transform_indices = @transform_3, window_bounds = array<i64: 1, 128>}, {transform_indices = @transform_4, window_bounds = array<i64: 1024, 128>}]} {
    %get3A = arith.constant 0 : index
    %get3A_0 = arith.constant 0 : index
    %get3A_1 = vector.load %arg1[%get3A, %get3A_0] : memref<1024x128xf32, #tpu.memory_space<vmem>>, vector<1024x128xf32>
    %get3A_2 = arith.constant 0 : index
    %get3A_3 = arith.constant 0 : index
    %get3A_4 = vector.load %arg2[%get3A_2, %get3A_3] : memref<1024x128xf32, #tpu.memory_space<vmem>>, vector<1024x128xf32>
    %add3A = arith.addf %get3A_1, %get3A_4 : vector<1024x128xf32>
    %get3A_5 = arith.constant 0 : index
    %get3A_6 = arith.constant 0 : index
    %get3A_7 = vector.load %arg3[%get3A_5, %get3A_6] : memref<1024x1xf32, #tpu.memory_space<vmem>>, vector<1024x1xf32>
    %mul3A = vector.broadcast %get3A_7 : vector<1024x1xf32> to vector<1024x128xf32>
    %mul3A_8 = arith.mulf %mul3A, %add3A : vector<1024x128xf32>
    %get3A_9 = arith.constant 0 : index
    %get3A_10 = arith.constant 0 : index
    %get3A_11 = vector.load %arg4[%get3A_9, %get3A_10] : memref<1x128xf32, #tpu.memory_space<vmem>>, vector<1x128xf32>
    %add3A_12 = vector.broadcast %get3A_11 : vector<1x128xf32> to vector<1024x128xf32>
    %add3A_13 = arith.addf %mul3A_8, %add3A_12 : vector<1024x128xf32>
    %reduce_max3A = arith.constant dense<0xFF800000> : vector<1024xf32>
    %reduce_max3A_14 = vector.multi_reduction <maximumf>, %add3A_13, %reduce_max3A [1] : vector<1024x128xf32> to vector<1024xf32>
    %broadcast_in_dim3A = vector.shape_cast %reduce_max3A_14 : vector<1024xf32> to vector<1024x1xf32>
    %sub3A = vector.broadcast %broadcast_in_dim3A : vector<1024x1xf32> to vector<1024x128xf32>
    %sub3A_15 = arith.subf %add3A_13, %sub3A : vector<1024x128xf32>
    %exp3A = math.exp %sub3A_15 : vector<1024x128xf32>
    %reduce_sum3A = arith.constant dense<0.000000e+00> : vector<1024xf32>
    %reduce_sum3A_16 = vector.multi_reduction <add>, %exp3A, %reduce_sum3A [1] : vector<1024x128xf32> to vector<1024xf32>
    %broadcast_in_dim3A_17 = vector.shape_cast %reduce_sum3A_16 : vector<1024xf32> to vector<1024x1xf32>
    %log3A = math.log %broadcast_in_dim3A_17 : vector<1024x1xf32>
    %add3A_18 = arith.addf %log3A, %broadcast_in_dim3A : vector<1024x1xf32>
    %sub3A_19 = vector.broadcast %add3A_18 : vector<1024x1xf32> to vector<1024x128xf32>
    %sub3A_20 = arith.subf %add3A_13, %sub3A_19 : vector<1024x128xf32>
    %swap3A = arith.constant 0 : index
    %swap3A_21 = arith.constant 0 : index
    %swap3A_22 = vector.load %arg5[%swap3A, %swap3A_21] : memref<1024x128xf32, #tpu.memory_space<vmem>>, vector<1024x128xf32>
    tpu.vector_store %arg5[%swap3A, %swap3A_21], %sub3A_20 {strides = array<i32>} : memref<1024x128xf32, #tpu.memory_space<vmem>>, vector<1024x128xf32>,
    return
  }
  func.func @transform_0(%arg0: i32) -> (i32, i32) {
    %c0_i32 = arith.constant 0 : i32
    %c0_i32_0 = arith.constant 0 : i32
    return %arg0, %c0_i32 : i32, i32
  }
  func.func @transform_1(%arg0: i32) -> (i32, i32) {
    %c0_i32 = arith.constant 0 : i32
    %c0_i32_0 = arith.constant 0 : i32
    return %arg0, %c0_i32 : i32, i32
  }
  func.func @transform_2(%arg0: i32) -> (i32, i32) {
    %c0_i32 = arith.constant 0 : i32
    %c0_i32_0 = arith.constant 0 : i32
    return %arg0, %c0_i32 : i32, i32
  }
  func.func @transform_3(%arg0: i32) -> (i32, i32) {
    %c0_i32 = arith.constant 0 : i32
    %c0_i32_0 = arith.constant 0 : i32
    %c0_i32_1 = arith.constant 0 : i32
    return %c0_i32, %c0_i32_0 : i32, i32
  }
  func.func @transform_4(%arg0: i32) -> (i32, i32) {
    %c0_i32 = arith.constant 0 : i32
    %c0_i32_0 = arith.constant 0 : i32
    return %arg0, %c0_i32 : i32, i32
  }
}

</mosaic_0001>

<sc_bundles>
// kernel: kernel.11.cloned.1.call-start
scs
__scs_entry_jumppad:
0x0: {  	(pc) =	sbr.rel $0x88, $3  }
0x1: {  	(tag) =	ssettag $0x0;
	lr =	simm.s32 $0x1  }
0x2: {  	[smem:$0x3F9B] =	sst lr;
	_ =	strace $0xD0000000  }
0x3: {  	_ = 	snop  }
0x4: {  	_ = 	snop  }
0x5: {  	_ = 	snop  }
0x6: {  	_ = 	snop  }
0x7: {  	_ = 	snop  }
__scs_overlays_trampoline_lowered:
0x8: {  	[smem:$0x3FAA] =	sst s0  }
0x9: {  	[smem:$0x3FAB] =	sst s1  }
0xa: {  	[smem:$0x3FAC] =	sst s2  }
0xb: {  	[smem:$0x3FAD] =	sst s3  }
0xc: {  	[smem:$0x3FAE] =	sst s4  }
0xd: {  	[smem:$0x3FAF] =	sst s5  }
0xe: {  	[smem:$0x3FB0] =	sst s6  }
0xf: {  	[smem:$0x3FB1] =	sst s7  }
0x10: {  	[smem:$0x3FB2] =	sst s8  }
0x11: {  	[smem:$0x3FB3] =	sst s9;
	s0 =	simm.s32 @!p0 $0x0  }
0x12: {  	s1 =	sld [smem:$0x3F99];
	s0 =	simm.s32 @p0 $0x1  }
0x13: {  	[smem:$0x3FB4] =	sst s0;
	s0 =	simm.s32 @!p1 $0x0  }
0x14: {  	s2 =	sld [smem:$0x3F98];
	s0 =	simm.s32 @p1 $0x1  }
0x15: {  	[smem:$0x3FB5] =	sst s0;
	s0 =	simm.s32 @!p2 $0x0  }
0x16: {  	s3 =	sld [smem:$0x3FDB];
	s0 =	simm.s32 @p2 $0x1  }
0x17: {  	s4 =	simm.s32 $0x1BF5;
	[smem:$0x3FB7] =	sst s0  }
0x18: {  	s0 =	sld [smem:$0x3F9A];
	_ =	swait.ge [sflag:s4], $0x0  }
0x19: {  	s7 =	sld [smem:$0x3F9B]  }
0x1a: {  	s8 =	sadd.s32 $0xFFFFE003, lr  }
0x1b: {  	s9 =	sadd.s32 $0xFFFFFEF7, lr;
	s5 =	simm.s32 $0xFFFFFFFF;
	p2 =	slt.u32 s8, $0xFFFFF086  }
0x1c: {  	p1 =	slt.u32 s9, $0xF7A;
	s5 =	simm.s32 @!p2 $0x0  }
0x1d: {  	s5 =	simm.s32 @p1 $0x1;
	p0 =	seq.s32 s7, s2  }
0x1e: {  	s7 =	smul.u32 @!p0 $0xF7A, s2;
	p2 =	seq.s32 @!p0 s5, $0x0  }
0x1f: {  	s9 =	smul.u32 $0xF7A, s1;
	s8 =	simm.s32 @!p0 $0x1BF5;
	p2 =	por !p2, p0  }
0x20: {  	[sflag:s8] =	ssyncset.s32 @!p0 $0xFFFFF086;
	s6 =	sadd.s32 @!p0 s3, s7;
	s7 =	simm.s32 @!p0 $0x108  }
0x21: {  	s3 =	sadd.s32 s3, s9;
	s6 =	sadd.s32 @!p0 $0x88, s6;
	s7 =	simm.s32 @p2 $0x1082  }
0x22: {  	[simem:s7], [sflag:s8] =	dma.local @!p0 [hbm:s6], $0xF7A  }
0x23: {  	s9 =	sor.u32 $0xD0000000, s2;
	s6 =	simm.s32 $0x108;
	_ =	swait.ge @!p0 [sflag:s8], $0x0  }
0x24: {  	s3 =	sadd.s32 $0x88, s3;
	s6 =	simm.s32 @!p1 $0x1082;
	[sflag:s4] =	ssyncset.s32 $0xFFFFF086  }
0x25: {  	[simem:s6], [sflag:s4] =	dma.local [hbm:s3], $0xF7A  }
0x26: {  	[smem:$0x3F9B] =	sst s1;
	(tag) =	ssettag s2;
	_ =	strace s9  }
0x27: {  	s1 =	sld [smem:$0x3FAB]  }
0x28: {  	s2 =	sld [smem:$0x3FAC]  }
0x29: {  	s4 =	sld [smem:$0x3FAE]  }
0x2a: {  	p0 =	seq.s32 s5, $0x0;
	s5 =	sld [smem:$0x3FAF]  }
0x2b: {  	s6 =	sld [smem:$0x3FB0]  }
0x2c: {  	s7 =	sld [smem:$0x3FB1]  }
0x2d: {  	s3 =	simm.s32 $0x108;
	s8 =	sld [smem:$0x3FB2]  }
0x2e: {  	s3 =	simm.s32 @!p0 $0x1082;
	s9 =	sld [smem:$0x3FB3]  }
0x2f: {  	lr =	sadd.s32 s0, s3;
	s0 =	sld [smem:$0x3FAA]  }
0x30: {  	s3 =	sld [smem:$0x3FAD]  }
0x31: {  	[smem:$0x3FB6] =	sst s10  }
0x32: {  	s10 =	sld [smem:$0x3FB4];
	_ =	sdelay $0x3  }
0x33: {  	p0 =	seq.s32 s10, $0x1;
	s10 =	sld [smem:$0x3FB6];
	_ =	sdelay $0x3  }
0x34: {  	[smem:$0x3FB6] =	sst s10  }
0x35: {  	s10 =	sld [smem:$0x3FB5];
	_ =	sdelay $0x3  }
0x36: {  	p1 =	seq.s32 s10, $0x1;
	s10 =	sld [smem:$0x3FB6];
	_ =	sdelay $0x3  }
0x37: {  	[smem:$0x3FB6] =	sst s10  }
0x38: {  	s10 =	sld [smem:$0x3FB7]  }
0x39: {  	_ = 	snop;
	(pc) =	sbr.ind lr, $3  }
0x3a: {  	_ = 	snop  }
0x3b: {  	_ = 	snop  }
0x3c: {  	p2 =	seq.s32 s10, $0x1;
	s10 =	sld [smem:$0x3FB6]  }
0x3d: {  	_ =	shalt  }
0x3e: {  	_ =	shalt  }
0x3f: {  	_ =	shalt  }
0x40: {  	_ =	shalt  }
0x41: {  	_ =	shalt  }
0x42: {  	_ =	shalt  }
0x43: {  	_ =	shalt  }
0x44: {  	_ =	shalt  }
0x45: {  	_ =	shalt  }
0x46: {  	_ =	shalt  }
0x47: {  	_ =	shalt  }
0x48: {  	_ =	shalt  }
0x49: {  	_ =	shalt  }
0x4a: {  	_ =	shalt  }
0x4b: {  	_ =	shalt  }
0x4c: {  	_ =	shalt  }
0x4d: {  	_ =	shalt  }
0x4e: {  	_ =	shalt  }
0x4f: {  	_ =	shalt  }
0x50: {  	_ =	shalt  }
0x51: {  	_ =	shalt  }
0x52: {  	_ =	shalt  }
0x53: {  	_ =	shalt  }
0x54: {  	_ =	shalt  }
0x55: {  	_ =	shalt  }
0x56: {  	_ =	shalt  }
0x57: {  	_ =	shalt  }
0x58: {  	_ =	shalt  }
0x59: {  	_ =	shalt  }
0x5a: {  	_ =	shalt  }
0x5b: {  	_ =	shalt  }
0x5c: {  	_ =	shalt  }
0x5d: {  	_ =	shalt  }
0x5e: {  	_ =	shalt  }
0x5f: {  	_ =	shalt  }
0x60: {  	_ =	shalt  }
0x61: {  	_ =	shalt  }
0x62: {  	_ =	shalt  }
0x63: {  	_ =	shalt  }
0x64: {  	_ =	shalt  }
0x65: {  	_ =	shalt  }
0x66: {  	_ =	shalt  }
0x67: {  	_ =	shalt  }
0x68: {  	_ =	shalt  }
0x69: {  	_ =	shalt  }
0x6a: {  	_ =	shalt  }
0x6b: {  	_ =	shalt  }
0x6c: {  	_ =	shalt  }
0x6d: {  	_ =	shalt  }
0x6e: {  	_ =	shalt  }
0x6f: {  	_ =	shalt  }
0x70: {  	_ =	shalt  }
0x71: {  	_ =	shalt  }
0x72: {  	_ =	shalt  }
0x73: {  	_ =	shalt  }
0x74: {  	_ =	shalt  }
0x75: {  	_ =	shalt  }
0x76: {  	_ =	shalt  }
0x77: {  	_ =	shalt  }
0x78: {  	_ =	shalt  }
0x79: {  	_ =	shalt  }
0x7a: {  	_ =	shalt  }
0x7b: {  	_ =	shalt  }
0x7c: {  	_ =	shalt  }
0x7d: {  	_ =	shalt  }
0x7e: {  	_ =	shalt  }
0x7f: {  	_ =	shalt  }
0x80: {  	_ =	shalt  }
0x81: {  	_ =	shalt  }
0x82: {  	_ =	shalt  }
0x83: {  	_ =	shalt  }
0x84: {  	_ =	shalt  }
0x85: {  	_ =	shalt  }
0x86: {  	_ =	shalt  }
0x87: {  	_ =	shalt  }
.Lfunc_end0:
.L_simem_size_0:
called_computation.1_lowered:
.L_overlay_start_0:
0x88: {  	s2 =	sld [smem:$0x3FD9]  }
0x89: {  	s3 =	sld [smem:$0x3FFE];
	_ =	sdelay $0x1  }
0x8a: {  	s1 =	srdreg.scid  }
0x8b: {  	s0 =	sand.u32 $0x1, s1  }
0x8c: {  	s17 =	sshll.u32 s0, $0xA;
	s2 =	sadd.s32 s3, s2  }
0x8d: {  	s2 =	sadd.s32 s2, s17  }
0x8e: {  	[smem:$0x3FC2] =	sst s2  }
0x8f: {  	_ = 	snop  }
0x90: {  	s2 =	sld [smem:$0x3FD0];
	(tm) =	ssettm $0x1  }
0x91: {  	s18 =	sld [smem:$0x3FFB];
	_ =	sdelay $0x3  }
0x92: {  	_ =	strace s18  }
0x93: {  	s3 =	sld [smem:$0x3FFC];
	_ =	sdelay $0x3  }
0x94: {  	_ =	strace s3  }
0x95: {  	s3 =	sld [smem:$0x3FFD];
	_ =	sdelay $0x3  }
0x96: {  	_ =	strace s3  }
0x97: {  	_ =	strace $0x8FFFFFFF  }
0x98: {  	s19 =	sld [smem:$0x3FDB];
	_ =	sdelay $0x1  }
0x99: {  	s4 =	simm.s32 $_scs_section_size  }
0x9a: {  	s5 =	simm.s32 $_size__tile_overlayer_lowered;
	s6 =	simm.s32 $_tile_overlayer_lowered  }
0x9b: {  	s22 =	simm.s32 $0x1BFF;
	s21 =	sshll.u32 s6, $0x1;
	s3 =	sadd.s32 s4, s19  }
0x9c: {  	s7 =	simm.s32 $0x0;
	s20 =	sshll.u32 s5, $0x1;
	s5 =	sadd.s32 s21, s3  }
0x9d: {  	[timem:s7], [sflag:s22] =	dma.local [hbm:s5], s20  }
0x9e: {  	_ =	swait.ge [sflag:s22], s20  }
0x9f: {  	s4 =	ssub.s32 $0x0, s20;
	[sflag:s22] =	ssyncset.done $0x0  }
0xa0: {  	[sflag:s22] =	ssyncadd.s32 s4;
	_ =	sdelay $0x1  }
0xa1: {  	s23 =	simm.s32 $0x1B8B  }
0xa2: {  	_ =	swait.ge [sflag:s23], $0x1  }
0xa3: {  	[sflag:s23] =	ssyncset.done $0x0  }
0xa4: {  	s25 =	simm.s32 $0x1B8E;
	s24 =	sld [smem:$0x3FFE];
	[sflag:s23] =	ssyncadd.s32 $0xFFFFFFFF  }
0xa5: {  	s26 =	simm.s32 $execute0_lowered;
	[smem:$0x3FD2] =	sst s25  }
0xa6: {  	s5 =	sshll.u32 s26, $0x1;
	_ =	strace $0x80000049;
	[dreg:$0x1] =	wrdreg $0xFFFFFFFF  }
0xa7: {  	s28 =	simm.s32 $_size_execute0_lowered;
	s3 =	sadd.s32 s3, s5;
	[dreg:$0x0] =	wrdreg $0x0  }
0xa8: {  	s5 =	sshll.u32 s28, $0x1;
	[dreg:$0x2] =	wrdreg s3  }
0xa9: {  	[dreg:$0x3] =	wrdreg s5  }
0xaa: {  	[dreg:$0x4] =	wrdreg $0xC0  }
0xab: {  	_ =	task [dreg:s7], $0x5FFFF  }
0xac: {  	[dreg:$0x1] =	wrdreg $0xFFFFFFFF  }
0xad: {  	[dreg:$0x0] =	wrdreg $0x60  }
0xae: {  	[dreg:$0x2] =	wrdreg s24  }
0xaf: {  	[dreg:$0x3] =	wrdreg s2  }
0xb0: {  	[dreg:$0x4] =	wrdreg $0x150000  }
0xb1: {  	[dreg:$0x5] =	wrdreg $0x9  }
0xb2: {  	_ =	task.clear_ibuf [dreg:s7], $0x6FFFF;
	_ =	strace $0x90000049  }
0xb3: {  	s29 =	simm.s32 $0x9;
	_ =	strace $0x8000004B  }
0xb4: {  	_ =	swait.ge [sflag:s29], $0x1  }
0xb5: {  	[sflag:s29] =	ssyncadd.s32 $0xFFFFFFFF  }
0xb6: {  	_ =	strace $0x9000004B  }
0xb7: {  	_ =	sfence  }
0xb8: {  	s30 =	sld [smem:$0x0];
	_ =	sdelay $0x2  }
0xb9: {  	s31 =	sshll.u32 s1, $0xD;
	s1 =	sshrl.u32 s1, $0x2  }
0xba: {  	s3 =	sand.u32 $0x4000, s31;
	s1 =	sadd.s32 s1, s30  }
0xbb: {  	s0 =	sor.u32 s3, s0;
	s1 =	sshll.u32 s1, $0x11  }
0xbc: {  	s0 =	sor.u32 s1, s0  }
0xbd: {  	s0 =	sadd.s32 $0x8F2B, s0  }
0xbe: {  	[sflag:s0] =	ssyncadd.remote.s32 $0x1  }
0xbf: {  	_ =	sfence.sel $0xFFFF  }
0xc0: {  	[dreg:$0x0] =	wrdreg $0xFFFFFFFF;
	(pc) =	sbr.abs _section_cstart, $3  }
0xc1: {  	[dreg:$0x1] =	wrdreg $0xFFFFFFFF  }
0xc2: {  	_ =	task.clear_ibuf [dreg:s7], $0x2FFFF;
	_ =	strace $0x9FFFFFFF  }
0xc3: {  	(tm) =	ssettm $0x7FFFFFFF  }
tec
execute0_lowered:
.L_overlay_start_1:
0x0: {  	(tag) =	ssettag $0x1  }
0x1: {  	s0 =	rddreg [dreg:$0x0];
	s1 =	srdreg.scid  }
0x2: {  	s3 =	rddreg [dreg:$0x1];
	s8 =	stileid.u32  }
0x3: {  	s2 =	rddreg [dreg:$0x2];
	s5 =	simm.s32 $0x0;
	s12 =	simm.s32 $0xB  }
0x4: {  	s13 =	simm.s32 $0x50;
	s14 =	simm.s32 $0x8080;
	s15 =	simm.s32 $0xB000  }
0x5: {  	s16 =	simm.s32 $0x8100;
	s17 =	simm.s32 $0xD800;
	s18 =	simm.s32 $0x8180  }
0x6: {  	s19 =	simm.s32 $0x10000;
	s20 =	simm.s32 $0x8200;
	s28 =	simm.s32 $0x8480  }
0x7: {  	s29 =	simm.s32 $0x3;
	s30 =	simm.s32 $0x8500;
	s31 =	simm.s32 $0x4  }
0x8: {  	s9 =	simm.s32 $0x9;
	s10 =	simm.s32 $0xA;
	s11 =	simm.s32 $0x0  }
0x9: {  	s1 =	sand.u32 $0x1, s1;
	s4 =	smul.u32 $0x140, s8;
	[smem:$0x7FF] =	sst s5  }
0xa: {  	s7 =	smul.u32 $0x28000, s8;
	s8 =	sshll.u32 s8, $0xC;
	s5 =	simm.s32 $0x6  }
0xb: {  	s6 =	smul.u32 $0x1400, s1;
	_ =	strace $0x8000004A;
	s1 =	ssub.s32 $0x2, s1  }
0xc: {  	s3 =	sadd.s32 s3, s8;
	s8 =	simm.s32 $0x8;
	s22 =	sshrl.u32 s1, $0x1  }
0xd: {  	s7 =	sshrl.u32 s7, $0x2;
	[dreg:$0x4] =	wrdreg s3;
	s4 =	sadd.s32 s4, s6  }
0xe: {  	s1 =	ssub.s32 s1, s22;
	s23 =	sadd.s32 s7, s2;
	s22 =	simm.s32 $0x8800  }
0xf: {  	s7 =	simm.s32 $0x7;
	s21 =	sshll.u32 s4, $0x4;
	s4 =	sadd.s32 $0x1E00, s0  }
0x10: {  	s24 =	sadd.s32 $0x2800, s23;
	s25 =	sadd.s32 $0x5000, s23;
	[dreg:$0x5] =	wrdreg s23  }
0x11: {  	s3 =	sadd.s32 $0x7800, s23;
	s26 =	smax.u32 s1, $0x1;
	[dreg:$0x6] =	wrdreg s24  }
.Ltmp0:
0x12: {  	s23 =	simm.s32 $0x8000;
	[dreg:$0x7] =	wrdreg s25;
	(pc) =	sbr.rel .LBB2_1-.Ltmp0, $4  }
0x13: {  	s1 =	simm.s32 $0x8580;
	s0 =	sadd.s32 s21, s0;
	[dreg:$0x8] =	wrdreg s3  }
0x14: {  	[dreg:$0xa] =	wrdreg s26;
	s21 =	simm.s32 $0x12800;
	s24 =	simm.s32 $0x1  }
0x15: {  	s25 =	simm.s32 $0x8400;
	s26 =	simm.s32 $0x2;
	s0 =	sadd.s32 $0x29E00, s0  }
0x16: {  	v1 =	vimm.f32 $0.0e+00;
	v0 =	vmov s6;
	s3 =	simm.s32 $0x5;
	[dreg:$0x9] =	wrdreg s0;
	s0 =	simm.s32 $0x8600  }
.LBB2_6:
0x17: {  	_ =	swait.ge [sflag:s5], $0x2800  }
0x18: {  	[sflag:s5] =	ssyncset.done $0x0  }
0x19: {  	[sflag:s5] =	ssyncadd.s32 $0xFFFFD800  }
0x1a: {  	_ =	swait.ge [sflag:s7], $0x2800  }
0x1b: {  	[sflag:s7] =	ssyncset.done $0x0  }
0x1c: {  	[sflag:s7] =	ssyncadd.s32 $0xFFFFD800  }
0x1d: {  	_ =	swait.ge [sflag:s8], $0x2800  }
0x1e: {  	[sflag:s8] =	ssyncset.done $0x0  }
0x1f: {  	[sflag:s8] =	ssyncadd.s32 $0xFFFFD800  }
0x20: {  	_ =	swait.ge [sflag:s9], $0x2800  }
0x21: {  	[sflag:s9] =	ssyncset.done $0x0  }
0x22: {  	[sflag:s9] =	ssyncadd.s32 $0xFFFFD800  }
0x23: {  	_ =	swait.ge [sflag:s10], $0x2800  }
0x24: {  	[sflag:s10] =	ssyncset.done $0x0  }
0x25: {  	[sflag:s10] =	ssyncadd.s32 $0xFFFFD800  }
0x26: {  	s6 =	stileid.u32;
	[bflag:$0x0] =	sbarrier.arrive $0xFFFF  }
0x27: {  	s6 =	sshll.u32 s6, $0x6;
	s11 =	rddreg [dreg:$0x5]  }
0x28: {  	s6 =	sor.u32 $0x1C0B, s6;
	s12 =	rddreg [dreg:$0x9];
	s11 =	sshrl.u32 s11, $0x3  }
0x29: {  	[hbm:s12], [sflag:s6] =	dma.local [spmem:s11], $0x1400  }
0x2a: {  	s12 =	simm.s32 $0xB  }
0x2b: {  	_ =	swait.ge [sflag:s12], $0x1400  }
0x2c: {  	s6 =	rddreg [dreg:$0xb]  }
0x2d: {  	s11 =	sadd.s32 $0x1, s6;
	s6 =	rddreg [dreg:$0xa]  }
0x2e: {  	p0 =	sne.s32 s11, s6  }
.Ltmp1:
0x2f: {  	_ = 	snop;
	(pc) =	sbr.rel @!p0 .LBB2_7-.Ltmp1, $3  }
0x30: {  	_ =	sdelay $0x1  }
0x31: {  	[sflag:s12] =	ssyncset.done $0x0  }
0x32: {  	[sflag:s12] =	ssyncadd.s32 $0xFFFFEC00  }
.LBB2_1:
0x33: {  	[dreg:$0xb] =	wrdreg s11  }
0x34: {  	s6 =	simm.s32 $0x0;
	s11 =	rddreg [dreg:$0x4]  }
0x35: {  	[tilespmem:s6], [sflag:$0xB] =	stream.linear.gather [hbm4b:s11+s6], $0x7D00, $0x38;
	[tilespmem:$0x1F040] =	vst v63  }
0x36: {  	_ =	swait.ge [sflag:s12], $0x7D00  }
0x37: {  	[sflag:s12] =	ssyncset.done $0x0  }
0x38: {  	[sflag:s12] =	ssyncadd.s32 $0xFFFF8300  }
0x39: {  	v2 =	vld [tilespmem:$0x80]  }
0x3a: {  	v3 =	vld [tilespmem:$0x90]  }
0x3b: {  	v4 =	vld [tilespmem:$0xA0]  }
0x3c: {  	v5 =	vld [tilespmem:$0xB0]  }
0x3d: {  	v6 =	vld [tilespmem:$0xC0]  }
0x3e: {  	v7 =	vld [tilespmem:$0x80]  }
0x3f: {  	v8 =	vld [tilespmem:$0x90]  }
0x40: {  	v9 =	vld [tilespmem:$0xA0];
	v2 =	vand.u32 $0x3FFF, v2  }
0x41: {  	[tilespmem:$0x8080] =	vst v2;
	v2 =	vand.u32 $0x3FFF, v3;
	v3 =	vld [tilespmem:$0xB0]  }
0x42: {  	v22 =	vld [tilespmem:$0xC0];
	[tilespmem:$0x8090] =	vst v2;
	v2 =	vand.u32 $0x3FFF, v4  }
0x43: {  	v23 =	vshra.s32 v7, $0xE;
	[tilespmem:$0x80A0] =	vst v2;
	v2 =	vand.u32 $0x3FFF, v5  }
0x44: {  	v24 =	vshra.s32 v8, $0xE;
	v5 =	vsub.s32 v23, v0;
	[tilespmem:$0x80B0] =	vst v2;
	v2 =	vand.u32 $0x3FFF, v6  }
0x45: {  	v26 =	vshra.s32 v9, $0xE;
	v25 =	vsub.s32 v24, v0;
	[tilespmem:$0x80C0] =	vst v2;
	v2 =	vmin.u32 v5, $0x1400  }
0x46: {  	v27 =	vsub.s32 v26, v0;
	[tilespmem:$0x8480] =	vst v2;
	v2 =	vmin.u32 v25, $0x1400;
	v3 =	vshra.s32 v3, $0xE  }
0x47: {  	v4 =	vshra.s32 v22, $0xE;
	[tilespmem:$0x8490] =	vst v2;
	v2 =	vmin.u32 v27, $0x1400;
	v3 =	vsub.s32 v3, v0  }
0x48: {  	[tilespmem:$0x84A0] =	vst v2;
	v2 =	vmin.u32 v3, $0x1400;
	v3 =	vsub.s32 v4, v0  }
0x49: {  	[tilespmem:$0x84B0] =	vst v2;
	v2 =	vmin.u32 v3, $0x1400  }
0x4a: {  	[tilespmem:$0x84C0] =	vst v2  }
0x4b: {  	[tilespmem:s15], [sflag:$0x2] =	stream.indirect.gather [hbm4b:s4+s13], $0x80, s14, s13, $0xb8;
	[tilespmem:$0x1F040] =	vst v63  }
0x4c: {  	v2 =	vld [tilespmem:$0x100]  }
0x4d: {  	v3 =	vld [tilespmem:$0x110]  }
0x4e: {  	v28 =	vld [tilespmem:$0x120]  }
0x4f: {  	v29 =	vld [tilespmem:$0x130]  }
0x50: {  	v30 =	vld [tilespmem:$0x140]  }
0x51: {  	v31 =	vld [tilespmem:$0x100]  }
0x52: {  	v32 =	vld [tilespmem:$0x110]  }
0x53: {  	v33 =	vld [tilespmem:$0x120];
	v2 =	vand.u32 $0x3FFF, v2  }
0x54: {  	[tilespmem:$0x8100] =	vst v2;
	v2 =	vand.u32 $0x3FFF, v3;
	v3 =	vld [tilespmem:$0x130]  }
0x55: {  	v34 =	vld [tilespmem:$0x140];
	[tilespmem:$0x8110] =	vst v2;
	v2 =	vand.u32 $0x3FFF, v28  }
0x56: {  	v35 =	vshra.s32 v31, $0xE;
	[tilespmem:$0x8120] =	vst v2;
	v2 =	vand.u32 $0x3FFF, v29  }
0x57: {  	v36 =	vshra.s32 v32, $0xE;
	v5 =	vsub.s32 v35, v0;
	[tilespmem:$0x8130] =	vst v2;
	v2 =	vand.u32 $0x3FFF, v30  }
0x58: {  	v38 =	vshra.s32 v33, $0xE;
	v37 =	vsub.s32 v36, v0;
	[tilespmem:$0x8140] =	vst v2;
	v2 =	vmin.u32 v5, $0x1400  }
0x59: {  	v39 =	vsub.s32 v38, v0;
	[tilespmem:$0x8500] =	vst v2;
	v2 =	vmin.u32 v37, $0x1400;
	v3 =	vshra.s32 v3, $0xE  }
0x5a: {  	v4 =	vshra.s32 v34, $0xE;
	[tilespmem:$0x8510] =	vst v2;
	v2 =	vmin.u32 v39, $0x1400;
	v3 =	vsub.s32 v3, v0  }
0x5b: {  	[tilespmem:$0x8520] =	vst v2;
	v2 =	vmin.u32 v3, $0x1400;
	v3 =	vsub.s32 v4, v0  }
0x5c: {  	[tilespmem:$0x8530] =	vst v2;
	v2 =	vmin.u32 v3, $0x1400  }
0x5d: {  	[tilespmem:$0x8540] =	vst v2  }
0x5e: {  	[tilespmem:s17], [sflag:$0x3] =	stream.indirect.gather [hbm4b:s4+s13], $0x80, s16, s13, $0xb8;
	[tilespmem:$0x1F040] =	vst v63  }
0x5f: {  	v2 =	vld [tilespmem:$0x180]  }
0x60: {  	v3 =	vld [tilespmem:$0x190]  }
0x61: {  	v40 =	vld [tilespmem:$0x1A0]  }
0x62: {  	v41 =	vld [tilespmem:$0x1B0]  }
0x63: {  	v42 =	vld [tilespmem:$0x1C0]  }
0x64: {  	v43 =	vld [tilespmem:$0x180]  }
0x65: {  	v44 =	vld [tilespmem:$0x190]  }
0x66: {  	v45 =	vld [tilespmem:$0x1A0];
	v2 =	vand.u32 $0x3FFF, v2  }
0x67: {  	[tilespmem:$0x8180] =	vst v2;
	v2 =	vand.u32 $0x3FFF, v3;
	v3 =	vld [tilespmem:$0x1B0]  }
0x68: {  	v46 =	vld [tilespmem:$0x1C0];
	[tilespmem:$0x8190] =	vst v2;
	v2 =	vand.u32 $0x3FFF, v40  }
0x69: {  	v47 =	vshra.s32 v43, $0xE;
	[tilespmem:$0x81A0] =	vst v2;
	v2 =	vand.u32 $0x3FFF, v41  }
0x6a: {  	v48 =	vshra.s32 v44, $0xE;
	v5 =	vsub.s32 v47, v0;
	[tilespmem:$0x81B0] =	vst v2;
	v2 =	vand.u32 $0x3FFF, v42  }
0x6b: {  	v50 =	vshra.s32 v45, $0xE;
	v49 =	vsub.s32 v48, v0;
	[tilespmem:$0x81C0] =	vst v2;
	v2 =	vmin.u32 v5, $0x1400  }
0x6c: {  	v51 =	vsub.s32 v50, v0;
	[tilespmem:$0x8580] =	vst v2;
	v2 =	vmin.u32 v49, $0x1400;
	v3 =	vshra.s32 v3, $0xE  }
0x6d: {  	v4 =	vshra.s32 v46, $0xE;
	[tilespmem:$0x8590] =	vst v2;
	v2 =	vmin.u32 v51, $0x1400;
	v3 =	vsub.s32 v3, v0  }
0x6e: {  	[tilespmem:$0x85A0] =	vst v2;
	v2 =	vmin.u32 v3, $0x1400;
	v3 =	vsub.s32 v4, v0  }
0x6f: {  	[tilespmem:$0x85B0] =	vst v2;
	v2 =	vmin.u32 v3, $0x1400  }
0x70: {  	[tilespmem:$0x85C0] =	vst v2  }
0x71: {  	[tilespmem:s19], [sflag:$0x4] =	stream.indirect.gather [hbm4b:s4+s13], $0x80, s18, s13, $0xb8;
	[tilespmem:$0x1F040] =	vst v63  }
0x72: {  	v2 =	vld [tilespmem:$0x200]  }
0x73: {  	v3 =	vld [tilespmem:$0x210]  }
0x74: {  	v52 =	vld [tilespmem:$0x220]  }
0x75: {  	v53 =	vld [tilespmem:$0x230]  }
0x76: {  	v54 =	vld [tilespmem:$0x240]  }
0x77: {  	v55 =	vld [tilespmem:$0x200]  }
0x78: {  	v56 =	vld [tilespmem:$0x210]  }
0x79: {  	v57 =	vld [tilespmem:$0x220];
	v2 =	vand.u32 $0x3FFF, v2  }
0x7a: {  	[tilespmem:$0x8200] =	vst v2;
	v2 =	vand.u32 $0x3FFF, v3;
	v3 =	vld [tilespmem:$0x230]  }
0x7b: {  	v58 =	vld [tilespmem:$0x240];
	[tilespmem:$0x8210] =	vst v2;
	v2 =	vand.u32 $0x3FFF, v52  }
0x7c: {  	v59 =	vshra.s32 v55, $0xE;
	[tilespmem:$0x8220] =	vst v2;
	v2 =	vand.u32 $0x3FFF, v53  }
0x7d: {  	v60 =	vshra.s32 v56, $0xE;
	v5 =	vsub.s32 v59, v0;
	[tilespmem:$0x8230] =	vst v2;
	v2 =	vand.u32 $0x3FFF, v54  }
0x7e: {  	v62 =	vshra.s32 v57, $0xE;
	v61 =	vsub.s32 v60, v0;
	[tilespmem:$0x8240] =	vst v2;
	v2 =	vmin.u32 v5, $0x1400  }
0x7f: {  	v63 =	vsub.s32 v62, v0;
	[tilespmem:$0x8600] =	vst v2;
	v2 =	vmin.u32 v61, $0x1400;
	v3 =	vshra.s32 v3, $0xE  }
0x80: {  	v4 =	vshra.s32 v58, $0xE;
	[tilespmem:$0x8610] =	vst v2;
	v2 =	vmin.u32 v63, $0x1400;
	v3 =	vsub.s32 v3, v0  }
0x81: {  	[tilespmem:$0x8620] =	vst v2;
	v2 =	vmin.u32 v3, $0x1400;
	v3 =	vsub.s32 v4, v0  }
0x82: {  	[tilespmem:$0x8630] =	vst v2;
	v2 =	vmin.u32 v3, $0x1400  }
0x83: {  	s6 =	simm.s32 $0x70;
	s11 =	simm.s32 $0x3C0;
	[tilespmem:$0x8640] =	vst v2  }
0x84: {  	[tilespmem:s21], [sflag:$0x5] =	stream.indirect.gather [hbm4b:s4+s13], $0x80, s20, s13, $0xb8;
	[tilespmem:$0x1F040] =	vst v63  }
.LBB2_2:
0x85: {  	p0 =	sne.s32 s11, $0x9FC0;
	[tilespmem:s6+$0x8800] =	vst v1  }
0x86: {  	[tilespmem:s6+$0x8790] =	vst v1  }
0x87: {  	[tilespmem:s6+$0x87A0] =	vst v1  }
.Ltmp2:
0x88: {  	[tilespmem:s6+$0x87B0] =	vst v1;
	(pc) =	sbr.rel @p0 .LBB2_2-.Ltmp2, $4  }
0x89: {  	[tilespmem:s6+$0x87C0] =	vst v1  }
0x8a: {  	[tilespmem:s6+$0x87D0] =	vst v1  }
0x8b: {  	[tilespmem:s6+$0x87E0] =	vst v1  }
0x8c: {  	[tilespmem:s6+$0x87F0] =	vst v1;
	s6 =	sshra.s32 s11, $0x2;
	s11 =	sadd.s32 $0x200, s11  }
0x8d: {  	[tilespmem:s6+$0x8800] =	vst v1  }
0x8e: {  	[tilespmem:s6+$0x8790] =	vst v1  }
0x8f: {  	[tilespmem:s6+$0x87A0] =	vst v1  }
0x90: {  	[tilespmem:s6+$0x87B0] =	vst v1  }
0x91: {  	[tilespmem:s6+$0x87C0] =	vst v1  }
0x92: {  	[tilespmem:s6+$0x87D0] =	vst v1  }
0x93: {  	[tilespmem:s6+$0x87E0] =	vst v1  }
0x94: {  	[tilespmem:s6+$0x87F0] =	vst v1;
	s11 =	rddreg [dreg:$0x5]  }
0x95: {  	[spmem:s11] =	stream.linear.scatter [tilespmem:s22], [sflag:$0xB], $0x2800, $0x38;
	[tilespmem:$0x1F040] =	vst v63  }
0x96: {  	_ =	swait.ge [sflag:s12], $0x2800  }
0x97: {  	[sflag:s12] =	ssyncset.done $0x0  }
0x98: {  	s11 =	rddreg [dreg:$0x6];
	[sflag:s12] =	ssyncadd.s32 $0xFFFFD800  }
0x99: {  	[spmem:s11] =	stream.linear.scatter [tilespmem:s22], [sflag:$0xB], $0x2800, $0x38;
	[tilespmem:$0x1F040] =	vst v63  }
0x9a: {  	_ =	swait.ge [sflag:s12], $0x2800  }
0x9b: {  	[sflag:s12] =	ssyncset.done $0x0  }
0x9c: {  	s11 =	rddreg [dreg:$0x7];
	[sflag:s12] =	ssyncadd.s32 $0xFFFFD800  }
0x9d: {  	[spmem:s11] =	stream.linear.scatter [tilespmem:s22], [sflag:$0xB], $0x2800, $0x38;
	[tilespmem:$0x1F040] =	vst v63  }
0x9e: {  	_ =	swait.ge [sflag:s12], $0x2800  }
0x9f: {  	[sflag:s12] =	ssyncset.done $0x0  }
0xa0: {  	s11 =	rddreg [dreg:$0x8];
	[sflag:s12] =	ssyncadd.s32 $0xFFFFD800  }
0xa1: {  	[spmem:s11] =	stream.linear.scatter [tilespmem:s22], [sflag:$0xB], $0x2800, $0x38;
	[tilespmem:$0x1F040] =	vst v63  }
0xa2: {  	_ =	swait.ge [sflag:s12], $0x2800  }
0xa3: {  	[sflag:s12] =	ssyncset.done $0x0  }
0xa4: {  	[sflag:s12] =	ssyncadd.s32 $0xFFFFD800  }
0xa5: {  	v2 =	vld [tilespmem:$0x0]  }
0xa6: {  	v3 =	vld [tilespmem:$0x10]  }
0xa7: {  	v4 =	vld [tilespmem:$0x20]  }
0xa8: {  	v5 =	vld [tilespmem:$0x30]  }
0xa9: {  	v6 =	vld [tilespmem:$0x40]  }
0xaa: {  	v7 =	vld [tilespmem:$0x0]  }
0xab: {  	v8 =	vld [tilespmem:$0x10]  }
0xac: {  	v9 =	vld [tilespmem:$0x20];
	v2 =	vand.u32 $0x3FFF, v2  }
0xad: {  	[tilespmem:$0x8000] =	vst v2;
	v2 =	vand.u32 $0x3FFF, v3;
	v3 =	vld [tilespmem:$0x30]  }
0xae: {  	v58 =	vld [tilespmem:$0x40];
	[tilespmem:$0x8010] =	vst v2;
	v2 =	vand.u32 $0x3FFF, v4  }
0xaf: {  	v59 =	vshra.s32 v7, $0xE;
	[tilespmem:$0x8020] =	vst v2;
	v2 =	vand.u32 $0x3FFF, v5  }
0xb0: {  	v60 =	vshra.s32 v8, $0xE;
	v5 =	vsub.s32 v59, v0;
	[tilespmem:$0x8030] =	vst v2;
	v2 =	vand.u32 $0x3FFF, v6  }
0xb1: {  	v62 =	vshra.s32 v9, $0xE;
	v61 =	vsub.s32 v60, v0;
	[tilespmem:$0x8040] =	vst v2;
	v2 =	vmin.u32 v5, $0x1400  }
0xb2: {  	v63 =	vsub.s32 v62, v0;
	[tilespmem:$0x8400] =	vst v2;
	v2 =	vmin.u32 v61, $0x1400;
	v3 =	vshra.s32 v3, $0xE  }
0xb3: {  	v4 =	vshra.s32 v58, $0xE;
	[tilespmem:$0x8410] =	vst v2;
	v2 =	vmin.u32 v63, $0x1400;
	v3 =	vsub.s32 v3, v0  }
0xb4: {  	[tilespmem:$0x8420] =	vst v2;
	v2 =	vmin.u32 v3, $0x1400;
	v3 =	vsub.s32 v4, v0  }
0xb5: {  	[tilespmem:$0x8430] =	vst v2;
	v2 =	vmin.u32 v3, $0x1400  }
0xb6: {  	[tilespmem:$0x8440] =	vst v2  }
0xb7: {  	[tilespmem:s22], [sflag:$0x1] =	stream.indirect.gather [hbm4b:s4+s13], $0x80, s23, s13, $0xb8;
	[tilespmem:$0x1F040] =	vst v63  }
0xb8: {  	s6 =	simm.s32 $0x1300;
	[bflag:$0x0] =	sbarrier.arrive $0xFFFF  }
.LBB2_4:
0xb9: {  	_ =	swait.ge [sflag:s24], $0x2800  }
0xba: {  	[sflag:s24] =	ssyncset.done $0x0  }
0xbb: {  	[sflag:s24] =	ssyncadd.s32 $0xFFFFD800  }
0xbc: {  	[spmem:s2] =	stream.indirect.scatter.add.f32 [tilespmem:s22], [sflag:$0x6], $0x80, s25, s13, $0xb8;
	[tilespmem:$0x1F040] =	vst v63  }
0xbd: {  	_ =	swait.ge [sflag:s26], $0x2800  }
0xbe: {  	[sflag:s26] =	ssyncset.done $0x0  }
0xbf: {  	[sflag:s26] =	ssyncadd.s32 $0xFFFFD800  }
0xc0: {  	[spmem:s2] =	stream.indirect.scatter.add.f32 [tilespmem:s15], [sflag:$0x7], $0x80, s28, s13, $0xb8;
	[tilespmem:$0x1F040] =	vst v63  }
0xc1: {  	_ =	swait.ge [sflag:s29], $0x2800  }
0xc2: {  	[sflag:s29] =	ssyncset.done $0x0  }
0xc3: {  	[sflag:s29] =	ssyncadd.s32 $0xFFFFD800  }
0xc4: {  	[spmem:s2] =	stream.indirect.scatter.add.f32 [tilespmem:s17], [sflag:$0x8], $0x80, s30, s13, $0xb8;
	[tilespmem:$0x1F040] =	vst v63  }
0xc5: {  	_ =	swait.ge [sflag:s31], $0x2800  }
0xc6: {  	[sflag:s31] =	ssyncset.done $0x0  }
0xc7: {  	p0 =	seq.s32 s6, $0x1FD00;
	[sflag:s31] =	ssyncadd.s32 $0xFFFFD800  }
0xc8: {  	[spmem:s2] =	stream.indirect.scatter.add.f32 [tilespmem:s19], [sflag:$0x9], $0x80, s1, s13, $0xb8;
	[tilespmem:$0x1F040] =	vst v63  }
.Ltmp3:
0xc9: {  	_ = 	snop;
	(pc) =	sbr.rel @p0 .LBB2_6-.Ltmp3, $4  }
0xca: {  	_ =	swait.ge [sflag:s3], $0x2800  }
0xcb: {  	[sflag:s3] =	ssyncset.done $0x0  }
0xcc: {  	[sflag:s3] =	ssyncadd.s32 $0xFFFFD800  }
0xcd: {  	[spmem:s2] =	stream.indirect.scatter.add.f32 [tilespmem:s21], [sflag:$0xA], $0x80, s0, s13, $0xb8;
	[tilespmem:$0x1F040] =	vst v63  }
0xce: {  	s11 =	sshra.s32 s6, $0x2  }
0xcf: {  	v2 =	vld [tilespmem:s11+$0xFFFFFDC0];
	_ =	sdelay $0x4  }
0xd0: {  	v2 =	vand.u32 $0x3FFF, v2  }
0xd1: {  	[tilespmem:$0x8000] =	vst v2  }
0xd2: {  	v2 =	vld [tilespmem:s11+$0xFFFFFDD0];
	_ =	sdelay $0x4  }
0xd3: {  	v2 =	vand.u32 $0x3FFF, v2  }
0xd4: {  	[tilespmem:$0x8010] =	vst v2  }
0xd5: {  	v2 =	vld [tilespmem:s11+$0xFFFFFDE0];
	_ =	sdelay $0x4  }
0xd6: {  	v2 =	vand.u32 $0x3FFF, v2  }
0xd7: {  	[tilespmem:$0x8020] =	vst v2  }
0xd8: {  	v2 =	vld [tilespmem:s11+$0xFFFFFDF0];
	_ =	sdelay $0x4  }
0xd9: {  	v2 =	vand.u32 $0x3FFF, v2  }
0xda: {  	[tilespmem:$0x8030] =	vst v2  }
0xdb: {  	v2 =	vld [tilespmem:s11+$0xFFFFFE00];
	_ =	sdelay $0x4  }
0xdc: {  	v2 =	vand.u32 $0x3FFF, v2  }
0xdd: {  	[tilespmem:$0x8040] =	vst v2  }
0xde: {  	v2 =	vld [tilespmem:s11+$0xFFFFFE40];
	_ =	sdelay $0x4  }
0xdf: {  	v2 =	vand.u32 $0x3FFF, v2  }
0xe0: {  	[tilespmem:$0x8080] =	vst v2  }
0xe1: {  	v2 =	vld [tilespmem:s11+$0xFFFFFE50];
	_ =	sdelay $0x4  }
0xe2: {  	v2 =	vand.u32 $0x3FFF, v2  }
0xe3: {  	[tilespmem:$0x8090] =	vst v2  }
0xe4: {  	v2 =	vld [tilespmem:s11+$0xFFFFFE60];
	_ =	sdelay $0x4  }
0xe5: {  	v2 =	vand.u32 $0x3FFF, v2  }
0xe6: {  	[tilespmem:$0x80A0] =	vst v2  }
0xe7: {  	v2 =	vld [tilespmem:s11+$0xFFFFFE70];
	_ =	sdelay $0x4  }
0xe8: {  	v2 =	vand.u32 $0x3FFF, v2  }
0xe9: {  	[tilespmem:$0x80B0] =	vst v2  }
0xea: {  	v2 =	vld [tilespmem:s11+$0xFFFFFE80];
	_ =	sdelay $0x4  }
0xeb: {  	v2 =	vand.u32 $0x3FFF, v2  }
0xec: {  	[tilespmem:$0x80C0] =	vst v2  }
0xed: {  	v2 =	vld [tilespmem:s11+$0xFFFFFEC0];
	_ =	sdelay $0x4  }
0xee: {  	v2 =	vand.u32 $0x3FFF, v2  }
0xef: {  	[tilespmem:$0x8100] =	vst v2  }
0xf0: {  	v2 =	vld [tilespmem:s11+$0xFFFFFED0];
	_ =	sdelay $0x4  }
0xf1: {  	v2 =	vand.u32 $0x3FFF, v2  }
0xf2: {  	[tilespmem:$0x8110] =	vst v2  }
0xf3: {  	v2 =	vld [tilespmem:s11+$0xFFFFFEE0];
	_ =	sdelay $0x4  }
0xf4: {  	v2 =	vand.u32 $0x3FFF, v2  }
0xf5: {  	[tilespmem:$0x8120] =	vst v2  }
0xf6: {  	v2 =	vld [tilespmem:s11+$0xFFFFFEF0];
	_ =	sdelay $0x4  }
0xf7: {  	v2 =	vand.u32 $0x3FFF, v2  }
0xf8: {  	[tilespmem:$0x8130] =	vst v2  }
0xf9: {  	v2 =	vld [tilespmem:s11+$0xFFFFFF00];
	_ =	sdelay $0x4  }
0xfa: {  	v2 =	vand.u32 $0x3FFF, v2  }
0xfb: {  	[tilespmem:$0x8140] =	vst v2  }
0xfc: {  	v2 =	vld [tilespmem:s11+$0xFFFFFF40];
	_ =	sdelay $0x4  }
0xfd: {  	v2 =	vand.u32 $0x3FFF, v2  }
0xfe: {  	[tilespmem:$0x8180] =	vst v2  }
0xff: {  	v2 =	vld [tilespmem:s11+$0xFFFFFF50];
	_ =	sdelay $0x4  }
0x100: {  	v2 =	vand.u32 $0x3FFF, v2  }
0x101: {  	[tilespmem:$0x8190] =	vst v2  }
0x102: {  	v2 =	vld [tilespmem:s11+$0xFFFFFF60];
	_ =	sdelay $0x4  }
0x103: {  	v2 =	vand.u32 $0x3FFF, v2  }
0x104: {  	[tilespmem:$0x81A0] =	vst v2  }
0x105: {  	v2 =	vld [tilespmem:s11+$0xFFFFFF70];
	_ =	sdelay $0x4  }
0x106: {  	v2 =	vand.u32 $0x3FFF, v2  }
0x107: {  	[tilespmem:$0x81B0] =	vst v2  }
0x108: {  	v2 =	vld [tilespmem:s11+$0xFFFFFF80];
	_ =	sdelay $0x4  }
0x109: {  	v2 =	vand.u32 $0x3FFF, v2  }
0x10a: {  	[tilespmem:$0x81C0] =	vst v2  }
0x10b: {  	v2 =	vld [tilespmem:s11+$0xFFFFFFC0];
	_ =	sdelay $0x4  }
0x10c: {  	v2 =	vand.u32 $0x3FFF, v2  }
0x10d: {  	[tilespmem:$0x8200] =	vst v2  }
0x10e: {  	v2 =	vld [tilespmem:s11+$0xFFFFFFD0];
	_ =	sdelay $0x4  }
0x10f: {  	v2 =	vand.u32 $0x3FFF, v2  }
0x110: {  	[tilespmem:$0x8210] =	vst v2  }
0x111: {  	v2 =	vld [tilespmem:s11+$0xFFFFFFE0];
	_ =	sdelay $0x4  }
0x112: {  	v2 =	vand.u32 $0x3FFF, v2  }
0x113: {  	[tilespmem:$0x8220] =	vst v2  }
0x114: {  	v2 =	vld [tilespmem:s11+$0xFFFFFFF0];
	_ =	sdelay $0x4  }
0x115: {  	v2 =	vand.u32 $0x3FFF, v2  }
0x116: {  	[tilespmem:$0x8230] =	vst v2  }
0x117: {  	v2 =	vld [tilespmem:s11+$0x0];
	_ =	sdelay $0x4  }
0x118: {  	v2 =	vand.u32 $0x3FFF, v2  }
0x119: {  	[tilespmem:$0x8240] =	vst v2  }
0x11a: {  	_ =	swait.ge [sflag:s5], $0x2800  }
0x11b: {  	[sflag:s5] =	ssyncset.done $0x0  }
0x11c: {  	[sflag:s5] =	ssyncadd.s32 $0xFFFFD800  }
0x11d: {  	v2 =	vld [tilespmem:s11+$0xFFFFFDC0];
	_ =	sdelay $0x4  }
0x11e: {  	v2 =	vshra.s32 v2, $0xE  }
0x11f: {  	v2 =	vsub.s32 v2, v0  }
0x120: {  	v2 =	vmin.u32 v2, $0x1400  }
0x121: {  	[tilespmem:$0x8400] =	vst v2  }
0x122: {  	v2 =	vld [tilespmem:s11+$0xFFFFFDD0];
	_ =	sdelay $0x4  }
0x123: {  	v2 =	vshra.s32 v2, $0xE  }
0x124: {  	v2 =	vsub.s32 v2, v0  }
0x125: {  	v2 =	vmin.u32 v2, $0x1400  }
0x126: {  	[tilespmem:$0x8410] =	vst v2  }
0x127: {  	v2 =	vld [tilespmem:s11+$0xFFFFFDE0];
	_ =	sdelay $0x4  }
0x128: {  	v2 =	vshra.s32 v2, $0xE  }
0x129: {  	v2 =	vsub.s32 v2, v0  }
0x12a: {  	v2 =	vmin.u32 v2, $0x1400  }
0x12b: {  	[tilespmem:$0x8420] =	vst v2  }
0x12c: {  	v2 =	vld [tilespmem:s11+$0xFFFFFDF0];
	_ =	sdelay $0x4  }
0x12d: {  	v2 =	vshra.s32 v2, $0xE  }
0x12e: {  	v2 =	vsub.s32 v2, v0  }
0x12f: {  	v2 =	vmin.u32 v2, $0x1400  }
0x130: {  	[tilespmem:$0x8430] =	vst v2  }
0x131: {  	v2 =	vld [tilespmem:s11+$0xFFFFFE00];
	_ =	sdelay $0x4  }
0x132: {  	v2 =	vshra.s32 v2, $0xE  }
0x133: {  	v2 =	vsub.s32 v2, v0  }
0x134: {  	v2 =	vmin.u32 v2, $0x1400  }
0x135: {  	[tilespmem:$0x8440] =	vst v2  }
0x136: {  	[tilespmem:s22], [sflag:$0x1] =	stream.indirect.gather [hbm4b:s4+s13], $0x80, s23, s13, $0xb8;
	[tilespmem:$0x1F040] =	vst v63  }
0x137: {  	_ =	swait.ge [sflag:s7], $0x2800  }
0x138: {  	[sflag:s7] =	ssyncset.done $0x0  }
0x139: {  	[sflag:s7] =	ssyncadd.s32 $0xFFFFD800  }
0x13a: {  	v2 =	vld [tilespmem:s11+$0xFFFFFE40];
	_ =	sdelay $0x4  }
0x13b: {  	v2 =	vshra.s32 v2, $0xE  }
0x13c: {  	v2 =	vsub.s32 v2, v0  }
0x13d: {  	v2 =	vmin.u32 v2, $0x1400  }
0x13e: {  	[tilespmem:$0x8480] =	vst v2  }
0x13f: {  	v2 =	vld [tilespmem:s11+$0xFFFFFE50];
	_ =	sdelay $0x4  }
0x140: {  	v2 =	vshra.s32 v2, $0xE  }
0x141: {  	v2 =	vsub.s32 v2, v0  }
0x142: {  	v2 =	vmin.u32 v2, $0x1400  }
0x143: {  	[tilespmem:$0x8490] =	vst v2  }
0x144: {  	v2 =	vld [tilespmem:s11+$0xFFFFFE60];
	_ =	sdelay $0x4  }
0x145: {  	v2 =	vshra.s32 v2, $0xE  }
0x146: {  	v2 =	vsub.s32 v2, v0  }
0x147: {  	v2 =	vmin.u32 v2, $0x1400  }
0x148: {  	[tilespmem:$0x84A0] =	vst v2  }
0x149: {  	v2 =	vld [tilespmem:s11+$0xFFFFFE70];
	_ =	sdelay $0x4  }
0x14a: {  	v2 =	vshra.s32 v2, $0xE  }
0x14b: {  	v2 =	vsub.s32 v2, v0  }
0x14c: {  	v2 =	vmin.u32 v2, $0x1400  }
0x14d: {  	[tilespmem:$0x84B0] =	vst v2  }
0x14e: {  	v2 =	vld [tilespmem:s11+$0xFFFFFE80];
	_ =	sdelay $0x4  }
0x14f: {  	v2 =	vshra.s32 v2, $0xE  }
0x150: {  	v2 =	vsub.s32 v2, v0  }
0x151: {  	v2 =	vmin.u32 v2, $0x1400  }
0x152: {  	[tilespmem:$0x84C0] =	vst v2  }
0x153: {  	[tilespmem:s15], [sflag:$0x2] =	stream.indirect.gather [hbm4b:s4+s13], $0x80, s14, s13, $0xb8;
	[tilespmem:$0x1F040] =	vst v63  }
0x154: {  	_ =	swait.ge [sflag:s8], $0x2800  }
0x155: {  	[sflag:s8] =	ssyncset.done $0x0  }
0x156: {  	[sflag:s8] =	ssyncadd.s32 $0xFFFFD800  }
0x157: {  	v2 =	vld [tilespmem:s11+$0xFFFFFEC0];
	_ =	sdelay $0x4  }
0x158: {  	v2 =	vshra.s32 v2, $0xE  }
0x159: {  	v2 =	vsub.s32 v2, v0  }
0x15a: {  	v2 =	vmin.u32 v2, $0x1400  }
0x15b: {  	[tilespmem:$0x8500] =	vst v2  }
0x15c: {  	v2 =	vld [tilespmem:s11+$0xFFFFFED0];
	_ =	sdelay $0x4  }
0x15d: {  	v2 =	vshra.s32 v2, $0xE  }
0x15e: {  	v2 =	vsub.s32 v2, v0  }
0x15f: {  	v2 =	vmin.u32 v2, $0x1400  }
0x160: {  	[tilespmem:$0x8510] =	vst v2  }
0x161: {  	v2 =	vld [tilespmem:s11+$0xFFFFFEE0];
	_ =	sdelay $0x4  }
0x162: {  	v2 =	vshra.s32 v2, $0xE  }
0x163: {  	v2 =	vsub.s32 v2, v0  }
0x164: {  	v2 =	vmin.u32 v2, $0x1400  }
0x165: {  	[tilespmem:$0x8520] =	vst v2  }
0x166: {  	v2 =	vld [tilespmem:s11+$0xFFFFFEF0];
	_ =	sdelay $0x4  }
0x167: {  	v2 =	vshra.s32 v2, $0xE  }
0x168: {  	v2 =	vsub.s32 v2, v0  }
0x169: {  	v2 =	vmin.u32 v2, $0x1400  }
0x16a: {  	[tilespmem:$0x8530] =	vst v2  }
0x16b: {  	v2 =	vld [tilespmem:s11+$0xFFFFFF00];
	_ =	sdelay $0x4  }
0x16c: {  	v2 =	vshra.s32 v2, $0xE  }
0x16d: {  	v2 =	vsub.s32 v2, v0  }
0x16e: {  	v2 =	vmin.u32 v2, $0x1400  }
0x16f: {  	[tilespmem:$0x8540] =	vst v2  }
0x170: {  	[tilespmem:s17], [sflag:$0x3] =	stream.indirect.gather [hbm4b:s4+s13], $0x80, s16, s13, $0xb8;
	[tilespmem:$0x1F040] =	vst v63  }
0x171: {  	_ =	swait.ge [sflag:s9], $0x2800  }
0x172: {  	[sflag:s9] =	ssyncset.done $0x0  }
0x173: {  	[sflag:s9] =	ssyncadd.s32 $0xFFFFD800  }
0x174: {  	v2 =	vld [tilespmem:s11+$0xFFFFFF40];
	_ =	sdelay $0x4  }
0x175: {  	v2 =	vshra.s32 v2, $0xE  }
0x176: {  	v2 =	vsub.s32 v2, v0  }
0x177: {  	v2 =	vmin.u32 v2, $0x1400  }
0x178: {  	[tilespmem:$0x8580] =	vst v2  }
0x179: {  	v2 =	vld [tilespmem:s11+$0xFFFFFF50];
	_ =	sdelay $0x4  }
0x17a: {  	v2 =	vshra.s32 v2, $0xE  }
0x17b: {  	v2 =	vsub.s32 v2, v0  }
0x17c: {  	v2 =	vmin.u32 v2, $0x1400  }
0x17d: {  	[tilespmem:$0x8590] =	vst v2  }
0x17e: {  	v2 =	vld [tilespmem:s11+$0xFFFFFF60];
	_ =	sdelay $0x4  }
0x17f: {  	v2 =	vshra.s32 v2, $0xE  }
0x180: {  	v2 =	vsub.s32 v2, v0  }
0x181: {  	v2 =	vmin.u32 v2, $0x1400  }
0x182: {  	[tilespmem:$0x85A0] =	vst v2  }
0x183: {  	v2 =	vld [tilespmem:s11+$0xFFFFFF70];
	_ =	sdelay $0x4  }
0x184: {  	v2 =	vshra.s32 v2, $0xE  }
0x185: {  	v2 =	vsub.s32 v2, v0  }
0x186: {  	v2 =	vmin.u32 v2, $0x1400  }
0x187: {  	[tilespmem:$0x85B0] =	vst v2  }
0x188: {  	v2 =	vld [tilespmem:s11+$0xFFFFFF80];
	_ =	sdelay $0x4  }
0x189: {  	v2 =	vshra.s32 v2, $0xE  }
0x18a: {  	v2 =	vsub.s32 v2, v0  }
0x18b: {  	v2 =	vmin.u32 v2, $0x1400  }
0x18c: {  	[tilespmem:$0x85C0] =	vst v2  }
0x18d: {  	[tilespmem:s19], [sflag:$0x4] =	stream.indirect.gather [hbm4b:s4+s13], $0x80, s18, s13, $0xb8;
	[tilespmem:$0x1F040] =	vst v63  }
0x18e: {  	_ =	swait.ge [sflag:s10], $0x2800  }
0x18f: {  	[sflag:s10] =	ssyncset.done $0x0  }
0x190: {  	[sflag:s10] =	ssyncadd.s32 $0xFFFFD800  }
0x191: {  	v2 =	vld [tilespmem:s11+$0xFFFFFFC0];
	_ =	sdelay $0x4  }
0x192: {  	v2 =	vshra.s32 v2, $0xE  }
0x193: {  	v2 =	vsub.s32 v2, v0  }
0x194: {  	v2 =	vmin.u32 v2, $0x1400  }
0x195: {  	[tilespmem:$0x8600] =	vst v2  }
0x196: {  	v2 =	vld [tilespmem:s11+$0xFFFFFFD0];
	_ =	sdelay $0x4  }
0x197: {  	v2 =	vshra.s32 v2, $0xE  }
0x198: {  	v2 =	vsub.s32 v2, v0  }
0x199: {  	v2 =	vmin.u32 v2, $0x1400  }
0x19a: {  	[tilespmem:$0x8610] =	vst v2  }
0x19b: {  	v2 =	vld [tilespmem:s11+$0xFFFFFFE0];
	_ =	sdelay $0x4  }
0x19c: {  	v2 =	vshra.s32 v2, $0xE  }
0x19d: {  	v2 =	vsub.s32 v2, v0  }
0x19e: {  	v2 =	vmin.u32 v2, $0x1400  }
0x19f: {  	[tilespmem:$0x8620] =	vst v2  }
0x1a0: {  	v2 =	vld [tilespmem:s11+$0xFFFFFFF0];
	_ =	sdelay $0x4  }
0x1a1: {  	v2 =	vshra.s32 v2, $0xE  }
0x1a2: {  	v2 =	vsub.s32 v2, v0  }
0x1a3: {  	v2 =	vmin.u32 v2, $0x1400  }
0x1a4: {  	[tilespmem:$0x8630] =	vst v2  }
0x1a5: {  	v2 =	vld [tilespmem:s11+$0x0];
	_ =	sdelay $0x4  }
.Ltmp4:
0x1a6: {  	v2 =	vshra.s32 v2, $0xE;
	(pc) =	sbr.rel .LBB2_4-.Ltmp4, $4  }
0x1a7: {  	v2 =	vsub.s32 v2, v0  }
0x1a8: {  	v2 =	vmin.u32 v2, $0x1400  }
0x1a9: {  	s6 =	sadd.s32 $0xA00, s6;
	[tilespmem:$0x8640] =	vst v2  }
0x1aa: {  	[tilespmem:s21], [sflag:$0x5] =	stream.indirect.gather [hbm4b:s4+s13], $0x80, s20, s13, $0xb8;
	[tilespmem:$0x1F040] =	vst v63  }
.LBB2_7:
0x1ab: {  	_ =	sfence.sel $0x180000  }
0x1ac: {  	[bflag:$0x0] =	sbarrier.arrive $0xFFFF  }
0x1ad: {  	_ =	strace $0x9000004A  }
0x1ae: {  	s0 =	stileid.u32;
	[bflag:$0x2] =	sbarrier.arrive $0xFFFF  }
0x1af: {  	p0 =	sne.s32 s0, $0x0;
	s0 =	rddreg [dreg:$0x3]  }
0x1b0: {  	s0 =	sadd.s32 @!p0 $0x100000, s0  }
0x1b1: {  	[sflag:s0] =	ssyncadd.tile.s32 @!p0 $0x1;
	_ =	shalt  }
.Lfunc_end2:
_tile_overlayer_lowered:
.L_overlay_start_2:
0x1b2: {  	(tag) =	ssettag $0x2  }
0x1b3: {  	s0 =	rddreg [dreg:$0x0];
	s2 =	stileid.u32  }
0x1b4: {  	s1 =	rddreg [dreg:$0x1];
	p0 =	sne.s32 s2, $0x0  }
0x1b5: {  	s3 =	rddreg [dreg:$0x2];
	[bflag:$0x3] =	sbarrier.arrive $0xFFFF;
	s2 =	simm.s32 @!p0 $0x1C0B  }
0x1b6: {  	[timem:s3], [sflag:s2] =	dma.local @!p0 [hbm:s0], s1  }
0x1b7: {  	s0 =	simm.s32 @!p0 $0xB  }
0x1b8: {  	_ =	swait.ge @!p0 [sflag:s0], s1  }
0x1b9: {  	s1 =	ssub.s32 @!p0 $0x0, s1;
	[sflag:s0] =	ssyncset.done @!p0 $0x0  }
0x1ba: {  	[sflag:s0] =	ssyncadd.s32 @!p0 s1  }
0x1bb: {  	[bflag:$0x3] =	sbarrier.arrive $0xFFFF  }
0x1bc: {  	_ =	shalt  }

// kernel: kernel.14.cloned.1.call-start
scs
__scs_entry_jumppad:
0x0: {  	(pc) =	sbr.rel $0x88, $3  }
0x1: {  	(tag) =	ssettag $0x0;
	lr =	simm.s32 $0x1  }
0x2: {  	[smem:$0x3F9B] =	sst lr;
	_ =	strace $0xD0000000  }
0x3: {  	_ = 	snop  }
0x4: {  	_ = 	snop  }
0x5: {  	_ = 	snop  }
0x6: {  	_ = 	snop  }
0x7: {  	_ = 	snop  }
__scs_overlays_trampoline_lowered:
0x8: {  	[smem:$0x3FAA] =	sst s0  }
0x9: {  	[smem:$0x3FAB] =	sst s1  }
0xa: {  	[smem:$0x3FAC] =	sst s2  }
0xb: {  	[smem:$0x3FAD] =	sst s3  }
0xc: {  	[smem:$0x3FAE] =	sst s4  }
0xd: {  	[smem:$0x3FAF] =	sst s5  }
0xe: {  	[smem:$0x3FB0] =	sst s6  }
0xf: {  	[smem:$0x3FB1] =	sst s7  }
0x10: {  	[smem:$0x3FB2] =	sst s8  }
0x11: {  	[smem:$0x3FB3] =	sst s9;
	s0 =	simm.s32 @!p0 $0x0  }
0x12: {  	s1 =	sld [smem:$0x3F99];
	s0 =	simm.s32 @p0 $0x1  }
0x13: {  	[smem:$0x3FB4] =	sst s0;
	s0 =	simm.s32 @!p1 $0x0  }
0x14: {  	s2 =	sld [smem:$0x3F98];
	s0 =	simm.s32 @p1 $0x1  }
0x15: {  	[smem:$0x3FB5] =	sst s0;
	s0 =	simm.s32 @!p2 $0x0  }
0x16: {  	s3 =	sld [smem:$0x3FDB];
	s0 =	simm.s32 @p2 $0x1  }
0x17: {  	s4 =	simm.s32 $0x1BF5;
	[smem:$0x3FB7] =	sst s0  }
0x18: {  	s0 =	sld [smem:$0x3F9A];
	_ =	swait.ge [sflag:s4], $0x0  }
0x19: {  	s7 =	sld [smem:$0x3F9B]  }
0x1a: {  	s8 =	sadd.s32 $0xFFFFE003, lr  }
0x1b: {  	s9 =	sadd.s32 $0xFFFFFEF7, lr;
	s5 =	simm.s32 $0xFFFFFFFF;
	p2 =	slt.u32 s8, $0xFFFFF086  }
0x1c: {  	p1 =	slt.u32 s9, $0xF7A;
	s5 =	simm.s32 @!p2 $0x0  }
0x1d: {  	s5 =	simm.s32 @p1 $0x1;
	p0 =	seq.s32 s7, s2  }
0x1e: {  	s7 =	smul.u32 @!p0 $0xF7A, s2;
	p2 =	seq.s32 @!p0 s5, $0x0  }
0x1f: {  	s9 =	smul.u32 $0xF7A, s1;
	s8 =	simm.s32 @!p0 $0x1BF5;
	p2 =	por !p2, p0  }
0x20: {  	[sflag:s8] =	ssyncset.s32 @!p0 $0xFFFFF086;
	s6 =	sadd.s32 @!p0 s3, s7;
	s7 =	simm.s32 @!p0 $0x108  }
0x21: {  	s3 =	sadd.s32 s3, s9;
	s6 =	sadd.s32 @!p0 $0x88, s6;
	s7 =	simm.s32 @p2 $0x1082  }
0x22: {  	[simem:s7], [sflag:s8] =	dma.local @!p0 [hbm:s6], $0xF7A  }
0x23: {  	s9 =	sor.u32 $0xD0000000, s2;
	s6 =	simm.s32 $0x108;
	_ =	swait.ge @!p0 [sflag:s8], $0x0  }
0x24: {  	s3 =	sadd.s32 $0x88, s3;
	s6 =	simm.s32 @!p1 $0x1082;
	[sflag:s4] =	ssyncset.s32 $0xFFFFF086  }
0x25: {  	[simem:s6], [sflag:s4] =	dma.local [hbm:s3], $0xF7A  }
0x26: {  	[smem:$0x3F9B] =	sst s1;
	(tag) =	ssettag s2;
	_ =	strace s9  }
0x27: {  	s1 =	sld [smem:$0x3FAB]  }
0x28: {  	s2 =	sld [smem:$0x3FAC]  }
0x29: {  	s4 =	sld [smem:$0x3FAE]  }
0x2a: {  	p0 =	seq.s32 s5, $0x0;
	s5 =	sld [smem:$0x3FAF]  }
0x2b: {  	s6 =	sld [smem:$0x3FB0]  }
0x2c: {  	s7 =	sld [smem:$0x3FB1]  }
0x2d: {  	s3 =	simm.s32 $0x108;
	s8 =	sld [smem:$0x3FB2]  }
0x2e: {  	s3 =	simm.s32 @!p0 $0x1082;
	s9 =	sld [smem:$0x3FB3]  }
0x2f: {  	lr =	sadd.s32 s0, s3;
	s0 =	sld [smem:$0x3FAA]  }
0x30: {  	s3 =	sld [smem:$0x3FAD]  }
0x31: {  	[smem:$0x3FB6] =	sst s10  }
0x32: {  	s10 =	sld [smem:$0x3FB4];
	_ =	sdelay $0x3  }
0x33: {  	p0 =	seq.s32 s10, $0x1;
	s10 =	sld [smem:$0x3FB6];
	_ =	sdelay $0x3  }
0x34: {  	[smem:$0x3FB6] =	sst s10  }
0x35: {  	s10 =	sld [smem:$0x3FB5];
	_ =	sdelay $0x3  }
0x36: {  	p1 =	seq.s32 s10, $0x1;
	s10 =	sld [smem:$0x3FB6];
	_ =	sdelay $0x3  }
0x37: {  	[smem:$0x3FB6] =	sst s10  }
0x38: {  	s10 =	sld [smem:$0x3FB7]  }
0x39: {  	_ = 	snop;
	(pc) =	sbr.ind lr, $3  }
0x3a: {  	_ = 	snop  }
0x3b: {  	_ = 	snop  }
0x3c: {  	p2 =	seq.s32 s10, $0x1;
	s10 =	sld [smem:$0x3FB6]  }
0x3d: {  	_ =	shalt  }
0x3e: {  	_ =	shalt  }
0x3f: {  	_ =	shalt  }
0x40: {  	_ =	shalt  }
0x41: {  	_ =	shalt  }
0x42: {  	_ =	shalt  }
0x43: {  	_ =	shalt  }
0x44: {  	_ =	shalt  }
0x45: {  	_ =	shalt  }
0x46: {  	_ =	shalt  }
0x47: {  	_ =	shalt  }
0x48: {  	_ =	shalt  }
0x49: {  	_ =	shalt  }
0x4a: {  	_ =	shalt  }
0x4b: {  	_ =	shalt  }
0x4c: {  	_ =	shalt  }
0x4d: {  	_ =	shalt  }
0x4e: {  	_ =	shalt  }
0x4f: {  	_ =	shalt  }
0x50: {  	_ =	shalt  }
0x51: {  	_ =	shalt  }
0x52: {  	_ =	shalt  }
0x53: {  	_ =	shalt  }
0x54: {  	_ =	shalt  }
0x55: {  	_ =	shalt  }
0x56: {  	_ =	shalt  }
0x57: {  	_ =	shalt  }
0x58: {  	_ =	shalt  }
0x59: {  	_ =	shalt  }
0x5a: {  	_ =	shalt  }
0x5b: {  	_ =	shalt  }
0x5c: {  	_ =	shalt  }
0x5d: {  	_ =	shalt  }
0x5e: {  	_ =	shalt  }
0x5f: {  	_ =	shalt  }
0x60: {  	_ =	shalt  }
0x61: {  	_ =	shalt  }
0x62: {  	_ =	shalt  }
0x63: {  	_ =	shalt  }
0x64: {  	_ =	shalt  }
0x65: {  	_ =	shalt  }
0x66: {  	_ =	shalt  }
0x67: {  	_ =	shalt  }
0x68: {  	_ =	shalt  }
0x69: {  	_ =	shalt  }
0x6a: {  	_ =	shalt  }
0x6b: {  	_ =	shalt  }
0x6c: {  	_ =	shalt  }
0x6d: {  	_ =	shalt  }
0x6e: {  	_ =	shalt  }
0x6f: {  	_ =	shalt  }
0x70: {  	_ =	shalt  }
0x71: {  	_ =	shalt  }
0x72: {  	_ =	shalt  }
0x73: {  	_ =	shalt  }
0x74: {  	_ =	shalt  }
0x75: {  	_ =	shalt  }
0x76: {  	_ =	shalt  }
0x77: {  	_ =	shalt  }
0x78: {  	_ =	shalt  }
0x79: {  	_ =	shalt  }
0x7a: {  	_ =	shalt  }
0x7b: {  	_ =	shalt  }
0x7c: {  	_ =	shalt  }
0x7d: {  	_ =	shalt  }
0x7e: {  	_ =	shalt  }
0x7f: {  	_ =	shalt  }
0x80: {  	_ =	shalt  }
0x81: {  	_ =	shalt  }
0x82: {  	_ =	shalt  }
0x83: {  	_ =	shalt  }
0x84: {  	_ =	shalt  }
0x85: {  	_ =	shalt  }
0x86: {  	_ =	shalt  }
0x87: {  	_ =	shalt  }
.Lfunc_end0:
.L_simem_size_0:
called_computation.2_lowered:
.L_overlay_start_0:
0x88: {  	s2 =	sld [smem:$0x3FD9]  }
0x89: {  	s3 =	sld [smem:$0x3FFE];
	_ =	sdelay $0x1  }
0x8a: {  	s1 =	srdreg.scid  }
0x8b: {  	s0 =	sand.u32 $0x1, s1  }
0x8c: {  	s17 =	sshll.u32 s0, $0xA;
	s2 =	sadd.s32 s3, s2  }
0x8d: {  	s2 =	sadd.s32 s2, s17  }
0x8e: {  	[smem:$0x3FC2] =	sst s2  }
0x8f: {  	_ = 	snop  }
0x90: {  	s2 =	sld [smem:$0x3FD0];
	(tm) =	ssettm $0x1  }
0x91: {  	s18 =	sld [smem:$0x3FFB];
	_ =	sdelay $0x3  }
0x92: {  	_ =	strace s18  }
0x93: {  	s3 =	sld [smem:$0x3FFC];
	_ =	sdelay $0x3  }
0x94: {  	_ =	strace s3  }
0x95: {  	s3 =	sld [smem:$0x3FFD];
	_ =	sdelay $0x3  }
0x96: {  	_ =	strace s3  }
0x97: {  	_ =	strace $0x8FFFFFFF  }
0x98: {  	s19 =	sld [smem:$0x3FDB];
	_ =	sdelay $0x1  }
0x99: {  	s4 =	simm.s32 $_scs_section_size  }
0x9a: {  	s5 =	simm.s32 $_size__tile_overlayer_lowered;
	s6 =	simm.s32 $_tile_overlayer_lowered  }
0x9b: {  	s22 =	simm.s32 $0x1BFF;
	s21 =	sshll.u32 s6, $0x1;
	s3 =	sadd.s32 s4, s19  }
0x9c: {  	s7 =	simm.s32 $0x0;
	s20 =	sshll.u32 s5, $0x1;
	s5 =	sadd.s32 s21, s3  }
0x9d: {  	[timem:s7], [sflag:s22] =	dma.local [hbm:s5], s20  }
0x9e: {  	_ =	swait.ge [sflag:s22], s20  }
0x9f: {  	s4 =	ssub.s32 $0x0, s20;
	[sflag:s22] =	ssyncset.done $0x0  }
0xa0: {  	[sflag:s22] =	ssyncadd.s32 s4;
	_ =	sdelay $0x1  }
0xa1: {  	s23 =	simm.s32 $0x1B8B  }
0xa2: {  	_ =	swait.ge [sflag:s23], $0x1  }
0xa3: {  	[sflag:s23] =	ssyncset.done $0x0  }
0xa4: {  	s25 =	simm.s32 $0x1B8E;
	s24 =	sld [smem:$0x3FFE];
	[sflag:s23] =	ssyncadd.s32 $0xFFFFFFFF  }
0xa5: {  	s26 =	simm.s32 $execute0_lowered;
	[smem:$0x3FD2] =	sst s25  }
0xa6: {  	s5 =	sshll.u32 s26, $0x1;
	_ =	strace $0x8000004C;
	[dreg:$0x1] =	wrdreg $0xFFFFFFFF  }
0xa7: {  	s28 =	simm.s32 $_size_execute0_lowered;
	s3 =	sadd.s32 s3, s5;
	[dreg:$0x0] =	wrdreg $0x0  }
0xa8: {  	s5 =	sshll.u32 s28, $0x1;
	[dreg:$0x2] =	wrdreg s3  }
0xa9: {  	[dreg:$0x3] =	wrdreg s5  }
0xaa: {  	[dreg:$0x4] =	wrdreg $0xC0  }
0xab: {  	_ =	task [dreg:s7], $0x5FFFF  }
0xac: {  	[dreg:$0x1] =	wrdreg $0xFFFFFFFF  }
0xad: {  	[dreg:$0x0] =	wrdreg $0x60  }
0xae: {  	[dreg:$0x2] =	wrdreg s24  }
0xaf: {  	[dreg:$0x3] =	wrdreg s2  }
0xb0: {  	[dreg:$0x4] =	wrdreg $0x150000  }
0xb1: {  	[dreg:$0x5] =	wrdreg $0x9  }
0xb2: {  	_ =	task.clear_ibuf [dreg:s7], $0x6FFFF;
	_ =	strace $0x9000004C  }
0xb3: {  	s29 =	simm.s32 $0x9;
	_ =	strace $0x8000004E  }
0xb4: {  	_ =	swait.ge [sflag:s29], $0x1  }
0xb5: {  	[sflag:s29] =	ssyncadd.s32 $0xFFFFFFFF  }
0xb6: {  	_ =	strace $0x9000004E  }
0xb7: {  	_ =	sfence  }
0xb8: {  	s30 =	sld [smem:$0x0];
	_ =	sdelay $0x2  }
0xb9: {  	s31 =	sshll.u32 s1, $0xD;
	s1 =	sshrl.u32 s1, $0x2  }
0xba: {  	s3 =	sand.u32 $0x4000, s31;
	s1 =	sadd.s32 s1, s30  }
0xbb: {  	s0 =	sor.u32 s3, s0;
	s1 =	sshll.u32 s1, $0x11  }
0xbc: {  	s0 =	sor.u32 s1, s0  }
0xbd: {  	s0 =	sadd.s32 $0x8F2B, s0  }
0xbe: {  	[sflag:s0] =	ssyncadd.remote.s32 $0x1  }
0xbf: {  	_ =	sfence.sel $0xFFFF  }
0xc0: {  	[dreg:$0x0] =	wrdreg $0xFFFFFFFF;
	(pc) =	sbr.abs _section_cstart, $3  }
0xc1: {  	[dreg:$0x1] =	wrdreg $0xFFFFFFFF  }
0xc2: {  	_ =	task.clear_ibuf [dreg:s7], $0x2FFFF;
	_ =	strace $0x9FFFFFFF  }
0xc3: {  	(tm) =	ssettm $0x7FFFFFFF  }
tec
execute0_lowered:
.L_overlay_start_1:
0x0: {  	(tag) =	ssettag $0x1  }
0x1: {  	s0 =	rddreg [dreg:$0x0];
	s1 =	srdreg.scid  }
0x2: {  	s3 =	rddreg [dreg:$0x1];
	s8 =	stileid.u32  }
0x3: {  	s2 =	rddreg [dreg:$0x2];
	s5 =	simm.s32 $0x0;
	s12 =	simm.s32 $0xB  }
0x4: {  	s13 =	simm.s32 $0x50;
	s14 =	simm.s32 $0x8080;
	s15 =	simm.s32 $0xB000  }
0x5: {  	s16 =	simm.s32 $0x8100;
	s17 =	simm.s32 $0xD800;
	s18 =	simm.s32 $0x8180  }
0x6: {  	s19 =	simm.s32 $0x10000;
	s20 =	simm.s32 $0x8200;
	s28 =	simm.s32 $0x8480  }
0x7: {  	s29 =	simm.s32 $0x3;
	s30 =	simm.s32 $0x8500;
	s31 =	simm.s32 $0x4  }
0x8: {  	s9 =	simm.s32 $0x9;
	s10 =	simm.s32 $0xA;
	s11 =	simm.s32 $0x0  }
0x9: {  	s1 =	sand.u32 $0x1, s1;
	s4 =	smul.u32 $0x140, s8;
	[smem:$0x7FF] =	sst s5  }
0xa: {  	s7 =	smul.u32 $0x28000, s8;
	s8 =	sshll.u32 s8, $0xC;
	s5 =	simm.s32 $0x6  }
0xb: {  	s6 =	smul.u32 $0x1400, s1;
	_ =	strace $0x8000004D;
	s1 =	ssub.s32 $0x2, s1  }
0xc: {  	s3 =	sadd.s32 s3, s8;
	s8 =	simm.s32 $0x8;
	s22 =	sshrl.u32 s1, $0x1  }
0xd: {  	s7 =	sshrl.u32 s7, $0x2;
	[dreg:$0x4] =	wrdreg s3;
	s4 =	sadd.s32 s4, s6  }
0xe: {  	s1 =	ssub.s32 s1, s22;
	s23 =	sadd.s32 s7, s2;
	s22 =	simm.s32 $0x8800  }
0xf: {  	s7 =	simm.s32 $0x7;
	s21 =	sshll.u32 s4, $0x4;
	s4 =	sadd.s32 $0x1E00, s0  }
0x10: {  	s24 =	sadd.s32 $0x2800, s23;
	s25 =	sadd.s32 $0x5000, s23;
	[dreg:$0x5] =	wrdreg s23  }
0x11: {  	s3 =	sadd.s32 $0x7800, s23;
	s26 =	smax.u32 s1, $0x1;
	[dreg:$0x6] =	wrdreg s24  }
.Ltmp0:
0x12: {  	s23 =	simm.s32 $0x8000;
	[dreg:$0x7] =	wrdreg s25;
	(pc) =	sbr.rel .LBB2_1-.Ltmp0, $4  }
0x13: {  	s1 =	simm.s32 $0x8580;
	s0 =	sadd.s32 s21, s0;
	[dreg:$0x8] =	wrdreg s3  }
0x14: {  	[dreg:$0xa] =	wrdreg s26;
	s21 =	simm.s32 $0x12800;
	s24 =	simm.s32 $0x1  }
0x15: {  	s25 =	simm.s32 $0x8400;
	s26 =	simm.s32 $0x2;
	s0 =	sadd.s32 $0x29E00, s0  }
0x16: {  	v1 =	vimm.f32 $0.0e+00;
	v0 =	vmov s6;
	s3 =	simm.s32 $0x5;
	[dreg:$0x9] =	wrdreg s0;
	s0 =	simm.s32 $0x8600  }
.LBB2_6:
0x17: {  	_ =	swait.ge [sflag:s5], $0x2800  }
0x18: {  	[sflag:s5] =	ssyncset.done $0x0  }
0x19: {  	[sflag:s5] =	ssyncadd.s32 $0xFFFFD800  }
0x1a: {  	_ =	swait.ge [sflag:s7], $0x2800  }
0x1b: {  	[sflag:s7] =	ssyncset.done $0x0  }
0x1c: {  	[sflag:s7] =	ssyncadd.s32 $0xFFFFD800  }
0x1d: {  	_ =	swait.ge [sflag:s8], $0x2800  }
0x1e: {  	[sflag:s8] =	ssyncset.done $0x0  }
0x1f: {  	[sflag:s8] =	ssyncadd.s32 $0xFFFFD800  }
0x20: {  	_ =	swait.ge [sflag:s9], $0x2800  }
0x21: {  	[sflag:s9] =	ssyncset.done $0x0  }
0x22: {  	[sflag:s9] =	ssyncadd.s32 $0xFFFFD800  }
0x23: {  	_ =	swait.ge [sflag:s10], $0x2800  }
0x24: {  	[sflag:s10] =	ssyncset.done $0x0  }
0x25: {  	[sflag:s10] =	ssyncadd.s32 $0xFFFFD800  }
0x26: {  	s6 =	stileid.u32;
	[bflag:$0x0] =	sbarrier.arrive $0xFFFF  }
0x27: {  	s6 =	sshll.u32 s6, $0x6;
	s11 =	rddreg [dreg:$0x5]  }
0x28: {  	s6 =	sor.u32 $0x1C0B, s6;
	s12 =	rddreg [dreg:$0x9];
	s11 =	sshrl.u32 s11, $0x3  }
0x29: {  	[hbm:s12], [sflag:s6] =	dma.local [spmem:s11], $0x1400  }
0x2a: {  	s12 =	simm.s32 $0xB  }
0x2b: {  	_ =	swait.ge [sflag:s12], $0x1400  }
0x2c: {  	s6 =	rddreg [dreg:$0xb]  }
0x2d: {  	s11 =	sadd.s32 $0x1, s6;
	s6 =	rddreg [dreg:$0xa]  }
0x2e: {  	p0 =	sne.s32 s11, s6  }
.Ltmp1:
0x2f: {  	_ = 	snop;
	(pc) =	sbr.rel @!p0 .LBB2_7-.Ltmp1, $3  }
0x30: {  	_ =	sdelay $0x1  }
0x31: {  	[sflag:s12] =	ssyncset.done $0x0  }
0x32: {  	[sflag:s12] =	ssyncadd.s32 $0xFFFFEC00  }
.LBB2_1:
0x33: {  	[dreg:$0xb] =	wrdreg s11  }
0x34: {  	s6 =	simm.s32 $0x0;
	s11 =	rddreg [dreg:$0x4]  }
0x35: {  	[tilespmem:s6], [sflag:$0xB] =	stream.linear.gather [hbm4b:s11+s6], $0x7D00, $0x38;
	[tilespmem:$0x1F040] =	vst v63  }
0x36: {  	_ =	swait.ge [sflag:s12], $0x7D00  }
0x37: {  	[sflag:s12] =	ssyncset.done $0x0  }
0x38: {  	[sflag:s12] =	ssyncadd.s32 $0xFFFF8300  }
0x39: {  	v2 =	vld [tilespmem:$0x80]  }
0x3a: {  	v3 =	vld [tilespmem:$0x90]  }
0x3b: {  	v4 =	vld [tilespmem:$0xA0]  }
0x3c: {  	v5 =	vld [tilespmem:$0xB0]  }
0x3d: {  	v6 =	vld [tilespmem:$0xC0]  }
0x3e: {  	v7 =	vld [tilespmem:$0x80]  }
0x3f: {  	v8 =	vld [tilespmem:$0x90]  }
0x40: {  	v9 =	vld [tilespmem:$0xA0];
	v2 =	vand.u32 $0x3FFF, v2  }
0x41: {  	[tilespmem:$0x8080] =	vst v2;
	v2 =	vand.u32 $0x3FFF, v3;
	v3 =	vld [tilespmem:$0xB0]  }
0x42: {  	v22 =	vld [tilespmem:$0xC0];
	[tilespmem:$0x8090] =	vst v2;
	v2 =	vand.u32 $0x3FFF, v4  }
0x43: {  	v23 =	vshra.s32 v7, $0xE;
	[tilespmem:$0x80A0] =	vst v2;
	v2 =	vand.u32 $0x3FFF, v5  }
0x44: {  	v24 =	vshra.s32 v8, $0xE;
	v5 =	vsub.s32 v23, v0;
	[tilespmem:$0x80B0] =	vst v2;
	v2 =	vand.u32 $0x3FFF, v6  }
0x45: {  	v26 =	vshra.s32 v9, $0xE;
	v25 =	vsub.s32 v24, v0;
	[tilespmem:$0x80C0] =	vst v2;
	v2 =	vmin.u32 v5, $0x1400  }
0x46: {  	v27 =	vsub.s32 v26, v0;
	[tilespmem:$0x8480] =	vst v2;
	v2 =	vmin.u32 v25, $0x1400;
	v3 =	vshra.s32 v3, $0xE  }
0x47: {  	v4 =	vshra.s32 v22, $0xE;
	[tilespmem:$0x8490] =	vst v2;
	v2 =	vmin.u32 v27, $0x1400;
	v3 =	vsub.s32 v3, v0  }
0x48: {  	[tilespmem:$0x84A0] =	vst v2;
	v2 =	vmin.u32 v3, $0x1400;
	v3 =	vsub.s32 v4, v0  }
0x49: {  	[tilespmem:$0x84B0] =	vst v2;
	v2 =	vmin.u32 v3, $0x1400  }
0x4a: {  	[tilespmem:$0x84C0] =	vst v2  }
0x4b: {  	[tilespmem:s15], [sflag:$0x2] =	stream.indirect.gather [hbm4b:s4+s13], $0x80, s14, s13, $0xb8;
	[tilespmem:$0x1F040] =	vst v63  }
0x4c: {  	v2 =	vld [tilespmem:$0x100]  }
0x4d: {  	v3 =	vld [tilespmem:$0x110]  }
0x4e: {  	v28 =	vld [tilespmem:$0x120]  }
0x4f: {  	v29 =	vld [tilespmem:$0x130]  }
0x50: {  	v30 =	vld [tilespmem:$0x140]  }
0x51: {  	v31 =	vld [tilespmem:$0x100]  }
0x52: {  	v32 =	vld [tilespmem:$0x110]  }
0x53: {  	v33 =	vld [tilespmem:$0x120];
	v2 =	vand.u32 $0x3FFF, v2  }
0x54: {  	[tilespmem:$0x8100] =	vst v2;
	v2 =	vand.u32 $0x3FFF, v3;
	v3 =	vld [tilespmem:$0x130]  }
0x55: {  	v34 =	vld [tilespmem:$0x140];
	[tilespmem:$0x8110] =	vst v2;
	v2 =	vand.u32 $0x3FFF, v28  }
0x56: {  	v35 =	vshra.s32 v31, $0xE;
	[tilespmem:$0x8120] =	vst v2;
	v2 =	vand.u32 $0x3FFF, v29  }
0x57: {  	v36 =	vshra.s32 v32, $0xE;
	v5 =	vsub.s32 v35, v0;
	[tilespmem:$0x8130] =	vst v2;
	v2 =	vand.u32 $0x3FFF, v30  }
0x58: {  	v38 =	vshra.s32 v33, $0xE;
	v37 =	vsub.s32 v36, v0;
	[tilespmem:$0x8140] =	vst v2;
	v2 =	vmin.u32 v5, $0x1400  }
0x59: {  	v39 =	vsub.s32 v38, v0;
	[tilespmem:$0x8500] =	vst v2;
	v2 =	vmin.u32 v37, $0x1400;
	v3 =	vshra.s32 v3, $0xE  }
0x5a: {  	v4 =	vshra.s32 v34, $0xE;
	[tilespmem:$0x8510] =	vst v2;
	v2 =	vmin.u32 v39, $0x1400;
	v3 =	vsub.s32 v3, v0  }
0x5b: {  	[tilespmem:$0x8520] =	vst v2;
	v2 =	vmin.u32 v3, $0x1400;
	v3 =	vsub.s32 v4, v0  }
0x5c: {  	[tilespmem:$0x8530] =	vst v2;
	v2 =	vmin.u32 v3, $0x1400  }
0x5d: {  	[tilespmem:$0x8540] =	vst v2  }
0x5e: {  	[tilespmem:s17], [sflag:$0x3] =	stream.indirect.gather [hbm4b:s4+s13], $0x80, s16, s13, $0xb8;
	[tilespmem:$0x1F040] =	vst v63  }
0x5f: {  	v2 =	vld [tilespmem:$0x180]  }
0x60: {  	v3 =	vld [tilespmem:$0x190]  }
0x61: {  	v40 =	vld [tilespmem:$0x1A0]  }
0x62: {  	v41 =	vld [tilespmem:$0x1B0]  }
0x63: {  	v42 =	vld [tilespmem:$0x1C0]  }
0x64: {  	v43 =	vld [tilespmem:$0x180]  }
0x65: {  	v44 =	vld [tilespmem:$0x190]  }
0x66: {  	v45 =	vld [tilespmem:$0x1A0];
	v2 =	vand.u32 $0x3FFF, v2  }
0x67: {  	[tilespmem:$0x8180] =	vst v2;
	v2 =	vand.u32 $0x3FFF, v3;
	v3 =	vld [tilespmem:$0x1B0]  }
0x68: {  	v46 =	vld [tilespmem:$0x1C0];
	[tilespmem:$0x8190] =	vst v2;
	v2 =	vand.u32 $0x3FFF, v40  }
0x69: {  	v47 =	vshra.s32 v43, $0xE;
	[tilespmem:$0x81A0] =	vst v2;
	v2 =	vand.u32 $0x3FFF, v41  }
0x6a: {  	v48 =	vshra.s32 v44, $0xE;
	v5 =	vsub.s32 v47, v0;
	[tilespmem:$0x81B0] =	vst v2;
	v2 =	vand.u32 $0x3FFF, v42  }
0x6b: {  	v50 =	vshra.s32 v45, $0xE;
	v49 =	vsub.s32 v48, v0;
	[tilespmem:$0x81C0] =	vst v2;
	v2 =	vmin.u32 v5, $0x1400  }
0x6c: {  	v51 =	vsub.s32 v50, v0;
	[tilespmem:$0x8580] =	vst v2;
	v2 =	vmin.u32 v49, $0x1400;
	v3 =	vshra.s32 v3, $0xE  }
0x6d: {  	v4 =	vshra.s32 v46, $0xE;
	[tilespmem:$0x8590] =	vst v2;
	v2 =	vmin.u32 v51, $0x1400;
	v3 =	vsub.s32 v3, v0  }
0x6e: {  	[tilespmem:$0x85A0] =	vst v2;
	v2 =	vmin.u32 v3, $0x1400;
	v3 =	vsub.s32 v4, v0  }
0x6f: {  	[tilespmem:$0x85B0] =	vst v2;
	v2 =	vmin.u32 v3, $0x1400  }
0x70: {  	[tilespmem:$0x85C0] =	vst v2  }
0x71: {  	[tilespmem:s19], [sflag:$0x4] =	stream.indirect.gather [hbm4b:s4+s13], $0x80, s18, s13, $0xb8;
	[tilespmem:$0x1F040] =	vst v63  }
0x72: {  	v2 =	vld [tilespmem:$0x200]  }
0x73: {  	v3 =	vld [tilespmem:$0x210]  }
0x74: {  	v52 =	vld [tilespmem:$0x220]  }
0x75: {  	v53 =	vld [tilespmem:$0x230]  }
0x76: {  	v54 =	vld [tilespmem:$0x240]  }
0x77: {  	v55 =	vld [tilespmem:$0x200]  }
0x78: {  	v56 =	vld [tilespmem:$0x210]  }
0x79: {  	v57 =	vld [tilespmem:$0x220];
	v2 =	vand.u32 $0x3FFF, v2  }
0x7a: {  	[tilespmem:$0x8200] =	vst v2;
	v2 =	vand.u32 $0x3FFF, v3;
	v3 =	vld [tilespmem:$0x230]  }
0x7b: {  	v58 =	vld [tilespmem:$0x240];
	[tilespmem:$0x8210] =	vst v2;
	v2 =	vand.u32 $0x3FFF, v52  }
0x7c: {  	v59 =	vshra.s32 v55, $0xE;
	[tilespmem:$0x8220] =	vst v2;
	v2 =	vand.u32 $0x3FFF, v53  }
0x7d: {  	v60 =	vshra.s32 v56, $0xE;
	v5 =	vsub.s32 v59, v0;
	[tilespmem:$0x8230] =	vst v2;
	v2 =	vand.u32 $0x3FFF, v54  }
0x7e: {  	v62 =	vshra.s32 v57, $0xE;
	v61 =	vsub.s32 v60, v0;
	[tilespmem:$0x8240] =	vst v2;
	v2 =	vmin.u32 v5, $0x1400  }
0x7f: {  	v63 =	vsub.s32 v62, v0;
	[tilespmem:$0x8600] =	vst v2;
	v2 =	vmin.u32 v61, $0x1400;
	v3 =	vshra.s32 v3, $0xE  }
0x80: {  	v4 =	vshra.s32 v58, $0xE;
	[tilespmem:$0x8610] =	vst v2;
	v2 =	vmin.u32 v63, $0x1400;
	v3 =	vsub.s32 v3, v0  }
0x81: {  	[tilespmem:$0x8620] =	vst v2;
	v2 =	vmin.u32 v3, $0x1400;
	v3 =	vsub.s32 v4, v0  }
0x82: {  	[tilespmem:$0x8630] =	vst v2;
	v2 =	vmin.u32 v3, $0x1400  }
0x83: {  	s6 =	simm.s32 $0x70;
	s11 =	simm.s32 $0x3C0;
	[tilespmem:$0x8640] =	vst v2  }
0x84: {  	[tilespmem:s21], [sflag:$0x5] =	stream.indirect.gather [hbm4b:s4+s13], $0x80, s20, s13, $0xb8;
	[tilespmem:$0x1F040] =	vst v63  }
.LBB2_2:
0x85: {  	p0 =	sne.s32 s11, $0x9FC0;
	[tilespmem:s6+$0x8800] =	vst v1  }
0x86: {  	[tilespmem:s6+$0x8790] =	vst v1  }
0x87: {  	[tilespmem:s6+$0x87A0] =	vst v1  }
.Ltmp2:
0x88: {  	[tilespmem:s6+$0x87B0] =	vst v1;
	(pc) =	sbr.rel @p0 .LBB2_2-.Ltmp2, $4  }
0x89: {  	[tilespmem:s6+$0x87C0] =	vst v1  }
0x8a: {  	[tilespmem:s6+$0x87D0] =	vst v1  }
0x8b: {  	[tilespmem:s6+$0x87E0] =	vst v1  }
0x8c: {  	[tilespmem:s6+$0x87F0] =	vst v1;
	s6 =	sshra.s32 s11, $0x2;
	s11 =	sadd.s32 $0x200, s11  }
0x8d: {  	[tilespmem:s6+$0x8800] =	vst v1  }
0x8e: {  	[tilespmem:s6+$0x8790] =	vst v1  }
0x8f: {  	[tilespmem:s6+$0x87A0] =	vst v1  }
0x90: {  	[tilespmem:s6+$0x87B0] =	vst v1  }
0x91: {  	[tilespmem:s6+$0x87C0] =	vst v1  }
0x92: {  	[tilespmem:s6+$0x87D0] =	vst v1  }
0x93: {  	[tilespmem:s6+$0x87E0] =	vst v1  }
0x94: {  	[tilespmem:s6+$0x87F0] =	vst v1;
	s11 =	rddreg [dreg:$0x5]  }
0x95: {  	[spmem:s11] =	stream.linear.scatter [tilespmem:s22], [sflag:$0xB], $0x2800, $0x38;
	[tilespmem:$0x1F040] =	vst v63  }
0x96: {  	_ =	swait.ge [sflag:s12], $0x2800  }
0x97: {  	[sflag:s12] =	ssyncset.done $0x0  }
0x98: {  	s11 =	rddreg [dreg:$0x6];
	[sflag:s12] =	ssyncadd.s32 $0xFFFFD800  }
0x99: {  	[spmem:s11] =	stream.linear.scatter [tilespmem:s22], [sflag:$0xB], $0x2800, $0x38;
	[tilespmem:$0x1F040] =	vst v63  }
0x9a: {  	_ =	swait.ge [sflag:s12], $0x2800  }
0x9b: {  	[sflag:s12] =	ssyncset.done $0x0  }
0x9c: {  	s11 =	rddreg [dreg:$0x7];
	[sflag:s12] =	ssyncadd.s32 $0xFFFFD800  }
0x9d: {  	[spmem:s11] =	stream.linear.scatter [tilespmem:s22], [sflag:$0xB], $0x2800, $0x38;
	[tilespmem:$0x1F040] =	vst v63  }
0x9e: {  	_ =	swait.ge [sflag:s12], $0x2800  }
0x9f: {  	[sflag:s12] =	ssyncset.done $0x0  }
0xa0: {  	s11 =	rddreg [dreg:$0x8];
	[sflag:s12] =	ssyncadd.s32 $0xFFFFD800  }
0xa1: {  	[spmem:s11] =	stream.linear.scatter [tilespmem:s22], [sflag:$0xB], $0x2800, $0x38;
	[tilespmem:$0x1F040] =	vst v63  }
0xa2: {  	_ =	swait.ge [sflag:s12], $0x2800  }
0xa3: {  	[sflag:s12] =	ssyncset.done $0x0  }
0xa4: {  	[sflag:s12] =	ssyncadd.s32 $0xFFFFD800  }
0xa5: {  	v2 =	vld [tilespmem:$0x0]  }
0xa6: {  	v3 =	vld [tilespmem:$0x10]  }
0xa7: {  	v4 =	vld [tilespmem:$0x20]  }
0xa8: {  	v5 =	vld [tilespmem:$0x30]  }
0xa9: {  	v6 =	vld [tilespmem:$0x40]  }
0xaa: {  	v7 =	vld [tilespmem:$0x0]  }
0xab: {  	v8 =	vld [tilespmem:$0x10]  }
0xac: {  	v9 =	vld [tilespmem:$0x20];
	v2 =	vand.u32 $0x3FFF, v2  }
0xad: {  	[tilespmem:$0x8000] =	vst v2;
	v2 =	vand.u32 $0x3FFF, v3;
	v3 =	vld [tilespmem:$0x30]  }
0xae: {  	v58 =	vld [tilespmem:$0x40];
	[tilespmem:$0x8010] =	vst v2;
	v2 =	vand.u32 $0x3FFF, v4  }
0xaf: {  	v59 =	vshra.s32 v7, $0xE;
	[tilespmem:$0x8020] =	vst v2;
	v2 =	vand.u32 $0x3FFF, v5  }
0xb0: {  	v60 =	vshra.s32 v8, $0xE;
	v5 =	vsub.s32 v59, v0;
	[tilespmem:$0x8030] =	vst v2;
	v2 =	vand.u32 $0x3FFF, v6  }
0xb1: {  	v62 =	vshra.s32 v9, $0xE;
	v61 =	vsub.s32 v60, v0;
	[tilespmem:$0x8040] =	vst v2;
	v2 =	vmin.u32 v5, $0x1400  }
0xb2: {  	v63 =	vsub.s32 v62, v0;
	[tilespmem:$0x8400] =	vst v2;
	v2 =	vmin.u32 v61, $0x1400;
	v3 =	vshra.s32 v3, $0xE  }
0xb3: {  	v4 =	vshra.s32 v58, $0xE;
	[tilespmem:$0x8410] =	vst v2;
	v2 =	vmin.u32 v63, $0x1400;
	v3 =	vsub.s32 v3, v0  }
0xb4: {  	[tilespmem:$0x8420] =	vst v2;
	v2 =	vmin.u32 v3, $0x1400;
	v3 =	vsub.s32 v4, v0  }
0xb5: {  	[tilespmem:$0x8430] =	vst v2;
	v2 =	vmin.u32 v3, $0x1400  }
0xb6: {  	[tilespmem:$0x8440] =	vst v2  }
0xb7: {  	[tilespmem:s22], [sflag:$0x1] =	stream.indirect.gather [hbm4b:s4+s13], $0x80, s23, s13, $0xb8;
	[tilespmem:$0x1F040] =	vst v63  }
0xb8: {  	s6 =	simm.s32 $0x1300;
	[bflag:$0x0] =	sbarrier.arrive $0xFFFF  }
.LBB2_4:
0xb9: {  	_ =	swait.ge [sflag:s24], $0x2800  }
0xba: {  	[sflag:s24] =	ssyncset.done $0x0  }
0xbb: {  	[sflag:s24] =	ssyncadd.s32 $0xFFFFD800  }
0xbc: {  	[spmem:s2] =	stream.indirect.scatter.add.f32 [tilespmem:s22], [sflag:$0x6], $0x80, s25, s13, $0xb8;
	[tilespmem:$0x1F040] =	vst v63  }
0xbd: {  	_ =	swait.ge [sflag:s26], $0x2800  }
0xbe: {  	[sflag:s26] =	ssyncset.done $0x0  }
0xbf: {  	[sflag:s26] =	ssyncadd.s32 $0xFFFFD800  }
0xc0: {  	[spmem:s2] =	stream.indirect.scatter.add.f32 [tilespmem:s15], [sflag:$0x7], $0x80, s28, s13, $0xb8;
	[tilespmem:$0x1F040] =	vst v63  }
0xc1: {  	_ =	swait.ge [sflag:s29], $0x2800  }
0xc2: {  	[sflag:s29] =	ssyncset.done $0x0  }
0xc3: {  	[sflag:s29] =	ssyncadd.s32 $0xFFFFD800  }
0xc4: {  	[spmem:s2] =	stream.indirect.scatter.add.f32 [tilespmem:s17], [sflag:$0x8], $0x80, s30, s13, $0xb8;
	[tilespmem:$0x1F040] =	vst v63  }
0xc5: {  	_ =	swait.ge [sflag:s31], $0x2800  }
0xc6: {  	[sflag:s31] =	ssyncset.done $0x0  }
0xc7: {  	p0 =	seq.s32 s6, $0x1FD00;
	[sflag:s31] =	ssyncadd.s32 $0xFFFFD800  }
0xc8: {  	[spmem:s2] =	stream.indirect.scatter.add.f32 [tilespmem:s19], [sflag:$0x9], $0x80, s1, s13, $0xb8;
	[tilespmem:$0x1F040] =	vst v63  }
.Ltmp3:
0xc9: {  	_ = 	snop;
	(pc) =	sbr.rel @p0 .LBB2_6-.Ltmp3, $4  }
0xca: {  	_ =	swait.ge [sflag:s3], $0x2800  }
0xcb: {  	[sflag:s3] =	ssyncset.done $0x0  }
0xcc: {  	[sflag:s3] =	ssyncadd.s32 $0xFFFFD800  }
0xcd: {  	[spmem:s2] =	stream.indirect.scatter.add.f32 [tilespmem:s21], [sflag:$0xA], $0x80, s0, s13, $0xb8;
	[tilespmem:$0x1F040] =	vst v63  }
0xce: {  	s11 =	sshra.s32 s6, $0x2  }
0xcf: {  	v2 =	vld [tilespmem:s11+$0xFFFFFDC0];
	_ =	sdelay $0x4  }
0xd0: {  	v2 =	vand.u32 $0x3FFF, v2  }
0xd1: {  	[tilespmem:$0x8000] =	vst v2  }
0xd2: {  	v2 =	vld [tilespmem:s11+$0xFFFFFDD0];
	_ =	sdelay $0x4  }
0xd3: {  	v2 =	vand.u32 $0x3FFF, v2  }
0xd4: {  	[tilespmem:$0x8010] =	vst v2  }
0xd5: {  	v2 =	vld [tilespmem:s11+$0xFFFFFDE0];
	_ =	sdelay $0x4  }
0xd6: {  	v2 =	vand.u32 $0x3FFF, v2  }
0xd7: {  	[tilespmem:$0x8020] =	vst v2  }
0xd8: {  	v2 =	vld [tilespmem:s11+$0xFFFFFDF0];
	_ =	sdelay $0x4  }
0xd9: {  	v2 =	vand.u32 $0x3FFF, v2  }
0xda: {  	[tilespmem:$0x8030] =	vst v2  }
0xdb: {  	v2 =	vld [tilespmem:s11+$0xFFFFFE00];
	_ =	sdelay $0x4  }
0xdc: {  	v2 =	vand.u32 $0x3FFF, v2  }
0xdd: {  	[tilespmem:$0x8040] =	vst v2  }
0xde: {  	v2 =	vld [tilespmem:s11+$0xFFFFFE40];
	_ =	sdelay $0x4  }
0xdf: {  	v2 =	vand.u32 $0x3FFF, v2  }
0xe0: {  	[tilespmem:$0x8080] =	vst v2  }
0xe1: {  	v2 =	vld [tilespmem:s11+$0xFFFFFE50];
	_ =	sdelay $0x4  }
0xe2: {  	v2 =	vand.u32 $0x3FFF, v2  }
0xe3: {  	[tilespmem:$0x8090] =	vst v2  }
0xe4: {  	v2 =	vld [tilespmem:s11+$0xFFFFFE60];
	_ =	sdelay $0x4  }
0xe5: {  	v2 =	vand.u32 $0x3FFF, v2  }
0xe6: {  	[tilespmem:$0x80A0] =	vst v2  }
0xe7: {  	v2 =	vld [tilespmem:s11+$0xFFFFFE70];
	_ =	sdelay $0x4  }
0xe8: {  	v2 =	vand.u32 $0x3FFF, v2  }
0xe9: {  	[tilespmem:$0x80B0] =	vst v2  }
0xea: {  	v2 =	vld [tilespmem:s11+$0xFFFFFE80];
	_ =	sdelay $0x4  }
0xeb: {  	v2 =	vand.u32 $0x3FFF, v2  }
0xec: {  	[tilespmem:$0x80C0] =	vst v2  }
0xed: {  	v2 =	vld [tilespmem:s11+$0xFFFFFEC0];
	_ =	sdelay $0x4  }
0xee: {  	v2 =	vand.u32 $0x3FFF, v2  }
0xef: {  	[tilespmem:$0x8100] =	vst v2  }
0xf0: {  	v2 =	vld [tilespmem:s11+$0xFFFFFED0];
	_ =	sdelay $0x4  }
0xf1: {  	v2 =	vand.u32 $0x3FFF, v2  }
0xf2: {  	[tilespmem:$0x8110] =	vst v2  }
0xf3: {  	v2 =	vld [tilespmem:s11+$0xFFFFFEE0];
	_ =	sdelay $0x4  }
0xf4: {  	v2 =	vand.u32 $0x3FFF, v2  }
0xf5: {  	[tilespmem:$0x8120] =	vst v2  }
0xf6: {  	v2 =	vld [tilespmem:s11+$0xFFFFFEF0];
	_ =	sdelay $0x4  }
0xf7: {  	v2 =	vand.u32 $0x3FFF, v2  }
0xf8: {  	[tilespmem:$0x8130] =	vst v2  }
0xf9: {  	v2 =	vld [tilespmem:s11+$0xFFFFFF00];
	_ =	sdelay $0x4  }
0xfa: {  	v2 =	vand.u32 $0x3FFF, v2  }
0xfb: {  	[tilespmem:$0x8140] =	vst v2  }
0xfc: {  	v2 =	vld [tilespmem:s11+$0xFFFFFF40];
	_ =	sdelay $0x4  }
0xfd: {  	v2 =	vand.u32 $0x3FFF, v2  }
0xfe: {  	[tilespmem:$0x8180] =	vst v2  }
0xff: {  	v2 =	vld [tilespmem:s11+$0xFFFFFF50];
	_ =	sdelay $0x4  }
0x100: {  	v2 =	vand.u32 $0x3FFF, v2  }
0x101: {  	[tilespmem:$0x8190] =	vst v2  }
0x102: {  	v2 =	vld [tilespmem:s11+$0xFFFFFF60];
	_ =	sdelay $0x4  }
0x103: {  	v2 =	vand.u32 $0x3FFF, v2  }
0x104: {  	[tilespmem:$0x81A0] =	vst v2  }
0x105: {  	v2 =	vld [tilespmem:s11+$0xFFFFFF70];
	_ =	sdelay $0x4  }
0x106: {  	v2 =	vand.u32 $0x3FFF, v2  }
0x107: {  	[tilespmem:$0x81B0] =	vst v2  }
0x108: {  	v2 =	vld [tilespmem:s11+$0xFFFFFF80];
	_ =	sdelay $0x4  }
0x109: {  	v2 =	vand.u32 $0x3FFF, v2  }
0x10a: {  	[tilespmem:$0x81C0] =	vst v2  }
0x10b: {  	v2 =	vld [tilespmem:s11+$0xFFFFFFC0];
	_ =	sdelay $0x4  }
0x10c: {  	v2 =	vand.u32 $0x3FFF, v2  }
0x10d: {  	[tilespmem:$0x8200] =	vst v2  }
0x10e: {  	v2 =	vld [tilespmem:s11+$0xFFFFFFD0];
	_ =	sdelay $0x4  }
0x10f: {  	v2 =	vand.u32 $0x3FFF, v2  }
0x110: {  	[tilespmem:$0x8210] =	vst v2  }
0x111: {  	v2 =	vld [tilespmem:s11+$0xFFFFFFE0];
	_ =	sdelay $0x4  }
0x112: {  	v2 =	vand.u32 $0x3FFF, v2  }
0x113: {  	[tilespmem:$0x8220] =	vst v2  }
0x114: {  	v2 =	vld [tilespmem:s11+$0xFFFFFFF0];
	_ =	sdelay $0x4  }
0x115: {  	v2 =	vand.u32 $0x3FFF, v2  }
0x116: {  	[tilespmem:$0x8230] =	vst v2  }
0x117: {  	v2 =	vld [tilespmem:s11+$0x0];
	_ =	sdelay $0x4  }
0x118: {  	v2 =	vand.u32 $0x3FFF, v2  }
0x119: {  	[tilespmem:$0x8240] =	vst v2  }
0x11a: {  	_ =	swait.ge [sflag:s5], $0x2800  }
0x11b: {  	[sflag:s5] =	ssyncset.done $0x0  }
0x11c: {  	[sflag:s5] =	ssyncadd.s32 $0xFFFFD800  }
0x11d: {  	v2 =	vld [tilespmem:s11+$0xFFFFFDC0];
	_ =	sdelay $0x4  }
0x11e: {  	v2 =	vshra.s32 v2, $0xE  }
0x11f: {  	v2 =	vsub.s32 v2, v0  }
0x120: {  	v2 =	vmin.u32 v2, $0x1400  }
0x121: {  	[tilespmem:$0x8400] =	vst v2  }
0x122: {  	v2 =	vld [tilespmem:s11+$0xFFFFFDD0];
	_ =	sdelay $0x4  }
0x123: {  	v2 =	vshra.s32 v2, $0xE  }
0x124: {  	v2 =	vsub.s32 v2, v0  }
0x125: {  	v2 =	vmin.u32 v2, $0x1400  }
0x126: {  	[tilespmem:$0x8410] =	vst v2  }
0x127: {  	v2 =	vld [tilespmem:s11+$0xFFFFFDE0];
	_ =	sdelay $0x4  }
0x128: {  	v2 =	vshra.s32 v2, $0xE  }
0x129: {  	v2 =	vsub.s32 v2, v0  }
0x12a: {  	v2 =	vmin.u32 v2, $0x1400  }
0x12b: {  	[tilespmem:$0x8420] =	vst v2  }
0x12c: {  	v2 =	vld [tilespmem:s11+$0xFFFFFDF0];
	_ =	sdelay $0x4  }
0x12d: {  	v2 =	vshra.s32 v2, $0xE  }
0x12e: {  	v2 =	vsub.s32 v2, v0  }
0x12f: {  	v2 =	vmin.u32 v2, $0x1400  }
0x130: {  	[tilespmem:$0x8430] =	vst v2  }
0x131: {  	v2 =	vld [tilespmem:s11+$0xFFFFFE00];
	_ =	sdelay $0x4  }
0x132: {  	v2 =	vshra.s32 v2, $0xE  }
0x133: {  	v2 =	vsub.s32 v2, v0  }
0x134: {  	v2 =	vmin.u32 v2, $0x1400  }
0x135: {  	[tilespmem:$0x8440] =	vst v2  }
0x136: {  	[tilespmem:s22], [sflag:$0x1] =	stream.indirect.gather [hbm4b:s4+s13], $0x80, s23, s13, $0xb8;
	[tilespmem:$0x1F040] =	vst v63  }
0x137: {  	_ =	swait.ge [sflag:s7], $0x2800  }
0x138: {  	[sflag:s7] =	ssyncset.done $0x0  }
0x139: {  	[sflag:s7] =	ssyncadd.s32 $0xFFFFD800  }
0x13a: {  	v2 =	vld [tilespmem:s11+$0xFFFFFE40];
	_ =	sdelay $0x4  }
0x13b: {  	v2 =	vshra.s32 v2, $0xE  }
0x13c: {  	v2 =	vsub.s32 v2, v0  }
0x13d: {  	v2 =	vmin.u32 v2, $0x1400  }
0x13e: {  	[tilespmem:$0x8480] =	vst v2  }
0x13f: {  	v2 =	vld [tilespmem:s11+$0xFFFFFE50];
	_ =	sdelay $0x4  }
0x140: {  	v2 =	vshra.s32 v2, $0xE  }
0x141: {  	v2 =	vsub.s32 v2, v0  }
0x142: {  	v2 =	vmin.u32 v2, $0x1400  }
0x143: {  	[tilespmem:$0x8490] =	vst v2  }
0x144: {  	v2 =	vld [tilespmem:s11+$0xFFFFFE60];
	_ =	sdelay $0x4  }
0x145: {  	v2 =	vshra.s32 v2, $0xE  }
0x146: {  	v2 =	vsub.s32 v2, v0  }
0x147: {  	v2 =	vmin.u32 v2, $0x1400  }
0x148: {  	[tilespmem:$0x84A0] =	vst v2  }
0x149: {  	v2 =	vld [tilespmem:s11+$0xFFFFFE70];
	_ =	sdelay $0x4  }
0x14a: {  	v2 =	vshra.s32 v2, $0xE  }
0x14b: {  	v2 =	vsub.s32 v2, v0  }
0x14c: {  	v2 =	vmin.u32 v2, $0x1400  }
0x14d: {  	[tilespmem:$0x84B0] =	vst v2  }
0x14e: {  	v2 =	vld [tilespmem:s11+$0xFFFFFE80];
	_ =	sdelay $0x4  }
0x14f: {  	v2 =	vshra.s32 v2, $0xE  }
0x150: {  	v2 =	vsub.s32 v2, v0  }
0x151: {  	v2 =	vmin.u32 v2, $0x1400  }
0x152: {  	[tilespmem:$0x84C0] =	vst v2  }
0x153: {  	[tilespmem:s15], [sflag:$0x2] =	stream.indirect.gather [hbm4b:s4+s13], $0x80, s14, s13, $0xb8;
	[tilespmem:$0x1F040] =	vst v63  }
0x154: {  	_ =	swait.ge [sflag:s8], $0x2800  }
0x155: {  	[sflag:s8] =	ssyncset.done $0x0  }
0x156: {  	[sflag:s8] =	ssyncadd.s32 $0xFFFFD800  }
0x157: {  	v2 =	vld [tilespmem:s11+$0xFFFFFEC0];
	_ =	sdelay $0x4  }
0x158: {  	v2 =	vshra.s32 v2, $0xE  }
0x159: {  	v2 =	vsub.s32 v2, v0  }
0x15a: {  	v2 =	vmin.u32 v2, $0x1400  }
0x15b: {  	[tilespmem:$0x8500] =	vst v2  }
0x15c: {  	v2 =	vld [tilespmem:s11+$0xFFFFFED0];
	_ =	sdelay $0x4  }
0x15d: {  	v2 =	vshra.s32 v2, $0xE  }
0x15e: {  	v2 =	vsub.s32 v2, v0  }
0x15f: {  	v2 =	vmin.u32 v2, $0x1400  }
0x160: {  	[tilespmem:$0x8510] =	vst v2  }
0x161: {  	v2 =	vld [tilespmem:s11+$0xFFFFFEE0];
	_ =	sdelay $0x4  }
0x162: {  	v2 =	vshra.s32 v2, $0xE  }
0x163: {  	v2 =	vsub.s32 v2, v0  }
0x164: {  	v2 =	vmin.u32 v2, $0x1400  }
0x165: {  	[tilespmem:$0x8520] =	vst v2  }
0x166: {  	v2 =	vld [tilespmem:s11+$0xFFFFFEF0];
	_ =	sdelay $0x4  }
0x167: {  	v2 =	vshra.s32 v2, $0xE  }
0x168: {  	v2 =	vsub.s32 v2, v0  }
0x169: {  	v2 =	vmin.u32 v2, $0x1400  }
0x16a: {  	[tilespmem:$0x8530] =	vst v2  }
0x16b: {  	v2 =	vld [tilespmem:s11+$0xFFFFFF00];
	_ =	sdelay $0x4  }
0x16c: {  	v2 =	vshra.s32 v2, $0xE  }
0x16d: {  	v2 =	vsub.s32 v2, v0  }
0x16e: {  	v2 =	vmin.u32 v2, $0x1400  }
0x16f: {  	[tilespmem:$0x8540] =	vst v2  }
0x170: {  	[tilespmem:s17], [sflag:$0x3] =	stream.indirect.gather [hbm4b:s4+s13], $0x80, s16, s13, $0xb8;
	[tilespmem:$0x1F040] =	vst v63  }
0x171: {  	_ =	swait.ge [sflag:s9], $0x2800  }
0x172: {  	[sflag:s9] =	ssyncset.done $0x0  }
0x173: {  	[sflag:s9] =	ssyncadd.s32 $0xFFFFD800  }
0x174: {  	v2 =	vld [tilespmem:s11+$0xFFFFFF40];
	_ =	sdelay $0x4  }
0x175: {  	v2 =	vshra.s32 v2, $0xE  }
0x176: {  	v2 =	vsub.s32 v2, v0  }
0x177: {  	v2 =	vmin.u32 v2, $0x1400  }
0x178: {  	[tilespmem:$0x8580] =	vst v2  }
0x179: {  	v2 =	vld [tilespmem:s11+$0xFFFFFF50];
	_ =	sdelay $0x4  }
0x17a: {  	v2 =	vshra.s32 v2, $0xE  }
0x17b: {  	v2 =	vsub.s32 v2, v0  }
0x17c: {  	v2 =	vmin.u32 v2, $0x1400  }
0x17d: {  	[tilespmem:$0x8590] =	vst v2  }
0x17e: {  	v2 =	vld [tilespmem:s11+$0xFFFFFF60];
	_ =	sdelay $0x4  }
0x17f: {  	v2 =	vshra.s32 v2, $0xE  }
0x180: {  	v2 =	vsub.s32 v2, v0  }
0x181: {  	v2 =	vmin.u32 v2, $0x1400  }
0x182: {  	[tilespmem:$0x85A0] =	vst v2  }
0x183: {  	v2 =	vld [tilespmem:s11+$0xFFFFFF70];
	_ =	sdelay $0x4  }
0x184: {  	v2 =	vshra.s32 v2, $0xE  }
0x185: {  	v2 =	vsub.s32 v2, v0  }
0x186: {  	v2 =	vmin.u32 v2, $0x1400  }
0x187: {  	[tilespmem:$0x85B0] =	vst v2  }
0x188: {  	v2 =	vld [tilespmem:s11+$0xFFFFFF80];
	_ =	sdelay $0x4  }
0x189: {  	v2 =	vshra.s32 v2, $0xE  }
0x18a: {  	v2 =	vsub.s32 v2, v0  }
0x18b: {  	v2 =	vmin.u32 v2, $0x1400  }
0x18c: {  	[tilespmem:$0x85C0] =	vst v2  }
0x18d: {  	[tilespmem:s19], [sflag:$0x4] =	stream.indirect.gather [hbm4b:s4+s13], $0x80, s18, s13, $0xb8;
	[tilespmem:$0x1F040] =	vst v63  }
0x18e: {  	_ =	swait.ge [sflag:s10], $0x2800  }
0x18f: {  	[sflag:s10] =	ssyncset.done $0x0  }
0x190: {  	[sflag:s10] =	ssyncadd.s32 $0xFFFFD800  }
0x191: {  	v2 =	vld [tilespmem:s11+$0xFFFFFFC0];
	_ =	sdelay $0x4  }
0x192: {  	v2 =	vshra.s32 v2, $0xE  }
0x193: {  	v2 =	vsub.s32 v2, v0  }
0x194: {  	v2 =	vmin.u32 v2, $0x1400  }
0x195: {  	[tilespmem:$0x8600] =	vst v2  }
0x196: {  	v2 =	vld [tilespmem:s11+$0xFFFFFFD0];
	_ =	sdelay $0x4  }
0x197: {  	v2 =	vshra.s32 v2, $0xE  }
0x198: {  	v2 =	vsub.s32 v2, v0  }
0x199: {  	v2 =	vmin.u32 v2, $0x1400  }
0x19a: {  	[tilespmem:$0x8610] =	vst v2  }
0x19b: {  	v2 =	vld [tilespmem:s11+$0xFFFFFFE0];
	_ =	sdelay $0x4  }
0x19c: {  	v2 =	vshra.s32 v2, $0xE  }
0x19d: {  	v2 =	vsub.s32 v2, v0  }
0x19e: {  	v2 =	vmin.u32 v2, $0x1400  }
0x19f: {  	[tilespmem:$0x8620] =	vst v2  }
0x1a0: {  	v2 =	vld [tilespmem:s11+$0xFFFFFFF0];
	_ =	sdelay $0x4  }
0x1a1: {  	v2 =	vshra.s32 v2, $0xE  }
0x1a2: {  	v2 =	vsub.s32 v2, v0  }
0x1a3: {  	v2 =	vmin.u32 v2, $0x1400  }
0x1a4: {  	[tilespmem:$0x8630] =	vst v2  }
0x1a5: {  	v2 =	vld [tilespmem:s11+$0x0];
	_ =	sdelay $0x4  }
.Ltmp4:
0x1a6: {  	v2 =	vshra.s32 v2, $0xE;
	(pc) =	sbr.rel .LBB2_4-.Ltmp4, $4  }
0x1a7: {  	v2 =	vsub.s32 v2, v0  }
0x1a8: {  	v2 =	vmin.u32 v2, $0x1400  }
0x1a9: {  	s6 =	sadd.s32 $0xA00, s6;
	[tilespmem:$0x8640] =	vst v2  }
0x1aa: {  	[tilespmem:s21], [sflag:$0x5] =	stream.indirect.gather [hbm4b:s4+s13], $0x80, s20, s13, $0xb8;
	[tilespmem:$0x1F040] =	vst v63  }
.LBB2_7:
0x1ab: {  	_ =	sfence.sel $0x180000  }
0x1ac: {  	[bflag:$0x0] =	sbarrier.arrive $0xFFFF  }
0x1ad: {  	_ =	strace $0x9000004D  }
0x1ae: {  	s0 =	stileid.u32;
	[bflag:$0x2] =	sbarrier.arrive $0xFFFF  }
0x1af: {  	p0 =	sne.s32 s0, $0x0;
	s0 =	rddreg [dreg:$0x3]  }
0x1b0: {  	s0 =	sadd.s32 @!p0 $0x100000, s0  }
0x1b1: {  	[sflag:s0] =	ssyncadd.tile.s32 @!p0 $0x1;
	_ =	shalt  }
.Lfunc_end2:
_tile_overlayer_lowered:
.L_overlay_start_2:
0x1b2: {  	(tag) =	ssettag $0x2  }
0x1b3: {  	s0 =	rddreg [dreg:$0x0];
	s2 =	stileid.u32  }
0x1b4: {  	s1 =	rddreg [dreg:$0x1];
	p0 =	sne.s32 s2, $0x0  }
0x1b5: {  	s3 =	rddreg [dreg:$0x2];
	[bflag:$0x3] =	sbarrier.arrive $0xFFFF;
	s2 =	simm.s32 @!p0 $0x1C0B  }
0x1b6: {  	[timem:s3], [sflag:s2] =	dma.local @!p0 [hbm:s0], s1  }
0x1b7: {  	s0 =	simm.s32 @!p0 $0xB  }
0x1b8: {  	_ =	swait.ge @!p0 [sflag:s0], s1  }
0x1b9: {  	s1 =	ssub.s32 @!p0 $0x0, s1;
	[sflag:s0] =	ssyncset.done @!p0 $0x0  }
0x1ba: {  	[sflag:s0] =	ssyncadd.s32 @!p0 s1  }
0x1bb: {  	[bflag:$0x3] =	sbarrier.arrive $0xFFFF  }
0x1bc: {  	_ =	shalt  }

// kernel: kernel.8.cloned.1.call-start
scs
__scs_entry_jumppad:
0x0: {  	(pc) =	sbr.rel $0x88, $3  }
0x1: {  	(tag) =	ssettag $0x0;
	lr =	simm.s32 $0x1  }
0x2: {  	[smem:$0x3F9B] =	sst lr;
	_ =	strace $0xD0000000  }
0x3: {  	_ = 	snop  }
0x4: {  	_ = 	snop  }
0x5: {  	_ = 	snop  }
0x6: {  	_ = 	snop  }
0x7: {  	_ = 	snop  }
__scs_overlays_trampoline_lowered:
0x8: {  	[smem:$0x3FAA] =	sst s0  }
0x9: {  	[smem:$0x3FAB] =	sst s1  }
0xa: {  	[smem:$0x3FAC] =	sst s2  }
0xb: {  	[smem:$0x3FAD] =	sst s3  }
0xc: {  	[smem:$0x3FAE] =	sst s4  }
0xd: {  	[smem:$0x3FAF] =	sst s5  }
0xe: {  	[smem:$0x3FB0] =	sst s6  }
0xf: {  	[smem:$0x3FB1] =	sst s7  }
0x10: {  	[smem:$0x3FB2] =	sst s8  }
0x11: {  	[smem:$0x3FB3] =	sst s9;
	s0 =	simm.s32 @!p0 $0x0  }
0x12: {  	s1 =	sld [smem:$0x3F99];
	s0 =	simm.s32 @p0 $0x1  }
0x13: {  	[smem:$0x3FB4] =	sst s0;
	s0 =	simm.s32 @!p1 $0x0  }
0x14: {  	s2 =	sld [smem:$0x3F98];
	s0 =	simm.s32 @p1 $0x1  }
0x15: {  	[smem:$0x3FB5] =	sst s0;
	s0 =	simm.s32 @!p2 $0x0  }
0x16: {  	s3 =	sld [smem:$0x3FDB];
	s0 =	simm.s32 @p2 $0x1  }
0x17: {  	s4 =	simm.s32 $0x1BF5;
	[smem:$0x3FB7] =	sst s0  }
0x18: {  	s0 =	sld [smem:$0x3F9A];
	_ =	swait.ge [sflag:s4], $0x0  }
0x19: {  	s7 =	sld [smem:$0x3F9B]  }
0x1a: {  	s8 =	sadd.s32 $0xFFFFE003, lr  }
0x1b: {  	s9 =	sadd.s32 $0xFFFFFEF7, lr;
	s5 =	simm.s32 $0xFFFFFFFF;
	p2 =	slt.u32 s8, $0xFFFFF086  }
0x1c: {  	p1 =	slt.u32 s9, $0xF7A;
	s5 =	simm.s32 @!p2 $0x0  }
0x1d: {  	s5 =	simm.s32 @p1 $0x1;
	p0 =	seq.s32 s7, s2  }
0x1e: {  	s7 =	smul.u32 @!p0 $0xF7A, s2;
	p2 =	seq.s32 @!p0 s5, $0x0  }
0x1f: {  	s9 =	smul.u32 $0xF7A, s1;
	s8 =	simm.s32 @!p0 $0x1BF5;
	p2 =	por !p2, p0  }
0x20: {  	[sflag:s8] =	ssyncset.s32 @!p0 $0xFFFFF086;
	s6 =	sadd.s32 @!p0 s3, s7;
	s7 =	simm.s32 @!p0 $0x108  }
0x21: {  	s3 =	sadd.s32 s3, s9;
	s6 =	sadd.s32 @!p0 $0x88, s6;
	s7 =	simm.s32 @p2 $0x1082  }
0x22: {  	[simem:s7], [sflag:s8] =	dma.local @!p0 [hbm:s6], $0xF7A  }
0x23: {  	s9 =	sor.u32 $0xD0000000, s2;
	s6 =	simm.s32 $0x108;
	_ =	swait.ge @!p0 [sflag:s8], $0x0  }
0x24: {  	s3 =	sadd.s32 $0x88, s3;
	s6 =	simm.s32 @!p1 $0x1082;
	[sflag:s4] =	ssyncset.s32 $0xFFFFF086  }
0x25: {  	[simem:s6], [sflag:s4] =	dma.local [hbm:s3], $0xF7A  }
0x26: {  	[smem:$0x3F9B] =	sst s1;
	(tag) =	ssettag s2;
	_ =	strace s9  }
0x27: {  	s1 =	sld [smem:$0x3FAB]  }
0x28: {  	s2 =	sld [smem:$0x3FAC]  }
0x29: {  	s4 =	sld [smem:$0x3FAE]  }
0x2a: {  	p0 =	seq.s32 s5, $0x0;
	s5 =	sld [smem:$0x3FAF]  }
0x2b: {  	s6 =	sld [smem:$0x3FB0]  }
0x2c: {  	s7 =	sld [smem:$0x3FB1]  }
0x2d: {  	s3 =	simm.s32 $0x108;
	s8 =	sld [smem:$0x3FB2]  }
0x2e: {  	s3 =	simm.s32 @!p0 $0x1082;
	s9 =	sld [smem:$0x3FB3]  }
0x2f: {  	lr =	sadd.s32 s0, s3;
	s0 =	sld [smem:$0x3FAA]  }
0x30: {  	s3 =	sld [smem:$0x3FAD]  }
0x31: {  	[smem:$0x3FB6] =	sst s10  }
0x32: {  	s10 =	sld [smem:$0x3FB4];
	_ =	sdelay $0x3  }
0x33: {  	p0 =	seq.s32 s10, $0x1;
	s10 =	sld [smem:$0x3FB6];
	_ =	sdelay $0x3  }
0x34: {  	[smem:$0x3FB6] =	sst s10  }
0x35: {  	s10 =	sld [smem:$0x3FB5];
	_ =	sdelay $0x3  }
0x36: {  	p1 =	seq.s32 s10, $0x1;
	s10 =	sld [smem:$0x3FB6];
	_ =	sdelay $0x3  }
0x37: {  	[smem:$0x3FB6] =	sst s10  }
0x38: {  	s10 =	sld [smem:$0x3FB7]  }
0x39: {  	_ = 	snop;
	(pc) =	sbr.ind lr, $3  }
0x3a: {  	_ = 	snop  }
0x3b: {  	_ = 	snop  }
0x3c: {  	p2 =	seq.s32 s10, $0x1;
	s10 =	sld [smem:$0x3FB6]  }
0x3d: {  	_ =	shalt  }
0x3e: {  	_ =	shalt  }
0x3f: {  	_ =	shalt  }
0x40: {  	_ =	shalt  }
0x41: {  	_ =	shalt  }
0x42: {  	_ =	shalt  }
0x43: {  	_ =	shalt  }
0x44: {  	_ =	shalt  }
0x45: {  	_ =	shalt  }
0x46: {  	_ =	shalt  }
0x47: {  	_ =	shalt  }
0x48: {  	_ =	shalt  }
0x49: {  	_ =	shalt  }
0x4a: {  	_ =	shalt  }
0x4b: {  	_ =	shalt  }
0x4c: {  	_ =	shalt  }
0x4d: {  	_ =	shalt  }
0x4e: {  	_ =	shalt  }
0x4f: {  	_ =	shalt  }
0x50: {  	_ =	shalt  }
0x51: {  	_ =	shalt  }
0x52: {  	_ =	shalt  }
0x53: {  	_ =	shalt  }
0x54: {  	_ =	shalt  }
0x55: {  	_ =	shalt  }
0x56: {  	_ =	shalt  }
0x57: {  	_ =	shalt  }
0x58: {  	_ =	shalt  }
0x59: {  	_ =	shalt  }
0x5a: {  	_ =	shalt  }
0x5b: {  	_ =	shalt  }
0x5c: {  	_ =	shalt  }
0x5d: {  	_ =	shalt  }
0x5e: {  	_ =	shalt  }
0x5f: {  	_ =	shalt  }
0x60: {  	_ =	shalt  }
0x61: {  	_ =	shalt  }
0x62: {  	_ =	shalt  }
0x63: {  	_ =	shalt  }
0x64: {  	_ =	shalt  }
0x65: {  	_ =	shalt  }
0x66: {  	_ =	shalt  }
0x67: {  	_ =	shalt  }
0x68: {  	_ =	shalt  }
0x69: {  	_ =	shalt  }
0x6a: {  	_ =	shalt  }
0x6b: {  	_ =	shalt  }
0x6c: {  	_ =	shalt  }
0x6d: {  	_ =	shalt  }
0x6e: {  	_ =	shalt  }
0x6f: {  	_ =	shalt  }
0x70: {  	_ =	shalt  }
0x71: {  	_ =	shalt  }
0x72: {  	_ =	shalt  }
0x73: {  	_ =	shalt  }
0x74: {  	_ =	shalt  }
0x75: {  	_ =	shalt  }
0x76: {  	_ =	shalt  }
0x77: {  	_ =	shalt  }
0x78: {  	_ =	shalt  }
0x79: {  	_ =	shalt  }
0x7a: {  	_ =	shalt  }
0x7b: {  	_ =	shalt  }
0x7c: {  	_ =	shalt  }
0x7d: {  	_ =	shalt  }
0x7e: {  	_ =	shalt  }
0x7f: {  	_ =	shalt  }
0x80: {  	_ =	shalt  }
0x81: {  	_ =	shalt  }
0x82: {  	_ =	shalt  }
0x83: {  	_ =	shalt  }
0x84: {  	_ =	shalt  }
0x85: {  	_ =	shalt  }
0x86: {  	_ =	shalt  }
0x87: {  	_ =	shalt  }
.Lfunc_end0:
.L_simem_size_0:
called_computation_lowered:
.L_overlay_start_0:
0x88: {  	s2 =	sld [smem:$0x3FD9]  }
0x89: {  	s3 =	sld [smem:$0x3FFE];
	_ =	sdelay $0x1  }
0x8a: {  	s1 =	srdreg.scid  }
0x8b: {  	s0 =	sand.u32 $0x1, s1  }
0x8c: {  	s16 =	sshll.u32 s0, $0xA;
	s2 =	sadd.s32 s3, s2  }
0x8d: {  	s2 =	sadd.s32 s2, s16  }
0x8e: {  	[smem:$0x3FC2] =	sst s2  }
0x8f: {  	_ = 	snop  }
0x90: {  	(tm) =	ssettm $0x1  }
0x91: {  	s17 =	sld [smem:$0x3FFB];
	_ =	sdelay $0x3  }
0x92: {  	_ =	strace s17  }
0x93: {  	s2 =	sld [smem:$0x3FFC];
	_ =	sdelay $0x3  }
0x94: {  	_ =	strace s2  }
0x95: {  	s2 =	sld [smem:$0x3FFD];
	_ =	sdelay $0x3  }
0x96: {  	_ =	strace s2  }
0x97: {  	_ =	strace $0x8FFFFFFF  }
0x98: {  	s18 =	sld [smem:$0x3FDB];
	_ =	sdelay $0x1  }
0x99: {  	s19 =	simm.s32 $_scs_section_size  }
0x9a: {  	s4 =	simm.s32 $_size__tile_overlayer_lowered;
	s5 =	simm.s32 $_tile_overlayer_lowered  }
0x9b: {  	s22 =	simm.s32 $0x1BFF;
	s21 =	sshll.u32 s5, $0x1;
	s2 =	sadd.s32 s19, s18  }
0x9c: {  	s6 =	simm.s32 $0x0;
	s20 =	sshll.u32 s4, $0x1;
	s4 =	sadd.s32 s21, s2  }
0x9d: {  	[timem:s6], [sflag:s22] =	dma.local [hbm:s4], s20  }
0x9e: {  	_ =	swait.ge [sflag:s22], s20  }
0x9f: {  	s3 =	ssub.s32 $0x0, s20;
	[sflag:s22] =	ssyncset.done $0x0  }
0xa0: {  	[sflag:s22] =	ssyncadd.s32 s3;
	_ =	sdelay $0x1  }
0xa1: {  	s23 =	simm.s32 $0x1B8B  }
0xa2: {  	_ =	swait.ge [sflag:s23], $0x1  }
0xa3: {  	[sflag:s23] =	ssyncset.done $0x0  }
0xa4: {  	s25 =	simm.s32 $0x1B8E;
	s24 =	sld [smem:$0x3FFE];
	[sflag:s23] =	ssyncadd.s32 $0xFFFFFFFF  }
0xa5: {  	s26 =	simm.s32 $execute0_lowered;
	[smem:$0x3FD2] =	sst s25  }
0xa6: {  	s4 =	sshll.u32 s26, $0x1;
	_ =	strace $0x80000046;
	[dreg:$0x1] =	wrdreg $0xFFFFFFFF  }
0xa7: {  	s28 =	simm.s32 $_size_execute0_lowered;
	s2 =	sadd.s32 s2, s4;
	[dreg:$0x0] =	wrdreg $0x0  }
0xa8: {  	s4 =	sshll.u32 s28, $0x1;
	[dreg:$0x2] =	wrdreg s2  }
0xa9: {  	[dreg:$0x3] =	wrdreg s4  }
0xaa: {  	[dreg:$0x4] =	wrdreg $0xC0  }
0xab: {  	_ =	task [dreg:s6], $0x5FFFF  }
0xac: {  	[dreg:$0x1] =	wrdreg $0xFFFFFFFF  }
0xad: {  	[dreg:$0x0] =	wrdreg $0x60  }
0xae: {  	[dreg:$0x2] =	wrdreg s24  }
0xaf: {  	[dreg:$0x3] =	wrdreg $0x9  }
0xb0: {  	_ =	task.clear_ibuf [dreg:s6], $0x4FFFF;
	_ =	strace $0x90000046  }
0xb1: {  	s29 =	simm.s32 $0x9;
	_ =	strace $0x80000048  }
0xb2: {  	_ =	swait.ge [sflag:s29], $0x1  }
0xb3: {  	[sflag:s29] =	ssyncadd.s32 $0xFFFFFFFF  }
0xb4: {  	_ =	strace $0x90000048  }
0xb5: {  	_ =	sfence  }
0xb6: {  	s30 =	sld [smem:$0x0];
	_ =	sdelay $0x2  }
0xb7: {  	s31 =	sshll.u32 s1, $0xD;
	s1 =	sshrl.u32 s1, $0x2  }
0xb8: {  	s3 =	sand.u32 $0x4000, s31;
	s1 =	sadd.s32 s1, s30  }
0xb9: {  	s0 =	sor.u32 s3, s0;
	s1 =	sshll.u32 s1, $0x11  }
0xba: {  	s0 =	sor.u32 s1, s0  }
0xbb: {  	s0 =	sadd.s32 $0x8F2B, s0  }
0xbc: {  	[sflag:s0] =	ssyncadd.remote.s32 $0x1  }
0xbd: {  	_ =	sfence.sel $0xFFFF  }
0xbe: {  	[dreg:$0x0] =	wrdreg $0xFFFFFFFF;
	(pc) =	sbr.abs _section_cstart, $3  }
0xbf: {  	[dreg:$0x1] =	wrdreg $0xFFFFFFFF  }
0xc0: {  	_ =	task.clear_ibuf [dreg:s6], $0x2FFFF;
	_ =	strace $0x9FFFFFFF  }
0xc1: {  	(tm) =	ssettm $0x7FFFFFFF  }
tec
execute0_lowered:
.L_overlay_start_1:
0x0: {  	(tag) =	ssettag $0x1  }
0x1: {  	s3 =	rddreg [dreg:$0x0]  }
0x2: {  	s0 =	rddreg [dreg:$0x1];
	s2 =	simm.s32 $0x0  }
0x3: {  	s1 =	stileid.u32;
	s7 =	srdreg.scid;
	s10 =	simm.s32 $0x4E80  }
0x4: {  	s11 =	simm.s32 $0x80;
	s12 =	simm.s32 $0x400;
	s4 =	smul.u32 $0x9C4, s1  }
0x5: {  	s13 =	simm.s32 $0x7680;
	[smem:$0x7FF] =	sst s2;
	s5 =	smul.u32 $0x50, s1  }
0x6: {  	s6 =	sshrl.u32 s1, $0x3;
	s8 =	sshll.u32 s1, $0x7;
	s14 =	sand.u32 $0x1, s7  }
0x7: {  	_ =	strace $0x80000047;
	s6 =	smul.u32 $0x14000, s6;
	s28 =	sand.u32 $0x380, s8  }
0x8: {  	s30 =	ssub.s32 $0x2, s14;
	p0 =	sne.s32 s14, $0x0;
	s4 =	sadd.s32 s4, s3  }
0x9: {  	s29 =	sadd.s32 s5, s3;
	s3 =	sadd.s32 $0xBC00, s3;
	s31 =	sshrl.u32 s30, $0x1  }
0xa: {  	s6 =	sor.u32 s28, s6;
	s9 =	ssub.s32 s30, s31;
	s4 =	sadd.s32 $0x1E00, s4  }
0xb: {  	s7 =	sadd.s32 $0x10C00, s29;
	s6 =	sshrl.u32 s6, $0x3;
	s8 =	smax.u32 s9, $0x1  }
0xc: {  	v0 =	vimm.f32 $0.0e+00;
	v1 =	vimm.f32 $1.000000000e+00;
	s9 =	simm.s32 $0x1;
	s5 =	sadd.s32 s3, s6;
	s6 =	smul.u32 $0x1400, s1  }
.LBB2_1:
0xd: {  	s14 =	simm.s32 $0x40;
	s15 =	simm.s32 $0x0  }
.LBB2_2:
0xe: {  	p1 =	sne.s32 s14, $0x9FC0;
	[tilespmem:s15+$0x4E80] =	vst v0;
	s15 =	smov.u32 s14;
	s14 =	sadd.s32 $0x40, s14  }
.Ltmp0:
0xf: {  	(pc) =	sbr.rel @p1 .LBB2_2-.Ltmp0, $2  }
0x10: {  	_ =	sdelay $0x2  }
0x11: {  	s15 =	sshra.s32 s15, $0x2  }
0x12: {  	[tilespmem:s15+$0x4E80] =	vst v0;
	s14 =	simm.s32 $0x0  }
0x13: {  	[tilespmem:s14], [sflag:$0x1] =	stream.linear.gather [hbm4b:s4+s14], $0x4E20, $0x38;
	[tilespmem:$0x7B80] =	vst v63  }
0x14: {  	_ =	swait.ge [sflag:s9], $0x4E20  }
0x15: {  	[sflag:s9] =	ssyncset.done $0x0  }
0x16: {  	s15 =	simm.s32 $0x0;
	s14 =	simm.s32 $0x40;
	[sflag:s9] =	ssyncadd.s32 $0xFFFFB1E0  }
.LBB2_4:
0x17: {  	p1 =	sne.s32 s14, $0x13840;
	v2 =	vld [tilespmem:s15+$0x0];
	_ =	sdelay $0x3  }
.Ltmp1:
0x18: {  	(pc) =	sbr.rel @p1 .LBB2_4-.Ltmp1, $2  }
0x19: {  	_ =	sdelay $0x2  }
0x1a: {  	s15 =	sshra.s32 s14, $0x2;
	s14 =	sadd.s32 $0x40, s14;
	[tilespmem:v2+s10+$0x0] =	vst.idx.add.f32.msk $0xffff, v1  }
0x1b: {  	v2 =	vld [tilespmem:s15+$0x0];
	_ =	sdelay $0x7  }
0x1c: {  	[tilespmem:v2+s10+$0x0] =	vst.idx.add.f32.msk $0xffff, v1  }
0x1d: {  	[hbm4b:s5+s11] =	stream.strided.scatter [tilespmem:s10], [sflag:$0x1], $0x2800, s12, s11, $0x38;
	[tilespmem:$0x7B80] =	vst v63  }
0x1e: {  	_ =	swait.ge [sflag:s9], $0x2800  }
0x1f: {  	[sflag:s9] =	ssyncset.done $0x0  }
0x20: {  	[sflag:s9] =	ssyncadd.s32 $0xFFFFD800  }
0x21: {  	[bflag:$0x0] =	sbarrier.arrive $0xFFFF  }
0x22: {  	[tilespmem:$0x7900] =	vst v0  }
0x23: {  	[tilespmem:$0x7910] =	vst v0  }
0x24: {  	[tilespmem:$0x7920] =	vst v0  }
0x25: {  	[tilespmem:$0x7930] =	vst v0  }
0x26: {  	[tilespmem:$0x7940] =	vst v0  }
0x27: {  	[tilespmem:$0x7950] =	vst v0  }
0x28: {  	[tilespmem:$0x7960] =	vst v0  }
0x29: {  	[tilespmem:$0x7970] =	vst v0  }
0x2a: {  	[tilespmem:$0x7980] =	vst v0  }
0x2b: {  	[tilespmem:$0x7990] =	vst v0  }
0x2c: {  	[tilespmem:$0x79A0] =	vst v0  }
0x2d: {  	[tilespmem:$0x79B0] =	vst v0  }
0x2e: {  	[tilespmem:$0x79C0] =	vst v0  }
0x2f: {  	[tilespmem:$0x79D0] =	vst v0  }
0x30: {  	[tilespmem:$0x79E0] =	vst v0  }
0x31: {  	[tilespmem:$0x79F0] =	vst v0  }
0x32: {  	[tilespmem:$0x7A00] =	vst v0  }
0x33: {  	[tilespmem:$0x7A10] =	vst v0  }
0x34: {  	[tilespmem:$0x7A20] =	vst v0  }
0x35: {  	[tilespmem:$0x7A30] =	vst v0  }
0x36: {  	[tilespmem:$0x7A40] =	vst v0  }
0x37: {  	[tilespmem:$0x7A50] =	vst v0  }
0x38: {  	[tilespmem:$0x7A60] =	vst v0  }
0x39: {  	[tilespmem:$0x7A70] =	vst v0  }
0x3a: {  	[tilespmem:$0x7A80] =	vst v0  }
0x3b: {  	[tilespmem:$0x7A90] =	vst v0  }
0x3c: {  	[tilespmem:$0x7AA0] =	vst v0  }
0x3d: {  	[tilespmem:$0x7AB0] =	vst v0  }
0x3e: {  	[tilespmem:$0x7AC0] =	vst v0  }
0x3f: {  	[tilespmem:$0x7AD0] =	vst v0  }
0x40: {  	[tilespmem:$0x7AE0] =	vst v0  }
0x41: {  	[tilespmem:$0x7AF0] =	vst v0  }
0x42: {  	[tilespmem:$0x7B00] =	vst v0  }
0x43: {  	[tilespmem:$0x7B10] =	vst v0  }
0x44: {  	[tilespmem:$0x7B20] =	vst v0  }
0x45: {  	[tilespmem:$0x7B30] =	vst v0  }
0x46: {  	[tilespmem:$0x7B40] =	vst v0  }
0x47: {  	[tilespmem:$0x7B50] =	vst v0  }
0x48: {  	[tilespmem:$0x7B60] =	vst v0  }
0x49: {  	s14 =	simm.s32 $0x0;
	[tilespmem:$0x7B70] =	vst v0  }
.LBB2_6:
0x4a: {  	s15 =	sshrl.u32 s14, $0x3  }
0x4b: {  	s15 =	smul.u32 $0x14000, s15  }
0x4c: {  	s16 =	sshll.u32 s14, $0x7  }
0x4d: {  	s16 =	sand.u32 $0x380, s16;
	s15 =	sadd.s32 s6, s15  }
0x4e: {  	s15 =	sor.u32 s16, s15  }
0x4f: {  	s15 =	sshrl.u32 s15, $0x3  }
0x50: {  	s15 =	sadd.s32 s3, s15  }
0x51: {  	[tilespmem:s13], [sflag:$0x1] =	stream.strided.gather [hbm4b:s15+s11], $0x280, s12, s11, $0x38;
	[tilespmem:$0x7B80] =	vst v63  }
0x52: {  	_ =	swait.ge [sflag:s9], $0x280  }
0x53: {  	[sflag:s9] =	ssyncset.done $0x0  }
0x54: {  	s15 =	simm.s32 $0x0;
	[sflag:s9] =	ssyncadd.s32 $0xFFFFFD80  }
0x55: {  	s16 =	simm.s32 $0x40;
	v2 =	vld [tilespmem:s15+$0x7680]  }
.LBB2_7:
0x56: {  	p1 =	sne.s32 s16, $0x9C0;
	v3 =	vld [tilespmem:s15+$0x7900];
	_ =	sdelay $0x2  }
.Ltmp2:
0x57: {  	(pc) =	sbr.rel @p1 .LBB2_7-.Ltmp2, $4  }
0x58: {  	_ = 	snop  }
0x59: {  	v3 =	vadd.f32 v2, v3  }
0x5a: {  	s17 =	sshra.s32 s16, $0x2  }
0x5b: {  	s16 =	sadd.s32 $0x40, s16;
	v2 =	vld [tilespmem:s17+$0x7680];
	[tilespmem:s15+$0x7900] =	vst v3;
	s15 =	smov.u32 s17  }
0x5c: {  	v3 =	vld [tilespmem:s15+$0x7900]  }
0x5d: {  	s14 =	sadd.s32 $0x1, s14  }
0x5e: {  	p1 =	sne.s32 s14, $0x10  }
.Ltmp3:
0x5f: {  	_ = 	snop;
	(pc) =	sbr.rel @p1 .LBB2_6-.Ltmp3, $3  }
0x60: {  	_ = 	snop  }
0x61: {  	v2 =	vadd.f32 v2, v3;
	_ =	sdelay $0x1  }
0x62: {  	[tilespmem:s15+$0x7900] =	vst v2  }
0x63: {  	s14 =	simm.s32 $0x0;
	s15 =	simm.s32 $0x40  }
.LBB2_10:
0x64: {  	p1 =	sne.s32 s15, $0x9C0;
	v2 =	vld [tilespmem:s14+$0x7900];
	_ =	sdelay $0x4  }
0x65: {  	v2 =	vadd.f32 $1.000000000e+00, v2;
	_ =	sdelay $0x1  }
0x66: {  	v3 =	vshra.s32 v2, $0x1;
	v2 =	vmul.f32 $5.000000000e-01, v2  }
0x67: {  	v3 =	vsub.s32 $0x5F3759DF, v3  }
0x68: {  	v4 =	vmul.f32 v3, v2;
	_ =	sdelay $0x1  }
0x69: {  	v4 =	vmul.f32 v3, v4;
	_ =	sdelay $0x1  }
0x6a: {  	v4 =	vsub.f32 $1.500000000e+00, v4;
	_ =	sdelay $0x1  }
0x6b: {  	v3 =	vmul.f32 v3, v4;
	_ =	sdelay $0x1  }
0x6c: {  	v4 =	vmul.f32 v3, v2;
	_ =	sdelay $0x1  }
0x6d: {  	v4 =	vmul.f32 v4, v3;
	_ =	sdelay $0x1  }
0x6e: {  	v4 =	vsub.f32 $1.500000000e+00, v4;
	_ =	sdelay $0x1  }
0x6f: {  	v3 =	vmul.f32 v4, v3;
	_ =	sdelay $0x1  }
0x70: {  	v2 =	vmul.f32 v3, v2;
	_ =	sdelay $0x1  }
0x71: {  	v2 =	vmul.f32 v2, v3;
	_ =	sdelay $0x1  }
.Ltmp4:
0x72: {  	v2 =	vsub.f32 $1.500000000e+00, v2;
	(pc) =	sbr.rel @p1 .LBB2_10-.Ltmp4, $3  }
0x73: {  	_ = 	snop  }
0x74: {  	v2 =	vmul.f32 v2, v3;
	_ =	sdelay $0x1  }
0x75: {  	[tilespmem:s14+$0x7900] =	vst v2;
	s14 =	sshra.s32 s15, $0x2;
	s15 =	sadd.s32 $0x40, s15  }
0x76: {  	v2 =	vld [tilespmem:s14+$0x7900];
	_ =	sdelay $0x4  }
0x77: {  	v2 =	vadd.f32 $1.000000000e+00, v2;
	_ =	sdelay $0x1  }
0x78: {  	v3 =	vshra.s32 v2, $0x1;
	v2 =	vmul.f32 $5.000000000e-01, v2  }
0x79: {  	v3 =	vsub.s32 $0x5F3759DF, v3  }
0x7a: {  	v4 =	vmul.f32 v3, v2;
	_ =	sdelay $0x1  }
0x7b: {  	v4 =	vmul.f32 v3, v4;
	_ =	sdelay $0x1  }
0x7c: {  	v4 =	vsub.f32 $1.500000000e+00, v4;
	_ =	sdelay $0x1  }
0x7d: {  	v3 =	vmul.f32 v3, v4;
	_ =	sdelay $0x1  }
0x7e: {  	v4 =	vmul.f32 v3, v2;
	_ =	sdelay $0x1  }
0x7f: {  	v4 =	vmul.f32 v4, v3;
	_ =	sdelay $0x1  }
0x80: {  	v4 =	vsub.f32 $1.500000000e+00, v4;
	_ =	sdelay $0x1  }
0x81: {  	v3 =	vmul.f32 v4, v3;
	_ =	sdelay $0x1  }
0x82: {  	v2 =	vmul.f32 v3, v2;
	_ =	sdelay $0x1  }
0x83: {  	v2 =	vmul.f32 v2, v3;
	_ =	sdelay $0x1  }
0x84: {  	v2 =	vsub.f32 $1.500000000e+00, v2;
	_ =	sdelay $0x1  }
0x85: {  	v2 =	vmul.f32 v2, v3  }
0x86: {  	s2 =	sadd.s32 $0x1, s2  }
0x87: {  	s15 =	simm.s32 @!p0 $0x7900;
	p1 =	sne.s32 s2, s8;
	[tilespmem:s14+$0x7900] =	vst v2;
	s14 =	simm.s32 @!p0 $0x0  }
0x88: {  	[hbm4b:s7+s14] =	stream.linear.scatter @!p0 [tilespmem:s15], [sflag:$0x1], $0x280, $0x38;
	[tilespmem:$0x7B80] =	vst v63  }
.Ltmp5:
0x89: {  	_ = 	snop;
	(pc) =	sbr.rel @p1 .LBB2_1-.Ltmp5, $4  }
0x8a: {  	s14 =	simm.s32 @!p0 $0x1  }
0x8b: {  	_ =	swait.ge @!p0 [sflag:s14], $0x280  }
0x8c: {  	[sflag:s14] =	ssyncset.done @!p0 $0x0  }
0x8d: {  	[sflag:s14] =	ssyncadd.s32 @!p0 $0xFFFFFD80  }
0x8e: {  	_ =	sfence.sel $0x180000  }
0x8f: {  	[bflag:$0x0] =	sbarrier.arrive $0xFFFF  }
0x90: {  	p0 =	sne.s32 s1, $0x0;
	_ =	strace $0x90000047  }
0x91: {  	s0 =	sadd.s32 @!p0 $0x100000, s0;
	[bflag:$0x2] =	sbarrier.arrive $0xFFFF  }
0x92: {  	[sflag:s0] =	ssyncadd.tile.s32 @!p0 $0x1;
	_ =	shalt  }
.Lfunc_end2:
_tile_overlayer_lowered:
.L_overlay_start_2:
0x93: {  	(tag) =	ssettag $0x2  }
0x94: {  	s0 =	rddreg [dreg:$0x0];
	s2 =	stileid.u32  }
0x95: {  	s1 =	rddreg [dreg:$0x1];
	p0 =	sne.s32 s2, $0x0  }
0x96: {  	s3 =	rddreg [dreg:$0x2];
	[bflag:$0x3] =	sbarrier.arrive $0xFFFF;
	s2 =	simm.s32 @!p0 $0x1C01  }
0x97: {  	[timem:s3], [sflag:s2] =	dma.local @!p0 [hbm:s0], s1  }
0x98: {  	s0 =	simm.s32 @!p0 $0x1  }
0x99: {  	_ =	swait.ge @!p0 [sflag:s0], s1  }
0x9a: {  	s1 =	ssub.s32 @!p0 $0x0, s1;
	[sflag:s0] =	ssyncset.done @!p0 $0x0  }
0x9b: {  	[sflag:s0] =	ssyncadd.s32 @!p0 s1  }
0x9c: {  	[bflag:$0x3] =	sbarrier.arrive $0xFFFF  }
0x9d: {  	_ =	shalt  }

</sc_bundles>
